<compile_context>
chip_gen: v7x
topology: tpu7x:2x2x1
jax: 0.10.2.dev20260603
libtpu: 0.0.44.dev20260713+nightly
codegen_flags: <defaults>
</compile_context>

<pallas_src>
import functools

import jax
import jax.numpy as jnp
from jax import lax
from jax.experimental import pallas as pl
from jax.experimental.pallas import tpu as pltpu
from jax.experimental.pallas import tpu_sc as plsc

D = 32
N_ROWS = 1000000
N_MAIN = 999936
NCOL = N_MAIN // 128
COLS_W = NCOL // 32
N_EXTRA = NCOL - COLS_W * 32
BLK_WORDS = D * 128
PACK = 128 // D
N_PACKED = N_MAIN // PACK
BPW = 512
NPASS = 2
PASS_B = BPW // NPASS


def _detile_kernel(ut_hbm, it_hbm, uf_hbm, if_hbm,
                   ublk0, ublk1, ublk2, ublk3, iblk0, iblk1, iblk2, iblk3,
                   uob0, uob1, uob2, uob3, iob0, iob1, iob2, iob3,
                   ui_sem, ii_sem, uo_sem, io_sem):
    info = plsc.get_sparse_core_info()
    nc = info.num_cores
    wid = lax.axis_index("s") * nc + lax.axis_index("c")

    lane = lax.iota(jnp.int32, 16)
    bases = [((h * 16) + lane) * D for h in range(8)]
    ublk = (ublk0, ublk1, ublk2, ublk3)
    iblk = (iblk0, iblk1, iblk2, iblk3)
    uob = (uob0, uob1, uob2, uob3)
    iob = (iob0, iob1, iob2, iob3)

    def col_of(k):
        return jnp.where(k < COLS_W, wid + k * 32, COLS_W * 32 + wid)

    def fire_in(k, s):
        coff = pl.multiple_of(col_of(k) * 128, 128)
        pltpu.async_copy(ut_hbm.at[:, pl.ds(coff, 128)], ublk[s], ui_sem)
        pltpu.async_copy(it_hbm.at[:, pl.ds(coff, 128)], iblk[s], ii_sem)

    def fire_out(k, s):
        woff = pl.multiple_of(col_of(k) * BLK_WORDS, BLK_WORDS)
        pltpu.async_copy(uob[s], uf_hbm.at[pl.ds(woff, BLK_WORDS)], uo_sem)
        pltpu.async_copy(iob[s], if_hbm.at[pl.ds(woff, BLK_WORDS)], io_sem)

    def wait_in():
        pltpu.make_async_copy(ut_hbm.at[:, pl.ds(0, 128)], ublk0,
                              ui_sem).wait()
        pltpu.make_async_copy(it_hbm.at[:, pl.ds(0, 128)], iblk0,
                              ii_sem).wait()

    def wait_out():
        pltpu.make_async_copy(uob0, uf_hbm.at[pl.ds(0, BLK_WORDS)],
                              uo_sem).wait()
        pltpu.make_async_copy(iob0, if_hbm.at[pl.ds(0, BLK_WORDS)],
                              io_sem).wait()

    def transpose(s):
        def d_body(d, carry):
            for h in range(8):
                uv = ublk[s][d, pl.ds(h * 16, 16)]
                iv = iblk[s][d, pl.ds(h * 16, 16)]
                idx = bases[h] + d
                plsc.store_scatter(uob[s], [idx], uv)
                plsc.store_scatter(iob[s], [idx], iv)
            return carry

        lax.fori_loop(0, D, d_body, 0)

    def can_fire(j):
        return (j < COLS_W) | ((j == COLS_W) & (wid < N_EXTRA))

    for s in range(3):
        fire_in(s, s)

    def body(m, carry):
        for s in (0, 1, 2, 3):
            k = m * 4 + s

            wait_in()

            @pl.when(can_fire(k + 3))
            def _(k=k, s=s):
                fire_in(k + 3, (s + 3) % 4)

            @pl.when(k >= 4)
            def _():
                wait_out()

            transpose(s)
            fire_out(k, s)
        return carry

    lax.fori_loop(0, COLS_W // 4, body, 0)

    @pl.when(wid < N_EXTRA)
    def _():
        wait_in()
        wait_out()
        transpose(0)
        fire_out(COLS_W, 0)

    for _ in range(4):
        wait_out()


def _gmf_kernel(ux_hbm, ix_hbm, ut_hbm, it_hbm, utail_hbm, itail_hbm, wb_hbm,
                out_hbm,
                uidx_v, iidx_v, ujrow_v, ijrow_v, urows_v, irows_v,
                utail_v, itail_v, wb_v, out_v, usem, isem):
    info = plsc.get_sparse_core_info()
    nc = info.num_cores
    wid = lax.axis_index("s") * nc + lax.axis_index("c")

    pltpu.sync_copy(ux_hbm.at[wid], uidx_v)
    pltpu.sync_copy(ix_hbm.at[wid], iidx_v)
    pltpu.sync_copy(wb_hbm, wb_v)
    pltpu.sync_copy(utail_hbm, utail_v)
    pltpu.sync_copy(itail_hbm, itail_v)

    def rowid_body(t, carry):
        for h in range(8):
            ujrow_v[t, pl.ds(h * 16, 16)] = jnp.minimum(
                uidx_v[t, pl.ds(h * 16, 16)] >> 2, N_PACKED - 1)
            ijrow_v[t, pl.ds(h * 16, 16)] = jnp.minimum(
                iidx_v[t, pl.ds(h * 16, 16)] >> 2, N_PACKED - 1)
        return carry

    lax.fori_loop(0, 4, rowid_body, 0)

    w_lo = wb_v[pl.ds(0, 16)]
    w_hi = wb_v[pl.ds(16, 16)]
    bs = wb_v[pl.ds(D, 16)][0]
    lane = lax.iota(jnp.int32, 16)

    for p in range(NPASS):
        for j in range(PASS_B // 128):
            t = p * (PASS_B // 128) + j
            pltpu.async_copy(ut_hbm.at[ujrow_v.at[t]],
                             urows_v.at[pl.ds(j * 128, 128), :], usem)
            pltpu.async_copy(it_hbm.at[ijrow_v.at[t]],
                             irows_v.at[pl.ds(j * 128, 128), :], isem)
        pltpu.make_async_copy(
            ut_hbm.at[pl.ds(0, PASS_B)], urows_v, usem).wait()
        pltpu.make_async_copy(
            it_hbm.at[pl.ds(0, PASS_B)], irows_v, isem).wait()

        def chunk_body(c, carry, p=p):
            flat = p * PASS_B + c * 16
            t = flat >> 7
            off = flat & 127
            ru = uidx_v[t, pl.ds(off, 16)]
            ri = iidx_v[t, pl.ds(off, 16)]
            uoff = (ru & 3) * D
            ioff = (ri & 3) * D
            rtu = jnp.clip(ru - N_MAIN, 0, 63)
            rti = jnp.clip(ri - N_MAIN, 0, 63)
            utoff = (rtu & 3) * D
            itoff = (rti & 3) * D
            res = jnp.zeros((16,), jnp.float32)
            for k in range(16):
                row = c * 16 + k
                uo = uoff[k]
                io = ioff[k]
                u0 = urows_v[row, pl.ds(uo, 16)]
                u1 = urows_v[row, pl.ds(uo + 16, 16)]
                i0 = irows_v[row, pl.ds(io, 16)]
                i1 = irows_v[row, pl.ds(io + 16, 16)]
                ut0 = utail_v[rtu[k] >> 2, pl.ds(utoff[k], 16)]
                ut1 = utail_v[rtu[k] >> 2, pl.ds(utoff[k] + 16, 16)]
                it0 = itail_v[rti[k] >> 2, pl.ds(itoff[k], 16)]
                it1 = itail_v[rti[k] >> 2, pl.ds(itoff[k] + 16, 16)]
                u_t = ru[k] >= N_MAIN
                i_t = ri[k] >= N_MAIN
                u0 = jnp.where(u_t, ut0, u0)
                u1 = jnp.where(u_t, ut1, u1)
                i0 = jnp.where(i_t, it0, i0)
                i1 = jnp.where(i_t, it1, i1)
                s = jnp.sum(u0 * i0 * w_lo + u1 * i1 * w_hi)
                res = jnp.where(lane == k, s, res)
            out_v[pl.ds(p * PASS_B + c * 16, 16)] = (
                1.0 / (1.0 + jnp.exp(-(res + bs))))
            return carry

        lax.fori_loop(0, PASS_B // 16, chunk_body, 0)

    pltpu.sync_copy(out_v, out_hbm.at[wid])


def kernel(user_x, item_x, user_table, item_table, W, b):
    batch = user_x.shape[0]
    info = plsc.get_sparse_core_info()
    nw = info.num_cores * info.num_subcores
    assert batch == nw * BPW

    mesh = plsc.VectorSubcoreMesh(core_axis_name="c", subcore_axis_name="s")

    detile = functools.partial(
        pl.kernel,
        mesh=mesh,
        compiler_params=pltpu.CompilerParams(needs_layout_passes=False),
        out_type=(jax.ShapeDtypeStruct((N_MAIN * D,), jnp.float32),
                  jax.ShapeDtypeStruct((N_MAIN * D,), jnp.float32)),
        scratch_types=(
            [pltpu.VMEM((D, 128), jnp.float32)] * 8
            + [pltpu.VMEM((BLK_WORDS,), jnp.float32)] * 8
            + [pltpu.SemaphoreType.DMA] * 4
        ),
    )(_detile_kernel)
    u_flat, i_flat = detile(user_table.T, item_table.T)

    ux3 = user_x.astype(jnp.int32).reshape(nw, 4, 128)
    ix3 = item_x.astype(jnp.int32).reshape(nw, 4, 128)
    ut_p = u_flat.reshape(N_PACKED, PACK * D)
    it_p = i_flat.reshape(N_PACKED, PACK * D)
    utail = user_table[N_MAIN:].reshape(16, 128)
    itail = item_table[N_MAIN:].reshape(16, 128)
    wb = jnp.concatenate([W.reshape(D), jnp.broadcast_to(b, (D,))])

    run = functools.partial(
        pl.kernel,
        mesh=mesh,
        compiler_params=pltpu.CompilerParams(
            needs_layout_passes=False, use_tc_tiling_on_sc=False),
        out_type=jax.ShapeDtypeStruct((nw, BPW), jnp.float32),
        scratch_types=[
            pltpu.VMEM((4, 128), jnp.int32),
            pltpu.VMEM((4, 128), jnp.int32),
            pltpu.VMEM((4, 128), jnp.int32),
            pltpu.VMEM((4, 128), jnp.int32),
            pltpu.VMEM((PASS_B, PACK * D), jnp.float32),
            pltpu.VMEM((PASS_B, PACK * D), jnp.float32),
            pltpu.VMEM((16, 128), jnp.float32),
            pltpu.VMEM((16, 128), jnp.float32),
            pltpu.VMEM((2 * D,), jnp.float32),
            pltpu.VMEM((BPW,), jnp.float32),
            pltpu.SemaphoreType.DMA,
            pltpu.SemaphoreType.DMA,
        ],
    )(_gmf_kernel)
    out = run(ux3, ix3, ut_p, it_p, utail, itail, wb)
    return out.reshape(batch, 1)

# --- scband reference (transcript-rebuilt; emitter-appended) ---
"""Pipeline reference for scband-gmf-69114613728798 (READ-ONLY COPY).

The authoritative reference and input builder live on the scoring server;
editing this copy changes nothing except your own understanding.
"""

import jax, jax.numpy as jnp
import numpy as np

NUM_USERS = 1000000
NUM_ITEMS = 1000000
LATENT_DIM = 32
BATCH = 16384


def setup_inputs(seed: int = 0) -> dict:
    key = jax.random.key(seed)
    k1, k2, k3, k4, k5, k6 = jax.random.split(key, 6)
    user_x = jax.random.randint(k1, (BATCH,), 0, NUM_USERS, dtype=jnp.int64 if jax.config.jax_enable_x64 else jnp.int32)
    item_x = jax.random.randint(k2, (BATCH,), 0, NUM_ITEMS, dtype=jnp.int64 if jax.config.jax_enable_x64 else jnp.int32)
    user_table = jax.random.normal(k3, (NUM_USERS, LATENT_DIM), dtype=jnp.float32) * 0.01
    item_table = jax.random.normal(k4, (NUM_ITEMS, LATENT_DIM), dtype=jnp.float32) * 0.01
    # torch Linear default init: uniform(-1/sqrt(fan_in), 1/sqrt(fan_in))
    bound = 1.0 / np.sqrt(LATENT_DIM)
    W = jax.random.uniform(k5, (1, LATENT_DIM), dtype=jnp.float32, minval=-bound, maxval=bound)
    b = jax.random.uniform(k6, (1,), dtype=jnp.float32, minval=-bound, maxval=bound)
    return {"user_x": user_x, "item_x": item_x, "user_table": user_table, "item_table": item_table, "W": W, "b": b}


def reference(user_x, item_x, user_table, item_table, W, b):
    # embedding lookups (gather)
    user_embedding = jnp.take(user_table, user_x, axis=0)  # [B, D]
    item_embedding = jnp.take(item_table, item_x, axis=0)  # [B, D]
    # Flatten is a no-op on [B, D]
    user_latent = user_embedding
    item_latent = item_embedding
    # elementwise product then Linear(D -> 1) + sigmoid
    prod = user_latent * item_latent
    logits = prod @ W.T + b  # [B, 1]
    prediction = jax.nn.sigmoid(logits)
    return prediction

if __name__ == "__main__":
    import jax
    _d = setup_inputs()
    print(jax.jit(kernel)(*tuple(_d.values())))

</pallas_src>

<mosaic_0001>
#map = affine_map<(d0, d1) -> (0, 0, 0)>
#map1 = affine_map<(d0, d1) -> (0, 0)>
#map2 = affine_map<(d0, d1) -> (0)>
module attributes {stable_mosaic.version = 14 : i64} {
  func.func @_gmf_kernel(%arg0: i32, %arg1: i32, %arg2: memref<32x4x128xi32, #tpu.memory_space<hbm>>, %arg3: memref<32x4x128xi32, #tpu.memory_space<hbm>>, %arg4: memref<249984x128xf32, #tpu.memory_space<hbm>>, %arg5: memref<249984x128xf32, #tpu.memory_space<hbm>>, %arg6: memref<16x128xf32, #tpu.memory_space<hbm>>, %arg7: memref<16x128xf32, #tpu.memory_space<hbm>>, %arg8: memref<64xf32, #tpu.memory_space<hbm>>, %arg9: memref<32x512xf32, #tpu.memory_space<hbm>>, %arg10: memref<4x128xi32, #tpu.memory_space<vmem>>, %arg11: memref<4x128xi32, #tpu.memory_space<vmem>>, %arg12: memref<4x128xi32, #tpu.memory_space<vmem>>, %arg13: memref<4x128xi32, #tpu.memory_space<vmem>>, %arg14: memref<256x128xf32, #tpu.memory_space<vmem>>, %arg15: memref<256x128xf32, #tpu.memory_space<vmem>>, %arg16: memref<16x128xf32, #tpu.memory_space<vmem>>, %arg17: memref<16x128xf32, #tpu.memory_space<vmem>>, %arg18: memref<64xf32, #tpu.memory_space<vmem>>, %arg19: memref<512xf32, #tpu.memory_space<vmem>>, %arg20: memref<!tpu.dma_semaphore, #tpu.memory_space<semaphore_mem>>, %arg21: memref<!tpu.dma_semaphore, #tpu.memory_space<semaphore_mem>>) attributes {dimension_semantics = [#tpu.dimension_semantics<core_parallel>, #tpu.dimension_semantics<subcore_parallel>], iteration_bounds = array<i64: 2, 16>, scalar_prefetch = 0 : i64, scratch_operands = 12 : i64, tpu.core_type = #tpu.core_type<sc_vector_subcore>, window_params = [{transform_indices = #map}, {transform_indices = #map}, {transform_indices = #map1}, {transform_indices = #map1}, {transform_indices = #map1}, {transform_indices = #map1}, {transform_indices = #map2}, {transform_indices = #map1}]} {
    %mul3A = arith.constant 2 : i32
    %mul3A_0 = arith.muli %arg1, %mul3A : i32
    %add3A = arith.addi %mul3A_0, %arg0 : i32
    "tpu.region"() ({
      %run_scoped3A = tpu.sem_alloc : memref<!tpu.dma_semaphore, #tpu.memory_space<semaphore_mem>>
      %dma_start3A_125 = arith.constant 0 : i32
      %dma_start3A_126 = arith.constant 0 : i32
      %dma_start3A_127 = tpu.memref_slice %arg2[%add3A, %dma_start3A_125, %dma_start3A_126] : memref<32x4x128xi32, #tpu.memory_space<hbm>> -> memref<1x4x128xi32, #tpu.memory_space<hbm>>
      %dma_start3A_128 = tpu.memref_squeeze %dma_start3A_127 : memref<1x4x128xi32, #tpu.memory_space<hbm>> -> memref<4x128xi32, #tpu.memory_space<hbm>>
      %dma_start3A_129 = arith.constant 0 : i32
      %dma_start3A_130 = arith.constant 0 : i32
      %dma_start3A_131 = tpu.memref_slice %arg2[%add3A, %dma_start3A_129, %dma_start3A_130] : memref<32x4x128xi32, #tpu.memory_space<hbm>> -> memref<1x4x128xi32, #tpu.memory_space<hbm>>
      %dma_start3A_132 = tpu.memref_squeeze %dma_start3A_131 : memref<1x4x128xi32, #tpu.memory_space<hbm>> -> memref<4x128xi32, #tpu.memory_space<hbm>>
      tpu.enqueue_dma source(%dma_start3A_132 : memref<4x128xi32, #tpu.memory_space<hbm>>) target(%arg10 : memref<4x128xi32, #tpu.memory_space<vmem>>) target_semaphore(%run_scoped3A : memref<!tpu.dma_semaphore, #tpu.memory_space<semaphore_mem>>)
      %dma_wait3A_133 = arith.constant 0 : i32
      %dma_wait3A_134 = arith.constant 0 : i32
      %dma_wait3A_135 = tpu.memref_slice %arg2[%add3A, %dma_wait3A_133, %dma_wait3A_134] : memref<32x4x128xi32, #tpu.memory_space<hbm>> -> memref<1x4x128xi32, #tpu.memory_space<hbm>>
      %dma_wait3A_136 = tpu.memref_squeeze %dma_wait3A_135 : memref<1x4x128xi32, #tpu.memory_space<hbm>> -> memref<4x128xi32, #tpu.memory_space<hbm>>
      %dma_wait3A_137 = arith.constant 0 : i32
      %dma_wait3A_138 = arith.constant 0 : i32
      %dma_wait3A_139 = tpu.memref_slice %arg2[%add3A, %dma_wait3A_137, %dma_wait3A_138] : memref<32x4x128xi32, #tpu.memory_space<hbm>> -> memref<1x4x128xi32, #tpu.memory_space<hbm>>
      %dma_wait3A_140 = tpu.memref_squeeze %dma_wait3A_139 : memref<1x4x128xi32, #tpu.memory_space<hbm>> -> memref<4x128xi32, #tpu.memory_space<hbm>>
      tpu.wait_dma2 semaphore(%run_scoped3A : memref<!tpu.dma_semaphore, #tpu.memory_space<semaphore_mem>>) src(%dma_wait3A_140 : memref<4x128xi32, #tpu.memory_space<hbm>>) dst(%arg10 : memref<4x128xi32, #tpu.memory_space<vmem>>)
      tpu.yield
    }) : () -> ()
    "tpu.region"() ({
      %run_scoped3A = tpu.sem_alloc : memref<!tpu.dma_semaphore, #tpu.memory_space<semaphore_mem>>
      %dma_start3A_125 = arith.constant 0 : i32
      %dma_start3A_126 = arith.constant 0 : i32
      %dma_start3A_127 = tpu.memref_slice %arg3[%add3A, %dma_start3A_125, %dma_start3A_126] : memref<32x4x128xi32, #tpu.memory_space<hbm>> -> memref<1x4x128xi32, #tpu.memory_space<hbm>>
      %dma_start3A_128 = tpu.memref_squeeze %dma_start3A_127 : memref<1x4x128xi32, #tpu.memory_space<hbm>> -> memref<4x128xi32, #tpu.memory_space<hbm>>
      %dma_start3A_129 = arith.constant 0 : i32
      %dma_start3A_130 = arith.constant 0 : i32
      %dma_start3A_131 = tpu.memref_slice %arg3[%add3A, %dma_start3A_129, %dma_start3A_130] : memref<32x4x128xi32, #tpu.memory_space<hbm>> -> memref<1x4x128xi32, #tpu.memory_space<hbm>>
      %dma_start3A_132 = tpu.memref_squeeze %dma_start3A_131 : memref<1x4x128xi32, #tpu.memory_space<hbm>> -> memref<4x128xi32, #tpu.memory_space<hbm>>
      tpu.enqueue_dma source(%dma_start3A_132 : memref<4x128xi32, #tpu.memory_space<hbm>>) target(%arg11 : memref<4x128xi32, #tpu.memory_space<vmem>>) target_semaphore(%run_scoped3A : memref<!tpu.dma_semaphore, #tpu.memory_space<semaphore_mem>>)
      %dma_wait3A_133 = arith.constant 0 : i32
      %dma_wait3A_134 = arith.constant 0 : i32
      %dma_wait3A_135 = tpu.memref_slice %arg3[%add3A, %dma_wait3A_133, %dma_wait3A_134] : memref<32x4x128xi32, #tpu.memory_space<hbm>> -> memref<1x4x128xi32, #tpu.memory_space<hbm>>
      %dma_wait3A_136 = tpu.memref_squeeze %dma_wait3A_135 : memref<1x4x128xi32, #tpu.memory_space<hbm>> -> memref<4x128xi32, #tpu.memory_space<hbm>>
      %dma_wait3A_137 = arith.constant 0 : i32
      %dma_wait3A_138 = arith.constant 0 : i32
      %dma_wait3A_139 = tpu.memref_slice %arg3[%add3A, %dma_wait3A_137, %dma_wait3A_138] : memref<32x4x128xi32, #tpu.memory_space<hbm>> -> memref<1x4x128xi32, #tpu.memory_space<hbm>>
      %dma_wait3A_140 = tpu.memref_squeeze %dma_wait3A_139 : memref<1x4x128xi32, #tpu.memory_space<hbm>> -> memref<4x128xi32, #tpu.memory_space<hbm>>
      tpu.wait_dma2 semaphore(%run_scoped3A : memref<!tpu.dma_semaphore, #tpu.memory_space<semaphore_mem>>) src(%dma_wait3A_140 : memref<4x128xi32, #tpu.memory_space<hbm>>) dst(%arg11 : memref<4x128xi32, #tpu.memory_space<vmem>>)
      tpu.yield
    }) : () -> ()
    "tpu.region"() ({
      %run_scoped3A = tpu.sem_alloc : memref<!tpu.dma_semaphore, #tpu.memory_space<semaphore_mem>>
      tpu.enqueue_dma source(%arg8 : memref<64xf32, #tpu.memory_space<hbm>>) target(%arg18 : memref<64xf32, #tpu.memory_space<vmem>>) target_semaphore(%run_scoped3A : memref<!tpu.dma_semaphore, #tpu.memory_space<semaphore_mem>>)
      tpu.wait_dma2 semaphore(%run_scoped3A : memref<!tpu.dma_semaphore, #tpu.memory_space<semaphore_mem>>) src(%arg8 : memref<64xf32, #tpu.memory_space<hbm>>) dst(%arg18 : memref<64xf32, #tpu.memory_space<vmem>>)
      tpu.yield
    }) : () -> ()
    "tpu.region"() ({
      %run_scoped3A = tpu.sem_alloc : memref<!tpu.dma_semaphore, #tpu.memory_space<semaphore_mem>>
      tpu.enqueue_dma source(%arg6 : memref<16x128xf32, #tpu.memory_space<hbm>>) target(%arg16 : memref<16x128xf32, #tpu.memory_space<vmem>>) target_semaphore(%run_scoped3A : memref<!tpu.dma_semaphore, #tpu.memory_space<semaphore_mem>>)
      tpu.wait_dma2 semaphore(%run_scoped3A : memref<!tpu.dma_semaphore, #tpu.memory_space<semaphore_mem>>) src(%arg6 : memref<16x128xf32, #tpu.memory_space<hbm>>) dst(%arg16 : memref<16x128xf32, #tpu.memory_space<vmem>>)
      tpu.yield
    }) : () -> ()
    "tpu.region"() ({
      %run_scoped3A = tpu.sem_alloc : memref<!tpu.dma_semaphore, #tpu.memory_space<semaphore_mem>>
      tpu.enqueue_dma source(%arg7 : memref<16x128xf32, #tpu.memory_space<hbm>>) target(%arg17 : memref<16x128xf32, #tpu.memory_space<vmem>>) target_semaphore(%run_scoped3A : memref<!tpu.dma_semaphore, #tpu.memory_space<semaphore_mem>>)
      tpu.wait_dma2 semaphore(%run_scoped3A : memref<!tpu.dma_semaphore, #tpu.memory_space<semaphore_mem>>) src(%arg7 : memref<16x128xf32, #tpu.memory_space<hbm>>) dst(%arg17 : memref<16x128xf32, #tpu.memory_space<vmem>>)
      tpu.yield
    }) : () -> ()
    %scan3A = arith.constant 0 : i32
    %scan3A_1 = arith.constant 0 : i32
    %scan3A_2 = arith.constant 4 : i32
    %scan3A_3 = arith.addi %scan3A_1, %scan3A_2 : i32
    %scan3A_4 = arith.constant 1 : i32
    scf.for %scan3A_125 = %scan3A_1 to %scan3A_3 step %scan3A_4  : i32 {
      %get3A_126 = arith.index_cast %scan3A_125 : i32 to index
      %get3A_127 = arith.constant 0 : index
      %get3A_128 = tpu.vector_load %arg10[%get3A_126, %get3A_127] {strides = array<i32>} : memref<4x128xi32, #tpu.memory_space<vmem>>, vector<16xi32>,
      %shift_right_arithmetic3A = arith.constant 2 : i32
      %shift_right_arithmetic3A_129 = vector.broadcast %shift_right_arithmetic3A : i32 to vector<16xi32>
      %shift_right_arithmetic3A_130 = arith.shrsi %get3A_128, %shift_right_arithmetic3A_129 : vector<16xi32>
      %min3A = arith.constant 249983 : i32
      %min3A_131 = vector.broadcast %min3A : i32 to vector<16xi32>
      %min3A_132 = arith.minsi %shift_right_arithmetic3A_130, %min3A_131 : vector<16xi32>
      %swap3A = arith.index_cast %scan3A_125 : i32 to index
      %swap3A_133 = arith.constant 0 : index
      %swap3A_134 = tpu.vector_load %arg12[%swap3A, %swap3A_133] {strides = array<i32>} : memref<4x128xi32, #tpu.memory_space<vmem>>, vector<16xi32>,
      tpu.vector_store %arg12[%swap3A, %swap3A_133], %min3A_132 {strides = array<i32>} : memref<4x128xi32, #tpu.memory_space<vmem>>, vector<16xi32>,
      %get3A_135 = arith.index_cast %scan3A_125 : i32 to index
      %get3A_136 = arith.constant 0 : index
      %get3A_137 = tpu.vector_load %arg11[%get3A_135, %get3A_136] {strides = array<i32>} : memref<4x128xi32, #tpu.memory_space<vmem>>, vector<16xi32>,
      %shift_right_arithmetic3A_138 = arith.constant 2 : i32
      %shift_right_arithmetic3A_139 = vector.broadcast %shift_right_arithmetic3A_138 : i32 to vector<16xi32>
      %shift_right_arithmetic3A_140 = arith.shrsi %get3A_137, %shift_right_arithmetic3A_139 : vector<16xi32>
      %min3A_141 = arith.constant 249983 : i32
      %min3A_142 = vector.broadcast %min3A_141 : i32 to vector<16xi32>
      %min3A_143 = arith.minsi %shift_right_arithmetic3A_140, %min3A_142 : vector<16xi32>
      %swap3A_144 = arith.index_cast %scan3A_125 : i32 to index
      %swap3A_145 = arith.constant 0 : index
      %swap3A_146 = tpu.vector_load %arg13[%swap3A_144, %swap3A_145] {strides = array<i32>} : memref<4x128xi32, #tpu.memory_space<vmem>>, vector<16xi32>,
      tpu.vector_store %arg13[%swap3A_144, %swap3A_145], %min3A_143 {strides = array<i32>} : memref<4x128xi32, #tpu.memory_space<vmem>>, vector<16xi32>,
      %get3A_147 = arith.index_cast %scan3A_125 : i32 to index
      %get3A_148 = arith.constant 16 : index
      %get3A_149 = tpu.vector_load %arg10[%get3A_147, %get3A_148] {strides = array<i32>} : memref<4x128xi32, #tpu.memory_space<vmem>>, vector<16xi32>,
      %shift_right_arithmetic3A_150 = arith.constant 2 : i32
      %shift_right_arithmetic3A_151 = vector.broadcast %shift_right_arithmetic3A_150 : i32 to vector<16xi32>
      %shift_right_arithmetic3A_152 = arith.shrsi %get3A_149, %shift_right_arithmetic3A_151 : vector<16xi32>
      %min3A_153 = arith.constant 249983 : i32
      %min3A_154 = vector.broadcast %min3A_153 : i32 to vector<16xi32>
      %min3A_155 = arith.minsi %shift_right_arithmetic3A_152, %min3A_154 : vector<16xi32>
      %swap3A_156 = arith.index_cast %scan3A_125 : i32 to index
      %swap3A_157 = arith.constant 16 : index
      %swap3A_158 = tpu.vector_load %arg12[%swap3A_156, %swap3A_157] {strides = array<i32>} : memref<4x128xi32, #tpu.memory_space<vmem>>, vector<16xi32>,
      tpu.vector_store %arg12[%swap3A_156, %swap3A_157], %min3A_155 {strides = array<i32>} : memref<4x128xi32, #tpu.memory_space<vmem>>, vector<16xi32>,
      %get3A_159 = arith.index_cast %scan3A_125 : i32 to index
      %get3A_160 = arith.constant 16 : index
      %get3A_161 = tpu.vector_load %arg11[%get3A_159, %get3A_160] {strides = array<i32>} : memref<4x128xi32, #tpu.memory_space<vmem>>, vector<16xi32>,
      %shift_right_arithmetic3A_162 = arith.constant 2 : i32
      %shift_right_arithmetic3A_163 = vector.broadcast %shift_right_arithmetic3A_162 : i32 to vector<16xi32>
      %shift_right_arithmetic3A_164 = arith.shrsi %get3A_161, %shift_right_arithmetic3A_163 : vector<16xi32>
      %min3A_165 = arith.constant 249983 : i32
      %min3A_166 = vector.broadcast %min3A_165 : i32 to vector<16xi32>
      %min3A_167 = arith.minsi %shift_right_arithmetic3A_164, %min3A_166 : vector<16xi32>
      %swap3A_168 = arith.index_cast %scan3A_125 : i32 to index
      %swap3A_169 = arith.constant 16 : index
      %swap3A_170 = tpu.vector_load %arg13[%swap3A_168, %swap3A_169] {strides = array<i32>} : memref<4x128xi32, #tpu.memory_space<vmem>>, vector<16xi32>,
      tpu.vector_store %arg13[%swap3A_168, %swap3A_169], %min3A_167 {strides = array<i32>} : memref<4x128xi32, #tpu.memory_space<vmem>>, vector<16xi32>,
      %get3A_171 = arith.index_cast %scan3A_125 : i32 to index
      %get3A_172 = arith.constant 32 : index
      %get3A_173 = tpu.vector_load %arg10[%get3A_171, %get3A_172] {strides = array<i32>} : memref<4x128xi32, #tpu.memory_space<vmem>>, vector<16xi32>,
      %shift_right_arithmetic3A_174 = arith.constant 2 : i32
      %shift_right_arithmetic3A_175 = vector.broadcast %shift_right_arithmetic3A_174 : i32 to vector<16xi32>
      %shift_right_arithmetic3A_176 = arith.shrsi %get3A_173, %shift_right_arithmetic3A_175 : vector<16xi32>
      %min3A_177 = arith.constant 249983 : i32
      %min3A_178 = vector.broadcast %min3A_177 : i32 to vector<16xi32>
      %min3A_179 = arith.minsi %shift_right_arithmetic3A_176, %min3A_178 : vector<16xi32>
      %swap3A_180 = arith.index_cast %scan3A_125 : i32 to index
      %swap3A_181 = arith.constant 32 : index
      %swap3A_182 = tpu.vector_load %arg12[%swap3A_180, %swap3A_181] {strides = array<i32>} : memref<4x128xi32, #tpu.memory_space<vmem>>, vector<16xi32>,
      tpu.vector_store %arg12[%swap3A_180, %swap3A_181], %min3A_179 {strides = array<i32>} : memref<4x128xi32, #tpu.memory_space<vmem>>, vector<16xi32>,
      %get3A_183 = arith.index_cast %scan3A_125 : i32 to index
      %get3A_184 = arith.constant 32 : index
      %get3A_185 = tpu.vector_load %arg11[%get3A_183, %get3A_184] {strides = array<i32>} : memref<4x128xi32, #tpu.memory_space<vmem>>, vector<16xi32>,
      %shift_right_arithmetic3A_186 = arith.constant 2 : i32
      %shift_right_arithmetic3A_187 = vector.broadcast %shift_right_arithmetic3A_186 : i32 to vector<16xi32>
      %shift_right_arithmetic3A_188 = arith.shrsi %get3A_185, %shift_right_arithmetic3A_187 : vector<16xi32>
      %min3A_189 = arith.constant 249983 : i32
      %min3A_190 = vector.broadcast %min3A_189 : i32 to vector<16xi32>
      %min3A_191 = arith.minsi %shift_right_arithmetic3A_188, %min3A_190 : vector<16xi32>
      %swap3A_192 = arith.index_cast %scan3A_125 : i32 to index
      %swap3A_193 = arith.constant 32 : index
      %swap3A_194 = tpu.vector_load %arg13[%swap3A_192, %swap3A_193] {strides = array<i32>} : memref<4x128xi32, #tpu.memory_space<vmem>>, vector<16xi32>,
      tpu.vector_store %arg13[%swap3A_192, %swap3A_193], %min3A_191 {strides = array<i32>} : memref<4x128xi32, #tpu.memory_space<vmem>>, vector<16xi32>,
      %get3A_195 = arith.index_cast %scan3A_125 : i32 to index
      %get3A_196 = arith.constant 48 : index
      %get3A_197 = tpu.vector_load %arg10[%get3A_195, %get3A_196] {strides = array<i32>} : memref<4x128xi32, #tpu.memory_space<vmem>>, vector<16xi32>,
      %shift_right_arithmetic3A_198 = arith.constant 2 : i32
      %shift_right_arithmetic3A_199 = vector.broadcast %shift_right_arithmetic3A_198 : i32 to vector<16xi32>
      %shift_right_arithmetic3A_200 = arith.shrsi %get3A_197, %shift_right_arithmetic3A_199 : vector<16xi32>
      %min3A_201 = arith.constant 249983 : i32
      %min3A_202 = vector.broadcast %min3A_201 : i32 to vector<16xi32>
      %min3A_203 = arith.minsi %shift_right_arithmetic3A_200, %min3A_202 : vector<16xi32>
      %swap3A_204 = arith.index_cast %scan3A_125 : i32 to index
      %swap3A_205 = arith.constant 48 : index
      %swap3A_206 = tpu.vector_load %arg12[%swap3A_204, %swap3A_205] {strides = array<i32>} : memref<4x128xi32, #tpu.memory_space<vmem>>, vector<16xi32>,
      tpu.vector_store %arg12[%swap3A_204, %swap3A_205], %min3A_203 {strides = array<i32>} : memref<4x128xi32, #tpu.memory_space<vmem>>, vector<16xi32>,
      %get3A_207 = arith.index_cast %scan3A_125 : i32 to index
      %get3A_208 = arith.constant 48 : index
      %get3A_209 = tpu.vector_load %arg11[%get3A_207, %get3A_208] {strides = array<i32>} : memref<4x128xi32, #tpu.memory_space<vmem>>, vector<16xi32>,
      %shift_right_arithmetic3A_210 = arith.constant 2 : i32
      %shift_right_arithmetic3A_211 = vector.broadcast %shift_right_arithmetic3A_210 : i32 to vector<16xi32>
      %shift_right_arithmetic3A_212 = arith.shrsi %get3A_209, %shift_right_arithmetic3A_211 : vector<16xi32>
      %min3A_213 = arith.constant 249983 : i32
      %min3A_214 = vector.broadcast %min3A_213 : i32 to vector<16xi32>
      %min3A_215 = arith.minsi %shift_right_arithmetic3A_212, %min3A_214 : vector<16xi32>
      %swap3A_216 = arith.index_cast %scan3A_125 : i32 to index
      %swap3A_217 = arith.constant 48 : index
      %swap3A_218 = tpu.vector_load %arg13[%swap3A_216, %swap3A_217] {strides = array<i32>} : memref<4x128xi32, #tpu.memory_space<vmem>>, vector<16xi32>,
      tpu.vector_store %arg13[%swap3A_216, %swap3A_217], %min3A_215 {strides = array<i32>} : memref<4x128xi32, #tpu.memory_space<vmem>>, vector<16xi32>,
      %get3A_219 = arith.index_cast %scan3A_125 : i32 to index
      %get3A_220 = arith.constant 64 : index
      %get3A_221 = tpu.vector_load %arg10[%get3A_219, %get3A_220] {strides = array<i32>} : memref<4x128xi32, #tpu.memory_space<vmem>>, vector<16xi32>,
      %shift_right_arithmetic3A_222 = arith.constant 2 : i32
      %shift_right_arithmetic3A_223 = vector.broadcast %shift_right_arithmetic3A_222 : i32 to vector<16xi32>
      %shift_right_arithmetic3A_224 = arith.shrsi %get3A_221, %shift_right_arithmetic3A_223 : vector<16xi32>
      %min3A_225 = arith.constant 249983 : i32
      %min3A_226 = vector.broadcast %min3A_225 : i32 to vector<16xi32>
      %min3A_227 = arith.minsi %shift_right_arithmetic3A_224, %min3A_226 : vector<16xi32>
      %swap3A_228 = arith.index_cast %scan3A_125 : i32 to index
      %swap3A_229 = arith.constant 64 : index
      %swap3A_230 = tpu.vector_load %arg12[%swap3A_228, %swap3A_229] {strides = array<i32>} : memref<4x128xi32, #tpu.memory_space<vmem>>, vector<16xi32>,
      tpu.vector_store %arg12[%swap3A_228, %swap3A_229], %min3A_227 {strides = array<i32>} : memref<4x128xi32, #tpu.memory_space<vmem>>, vector<16xi32>,
      %get3A_231 = arith.index_cast %scan3A_125 : i32 to index
      %get3A_232 = arith.constant 64 : index
      %get3A_233 = tpu.vector_load %arg11[%get3A_231, %get3A_232] {strides = array<i32>} : memref<4x128xi32, #tpu.memory_space<vmem>>, vector<16xi32>,
      %shift_right_arithmetic3A_234 = arith.constant 2 : i32
      %shift_right_arithmetic3A_235 = vector.broadcast %shift_right_arithmetic3A_234 : i32 to vector<16xi32>
      %shift_right_arithmetic3A_236 = arith.shrsi %get3A_233, %shift_right_arithmetic3A_235 : vector<16xi32>
      %min3A_237 = arith.constant 249983 : i32
      %min3A_238 = vector.broadcast %min3A_237 : i32 to vector<16xi32>
      %min3A_239 = arith.minsi %shift_right_arithmetic3A_236, %min3A_238 : vector<16xi32>
      %swap3A_240 = arith.index_cast %scan3A_125 : i32 to index
      %swap3A_241 = arith.constant 64 : index
      %swap3A_242 = tpu.vector_load %arg13[%swap3A_240, %swap3A_241] {strides = array<i32>} : memref<4x128xi32, #tpu.memory_space<vmem>>, vector<16xi32>,
      tpu.vector_store %arg13[%swap3A_240, %swap3A_241], %min3A_239 {strides = array<i32>} : memref<4x128xi32, #tpu.memory_space<vmem>>, vector<16xi32>,
      %get3A_243 = arith.index_cast %scan3A_125 : i32 to index
      %get3A_244 = arith.constant 80 : index
      %get3A_245 = tpu.vector_load %arg10[%get3A_243, %get3A_244] {strides = array<i32>} : memref<4x128xi32, #tpu.memory_space<vmem>>, vector<16xi32>,
      %shift_right_arithmetic3A_246 = arith.constant 2 : i32
      %shift_right_arithmetic3A_247 = vector.broadcast %shift_right_arithmetic3A_246 : i32 to vector<16xi32>
      %shift_right_arithmetic3A_248 = arith.shrsi %get3A_245, %shift_right_arithmetic3A_247 : vector<16xi32>
      %min3A_249 = arith.constant 249983 : i32
      %min3A_250 = vector.broadcast %min3A_249 : i32 to vector<16xi32>
      %min3A_251 = arith.minsi %shift_right_arithmetic3A_248, %min3A_250 : vector<16xi32>
      %swap3A_252 = arith.index_cast %scan3A_125 : i32 to index
      %swap3A_253 = arith.constant 80 : index
      %swap3A_254 = tpu.vector_load %arg12[%swap3A_252, %swap3A_253] {strides = array<i32>} : memref<4x128xi32, #tpu.memory_space<vmem>>, vector<16xi32>,
      tpu.vector_store %arg12[%swap3A_252, %swap3A_253], %min3A_251 {strides = array<i32>} : memref<4x128xi32, #tpu.memory_space<vmem>>, vector<16xi32>,
      %get3A_255 = arith.index_cast %scan3A_125 : i32 to index
      %get3A_256 = arith.constant 80 : index
      %get3A_257 = tpu.vector_load %arg11[%get3A_255, %get3A_256] {strides = array<i32>} : memref<4x128xi32, #tpu.memory_space<vmem>>, vector<16xi32>,
      %shift_right_arithmetic3A_258 = arith.constant 2 : i32
      %shift_right_arithmetic3A_259 = vector.broadcast %shift_right_arithmetic3A_258 : i32 to vector<16xi32>
      %shift_right_arithmetic3A_260 = arith.shrsi %get3A_257, %shift_right_arithmetic3A_259 : vector<16xi32>
      %min3A_261 = arith.constant 249983 : i32
      %min3A_262 = vector.broadcast %min3A_261 : i32 to vector<16xi32>
      %min3A_263 = arith.minsi %shift_right_arithmetic3A_260, %min3A_262 : vector<16xi32>
      %swap3A_264 = arith.index_cast %scan3A_125 : i32 to index
      %swap3A_265 = arith.constant 80 : index
      %swap3A_266 = tpu.vector_load %arg13[%swap3A_264, %swap3A_265] {strides = array<i32>} : memref<4x128xi32, #tpu.memory_space<vmem>>, vector<16xi32>,
      tpu.vector_store %arg13[%swap3A_264, %swap3A_265], %min3A_263 {strides = array<i32>} : memref<4x128xi32, #tpu.memory_space<vmem>>, vector<16xi32>,
      %get3A_267 = arith.index_cast %scan3A_125 : i32 to index
      %get3A_268 = arith.constant 96 : index
      %get3A_269 = tpu.vector_load %arg10[%get3A_267, %get3A_268] {strides = array<i32>} : memref<4x128xi32, #tpu.memory_space<vmem>>, vector<16xi32>,
      %shift_right_arithmetic3A_270 = arith.constant 2 : i32
      %shift_right_arithmetic3A_271 = vector.broadcast %shift_right_arithmetic3A_270 : i32 to vector<16xi32>
      %shift_right_arithmetic3A_272 = arith.shrsi %get3A_269, %shift_right_arithmetic3A_271 : vector<16xi32>
      %min3A_273 = arith.constant 249983 : i32
      %min3A_274 = vector.broadcast %min3A_273 : i32 to vector<16xi32>
      %min3A_275 = arith.minsi %shift_right_arithmetic3A_272, %min3A_274 : vector<16xi32>
      %swap3A_276 = arith.index_cast %scan3A_125 : i32 to index
      %swap3A_277 = arith.constant 96 : index
      %swap3A_278 = tpu.vector_load %arg12[%swap3A_276, %swap3A_277] {strides = array<i32>} : memref<4x128xi32, #tpu.memory_space<vmem>>, vector<16xi32>,
      tpu.vector_store %arg12[%swap3A_276, %swap3A_277], %min3A_275 {strides = array<i32>} : memref<4x128xi32, #tpu.memory_space<vmem>>, vector<16xi32>,
      %get3A_279 = arith.index_cast %scan3A_125 : i32 to index
      %get3A_280 = arith.constant 96 : index
      %get3A_281 = tpu.vector_load %arg11[%get3A_279, %get3A_280] {strides = array<i32>} : memref<4x128xi32, #tpu.memory_space<vmem>>, vector<16xi32>,
      %shift_right_arithmetic3A_282 = arith.constant 2 : i32
      %shift_right_arithmetic3A_283 = vector.broadcast %shift_right_arithmetic3A_282 : i32 to vector<16xi32>
      %shift_right_arithmetic3A_284 = arith.shrsi %get3A_281, %shift_right_arithmetic3A_283 : vector<16xi32>
      %min3A_285 = arith.constant 249983 : i32
      %min3A_286 = vector.broadcast %min3A_285 : i32 to vector<16xi32>
      %min3A_287 = arith.minsi %shift_right_arithmetic3A_284, %min3A_286 : vector<16xi32>
      %swap3A_288 = arith.index_cast %scan3A_125 : i32 to index
      %swap3A_289 = arith.constant 96 : index
      %swap3A_290 = tpu.vector_load %arg13[%swap3A_288, %swap3A_289] {strides = array<i32>} : memref<4x128xi32, #tpu.memory_space<vmem>>, vector<16xi32>,
      tpu.vector_store %arg13[%swap3A_288, %swap3A_289], %min3A_287 {strides = array<i32>} : memref<4x128xi32, #tpu.memory_space<vmem>>, vector<16xi32>,
      %get3A_291 = arith.index_cast %scan3A_125 : i32 to index
      %get3A_292 = arith.constant 112 : index
      %get3A_293 = tpu.vector_load %arg10[%get3A_291, %get3A_292] {strides = array<i32>} : memref<4x128xi32, #tpu.memory_space<vmem>>, vector<16xi32>,
      %shift_right_arithmetic3A_294 = arith.constant 2 : i32
      %shift_right_arithmetic3A_295 = vector.broadcast %shift_right_arithmetic3A_294 : i32 to vector<16xi32>
      %shift_right_arithmetic3A_296 = arith.shrsi %get3A_293, %shift_right_arithmetic3A_295 : vector<16xi32>
      %min3A_297 = arith.constant 249983 : i32
      %min3A_298 = vector.broadcast %min3A_297 : i32 to vector<16xi32>
      %min3A_299 = arith.minsi %shift_right_arithmetic3A_296, %min3A_298 : vector<16xi32>
      %swap3A_300 = arith.index_cast %scan3A_125 : i32 to index
      %swap3A_301 = arith.constant 112 : index
      %swap3A_302 = tpu.vector_load %arg12[%swap3A_300, %swap3A_301] {strides = array<i32>} : memref<4x128xi32, #tpu.memory_space<vmem>>, vector<16xi32>,
      tpu.vector_store %arg12[%swap3A_300, %swap3A_301], %min3A_299 {strides = array<i32>} : memref<4x128xi32, #tpu.memory_space<vmem>>, vector<16xi32>,
      %get3A_303 = arith.index_cast %scan3A_125 : i32 to index
      %get3A_304 = arith.constant 112 : index
      %get3A_305 = tpu.vector_load %arg11[%get3A_303, %get3A_304] {strides = array<i32>} : memref<4x128xi32, #tpu.memory_space<vmem>>, vector<16xi32>,
      %shift_right_arithmetic3A_306 = arith.constant 2 : i32
      %shift_right_arithmetic3A_307 = vector.broadcast %shift_right_arithmetic3A_306 : i32 to vector<16xi32>
      %shift_right_arithmetic3A_308 = arith.shrsi %get3A_305, %shift_right_arithmetic3A_307 : vector<16xi32>
      %min3A_309 = arith.constant 249983 : i32
      %min3A_310 = vector.broadcast %min3A_309 : i32 to vector<16xi32>
      %min3A_311 = arith.minsi %shift_right_arithmetic3A_308, %min3A_310 : vector<16xi32>
      %swap3A_312 = arith.index_cast %scan3A_125 : i32 to index
      %swap3A_313 = arith.constant 112 : index
      %swap3A_314 = tpu.vector_load %arg13[%swap3A_312, %swap3A_313] {strides = array<i32>} : memref<4x128xi32, #tpu.memory_space<vmem>>, vector<16xi32>,
      tpu.vector_store %arg13[%swap3A_312, %swap3A_313], %min3A_311 {strides = array<i32>} : memref<4x128xi32, #tpu.memory_space<vmem>>, vector<16xi32>,
    }
    %scan3A_5 = arith.constant 4 : i32
    %get3A = arith.constant 0 : index
    %get3A_6 = tpu.vector_load %arg18[%get3A] {strides = array<i32>} : memref<64xf32, #tpu.memory_space<vmem>>, vector<16xf32>,
    %get3A_7 = arith.constant 16 : index
    %get3A_8 = tpu.vector_load %arg18[%get3A_7] {strides = array<i32>} : memref<64xf32, #tpu.memory_space<vmem>>, vector<16xf32>,
    %get3A_9 = arith.constant 32 : index
    %get3A_10 = tpu.vector_load %arg18[%get3A_9] {strides = array<i32>} : memref<64xf32, #tpu.memory_space<vmem>>, vector<16xf32>,
    %slice3A = vector.extract_strided_slice %get3A_10 {offsets = [0], sizes = [1], strides = [1]} : vector<16xf32> to vector<1xf32>
    %squeeze3A = vector.extract %slice3A[0] : f32 from vector<1xf32>
    %iota3A = tpu.iota {dimensions = array<i32: 0>} : vector<16xi32>
    %dma_start3A = arith.constant 0 : i32
    %dma_start3A_11 = arith.constant 0 : i32
    %dma_start3A_12 = arith.constant 0 : i32
    %dma_start3A_13 = tpu.memref_slice %arg14[%dma_start3A_11, %dma_start3A_12] : memref<256x128xf32, #tpu.memory_space<vmem>> -> memref<128x128xf32, #tpu.memory_space<vmem>>
    %dma_start3A_14 = arith.constant 0 : i32
    %dma_start3A_15 = tpu.memref_slice %arg12[%dma_start3A, %dma_start3A_14] : memref<4x128xi32, #tpu.memory_space<vmem>> -> memref<1x128xi32, #tpu.memory_space<vmem>>
    %dma_start3A_16 = tpu.memref_squeeze %dma_start3A_15 : memref<1x128xi32, #tpu.memory_space<vmem>> -> memref<128xi32, #tpu.memory_space<vmem>>
    %dma_start3A_17 = arith.constant 0 : i32
    %dma_start3A_18 = arith.constant 0 : i32
    %dma_start3A_19 = tpu.memref_slice %arg4[%dma_start3A_17, %dma_start3A_18] : memref<249984x128xf32, #tpu.memory_space<hbm>> -> memref<249984x128xf32, #tpu.memory_space<hbm>>
    tpu.enqueue_indirect_dma source(%dma_start3A_19 : memref<249984x128xf32, #tpu.memory_space<hbm>>) target(%dma_start3A_13 : memref<128x128xf32, #tpu.memory_space<vmem>>) offsets(%dma_start3A_16 : memref<128xi32, #tpu.memory_space<vmem>>) semaphore(%arg20 : memref<!tpu.dma_semaphore, #tpu.memory_space<semaphore_mem>>)
    %dma_start3A_20 = arith.constant 0 : i32
    %dma_start3A_21 = arith.constant 0 : i32
    %dma_start3A_22 = arith.constant 0 : i32
    %dma_start3A_23 = tpu.memref_slice %arg15[%dma_start3A_21, %dma_start3A_22] : memref<256x128xf32, #tpu.memory_space<vmem>> -> memref<128x128xf32, #tpu.memory_space<vmem>>
    %dma_start3A_24 = arith.constant 0 : i32
    %dma_start3A_25 = tpu.memref_slice %arg13[%dma_start3A_20, %dma_start3A_24] : memref<4x128xi32, #tpu.memory_space<vmem>> -> memref<1x128xi32, #tpu.memory_space<vmem>>
    %dma_start3A_26 = tpu.memref_squeeze %dma_start3A_25 : memref<1x128xi32, #tpu.memory_space<vmem>> -> memref<128xi32, #tpu.memory_space<vmem>>
    %dma_start3A_27 = arith.constant 0 : i32
    %dma_start3A_28 = arith.constant 0 : i32
    %dma_start3A_29 = tpu.memref_slice %arg5[%dma_start3A_27, %dma_start3A_28] : memref<249984x128xf32, #tpu.memory_space<hbm>> -> memref<249984x128xf32, #tpu.memory_space<hbm>>
    tpu.enqueue_indirect_dma source(%dma_start3A_29 : memref<249984x128xf32, #tpu.memory_space<hbm>>) target(%dma_start3A_23 : memref<128x128xf32, #tpu.memory_space<vmem>>) offsets(%dma_start3A_26 : memref<128xi32, #tpu.memory_space<vmem>>) semaphore(%arg21 : memref<!tpu.dma_semaphore, #tpu.memory_space<semaphore_mem>>)
    %dma_start3A_30 = arith.constant 1 : i32
    %dma_start3A_31 = arith.constant 128 : i32
    %dma_start3A_32 = arith.constant 0 : i32
    %dma_start3A_33 = tpu.memref_slice %arg14[%dma_start3A_31, %dma_start3A_32] : memref<256x128xf32, #tpu.memory_space<vmem>> -> memref<128x128xf32, #tpu.memory_space<vmem>>
    %dma_start3A_34 = arith.constant 0 : i32
    %dma_start3A_35 = tpu.memref_slice %arg12[%dma_start3A_30, %dma_start3A_34] : memref<4x128xi32, #tpu.memory_space<vmem>> -> memref<1x128xi32, #tpu.memory_space<vmem>>
    %dma_start3A_36 = tpu.memref_squeeze %dma_start3A_35 : memref<1x128xi32, #tpu.memory_space<vmem>> -> memref<128xi32, #tpu.memory_space<vmem>>
    %dma_start3A_37 = arith.constant 0 : i32
    %dma_start3A_38 = arith.constant 0 : i32
    %dma_start3A_39 = tpu.memref_slice %arg4[%dma_start3A_37, %dma_start3A_38] : memref<249984x128xf32, #tpu.memory_space<hbm>> -> memref<249984x128xf32, #tpu.memory_space<hbm>>
    tpu.enqueue_indirect_dma source(%dma_start3A_39 : memref<249984x128xf32, #tpu.memory_space<hbm>>) target(%dma_start3A_33 : memref<128x128xf32, #tpu.memory_space<vmem>>) offsets(%dma_start3A_36 : memref<128xi32, #tpu.memory_space<vmem>>) semaphore(%arg20 : memref<!tpu.dma_semaphore, #tpu.memory_space<semaphore_mem>>)
    %dma_start3A_40 = arith.constant 1 : i32
    %dma_start3A_41 = arith.constant 128 : i32
    %dma_start3A_42 = arith.constant 0 : i32
    %dma_start3A_43 = tpu.memref_slice %arg15[%dma_start3A_41, %dma_start3A_42] : memref<256x128xf32, #tpu.memory_space<vmem>> -> memref<128x128xf32, #tpu.memory_space<vmem>>
    %dma_start3A_44 = arith.constant 0 : i32
    %dma_start3A_45 = tpu.memref_slice %arg13[%dma_start3A_40, %dma_start3A_44] : memref<4x128xi32, #tpu.memory_space<vmem>> -> memref<1x128xi32, #tpu.memory_space<vmem>>
    %dma_start3A_46 = tpu.memref_squeeze %dma_start3A_45 : memref<1x128xi32, #tpu.memory_space<vmem>> -> memref<128xi32, #tpu.memory_space<vmem>>
    %dma_start3A_47 = arith.constant 0 : i32
    %dma_start3A_48 = arith.constant 0 : i32
    %dma_start3A_49 = tpu.memref_slice %arg5[%dma_start3A_47, %dma_start3A_48] : memref<249984x128xf32, #tpu.memory_space<hbm>> -> memref<249984x128xf32, #tpu.memory_space<hbm>>
    tpu.enqueue_indirect_dma source(%dma_start3A_49 : memref<249984x128xf32, #tpu.memory_space<hbm>>) target(%dma_start3A_43 : memref<128x128xf32, #tpu.memory_space<vmem>>) offsets(%dma_start3A_46 : memref<128xi32, #tpu.memory_space<vmem>>) semaphore(%arg21 : memref<!tpu.dma_semaphore, #tpu.memory_space<semaphore_mem>>)
    %dma_wait3A = arith.constant 0 : i32
    %dma_wait3A_50 = arith.constant 0 : i32
    %dma_wait3A_51 = tpu.memref_slice %arg4[%dma_wait3A, %dma_wait3A_50] : memref<249984x128xf32, #tpu.memory_space<hbm>> -> memref<256x128xf32, #tpu.memory_space<hbm>>
    %dma_wait3A_52 = arith.constant 0 : i32
    %dma_wait3A_53 = arith.constant 0 : i32
    %dma_wait3A_54 = tpu.memref_slice %arg4[%dma_wait3A_52, %dma_wait3A_53] : memref<249984x128xf32, #tpu.memory_space<hbm>> -> memref<256x128xf32, #tpu.memory_space<hbm>>
    tpu.wait_dma2 semaphore(%arg20 : memref<!tpu.dma_semaphore, #tpu.memory_space<semaphore_mem>>) src(%dma_wait3A_54 : memref<256x128xf32, #tpu.memory_space<hbm>>) dst(%arg14 : memref<256x128xf32, #tpu.memory_space<vmem>>)
    %dma_wait3A_55 = arith.constant 0 : i32
    %dma_wait3A_56 = arith.constant 0 : i32
    %dma_wait3A_57 = tpu.memref_slice %arg5[%dma_wait3A_55, %dma_wait3A_56] : memref<249984x128xf32, #tpu.memory_space<hbm>> -> memref<256x128xf32, #tpu.memory_space<hbm>>
    %dma_wait3A_58 = arith.constant 0 : i32
    %dma_wait3A_59 = arith.constant 0 : i32
    %dma_wait3A_60 = tpu.memref_slice %arg5[%dma_wait3A_58, %dma_wait3A_59] : memref<249984x128xf32, #tpu.memory_space<hbm>> -> memref<256x128xf32, #tpu.memory_space<hbm>>
    tpu.wait_dma2 semaphore(%arg21 : memref<!tpu.dma_semaphore, #tpu.memory_space<semaphore_mem>>) src(%dma_wait3A_60 : memref<256x128xf32, #tpu.memory_space<hbm>>) dst(%arg15 : memref<256x128xf32, #tpu.memory_space<vmem>>)
    %scan3A_61 = arith.constant 0 : i32
    %scan3A_62 = arith.constant 0 : i32
    %scan3A_63 = arith.constant 16 : i32
    %scan3A_64 = arith.addi %scan3A_62, %scan3A_63 : i32
    %scan3A_65 = arith.constant 1 : i32
    scf.for %scan3A_125 = %scan3A_62 to %scan3A_64 step %scan3A_65  : i32 {
      %mul3A_126 = arith.constant 16 : i32
      %mul3A_127 = arith.muli %scan3A_125, %mul3A_126 : i32
      %add3A_128 = arith.constant 0 : i32
      %add3A_129 = arith.addi %add3A_128, %mul3A_127 : i32
      %shift_right_arithmetic3A = arith.constant 7 : i32
      %shift_right_arithmetic3A_130 = arith.shrsi %add3A_129, %shift_right_arithmetic3A : i32
      %and3A = arith.constant 127 : i32
      %and3A_131 = arith.andi %add3A_129, %and3A : i32
      %get3A_132 = arith.index_cast %shift_right_arithmetic3A_130 : i32 to index
      %get3A_133 = arith.index_cast %and3A_131 : i32 to index
      %get3A_134 = tpu.vector_load %arg10[%get3A_132, %get3A_133] {strides = array<i32>} : memref<4x128xi32, #tpu.memory_space<vmem>>, vector<16xi32>,
      %get3A_135 = arith.index_cast %shift_right_arithmetic3A_130 : i32 to index
      %get3A_136 = arith.index_cast %and3A_131 : i32 to index
      %get3A_137 = tpu.vector_load %arg11[%get3A_135, %get3A_136] {strides = array<i32>} : memref<4x128xi32, #tpu.memory_space<vmem>>, vector<16xi32>,
      %and3A_138 = arith.constant 3 : i32
      %and3A_139 = vector.broadcast %and3A_138 : i32 to vector<16xi32>
      %and3A_140 = arith.andi %get3A_134, %and3A_139 : vector<16xi32>
      %mul3A_141 = arith.constant 32 : i32
      %mul3A_142 = vector.broadcast %mul3A_141 : i32 to vector<16xi32>
      %mul3A_143 = arith.muli %and3A_140, %mul3A_142 : vector<16xi32>
      %and3A_144 = arith.constant 3 : i32
      %and3A_145 = vector.broadcast %and3A_144 : i32 to vector<16xi32>
      %and3A_146 = arith.andi %get3A_137, %and3A_145 : vector<16xi32>
      %mul3A_147 = arith.constant 32 : i32
      %mul3A_148 = vector.broadcast %mul3A_147 : i32 to vector<16xi32>
      %mul3A_149 = arith.muli %and3A_146, %mul3A_148 : vector<16xi32>
      %sub3A = arith.constant 999936 : i32
      %sub3A_150 = vector.broadcast %sub3A : i32 to vector<16xi32>
      %sub3A_151 = arith.subi %get3A_134, %sub3A_150 : vector<16xi32>
      %jit3A = arith.constant 0 : i32
      %jit3A_152 = arith.constant 63 : i32
      %max3A = vector.broadcast %jit3A : i32 to vector<16xi32>
      %max3A_153 = arith.maxsi %max3A, %sub3A_151 : vector<16xi32>
      %min3A = vector.broadcast %jit3A_152 : i32 to vector<16xi32>
      %min3A_154 = arith.minsi %min3A, %max3A_153 : vector<16xi32>
      %sub3A_155 = arith.constant 999936 : i32
      %sub3A_156 = vector.broadcast %sub3A_155 : i32 to vector<16xi32>
      %sub3A_157 = arith.subi %get3A_137, %sub3A_156 : vector<16xi32>
      %jit3A_158 = arith.constant 0 : i32
      %jit3A_159 = arith.constant 63 : i32
      %max3A_160 = vector.broadcast %jit3A_158 : i32 to vector<16xi32>
      %max3A_161 = arith.maxsi %max3A_160, %sub3A_157 : vector<16xi32>
      %min3A_162 = vector.broadcast %jit3A_159 : i32 to vector<16xi32>
      %min3A_163 = arith.minsi %min3A_162, %max3A_161 : vector<16xi32>
      %and3A_164 = arith.constant 3 : i32
      %and3A_165 = vector.broadcast %and3A_164 : i32 to vector<16xi32>
      %and3A_166 = arith.andi %min3A_154, %and3A_165 : vector<16xi32>
      %mul3A_167 = arith.constant 32 : i32
      %mul3A_168 = vector.broadcast %mul3A_167 : i32 to vector<16xi32>
      %mul3A_169 = arith.muli %and3A_166, %mul3A_168 : vector<16xi32>
      %and3A_170 = arith.constant 3 : i32
      %and3A_171 = vector.broadcast %and3A_170 : i32 to vector<16xi32>
      %and3A_172 = arith.andi %min3A_163, %and3A_171 : vector<16xi32>
      %mul3A_173 = arith.constant 32 : i32
      %mul3A_174 = vector.broadcast %mul3A_173 : i32 to vector<16xi32>
      %mul3A_175 = arith.muli %and3A_172, %mul3A_174 : vector<16xi32>
      %broadcast_in_dim3A = arith.constant 0.000000e+00 : f32
      %broadcast_in_dim3A_176 = vector.broadcast %broadcast_in_dim3A : f32 to vector<16xf32>
      %mul3A_177 = arith.constant 16 : i32
      %mul3A_178 = arith.muli %scan3A_125, %mul3A_177 : i32
      %add3A_179 = arith.constant 0 : i32
      %add3A_180 = arith.addi %mul3A_178, %add3A_179 : i32
      %slice3A_181 = vector.extract_strided_slice %mul3A_143 {offsets = [0], sizes = [1], strides = [1]} : vector<16xi32> to vector<1xi32>
      %squeeze3A_182 = vector.extract %slice3A_181[0] : i32 from vector<1xi32>
      %slice3A_183 = vector.extract_strided_slice %mul3A_149 {offsets = [0], sizes = [1], strides = [1]} : vector<16xi32> to vector<1xi32>
      %squeeze3A_184 = vector.extract %slice3A_183[0] : i32 from vector<1xi32>
      %get3A_185 = arith.index_cast %add3A_180 : i32 to index
      %get3A_186 = arith.index_cast %squeeze3A_182 : i32 to index
      %get3A_187 = tpu.vector_load %arg14[%get3A_185, %get3A_186] {strides = array<i32>} : memref<256x128xf32, #tpu.memory_space<vmem>>, vector<16xf32>,
      %add3A_188 = arith.constant 16 : i32
      %add3A_189 = arith.addi %squeeze3A_182, %add3A_188 : i32
      %get3A_190 = arith.index_cast %add3A_180 : i32 to index
      %get3A_191 = arith.index_cast %add3A_189 : i32 to index
      %get3A_192 = tpu.vector_load %arg14[%get3A_190, %get3A_191] {strides = array<i32>} : memref<256x128xf32, #tpu.memory_space<vmem>>, vector<16xf32>,
      %get3A_193 = arith.index_cast %add3A_180 : i32 to index
      %get3A_194 = arith.index_cast %squeeze3A_184 : i32 to index
      %get3A_195 = tpu.vector_load %arg15[%get3A_193, %get3A_194] {strides = array<i32>} : memref<256x128xf32, #tpu.memory_space<vmem>>, vector<16xf32>,
      %add3A_196 = arith.constant 16 : i32
      %add3A_197 = arith.addi %squeeze3A_184, %add3A_196 : i32
      %get3A_198 = arith.index_cast %add3A_180 : i32 to index
      %get3A_199 = arith.index_cast %add3A_197 : i32 to index
      %get3A_200 = tpu.vector_load %arg15[%get3A_198, %get3A_199] {strides = array<i32>} : memref<256x128xf32, #tpu.memory_space<vmem>>, vector<16xf32>,
      %slice3A_201 = vector.extract_strided_slice %min3A_154 {offsets = [0], sizes = [1], strides = [1]} : vector<16xi32> to vector<1xi32>
      %squeeze3A_202 = vector.extract %slice3A_201[0] : i32 from vector<1xi32>
      %shift_right_arithmetic3A_203 = arith.constant 2 : i32
      %shift_right_arithmetic3A_204 = arith.shrsi %squeeze3A_202, %shift_right_arithmetic3A_203 : i32
      %slice3A_205 = vector.extract_strided_slice %mul3A_169 {offsets = [0], sizes = [1], strides = [1]} : vector<16xi32> to vector<1xi32>
      %squeeze3A_206 = vector.extract %slice3A_205[0] : i32 from vector<1xi32>
      %get3A_207 = arith.index_cast %shift_right_arithmetic3A_204 : i32 to index
      %get3A_208 = arith.index_cast %squeeze3A_206 : i32 to index
      %get3A_209 = tpu.vector_load %arg16[%get3A_207, %get3A_208] {strides = array<i32>} : memref<16x128xf32, #tpu.memory_space<vmem>>, vector<16xf32>,
      %slice3A_210 = vector.extract_strided_slice %min3A_154 {offsets = [0], sizes = [1], strides = [1]} : vector<16xi32> to vector<1xi32>
      %squeeze3A_211 = vector.extract %slice3A_210[0] : i32 from vector<1xi32>
      %shift_right_arithmetic3A_212 = arith.constant 2 : i32
      %shift_right_arithmetic3A_213 = arith.shrsi %squeeze3A_211, %shift_right_arithmetic3A_212 : i32
      %slice3A_214 = vector.extract_strided_slice %mul3A_169 {offsets = [0], sizes = [1], strides = [1]} : vector<16xi32> to vector<1xi32>
      %squeeze3A_215 = vector.extract %slice3A_214[0] : i32 from vector<1xi32>
      %add3A_216 = arith.constant 16 : i32
      %add3A_217 = arith.addi %squeeze3A_215, %add3A_216 : i32
      %get3A_218 = arith.index_cast %shift_right_arithmetic3A_213 : i32 to index
      %get3A_219 = arith.index_cast %add3A_217 : i32 to index
      %get3A_220 = tpu.vector_load %arg16[%get3A_218, %get3A_219] {strides = array<i32>} : memref<16x128xf32, #tpu.memory_space<vmem>>, vector<16xf32>,
      %slice3A_221 = vector.extract_strided_slice %min3A_163 {offsets = [0], sizes = [1], strides = [1]} : vector<16xi32> to vector<1xi32>
      %squeeze3A_222 = vector.extract %slice3A_221[0] : i32 from vector<1xi32>
      %shift_right_arithmetic3A_223 = arith.constant 2 : i32
      %shift_right_arithmetic3A_224 = arith.shrsi %squeeze3A_222, %shift_right_arithmetic3A_223 : i32
      %slice3A_225 = vector.extract_strided_slice %mul3A_175 {offsets = [0], sizes = [1], strides = [1]} : vector<16xi32> to vector<1xi32>
      %squeeze3A_226 = vector.extract %slice3A_225[0] : i32 from vector<1xi32>
      %get3A_227 = arith.index_cast %shift_right_arithmetic3A_224 : i32 to index
      %get3A_228 = arith.index_cast %squeeze3A_226 : i32 to index
      %get3A_229 = tpu.vector_load %arg17[%get3A_227, %get3A_228] {strides = array<i32>} : memref<16x128xf32, #tpu.memory_space<vmem>>, vector<16xf32>,
      %slice3A_230 = vector.extract_strided_slice %min3A_163 {offsets = [0], sizes = [1], strides = [1]} : vector<16xi32> to vector<1xi32>
      %squeeze3A_231 = vector.extract %slice3A_230[0] : i32 from vector<1xi32>
      %shift_right_arithmetic3A_232 = arith.constant 2 : i32
      %shift_right_arithmetic3A_233 = arith.shrsi %squeeze3A_231, %shift_right_arithmetic3A_232 : i32
      %slice3A_234 = vector.extract_strided_slice %mul3A_175 {offsets = [0], sizes = [1], strides = [1]} : vector<16xi32> to vector<1xi32>
      %squeeze3A_235 = vector.extract %slice3A_234[0] : i32 from vector<1xi32>
      %add3A_236 = arith.constant 16 : i32
      %add3A_237 = arith.addi %squeeze3A_235, %add3A_236 : i32
      %get3A_238 = arith.index_cast %shift_right_arithmetic3A_233 : i32 to index
      %get3A_239 = arith.index_cast %add3A_237 : i32 to index
      %get3A_240 = tpu.vector_load %arg17[%get3A_238, %get3A_239] {strides = array<i32>} : memref<16x128xf32, #tpu.memory_space<vmem>>, vector<16xf32>,
      %slice3A_241 = vector.extract_strided_slice %get3A_134 {offsets = [0], sizes = [1], strides = [1]} : vector<16xi32> to vector<1xi32>
      %squeeze3A_242 = vector.extract %slice3A_241[0] : i32 from vector<1xi32>
      %ge3A = arith.constant 999936 : i32
      %ge3A_243 = arith.cmpi sge, %squeeze3A_242, %ge3A : i32
      %slice3A_244 = vector.extract_strided_slice %get3A_137 {offsets = [0], sizes = [1], strides = [1]} : vector<16xi32> to vector<1xi32>
      %squeeze3A_245 = vector.extract %slice3A_244[0] : i32 from vector<1xi32>
      %ge3A_246 = arith.constant 999936 : i32
      %ge3A_247 = arith.cmpi sge, %squeeze3A_245, %ge3A_246 : i32
      %select_n3A = arith.select %ge3A_243, %get3A_209, %get3A_187 : vector<16xf32>
      %select_n3A_248 = arith.select %ge3A_243, %get3A_220, %get3A_192 : vector<16xf32>
      %select_n3A_249 = arith.select %ge3A_247, %get3A_229, %get3A_195 : vector<16xf32>
      %select_n3A_250 = arith.select %ge3A_247, %get3A_240, %get3A_200 : vector<16xf32>
      %mul3A_251 = arith.mulf %select_n3A, %select_n3A_249 : vector<16xf32>
      %mul3A_252 = arith.mulf %mul3A_251, %get3A_6 : vector<16xf32>
      %mul3A_253 = arith.mulf %select_n3A_248, %select_n3A_250 : vector<16xf32>
      %mul3A_254 = arith.mulf %mul3A_253, %get3A_8 : vector<16xf32>
      %add3A_255 = arith.addf %mul3A_252, %mul3A_254 : vector<16xf32>
      %reduce_sum3A = arith.constant true
      %reduce_sum3A_256 = vector.broadcast %reduce_sum3A : i1 to vector<16xi1>
      %reduce_sum3A_257 = tpu.scan <sum>, %add3A_255 masked %reduce_sum3A_256 : vector<16xf32>, vector<16xi1> -> vector<16xf32>
      %reduce_sum3A_258 = vector.extract %reduce_sum3A_257[15] : f32 from vector<16xf32>
      %eq3A = arith.constant 0 : i32
      %eq3A_259 = vector.broadcast %eq3A : i32 to vector<16xi32>
      %eq3A_260 = arith.cmpi eq, %iota3A, %eq3A_259 : vector<16xi32>
      %broadcast_in_dim3A_261 = vector.broadcast %reduce_sum3A_258 : f32 to vector<16xf32>
      %select_n3A_262 = arith.select %eq3A_260, %broadcast_in_dim3A_261, %broadcast_in_dim3A_176 : vector<16xi1>, vector<16xf32>
      %mul3A_263 = arith.constant 16 : i32
      %mul3A_264 = arith.muli %scan3A_125, %mul3A_263 : i32
      %add3A_265 = arith.constant 1 : i32
      %add3A_266 = arith.addi %mul3A_264, %add3A_265 : i32
      %slice3A_267 = vector.extract_strided_slice %mul3A_143 {offsets = [1], sizes = [1], strides = [1]} : vector<16xi32> to vector<1xi32>
      %squeeze3A_268 = vector.extract %slice3A_267[0] : i32 from vector<1xi32>
      %slice3A_269 = vector.extract_strided_slice %mul3A_149 {offsets = [1], sizes = [1], strides = [1]} : vector<16xi32> to vector<1xi32>
      %squeeze3A_270 = vector.extract %slice3A_269[0] : i32 from vector<1xi32>
      %get3A_271 = arith.index_cast %add3A_266 : i32 to index
      %get3A_272 = arith.index_cast %squeeze3A_268 : i32 to index
      %get3A_273 = tpu.vector_load %arg14[%get3A_271, %get3A_272] {strides = array<i32>} : memref<256x128xf32, #tpu.memory_space<vmem>>, vector<16xf32>,
      %add3A_274 = arith.constant 16 : i32
      %add3A_275 = arith.addi %squeeze3A_268, %add3A_274 : i32
      %get3A_276 = arith.index_cast %add3A_266 : i32 to index
      %get3A_277 = arith.index_cast %add3A_275 : i32 to index
      %get3A_278 = tpu.vector_load %arg14[%get3A_276, %get3A_277] {strides = array<i32>} : memref<256x128xf32, #tpu.memory_space<vmem>>, vector<16xf32>,
      %get3A_279 = arith.index_cast %add3A_266 : i32 to index
      %get3A_280 = arith.index_cast %squeeze3A_270 : i32 to index
      %get3A_281 = tpu.vector_load %arg15[%get3A_279, %get3A_280] {strides = array<i32>} : memref<256x128xf32, #tpu.memory_space<vmem>>, vector<16xf32>,
      %add3A_282 = arith.constant 16 : i32
      %add3A_283 = arith.addi %squeeze3A_270, %add3A_282 : i32
      %get3A_284 = arith.index_cast %add3A_266 : i32 to index
      %get3A_285 = arith.index_cast %add3A_283 : i32 to index
      %get3A_286 = tpu.vector_load %arg15[%get3A_284, %get3A_285] {strides = array<i32>} : memref<256x128xf32, #tpu.memory_space<vmem>>, vector<16xf32>,
      %slice3A_287 = vector.extract_strided_slice %min3A_154 {offsets = [1], sizes = [1], strides = [1]} : vector<16xi32> to vector<1xi32>
      %squeeze3A_288 = vector.extract %slice3A_287[0] : i32 from vector<1xi32>
      %shift_right_arithmetic3A_289 = arith.constant 2 : i32
      %shift_right_arithmetic3A_290 = arith.shrsi %squeeze3A_288, %shift_right_arithmetic3A_289 : i32
      %slice3A_291 = vector.extract_strided_slice %mul3A_169 {offsets = [1], sizes = [1], strides = [1]} : vector<16xi32> to vector<1xi32>
      %squeeze3A_292 = vector.extract %slice3A_291[0] : i32 from vector<1xi32>
      %get3A_293 = arith.index_cast %shift_right_arithmetic3A_290 : i32 to index
      %get3A_294 = arith.index_cast %squeeze3A_292 : i32 to index
      %get3A_295 = tpu.vector_load %arg16[%get3A_293, %get3A_294] {strides = array<i32>} : memref<16x128xf32, #tpu.memory_space<vmem>>, vector<16xf32>,
      %slice3A_296 = vector.extract_strided_slice %min3A_154 {offsets = [1], sizes = [1], strides = [1]} : vector<16xi32> to vector<1xi32>
      %squeeze3A_297 = vector.extract %slice3A_296[0] : i32 from vector<1xi32>
      %shift_right_arithmetic3A_298 = arith.constant 2 : i32
      %shift_right_arithmetic3A_299 = arith.shrsi %squeeze3A_297, %shift_right_arithmetic3A_298 : i32
      %slice3A_300 = vector.extract_strided_slice %mul3A_169 {offsets = [1], sizes = [1], strides = [1]} : vector<16xi32> to vector<1xi32>
      %squeeze3A_301 = vector.extract %slice3A_300[0] : i32 from vector<1xi32>
      %add3A_302 = arith.constant 16 : i32
      %add3A_303 = arith.addi %squeeze3A_301, %add3A_302 : i32
      %get3A_304 = arith.index_cast %shift_right_arithmetic3A_299 : i32 to index
      %get3A_305 = arith.index_cast %add3A_303 : i32 to index
      %get3A_306 = tpu.vector_load %arg16[%get3A_304, %get3A_305] {strides = array<i32>} : memref<16x128xf32, #tpu.memory_space<vmem>>, vector<16xf32>,
      %slice3A_307 = vector.extract_strided_slice %min3A_163 {offsets = [1], sizes = [1], strides = [1]} : vector<16xi32> to vector<1xi32>
      %squeeze3A_308 = vector.extract %slice3A_307[0] : i32 from vector<1xi32>
      %shift_right_arithmetic3A_309 = arith.constant 2 : i32
      %shift_right_arithmetic3A_310 = arith.shrsi %squeeze3A_308, %shift_right_arithmetic3A_309 : i32
      %slice3A_311 = vector.extract_strided_slice %mul3A_175 {offsets = [1], sizes = [1], strides = [1]} : vector<16xi32> to vector<1xi32>
      %squeeze3A_312 = vector.extract %slice3A_311[0] : i32 from vector<1xi32>
      %get3A_313 = arith.index_cast %shift_right_arithmetic3A_310 : i32 to index
      %get3A_314 = arith.index_cast %squeeze3A_312 : i32 to index
      %get3A_315 = tpu.vector_load %arg17[%get3A_313, %get3A_314] {strides = array<i32>} : memref<16x128xf32, #tpu.memory_space<vmem>>, vector<16xf32>,
      %slice3A_316 = vector.extract_strided_slice %min3A_163 {offsets = [1], sizes = [1], strides = [1]} : vector<16xi32> to vector<1xi32>
      %squeeze3A_317 = vector.extract %slice3A_316[0] : i32 from vector<1xi32>
      %shift_right_arithmetic3A_318 = arith.constant 2 : i32
      %shift_right_arithmetic3A_319 = arith.shrsi %squeeze3A_317, %shift_right_arithmetic3A_318 : i32
      %slice3A_320 = vector.extract_strided_slice %mul3A_175 {offsets = [1], sizes = [1], strides = [1]} : vector<16xi32> to vector<1xi32>
      %squeeze3A_321 = vector.extract %slice3A_320[0] : i32 from vector<1xi32>
      %add3A_322 = arith.constant 16 : i32
      %add3A_323 = arith.addi %squeeze3A_321, %add3A_322 : i32
      %get3A_324 = arith.index_cast %shift_right_arithmetic3A_319 : i32 to index
      %get3A_325 = arith.index_cast %add3A_323 : i32 to index
      %get3A_326 = tpu.vector_load %arg17[%get3A_324, %get3A_325] {strides = array<i32>} : memref<16x128xf32, #tpu.memory_space<vmem>>, vector<16xf32>,
      %slice3A_327 = vector.extract_strided_slice %get3A_134 {offsets = [1], sizes = [1], strides = [1]} : vector<16xi32> to vector<1xi32>
      %squeeze3A_328 = vector.extract %slice3A_327[0] : i32 from vector<1xi32>
      %ge3A_329 = arith.constant 999936 : i32
      %ge3A_330 = arith.cmpi sge, %squeeze3A_328, %ge3A_329 : i32
      %slice3A_331 = vector.extract_strided_slice %get3A_137 {offsets = [1], sizes = [1], strides = [1]} : vector<16xi32> to vector<1xi32>
      %squeeze3A_332 = vector.extract %slice3A_331[0] : i32 from vector<1xi32>
      %ge3A_333 = arith.constant 999936 : i32
      %ge3A_334 = arith.cmpi sge, %squeeze3A_332, %ge3A_333 : i32
      %select_n3A_335 = arith.select %ge3A_330, %get3A_295, %get3A_273 : vector<16xf32>
      %select_n3A_336 = arith.select %ge3A_330, %get3A_306, %get3A_278 : vector<16xf32>
      %select_n3A_337 = arith.select %ge3A_334, %get3A_315, %get3A_281 : vector<16xf32>
      %select_n3A_338 = arith.select %ge3A_334, %get3A_326, %get3A_286 : vector<16xf32>
      %mul3A_339 = arith.mulf %select_n3A_335, %select_n3A_337 : vector<16xf32>
      %mul3A_340 = arith.mulf %mul3A_339, %get3A_6 : vector<16xf32>
      %mul3A_341 = arith.mulf %select_n3A_336, %select_n3A_338 : vector<16xf32>
      %mul3A_342 = arith.mulf %mul3A_341, %get3A_8 : vector<16xf32>
      %add3A_343 = arith.addf %mul3A_340, %mul3A_342 : vector<16xf32>
      %reduce_sum3A_344 = arith.constant true
      %reduce_sum3A_345 = vector.broadcast %reduce_sum3A_344 : i1 to vector<16xi1>
      %reduce_sum3A_346 = tpu.scan <sum>, %add3A_343 masked %reduce_sum3A_345 : vector<16xf32>, vector<16xi1> -> vector<16xf32>
      %reduce_sum3A_347 = vector.extract %reduce_sum3A_346[15] : f32 from vector<16xf32>
      %eq3A_348 = arith.constant 1 : i32
      %eq3A_349 = vector.broadcast %eq3A_348 : i32 to vector<16xi32>
      %eq3A_350 = arith.cmpi eq, %iota3A, %eq3A_349 : vector<16xi32>
      %broadcast_in_dim3A_351 = vector.broadcast %reduce_sum3A_347 : f32 to vector<16xf32>
      %select_n3A_352 = arith.select %eq3A_350, %broadcast_in_dim3A_351, %select_n3A_262 : vector<16xi1>, vector<16xf32>
      %mul3A_353 = arith.constant 16 : i32
      %mul3A_354 = arith.muli %scan3A_125, %mul3A_353 : i32
      %add3A_355 = arith.constant 2 : i32
      %add3A_356 = arith.addi %mul3A_354, %add3A_355 : i32
      %slice3A_357 = vector.extract_strided_slice %mul3A_143 {offsets = [2], sizes = [1], strides = [1]} : vector<16xi32> to vector<1xi32>
      %squeeze3A_358 = vector.extract %slice3A_357[0] : i32 from vector<1xi32>
      %slice3A_359 = vector.extract_strided_slice %mul3A_149 {offsets = [2], sizes = [1], strides = [1]} : vector<16xi32> to vector<1xi32>
      %squeeze3A_360 = vector.extract %slice3A_359[0] : i32 from vector<1xi32>
      %get3A_361 = arith.index_cast %add3A_356 : i32 to index
      %get3A_362 = arith.index_cast %squeeze3A_358 : i32 to index
      %get3A_363 = tpu.vector_load %arg14[%get3A_361, %get3A_362] {strides = array<i32>} : memref<256x128xf32, #tpu.memory_space<vmem>>, vector<16xf32>,
      %add3A_364 = arith.constant 16 : i32
      %add3A_365 = arith.addi %squeeze3A_358, %add3A_364 : i32
      %get3A_366 = arith.index_cast %add3A_356 : i32 to index
      %get3A_367 = arith.index_cast %add3A_365 : i32 to index
      %get3A_368 = tpu.vector_load %arg14[%get3A_366, %get3A_367] {strides = array<i32>} : memref<256x128xf32, #tpu.memory_space<vmem>>, vector<16xf32>,
      %get3A_369 = arith.index_cast %add3A_356 : i32 to index
      %get3A_370 = arith.index_cast %squeeze3A_360 : i32 to index
      %get3A_371 = tpu.vector_load %arg15[%get3A_369, %get3A_370] {strides = array<i32>} : memref<256x128xf32, #tpu.memory_space<vmem>>, vector<16xf32>,
      %add3A_372 = arith.constant 16 : i32
      %add3A_373 = arith.addi %squeeze3A_360, %add3A_372 : i32
      %get3A_374 = arith.index_cast %add3A_356 : i32 to index
      %get3A_375 = arith.index_cast %add3A_373 : i32 to index
      %get3A_376 = tpu.vector_load %arg15[%get3A_374, %get3A_375] {strides = array<i32>} : memref<256x128xf32, #tpu.memory_space<vmem>>, vector<16xf32>,
      %slice3A_377 = vector.extract_strided_slice %min3A_154 {offsets = [2], sizes = [1], strides = [1]} : vector<16xi32> to vector<1xi32>
      %squeeze3A_378 = vector.extract %slice3A_377[0] : i32 from vector<1xi32>
      %shift_right_arithmetic3A_379 = arith.constant 2 : i32
      %shift_right_arithmetic3A_380 = arith.shrsi %squeeze3A_378, %shift_right_arithmetic3A_379 : i32
      %slice3A_381 = vector.extract_strided_slice %mul3A_169 {offsets = [2], sizes = [1], strides = [1]} : vector<16xi32> to vector<1xi32>
      %squeeze3A_382 = vector.extract %slice3A_381[0] : i32 from vector<1xi32>
      %get3A_383 = arith.index_cast %shift_right_arithmetic3A_380 : i32 to index
      %get3A_384 = arith.index_cast %squeeze3A_382 : i32 to index
      %get3A_385 = tpu.vector_load %arg16[%get3A_383, %get3A_384] {strides = array<i32>} : memref<16x128xf32, #tpu.memory_space<vmem>>, vector<16xf32>,
      %slice3A_386 = vector.extract_strided_slice %min3A_154 {offsets = [2], sizes = [1], strides = [1]} : vector<16xi32> to vector<1xi32>
      %squeeze3A_387 = vector.extract %slice3A_386[0] : i32 from vector<1xi32>
      %shift_right_arithmetic3A_388 = arith.constant 2 : i32
      %shift_right_arithmetic3A_389 = arith.shrsi %squeeze3A_387, %shift_right_arithmetic3A_388 : i32
      %slice3A_390 = vector.extract_strided_slice %mul3A_169 {offsets = [2], sizes = [1], strides = [1]} : vector<16xi32> to vector<1xi32>
      %squeeze3A_391 = vector.extract %slice3A_390[0] : i32 from vector<1xi32>
      %add3A_392 = arith.constant 16 : i32
      %add3A_393 = arith.addi %squeeze3A_391, %add3A_392 : i32
      %get3A_394 = arith.index_cast %shift_right_arithmetic3A_389 : i32 to index
      %get3A_395 = arith.index_cast %add3A_393 : i32 to index
      %get3A_396 = tpu.vector_load %arg16[%get3A_394, %get3A_395] {strides = array<i32>} : memref<16x128xf32, #tpu.memory_space<vmem>>, vector<16xf32>,
      %slice3A_397 = vector.extract_strided_slice %min3A_163 {offsets = [2], sizes = [1], strides = [1]} : vector<16xi32> to vector<1xi32>
      %squeeze3A_398 = vector.extract %slice3A_397[0] : i32 from vector<1xi32>
      %shift_right_arithmetic3A_399 = arith.constant 2 : i32
      %shift_right_arithmetic3A_400 = arith.shrsi %squeeze3A_398, %shift_right_arithmetic3A_399 : i32
      %slice3A_401 = vector.extract_strided_slice %mul3A_175 {offsets = [2], sizes = [1], strides = [1]} : vector<16xi32> to vector<1xi32>
      %squeeze3A_402 = vector.extract %slice3A_401[0] : i32 from vector<1xi32>
      %get3A_403 = arith.index_cast %shift_right_arithmetic3A_400 : i32 to index
      %get3A_404 = arith.index_cast %squeeze3A_402 : i32 to index
      %get3A_405 = tpu.vector_load %arg17[%get3A_403, %get3A_404] {strides = array<i32>} : memref<16x128xf32, #tpu.memory_space<vmem>>, vector<16xf32>,
      %slice3A_406 = vector.extract_strided_slice %min3A_163 {offsets = [2], sizes = [1], strides = [1]} : vector<16xi32> to vector<1xi32>
      %squeeze3A_407 = vector.extract %slice3A_406[0] : i32 from vector<1xi32>
      %shift_right_arithmetic3A_408 = arith.constant 2 : i32
      %shift_right_arithmetic3A_409 = arith.shrsi %squeeze3A_407, %shift_right_arithmetic3A_408 : i32
      %slice3A_410 = vector.extract_strided_slice %mul3A_175 {offsets = [2], sizes = [1], strides = [1]} : vector<16xi32> to vector<1xi32>
      %squeeze3A_411 = vector.extract %slice3A_410[0] : i32 from vector<1xi32>
      %add3A_412 = arith.constant 16 : i32
      %add3A_413 = arith.addi %squeeze3A_411, %add3A_412 : i32
      %get3A_414 = arith.index_cast %shift_right_arithmetic3A_409 : i32 to index
      %get3A_415 = arith.index_cast %add3A_413 : i32 to index
      %get3A_416 = tpu.vector_load %arg17[%get3A_414, %get3A_415] {strides = array<i32>} : memref<16x128xf32, #tpu.memory_space<vmem>>, vector<16xf32>,
      %slice3A_417 = vector.extract_strided_slice %get3A_134 {offsets = [2], sizes = [1], strides = [1]} : vector<16xi32> to vector<1xi32>
      %squeeze3A_418 = vector.extract %slice3A_417[0] : i32 from vector<1xi32>
      %ge3A_419 = arith.constant 999936 : i32
      %ge3A_420 = arith.cmpi sge, %squeeze3A_418, %ge3A_419 : i32
      %slice3A_421 = vector.extract_strided_slice %get3A_137 {offsets = [2], sizes = [1], strides = [1]} : vector<16xi32> to vector<1xi32>
      %squeeze3A_422 = vector.extract %slice3A_421[0] : i32 from vector<1xi32>
      %ge3A_423 = arith.constant 999936 : i32
      %ge3A_424 = arith.cmpi sge, %squeeze3A_422, %ge3A_423 : i32
      %select_n3A_425 = arith.select %ge3A_420, %get3A_385, %get3A_363 : vector<16xf32>
      %select_n3A_426 = arith.select %ge3A_420, %get3A_396, %get3A_368 : vector<16xf32>
      %select_n3A_427 = arith.select %ge3A_424, %get3A_405, %get3A_371 : vector<16xf32>
      %select_n3A_428 = arith.select %ge3A_424, %get3A_416, %get3A_376 : vector<16xf32>
      %mul3A_429 = arith.mulf %select_n3A_425, %select_n3A_427 : vector<16xf32>
      %mul3A_430 = arith.mulf %mul3A_429, %get3A_6 : vector<16xf32>
      %mul3A_431 = arith.mulf %select_n3A_426, %select_n3A_428 : vector<16xf32>
      %mul3A_432 = arith.mulf %mul3A_431, %get3A_8 : vector<16xf32>
      %add3A_433 = arith.addf %mul3A_430, %mul3A_432 : vector<16xf32>
      %reduce_sum3A_434 = arith.constant true
      %reduce_sum3A_435 = vector.broadcast %reduce_sum3A_434 : i1 to vector<16xi1>
      %reduce_sum3A_436 = tpu.scan <sum>, %add3A_433 masked %reduce_sum3A_435 : vector<16xf32>, vector<16xi1> -> vector<16xf32>
      %reduce_sum3A_437 = vector.extract %reduce_sum3A_436[15] : f32 from vector<16xf32>
      %eq3A_438 = arith.constant 2 : i32
      %eq3A_439 = vector.broadcast %eq3A_438 : i32 to vector<16xi32>
      %eq3A_440 = arith.cmpi eq, %iota3A, %eq3A_439 : vector<16xi32>
      %broadcast_in_dim3A_441 = vector.broadcast %reduce_sum3A_437 : f32 to vector<16xf32>
      %select_n3A_442 = arith.select %eq3A_440, %broadcast_in_dim3A_441, %select_n3A_352 : vector<16xi1>, vector<16xf32>
      %mul3A_443 = arith.constant 16 : i32
      %mul3A_444 = arith.muli %scan3A_125, %mul3A_443 : i32
      %add3A_445 = arith.constant 3 : i32
      %add3A_446 = arith.addi %mul3A_444, %add3A_445 : i32
      %slice3A_447 = vector.extract_strided_slice %mul3A_143 {offsets = [3], sizes = [1], strides = [1]} : vector<16xi32> to vector<1xi32>
      %squeeze3A_448 = vector.extract %slice3A_447[0] : i32 from vector<1xi32>
      %slice3A_449 = vector.extract_strided_slice %mul3A_149 {offsets = [3], sizes = [1], strides = [1]} : vector<16xi32> to vector<1xi32>
      %squeeze3A_450 = vector.extract %slice3A_449[0] : i32 from vector<1xi32>
      %get3A_451 = arith.index_cast %add3A_446 : i32 to index
      %get3A_452 = arith.index_cast %squeeze3A_448 : i32 to index
      %get3A_453 = tpu.vector_load %arg14[%get3A_451, %get3A_452] {strides = array<i32>} : memref<256x128xf32, #tpu.memory_space<vmem>>, vector<16xf32>,
      %add3A_454 = arith.constant 16 : i32
      %add3A_455 = arith.addi %squeeze3A_448, %add3A_454 : i32
      %get3A_456 = arith.index_cast %add3A_446 : i32 to index
      %get3A_457 = arith.index_cast %add3A_455 : i32 to index
      %get3A_458 = tpu.vector_load %arg14[%get3A_456, %get3A_457] {strides = array<i32>} : memref<256x128xf32, #tpu.memory_space<vmem>>, vector<16xf32>,
      %get3A_459 = arith.index_cast %add3A_446 : i32 to index
      %get3A_460 = arith.index_cast %squeeze3A_450 : i32 to index
      %get3A_461 = tpu.vector_load %arg15[%get3A_459, %get3A_460] {strides = array<i32>} : memref<256x128xf32, #tpu.memory_space<vmem>>, vector<16xf32>,
      %add3A_462 = arith.constant 16 : i32
      %add3A_463 = arith.addi %squeeze3A_450, %add3A_462 : i32
      %get3A_464 = arith.index_cast %add3A_446 : i32 to index
      %get3A_465 = arith.index_cast %add3A_463 : i32 to index
      %get3A_466 = tpu.vector_load %arg15[%get3A_464, %get3A_465] {strides = array<i32>} : memref<256x128xf32, #tpu.memory_space<vmem>>, vector<16xf32>,
      %slice3A_467 = vector.extract_strided_slice %min3A_154 {offsets = [3], sizes = [1], strides = [1]} : vector<16xi32> to vector<1xi32>
      %squeeze3A_468 = vector.extract %slice3A_467[0] : i32 from vector<1xi32>
      %shift_right_arithmetic3A_469 = arith.constant 2 : i32
      %shift_right_arithmetic3A_470 = arith.shrsi %squeeze3A_468, %shift_right_arithmetic3A_469 : i32
      %slice3A_471 = vector.extract_strided_slice %mul3A_169 {offsets = [3], sizes = [1], strides = [1]} : vector<16xi32> to vector<1xi32>
      %squeeze3A_472 = vector.extract %slice3A_471[0] : i32 from vector<1xi32>
      %get3A_473 = arith.index_cast %shift_right_arithmetic3A_470 : i32 to index
      %get3A_474 = arith.index_cast %squeeze3A_472 : i32 to index
      %get3A_475 = tpu.vector_load %arg16[%get3A_473, %get3A_474] {strides = array<i32>} : memref<16x128xf32, #tpu.memory_space<vmem>>, vector<16xf32>,
      %slice3A_476 = vector.extract_strided_slice %min3A_154 {offsets = [3], sizes = [1], strides = [1]} : vector<16xi32> to vector<1xi32>
      %squeeze3A_477 = vector.extract %slice3A_476[0] : i32 from vector<1xi32>
      %shift_right_arithmetic3A_478 = arith.constant 2 : i32
      %shift_right_arithmetic3A_479 = arith.shrsi %squeeze3A_477, %shift_right_arithmetic3A_478 : i32
      %slice3A_480 = vector.extract_strided_slice %mul3A_169 {offsets = [3], sizes = [1], strides = [1]} : vector<16xi32> to vector<1xi32>
      %squeeze3A_481 = vector.extract %slice3A_480[0] : i32 from vector<1xi32>
      %add3A_482 = arith.constant 16 : i32
      %add3A_483 = arith.addi %squeeze3A_481, %add3A_482 : i32
      %get3A_484 = arith.index_cast %shift_right_arithmetic3A_479 : i32 to index
      %get3A_485 = arith.index_cast %add3A_483 : i32 to index
      %get3A_486 = tpu.vector_load %arg16[%get3A_484, %get3A_485] {strides = array<i32>} : memref<16x128xf32, #tpu.memory_space<vmem>>, vector<16xf32>,
      %slice3A_487 = vector.extract_strided_slice %min3A_163 {offsets = [3], sizes = [1], strides = [1]} : vector<16xi32> to vector<1xi32>
      %squeeze3A_488 = vector.extract %slice3A_487[0] : i32 from vector<1xi32>
      %shift_right_arithmetic3A_489 = arith.constant 2 : i32
      %shift_right_arithmetic3A_490 = arith.shrsi %squeeze3A_488, %shift_right_arithmetic3A_489 : i32
      %slice3A_491 = vector.extract_strided_slice %mul3A_175 {offsets = [3], sizes = [1], strides = [1]} : vector<16xi32> to vector<1xi32>
      %squeeze3A_492 = vector.extract %slice3A_491[0] : i32 from vector<1xi32>
      %get3A_493 = arith.index_cast %shift_right_arithmetic3A_490 : i32 to index
      %get3A_494 = arith.index_cast %squeeze3A_492 : i32 to index
      %get3A_495 = tpu.vector_load %arg17[%get3A_493, %get3A_494] {strides = array<i32>} : memref<16x128xf32, #tpu.memory_space<vmem>>, vector<16xf32>,
      %slice3A_496 = vector.extract_strided_slice %min3A_163 {offsets = [3], sizes = [1], strides = [1]} : vector<16xi32> to vector<1xi32>
      %squeeze3A_497 = vector.extract %slice3A_496[0] : i32 from vector<1xi32>
      %shift_right_arithmetic3A_498 = arith.constant 2 : i32
      %shift_right_arithmetic3A_499 = arith.shrsi %squeeze3A_497, %shift_right_arithmetic3A_498 : i32
      %slice3A_500 = vector.extract_strided_slice %mul3A_175 {offsets = [3], sizes = [1], strides = [1]} : vector<16xi32> to vector<1xi32>
      %squeeze3A_501 = vector.extract %slice3A_500[0] : i32 from vector<1xi32>
      %add3A_502 = arith.constant 16 : i32
      %add3A_503 = arith.addi %squeeze3A_501, %add3A_502 : i32
      %get3A_504 = arith.index_cast %shift_right_arithmetic3A_499 : i32 to index
      %get3A_505 = arith.index_cast %add3A_503 : i32 to index
      %get3A_506 = tpu.vector_load %arg17[%get3A_504, %get3A_505] {strides = array<i32>} : memref<16x128xf32, #tpu.memory_space<vmem>>, vector<16xf32>,
      %slice3A_507 = vector.extract_strided_slice %get3A_134 {offsets = [3], sizes = [1], strides = [1]} : vector<16xi32> to vector<1xi32>
      %squeeze3A_508 = vector.extract %slice3A_507[0] : i32 from vector<1xi32>
      %ge3A_509 = arith.constant 999936 : i32
      %ge3A_510 = arith.cmpi sge, %squeeze3A_508, %ge3A_509 : i32
      %slice3A_511 = vector.extract_strided_slice %get3A_137 {offsets = [3], sizes = [1], strides = [1]} : vector<16xi32> to vector<1xi32>
      %squeeze3A_512 = vector.extract %slice3A_511[0] : i32 from vector<1xi32>
      %ge3A_513 = arith.constant 999936 : i32
      %ge3A_514 = arith.cmpi sge, %squeeze3A_512, %ge3A_513 : i32
      %select_n3A_515 = arith.select %ge3A_510, %get3A_475, %get3A_453 : vector<16xf32>
      %select_n3A_516 = arith.select %ge3A_510, %get3A_486, %get3A_458 : vector<16xf32>
      %select_n3A_517 = arith.select %ge3A_514, %get3A_495, %get3A_461 : vector<16xf32>
      %select_n3A_518 = arith.select %ge3A_514, %get3A_506, %get3A_466 : vector<16xf32>
      %mul3A_519 = arith.mulf %select_n3A_515, %select_n3A_517 : vector<16xf32>
      %mul3A_520 = arith.mulf %mul3A_519, %get3A_6 : vector<16xf32>
      %mul3A_521 = arith.mulf %select_n3A_516, %select_n3A_518 : vector<16xf32>
      %mul3A_522 = arith.mulf %mul3A_521, %get3A_8 : vector<16xf32>
      %add3A_523 = arith.addf %mul3A_520, %mul3A_522 : vector<16xf32>
      %reduce_sum3A_524 = arith.constant true
      %reduce_sum3A_525 = vector.broadcast %reduce_sum3A_524 : i1 to vector<16xi1>
      %reduce_sum3A_526 = tpu.scan <sum>, %add3A_523 masked %reduce_sum3A_525 : vector<16xf32>, vector<16xi1> -> vector<16xf32>
      %reduce_sum3A_527 = vector.extract %reduce_sum3A_526[15] : f32 from vector<16xf32>
      %eq3A_528 = arith.constant 3 : i32
      %eq3A_529 = vector.broadcast %eq3A_528 : i32 to vector<16xi32>
      %eq3A_530 = arith.cmpi eq, %iota3A, %eq3A_529 : vector<16xi32>
      %broadcast_in_dim3A_531 = vector.broadcast %reduce_sum3A_527 : f32 to vector<16xf32>
      %select_n3A_532 = arith.select %eq3A_530, %broadcast_in_dim3A_531, %select_n3A_442 : vector<16xi1>, vector<16xf32>
      %mul3A_533 = arith.constant 16 : i32
      %mul3A_534 = arith.muli %scan3A_125, %mul3A_533 : i32
      %add3A_535 = arith.constant 4 : i32
      %add3A_536 = arith.addi %mul3A_534, %add3A_535 : i32
      %slice3A_537 = vector.extract_strided_slice %mul3A_143 {offsets = [4], sizes = [1], strides = [1]} : vector<16xi32> to vector<1xi32>
      %squeeze3A_538 = vector.extract %slice3A_537[0] : i32 from vector<1xi32>
      %slice3A_539 = vector.extract_strided_slice %mul3A_149 {offsets = [4], sizes = [1], strides = [1]} : vector<16xi32> to vector<1xi32>
      %squeeze3A_540 = vector.extract %slice3A_539[0] : i32 from vector<1xi32>
      %get3A_541 = arith.index_cast %add3A_536 : i32 to index
      %get3A_542 = arith.index_cast %squeeze3A_538 : i32 to index
      %get3A_543 = tpu.vector_load %arg14[%get3A_541, %get3A_542] {strides = array<i32>} : memref<256x128xf32, #tpu.memory_space<vmem>>, vector<16xf32>,
      %add3A_544 = arith.constant 16 : i32
      %add3A_545 = arith.addi %squeeze3A_538, %add3A_544 : i32
      %get3A_546 = arith.index_cast %add3A_536 : i32 to index
      %get3A_547 = arith.index_cast %add3A_545 : i32 to index
      %get3A_548 = tpu.vector_load %arg14[%get3A_546, %get3A_547] {strides = array<i32>} : memref<256x128xf32, #tpu.memory_space<vmem>>, vector<16xf32>,
      %get3A_549 = arith.index_cast %add3A_536 : i32 to index
      %get3A_550 = arith.index_cast %squeeze3A_540 : i32 to index
      %get3A_551 = tpu.vector_load %arg15[%get3A_549, %get3A_550] {strides = array<i32>} : memref<256x128xf32, #tpu.memory_space<vmem>>, vector<16xf32>,
      %add3A_552 = arith.constant 16 : i32
      %add3A_553 = arith.addi %squeeze3A_540, %add3A_552 : i32
      %get3A_554 = arith.index_cast %add3A_536 : i32 to index
      %get3A_555 = arith.index_cast %add3A_553 : i32 to index
      %get3A_556 = tpu.vector_load %arg15[%get3A_554, %get3A_555] {strides = array<i32>} : memref<256x128xf32, #tpu.memory_space<vmem>>, vector<16xf32>,
      %slice3A_557 = vector.extract_strided_slice %min3A_154 {offsets = [4], sizes = [1], strides = [1]} : vector<16xi32> to vector<1xi32>
      %squeeze3A_558 = vector.extract %slice3A_557[0] : i32 from vector<1xi32>
      %shift_right_arithmetic3A_559 = arith.constant 2 : i32
      %shift_right_arithmetic3A_560 = arith.shrsi %squeeze3A_558, %shift_right_arithmetic3A_559 : i32
      %slice3A_561 = vector.extract_strided_slice %mul3A_169 {offsets = [4], sizes = [1], strides = [1]} : vector<16xi32> to vector<1xi32>
      %squeeze3A_562 = vector.extract %slice3A_561[0] : i32 from vector<1xi32>
      %get3A_563 = arith.index_cast %shift_right_arithmetic3A_560 : i32 to index
      %get3A_564 = arith.index_cast %squeeze3A_562 : i32 to index
      %get3A_565 = tpu.vector_load %arg16[%get3A_563, %get3A_564] {strides = array<i32>} : memref<16x128xf32, #tpu.memory_space<vmem>>, vector<16xf32>,
      %slice3A_566 = vector.extract_strided_slice %min3A_154 {offsets = [4], sizes = [1], strides = [1]} : vector<16xi32> to vector<1xi32>
      %squeeze3A_567 = vector.extract %slice3A_566[0] : i32 from vector<1xi32>
      %shift_right_arithmetic3A_568 = arith.constant 2 : i32
      %shift_right_arithmetic3A_569 = arith.shrsi %squeeze3A_567, %shift_right_arithmetic3A_568 : i32
      %slice3A_570 = vector.extract_strided_slice %mul3A_169 {offsets = [4], sizes = [1], strides = [1]} : vector<16xi32> to vector<1xi32>
      %squeeze3A_571 = vector.extract %slice3A_570[0] : i32 from vector<1xi32>
      %add3A_572 = arith.constant 16 : i32
      %add3A_573 = arith.addi %squeeze3A_571, %add3A_572 : i32
      %get3A_574 = arith.index_cast %shift_right_arithmetic3A_569 : i32 to index
      %get3A_575 = arith.index_cast %add3A_573 : i32 to index
      %get3A_576 = tpu.vector_load %arg16[%get3A_574, %get3A_575] {strides = array<i32>} : memref<16x128xf32, #tpu.memory_space<vmem>>, vector<16xf32>,
      %slice3A_577 = vector.extract_strided_slice %min3A_163 {offsets = [4], sizes = [1], strides = [1]} : vector<16xi32> to vector<1xi32>
      %squeeze3A_578 = vector.extract %slice3A_577[0] : i32 from vector<1xi32>
      %shift_right_arithmetic3A_579 = arith.constant 2 : i32
      %shift_right_arithmetic3A_580 = arith.shrsi %squeeze3A_578, %shift_right_arithmetic3A_579 : i32
      %slice3A_581 = vector.extract_strided_slice %mul3A_175 {offsets = [4], sizes = [1], strides = [1]} : vector<16xi32> to vector<1xi32>
      %squeeze3A_582 = vector.extract %slice3A_581[0] : i32 from vector<1xi32>
      %get3A_583 = arith.index_cast %shift_right_arithmetic3A_580 : i32 to index
      %get3A_584 = arith.index_cast %squeeze3A_582 : i32 to index
      %get3A_585 = tpu.vector_load %arg17[%get3A_583, %get3A_584] {strides = array<i32>} : memref<16x128xf32, #tpu.memory_space<vmem>>, vector<16xf32>,
      %slice3A_586 = vector.extract_strided_slice %min3A_163 {offsets = [4], sizes = [1], strides = [1]} : vector<16xi32> to vector<1xi32>
      %squeeze3A_587 = vector.extract %slice3A_586[0] : i32 from vector<1xi32>
      %shift_right_arithmetic3A_588 = arith.constant 2 : i32
      %shift_right_arithmetic3A_589 = arith.shrsi %squeeze3A_587, %shift_right_arithmetic3A_588 : i32
      %slice3A_590 = vector.extract_strided_slice %mul3A_175 {offsets = [4], sizes = [1], strides = [1]} : vector<16xi32> to vector<1xi32>
      %squeeze3A_591 = vector.extract %slice3A_590[0] : i32 from vector<1xi32>
      %add3A_592 = arith.constant 16 : i32
      %add3A_593 = arith.addi %squeeze3A_591, %add3A_592 : i32
      %get3A_594 = arith.index_cast %shift_right_arithmetic3A_589 : i32 to index
      %get3A_595 = arith.index_cast %add3A_593 : i32 to index
      %get3A_596 = tpu.vector_load %arg17[%get3A_594, %get3A_595] {strides = array<i32>} : memref<16x128xf32, #tpu.memory_space<vmem>>, vector<16xf32>,
      %slice3A_597 = vector.extract_strided_slice %get3A_134 {offsets = [4], sizes = [1], strides = [1]} : vector<16xi32> to vector<1xi32>
      %squeeze3A_598 = vector.extract %slice3A_597[0] : i32 from vector<1xi32>
      %ge3A_599 = arith.constant 999936 : i32
      %ge3A_600 = arith.cmpi sge, %squeeze3A_598, %ge3A_599 : i32
      %slice3A_601 = vector.extract_strided_slice %get3A_137 {offsets = [4], sizes = [1], strides = [1]} : vector<16xi32> to vector<1xi32>
      %squeeze3A_602 = vector.extract %slice3A_601[0] : i32 from vector<1xi32>
      %ge3A_603 = arith.constant 999936 : i32
      %ge3A_604 = arith.cmpi sge, %squeeze3A_602, %ge3A_603 : i32
      %select_n3A_605 = arith.select %ge3A_600, %get3A_565, %get3A_543 : vector<16xf32>
      %select_n3A_606 = arith.select %ge3A_600, %get3A_576, %get3A_548 : vector<16xf32>
      %select_n3A_607 = arith.select %ge3A_604, %get3A_585, %get3A_551 : vector<16xf32>
      %select_n3A_608 = arith.select %ge3A_604, %get3A_596, %get3A_556 : vector<16xf32>
      %mul3A_609 = arith.mulf %select_n3A_605, %select_n3A_607 : vector<16xf32>
      %mul3A_610 = arith.mulf %mul3A_609, %get3A_6 : vector<16xf32>
      %mul3A_611 = arith.mulf %select_n3A_606, %select_n3A_608 : vector<16xf32>
      %mul3A_612 = arith.mulf %mul3A_611, %get3A_8 : vector<16xf32>
      %add3A_613 = arith.addf %mul3A_610, %mul3A_612 : vector<16xf32>
      %reduce_sum3A_614 = arith.constant true
      %reduce_sum3A_615 = vector.broadcast %reduce_sum3A_614 : i1 to vector<16xi1>
      %reduce_sum3A_616 = tpu.scan <sum>, %add3A_613 masked %reduce_sum3A_615 : vector<16xf32>, vector<16xi1> -> vector<16xf32>
      %reduce_sum3A_617 = vector.extract %reduce_sum3A_616[15] : f32 from vector<16xf32>
      %eq3A_618 = arith.constant 4 : i32
      %eq3A_619 = vector.broadcast %eq3A_618 : i32 to vector<16xi32>
      %eq3A_620 = arith.cmpi eq, %iota3A, %eq3A_619 : vector<16xi32>
      %broadcast_in_dim3A_621 = vector.broadcast %reduce_sum3A_617 : f32 to vector<16xf32>
      %select_n3A_622 = arith.select %eq3A_620, %broadcast_in_dim3A_621, %select_n3A_532 : vector<16xi1>, vector<16xf32>
      %mul3A_623 = arith.constant 16 : i32
      %mul3A_624 = arith.muli %scan3A_125, %mul3A_623 : i32
      %add3A_625 = arith.constant 5 : i32
      %add3A_626 = arith.addi %mul3A_624, %add3A_625 : i32
      %slice3A_627 = vector.extract_strided_slice %mul3A_143 {offsets = [5], sizes = [1], strides = [1]} : vector<16xi32> to vector<1xi32>
      %squeeze3A_628 = vector.extract %slice3A_627[0] : i32 from vector<1xi32>
      %slice3A_629 = vector.extract_strided_slice %mul3A_149 {offsets = [5], sizes = [1], strides = [1]} : vector<16xi32> to vector<1xi32>
      %squeeze3A_630 = vector.extract %slice3A_629[0] : i32 from vector<1xi32>
      %get3A_631 = arith.index_cast %add3A_626 : i32 to index
      %get3A_632 = arith.index_cast %squeeze3A_628 : i32 to index
      %get3A_633 = tpu.vector_load %arg14[%get3A_631, %get3A_632] {strides = array<i32>} : memref<256x128xf32, #tpu.memory_space<vmem>>, vector<16xf32>,
      %add3A_634 = arith.constant 16 : i32
      %add3A_635 = arith.addi %squeeze3A_628, %add3A_634 : i32
      %get3A_636 = arith.index_cast %add3A_626 : i32 to index
      %get3A_637 = arith.index_cast %add3A_635 : i32 to index
      %get3A_638 = tpu.vector_load %arg14[%get3A_636, %get3A_637] {strides = array<i32>} : memref<256x128xf32, #tpu.memory_space<vmem>>, vector<16xf32>,
      %get3A_639 = arith.index_cast %add3A_626 : i32 to index
      %get3A_640 = arith.index_cast %squeeze3A_630 : i32 to index
      %get3A_641 = tpu.vector_load %arg15[%get3A_639, %get3A_640] {strides = array<i32>} : memref<256x128xf32, #tpu.memory_space<vmem>>, vector<16xf32>,
      %add3A_642 = arith.constant 16 : i32
      %add3A_643 = arith.addi %squeeze3A_630, %add3A_642 : i32
      %get3A_644 = arith.index_cast %add3A_626 : i32 to index
      %get3A_645 = arith.index_cast %add3A_643 : i32 to index
      %get3A_646 = tpu.vector_load %arg15[%get3A_644, %get3A_645] {strides = array<i32>} : memref<256x128xf32, #tpu.memory_space<vmem>>, vector<16xf32>,
      %slice3A_647 = vector.extract_strided_slice %min3A_154 {offsets = [5], sizes = [1], strides = [1]} : vector<16xi32> to vector<1xi32>
      %squeeze3A_648 = vector.extract %slice3A_647[0] : i32 from vector<1xi32>
      %shift_right_arithmetic3A_649 = arith.constant 2 : i32
      %shift_right_arithmetic3A_650 = arith.shrsi %squeeze3A_648, %shift_right_arithmetic3A_649 : i32
      %slice3A_651 = vector.extract_strided_slice %mul3A_169 {offsets = [5], sizes = [1], strides = [1]} : vector<16xi32> to vector<1xi32>
      %squeeze3A_652 = vector.extract %slice3A_651[0] : i32 from vector<1xi32>
      %get3A_653 = arith.index_cast %shift_right_arithmetic3A_650 : i32 to index
      %get3A_654 = arith.index_cast %squeeze3A_652 : i32 to index
      %get3A_655 = tpu.vector_load %arg16[%get3A_653, %get3A_654] {strides = array<i32>} : memref<16x128xf32, #tpu.memory_space<vmem>>, vector<16xf32>,
      %slice3A_656 = vector.extract_strided_slice %min3A_154 {offsets = [5], sizes = [1], strides = [1]} : vector<16xi32> to vector<1xi32>
      %squeeze3A_657 = vector.extract %slice3A_656[0] : i32 from vector<1xi32>
      %shift_right_arithmetic3A_658 = arith.constant 2 : i32
      %shift_right_arithmetic3A_659 = arith.shrsi %squeeze3A_657, %shift_right_arithmetic3A_658 : i32
      %slice3A_660 = vector.extract_strided_slice %mul3A_169 {offsets = [5], sizes = [1], strides = [1]} : vector<16xi32> to vector<1xi32>
      %squeeze3A_661 = vector.extract %slice3A_660[0] : i32 from vector<1xi32>
      %add3A_662 = arith.constant 16 : i32
      %add3A_663 = arith.addi %squeeze3A_661, %add3A_662 : i32
      %get3A_664 = arith.index_cast %shift_right_arithmetic3A_659 : i32 to index
      %get3A_665 = arith.index_cast %add3A_663 : i32 to index
      %get3A_666 = tpu.vector_load %arg16[%get3A_664, %get3A_665] {strides = array<i32>} : memref<16x128xf32, #tpu.memory_space<vmem>>, vector<16xf32>,
      %slice3A_667 = vector.extract_strided_slice %min3A_163 {offsets = [5], sizes = [1], strides = [1]} : vector<16xi32> to vector<1xi32>
      %squeeze3A_668 = vector.extract %slice3A_667[0] : i32 from vector<1xi32>
      %shift_right_arithmetic3A_669 = arith.constant 2 : i32
      %shift_right_arithmetic3A_670 = arith.shrsi %squeeze3A_668, %shift_right_arithmetic3A_669 : i32
      %slice3A_671 = vector.extract_strided_slice %mul3A_175 {offsets = [5], sizes = [1], strides = [1]} : vector<16xi32> to vector<1xi32>
      %squeeze3A_672 = vector.extract %slice3A_671[0] : i32 from vector<1xi32>
      %get3A_673 = arith.index_cast %shift_right_arithmetic3A_670 : i32 to index
      %get3A_674 = arith.index_cast %squeeze3A_672 : i32 to index
      %get3A_675 = tpu.vector_load %arg17[%get3A_673, %get3A_674] {strides = array<i32>} : memref<16x128xf32, #tpu.memory_space<vmem>>, vector<16xf32>,
      %slice3A_676 = vector.extract_strided_slice %min3A_163 {offsets = [5], sizes = [1], strides = [1]} : vector<16xi32> to vector<1xi32>
      %squeeze3A_677 = vector.extract %slice3A_676[0] : i32 from vector<1xi32>
      %shift_right_arithmetic3A_678 = arith.constant 2 : i32
      %shift_right_arithmetic3A_679 = arith.shrsi %squeeze3A_677, %shift_right_arithmetic3A_678 : i32
      %slice3A_680 = vector.extract_strided_slice %mul3A_175 {offsets = [5], sizes = [1], strides = [1]} : vector<16xi32> to vector<1xi32>
      %squeeze3A_681 = vector.extract %slice3A_680[0] : i32 from vector<1xi32>
      %add3A_682 = arith.constant 16 : i32
      %add3A_683 = arith.addi %squeeze3A_681, %add3A_682 : i32
      %get3A_684 = arith.index_cast %shift_right_arithmetic3A_679 : i32 to index
      %get3A_685 = arith.index_cast %add3A_683 : i32 to index
      %get3A_686 = tpu.vector_load %arg17[%get3A_684, %get3A_685] {strides = array<i32>} : memref<16x128xf32, #tpu.memory_space<vmem>>, vector<16xf32>,
      %slice3A_687 = vector.extract_strided_slice %get3A_134 {offsets = [5], sizes = [1], strides = [1]} : vector<16xi32> to vector<1xi32>
      %squeeze3A_688 = vector.extract %slice3A_687[0] : i32 from vector<1xi32>
      %ge3A_689 = arith.constant 999936 : i32
      %ge3A_690 = arith.cmpi sge, %squeeze3A_688, %ge3A_689 : i32
      %slice3A_691 = vector.extract_strided_slice %get3A_137 {offsets = [5], sizes = [1], strides = [1]} : vector<16xi32> to vector<1xi32>
      %squeeze3A_692 = vector.extract %slice3A_691[0] : i32 from vector<1xi32>
      %ge3A_693 = arith.constant 999936 : i32
      %ge3A_694 = arith.cmpi sge, %squeeze3A_692, %ge3A_693 : i32
      %select_n3A_695 = arith.select %ge3A_690, %get3A_655, %get3A_633 : vector<16xf32>
      %select_n3A_696 = arith.select %ge3A_690, %get3A_666, %get3A_638 : vector<16xf32>
      %select_n3A_697 = arith.select %ge3A_694, %get3A_675, %get3A_641 : vector<16xf32>
      %select_n3A_698 = arith.select %ge3A_694, %get3A_686, %get3A_646 : vector<16xf32>
      %mul3A_699 = arith.mulf %select_n3A_695, %select_n3A_697 : vector<16xf32>
      %mul3A_700 = arith.mulf %mul3A_699, %get3A_6 : vector<16xf32>
      %mul3A_701 = arith.mulf %select_n3A_696, %select_n3A_698 : vector<16xf32>
      %mul3A_702 = arith.mulf %mul3A_701, %get3A_8 : vector<16xf32>
      %add3A_703 = arith.addf %mul3A_700, %mul3A_702 : vector<16xf32>
      %reduce_sum3A_704 = arith.constant true
      %reduce_sum3A_705 = vector.broadcast %reduce_sum3A_704 : i1 to vector<16xi1>
      %reduce_sum3A_706 = tpu.scan <sum>, %add3A_703 masked %reduce_sum3A_705 : vector<16xf32>, vector<16xi1> -> vector<16xf32>
      %reduce_sum3A_707 = vector.extract %reduce_sum3A_706[15] : f32 from vector<16xf32>
      %eq3A_708 = arith.constant 5 : i32
      %eq3A_709 = vector.broadcast %eq3A_708 : i32 to vector<16xi32>
      %eq3A_710 = arith.cmpi eq, %iota3A, %eq3A_709 : vector<16xi32>
      %broadcast_in_dim3A_711 = vector.broadcast %reduce_sum3A_707 : f32 to vector<16xf32>
      %select_n3A_712 = arith.select %eq3A_710, %broadcast_in_dim3A_711, %select_n3A_622 : vector<16xi1>, vector<16xf32>
      %mul3A_713 = arith.constant 16 : i32
      %mul3A_714 = arith.muli %scan3A_125, %mul3A_713 : i32
      %add3A_715 = arith.constant 6 : i32
      %add3A_716 = arith.addi %mul3A_714, %add3A_715 : i32
      %slice3A_717 = vector.extract_strided_slice %mul3A_143 {offsets = [6], sizes = [1], strides = [1]} : vector<16xi32> to vector<1xi32>
      %squeeze3A_718 = vector.extract %slice3A_717[0] : i32 from vector<1xi32>
      %slice3A_719 = vector.extract_strided_slice %mul3A_149 {offsets = [6], sizes = [1], strides = [1]} : vector<16xi32> to vector<1xi32>
      %squeeze3A_720 = vector.extract %slice3A_719[0] : i32 from vector<1xi32>
      %get3A_721 = arith.index_cast %add3A_716 : i32 to index
      %get3A_722 = arith.index_cast %squeeze3A_718 : i32 to index
      %get3A_723 = tpu.vector_load %arg14[%get3A_721, %get3A_722] {strides = array<i32>} : memref<256x128xf32, #tpu.memory_space<vmem>>, vector<16xf32>,
      %add3A_724 = arith.constant 16 : i32
      %add3A_725 = arith.addi %squeeze3A_718, %add3A_724 : i32
      %get3A_726 = arith.index_cast %add3A_716 : i32 to index
      %get3A_727 = arith.index_cast %add3A_725 : i32 to index
      %get3A_728 = tpu.vector_load %arg14[%get3A_726, %get3A_727] {strides = array<i32>} : memref<256x128xf32, #tpu.memory_space<vmem>>, vector<16xf32>,
      %get3A_729 = arith.index_cast %add3A_716 : i32 to index
      %get3A_730 = arith.index_cast %squeeze3A_720 : i32 to index
      %get3A_731 = tpu.vector_load %arg15[%get3A_729, %get3A_730] {strides = array<i32>} : memref<256x128xf32, #tpu.memory_space<vmem>>, vector<16xf32>,
      %add3A_732 = arith.constant 16 : i32
      %add3A_733 = arith.addi %squeeze3A_720, %add3A_732 : i32
      %get3A_734 = arith.index_cast %add3A_716 : i32 to index
      %get3A_735 = arith.index_cast %add3A_733 : i32 to index
      %get3A_736 = tpu.vector_load %arg15[%get3A_734, %get3A_735] {strides = array<i32>} : memref<256x128xf32, #tpu.memory_space<vmem>>, vector<16xf32>,
      %slice3A_737 = vector.extract_strided_slice %min3A_154 {offsets = [6], sizes = [1], strides = [1]} : vector<16xi32> to vector<1xi32>
      %squeeze3A_738 = vector.extract %slice3A_737[0] : i32 from vector<1xi32>
      %shift_right_arithmetic3A_739 = arith.constant 2 : i32
      %shift_right_arithmetic3A_740 = arith.shrsi %squeeze3A_738, %shift_right_arithmetic3A_739 : i32
      %slice3A_741 = vector.extract_strided_slice %mul3A_169 {offsets = [6], sizes = [1], strides = [1]} : vector<16xi32> to vector<1xi32>
      %squeeze3A_742 = vector.extract %slice3A_741[0] : i32 from vector<1xi32>
      %get3A_743 = arith.index_cast %shift_right_arithmetic3A_740 : i32 to index
      %get3A_744 = arith.index_cast %squeeze3A_742 : i32 to index
      %get3A_745 = tpu.vector_load %arg16[%get3A_743, %get3A_744] {strides = array<i32>} : memref<16x128xf32, #tpu.memory_space<vmem>>, vector<16xf32>,
      %slice3A_746 = vector.extract_strided_slice %min3A_154 {offsets = [6], sizes = [1], strides = [1]} : vector<16xi32> to vector<1xi32>
      %squeeze3A_747 = vector.extract %slice3A_746[0] : i32 from vector<1xi32>
      %shift_right_arithmetic3A_748 = arith.constant 2 : i32
      %shift_right_arithmetic3A_749 = arith.shrsi %squeeze3A_747, %shift_right_arithmetic3A_748 : i32
      %slice3A_750 = vector.extract_strided_slice %mul3A_169 {offsets = [6], sizes = [1], strides = [1]} : vector<16xi32> to vector<1xi32>
      %squeeze3A_751 = vector.extract %slice3A_750[0] : i32 from vector<1xi32>
      %add3A_752 = arith.constant 16 : i32
      %add3A_753 = arith.addi %squeeze3A_751, %add3A_752 : i32
      %get3A_754 = arith.index_cast %shift_right_arithmetic3A_749 : i32 to index
      %get3A_755 = arith.index_cast %add3A_753 : i32 to index
      %get3A_756 = tpu.vector_load %arg16[%get3A_754, %get3A_755] {strides = array<i32>} : memref<16x128xf32, #tpu.memory_space<vmem>>, vector<16xf32>,
      %slice3A_757 = vector.extract_strided_slice %min3A_163 {offsets = [6], sizes = [1], strides = [1]} : vector<16xi32> to vector<1xi32>
      %squeeze3A_758 = vector.extract %slice3A_757[0] : i32 from vector<1xi32>
      %shift_right_arithmetic3A_759 = arith.constant 2 : i32
      %shift_right_arithmetic3A_760 = arith.shrsi %squeeze3A_758, %shift_right_arithmetic3A_759 : i32
      %slice3A_761 = vector.extract_strided_slice %mul3A_175 {offsets = [6], sizes = [1], strides = [1]} : vector<16xi32> to vector<1xi32>
      %squeeze3A_762 = vector.extract %slice3A_761[0] : i32 from vector<1xi32>
      %get3A_763 = arith.index_cast %shift_right_arithmetic3A_760 : i32 to index
      %get3A_764 = arith.index_cast %squeeze3A_762 : i32 to index
      %get3A_765 = tpu.vector_load %arg17[%get3A_763, %get3A_764] {strides = array<i32>} : memref<16x128xf32, #tpu.memory_space<vmem>>, vector<16xf32>,
      %slice3A_766 = vector.extract_strided_slice %min3A_163 {offsets = [6], sizes = [1], strides = [1]} : vector<16xi32> to vector<1xi32>
      %squeeze3A_767 = vector.extract %slice3A_766[0] : i32 from vector<1xi32>
      %shift_right_arithmetic3A_768 = arith.constant 2 : i32
      %shift_right_arithmetic3A_769 = arith.shrsi %squeeze3A_767, %shift_right_arithmetic3A_768 : i32
      %slice3A_770 = vector.extract_strided_slice %mul3A_175 {offsets = [6], sizes = [1], strides = [1]} : vector<16xi32> to vector<1xi32>
      %squeeze3A_771 = vector.extract %slice3A_770[0] : i32 from vector<1xi32>
      %add3A_772 = arith.constant 16 : i32
      %add3A_773 = arith.addi %squeeze3A_771, %add3A_772 : i32
      %get3A_774 = arith.index_cast %shift_right_arithmetic3A_769 : i32 to index
      %get3A_775 = arith.index_cast %add3A_773 : i32 to index
      %get3A_776 = tpu.vector_load %arg17[%get3A_774, %get3A_775] {strides = array<i32>} : memref<16x128xf32, #tpu.memory_space<vmem>>, vector<16xf32>,
      %slice3A_777 = vector.extract_strided_slice %get3A_134 {offsets = [6], sizes = [1], strides = [1]} : vector<16xi32> to vector<1xi32>
      %squeeze3A_778 = vector.extract %slice3A_777[0] : i32 from vector<1xi32>
      %ge3A_779 = arith.constant 999936 : i32
      %ge3A_780 = arith.cmpi sge, %squeeze3A_778, %ge3A_779 : i32
      %slice3A_781 = vector.extract_strided_slice %get3A_137 {offsets = [6], sizes = [1], strides = [1]} : vector<16xi32> to vector<1xi32>
      %squeeze3A_782 = vector.extract %slice3A_781[0] : i32 from vector<1xi32>
      %ge3A_783 = arith.constant 999936 : i32
      %ge3A_784 = arith.cmpi sge, %squeeze3A_782, %ge3A_783 : i32
      %select_n3A_785 = arith.select %ge3A_780, %get3A_745, %get3A_723 : vector<16xf32>
      %select_n3A_786 = arith.select %ge3A_780, %get3A_756, %get3A_728 : vector<16xf32>
      %select_n3A_787 = arith.select %ge3A_784, %get3A_765, %get3A_731 : vector<16xf32>
      %select_n3A_788 = arith.select %ge3A_784, %get3A_776, %get3A_736 : vector<16xf32>
      %mul3A_789 = arith.mulf %select_n3A_785, %select_n3A_787 : vector<16xf32>
      %mul3A_790 = arith.mulf %mul3A_789, %get3A_6 : vector<16xf32>
      %mul3A_791 = arith.mulf %select_n3A_786, %select_n3A_788 : vector<16xf32>
      %mul3A_792 = arith.mulf %mul3A_791, %get3A_8 : vector<16xf32>
      %add3A_793 = arith.addf %mul3A_790, %mul3A_792 : vector<16xf32>
      %reduce_sum3A_794 = arith.constant true
      %reduce_sum3A_795 = vector.broadcast %reduce_sum3A_794 : i1 to vector<16xi1>
      %reduce_sum3A_796 = tpu.scan <sum>, %add3A_793 masked %reduce_sum3A_795 : vector<16xf32>, vector<16xi1> -> vector<16xf32>
      %reduce_sum3A_797 = vector.extract %reduce_sum3A_796[15] : f32 from vector<16xf32>
      %eq3A_798 = arith.constant 6 : i32
      %eq3A_799 = vector.broadcast %eq3A_798 : i32 to vector<16xi32>
      %eq3A_800 = arith.cmpi eq, %iota3A, %eq3A_799 : vector<16xi32>
      %broadcast_in_dim3A_801 = vector.broadcast %reduce_sum3A_797 : f32 to vector<16xf32>
      %select_n3A_802 = arith.select %eq3A_800, %broadcast_in_dim3A_801, %select_n3A_712 : vector<16xi1>, vector<16xf32>
      %mul3A_803 = arith.constant 16 : i32
      %mul3A_804 = arith.muli %scan3A_125, %mul3A_803 : i32
      %add3A_805 = arith.constant 7 : i32
      %add3A_806 = arith.addi %mul3A_804, %add3A_805 : i32
      %slice3A_807 = vector.extract_strided_slice %mul3A_143 {offsets = [7], sizes = [1], strides = [1]} : vector<16xi32> to vector<1xi32>
      %squeeze3A_808 = vector.extract %slice3A_807[0] : i32 from vector<1xi32>
      %slice3A_809 = vector.extract_strided_slice %mul3A_149 {offsets = [7], sizes = [1], strides = [1]} : vector<16xi32> to vector<1xi32>
      %squeeze3A_810 = vector.extract %slice3A_809[0] : i32 from vector<1xi32>
      %get3A_811 = arith.index_cast %add3A_806 : i32 to index
      %get3A_812 = arith.index_cast %squeeze3A_808 : i32 to index
      %get3A_813 = tpu.vector_load %arg14[%get3A_811, %get3A_812] {strides = array<i32>} : memref<256x128xf32, #tpu.memory_space<vmem>>, vector<16xf32>,
      %add3A_814 = arith.constant 16 : i32
      %add3A_815 = arith.addi %squeeze3A_808, %add3A_814 : i32
      %get3A_816 = arith.index_cast %add3A_806 : i32 to index
      %get3A_817 = arith.index_cast %add3A_815 : i32 to index
      %get3A_818 = tpu.vector_load %arg14[%get3A_816, %get3A_817] {strides = array<i32>} : memref<256x128xf32, #tpu.memory_space<vmem>>, vector<16xf32>,
      %get3A_819 = arith.index_cast %add3A_806 : i32 to index
      %get3A_820 = arith.index_cast %squeeze3A_810 : i32 to index
      %get3A_821 = tpu.vector_load %arg15[%get3A_819, %get3A_820] {strides = array<i32>} : memref<256x128xf32, #tpu.memory_space<vmem>>, vector<16xf32>,
      %add3A_822 = arith.constant 16 : i32
      %add3A_823 = arith.addi %squeeze3A_810, %add3A_822 : i32
      %get3A_824 = arith.index_cast %add3A_806 : i32 to index
      %get3A_825 = arith.index_cast %add3A_823 : i32 to index
      %get3A_826 = tpu.vector_load %arg15[%get3A_824, %get3A_825] {strides = array<i32>} : memref<256x128xf32, #tpu.memory_space<vmem>>, vector<16xf32>,
      %slice3A_827 = vector.extract_strided_slice %min3A_154 {offsets = [7], sizes = [1], strides = [1]} : vector<16xi32> to vector<1xi32>
      %squeeze3A_828 = vector.extract %slice3A_827[0] : i32 from vector<1xi32>
      %shift_right_arithmetic3A_829 = arith.constant 2 : i32
      %shift_right_arithmetic3A_830 = arith.shrsi %squeeze3A_828, %shift_right_arithmetic3A_829 : i32
      %slice3A_831 = vector.extract_strided_slice %mul3A_169 {offsets = [7], sizes = [1], strides = [1]} : vector<16xi32> to vector<1xi32>
      %squeeze3A_832 = vector.extract %slice3A_831[0] : i32 from vector<1xi32>
      %get3A_833 = arith.index_cast %shift_right_arithmetic3A_830 : i32 to index
      %get3A_834 = arith.index_cast %squeeze3A_832 : i32 to index
      %get3A_835 = tpu.vector_load %arg16[%get3A_833, %get3A_834] {strides = array<i32>} : memref<16x128xf32, #tpu.memory_space<vmem>>, vector<16xf32>,
      %slice3A_836 = vector.extract_strided_slice %min3A_154 {offsets = [7], sizes = [1], strides = [1]} : vector<16xi32> to vector<1xi32>
      %squeeze3A_837 = vector.extract %slice3A_836[0] : i32 from vector<1xi32>
      %shift_right_arithmetic3A_838 = arith.constant 2 : i32
      %shift_right_arithmetic3A_839 = arith.shrsi %squeeze3A_837, %shift_right_arithmetic3A_838 : i32
      %slice3A_840 = vector.extract_strided_slice %mul3A_169 {offsets = [7], sizes = [1], strides = [1]} : vector<16xi32> to vector<1xi32>
      %squeeze3A_841 = vector.extract %slice3A_840[0] : i32 from vector<1xi32>
      %add3A_842 = arith.constant 16 : i32
      %add3A_843 = arith.addi %squeeze3A_841, %add3A_842 : i32
      %get3A_844 = arith.index_cast %shift_right_arithmetic3A_839 : i32 to index
      %get3A_845 = arith.index_cast %add3A_843 : i32 to index
      %get3A_846 = tpu.vector_load %arg16[%get3A_844, %get3A_845] {strides = array<i32>} : memref<16x128xf32, #tpu.memory_space<vmem>>, vector<16xf32>,
      %slice3A_847 = vector.extract_strided_slice %min3A_163 {offsets = [7], sizes = [1], strides = [1]} : vector<16xi32> to vector<1xi32>
      %squeeze3A_848 = vector.extract %slice3A_847[0] : i32 from vector<1xi32>
      %shift_right_arithmetic3A_849 = arith.constant 2 : i32
      %shift_right_arithmetic3A_850 = arith.shrsi %squeeze3A_848, %shift_right_arithmetic3A_849 : i32
      %slice3A_851 = vector.extract_strided_slice %mul3A_175 {offsets = [7], sizes = [1], strides = [1]} : vector<16xi32> to vector<1xi32>
      %squeeze3A_852 = vector.extract %slice3A_851[0] : i32 from vector<1xi32>
      %get3A_853 = arith.index_cast %shift_right_arithmetic3A_850 : i32 to index
      %get3A_854 = arith.index_cast %squeeze3A_852 : i32 to index
      %get3A_855 = tpu.vector_load %arg17[%get3A_853, %get3A_854] {strides = array<i32>} : memref<16x128xf32, #tpu.memory_space<vmem>>, vector<16xf32>,
      %slice3A_856 = vector.extract_strided_slice %min3A_163 {offsets = [7], sizes = [1], strides = [1]} : vector<16xi32> to vector<1xi32>
      %squeeze3A_857 = vector.extract %slice3A_856[0] : i32 from vector<1xi32>
      %shift_right_arithmetic3A_858 = arith.constant 2 : i32
      %shift_right_arithmetic3A_859 = arith.shrsi %squeeze3A_857, %shift_right_arithmetic3A_858 : i32
      %slice3A_860 = vector.extract_strided_slice %mul3A_175 {offsets = [7], sizes = [1], strides = [1]} : vector<16xi32> to vector<1xi32>
      %squeeze3A_861 = vector.extract %slice3A_860[0] : i32 from vector<1xi32>
      %add3A_862 = arith.constant 16 : i32
      %add3A_863 = arith.addi %squeeze3A_861, %add3A_862 : i32
      %get3A_864 = arith.index_cast %shift_right_arithmetic3A_859 : i32 to index
      %get3A_865 = arith.index_cast %add3A_863 : i32 to index
      %get3A_866 = tpu.vector_load %arg17[%get3A_864, %get3A_865] {strides = array<i32>} : memref<16x128xf32, #tpu.memory_space<vmem>>, vector<16xf32>,
      %slice3A_867 = vector.extract_strided_slice %get3A_134 {offsets = [7], sizes = [1], strides = [1]} : vector<16xi32> to vector<1xi32>
      %squeeze3A_868 = vector.extract %slice3A_867[0] : i32 from vector<1xi32>
      %ge3A_869 = arith.constant 999936 : i32
      %ge3A_870 = arith.cmpi sge, %squeeze3A_868, %ge3A_869 : i32
      %slice3A_871 = vector.extract_strided_slice %get3A_137 {offsets = [7], sizes = [1], strides = [1]} : vector<16xi32> to vector<1xi32>
      %squeeze3A_872 = vector.extract %slice3A_871[0] : i32 from vector<1xi32>
      %ge3A_873 = arith.constant 999936 : i32
      %ge3A_874 = arith.cmpi sge, %squeeze3A_872, %ge3A_873 : i32
      %select_n3A_875 = arith.select %ge3A_870, %get3A_835, %get3A_813 : vector<16xf32>
      %select_n3A_876 = arith.select %ge3A_870, %get3A_846, %get3A_818 : vector<16xf32>
      %select_n3A_877 = arith.select %ge3A_874, %get3A_855, %get3A_821 : vector<16xf32>
      %select_n3A_878 = arith.select %ge3A_874, %get3A_866, %get3A_826 : vector<16xf32>
      %mul3A_879 = arith.mulf %select_n3A_875, %select_n3A_877 : vector<16xf32>
      %mul3A_880 = arith.mulf %mul3A_879, %get3A_6 : vector<16xf32>
      %mul3A_881 = arith.mulf %select_n3A_876, %select_n3A_878 : vector<16xf32>
      %mul3A_882 = arith.mulf %mul3A_881, %get3A_8 : vector<16xf32>
      %add3A_883 = arith.addf %mul3A_880, %mul3A_882 : vector<16xf32>
      %reduce_sum3A_884 = arith.constant true
      %reduce_sum3A_885 = vector.broadcast %reduce_sum3A_884 : i1 to vector<16xi1>
      %reduce_sum3A_886 = tpu.scan <sum>, %add3A_883 masked %reduce_sum3A_885 : vector<16xf32>, vector<16xi1> -> vector<16xf32>
      %reduce_sum3A_887 = vector.extract %reduce_sum3A_886[15] : f32 from vector<16xf32>
      %eq3A_888 = arith.constant 7 : i32
      %eq3A_889 = vector.broadcast %eq3A_888 : i32 to vector<16xi32>
      %eq3A_890 = arith.cmpi eq, %iota3A, %eq3A_889 : vector<16xi32>
      %broadcast_in_dim3A_891 = vector.broadcast %reduce_sum3A_887 : f32 to vector<16xf32>
      %select_n3A_892 = arith.select %eq3A_890, %broadcast_in_dim3A_891, %select_n3A_802 : vector<16xi1>, vector<16xf32>
      %mul3A_893 = arith.constant 16 : i32
      %mul3A_894 = arith.muli %scan3A_125, %mul3A_893 : i32
      %add3A_895 = arith.constant 8 : i32
      %add3A_896 = arith.addi %mul3A_894, %add3A_895 : i32
      %slice3A_897 = vector.extract_strided_slice %mul3A_143 {offsets = [8], sizes = [1], strides = [1]} : vector<16xi32> to vector<1xi32>
      %squeeze3A_898 = vector.extract %slice3A_897[0] : i32 from vector<1xi32>
      %slice3A_899 = vector.extract_strided_slice %mul3A_149 {offsets = [8], sizes = [1], strides = [1]} : vector<16xi32> to vector<1xi32>
      %squeeze3A_900 = vector.extract %slice3A_899[0] : i32 from vector<1xi32>
      %get3A_901 = arith.index_cast %add3A_896 : i32 to index
      %get3A_902 = arith.index_cast %squeeze3A_898 : i32 to index
      %get3A_903 = tpu.vector_load %arg14[%get3A_901, %get3A_902] {strides = array<i32>} : memref<256x128xf32, #tpu.memory_space<vmem>>, vector<16xf32>,
      %add3A_904 = arith.constant 16 : i32
      %add3A_905 = arith.addi %squeeze3A_898, %add3A_904 : i32
      %get3A_906 = arith.index_cast %add3A_896 : i32 to index
      %get3A_907 = arith.index_cast %add3A_905 : i32 to index
      %get3A_908 = tpu.vector_load %arg14[%get3A_906, %get3A_907] {strides = array<i32>} : memref<256x128xf32, #tpu.memory_space<vmem>>, vector<16xf32>,
      %get3A_909 = arith.index_cast %add3A_896 : i32 to index
      %get3A_910 = arith.index_cast %squeeze3A_900 : i32 to index
      %get3A_911 = tpu.vector_load %arg15[%get3A_909, %get3A_910] {strides = array<i32>} : memref<256x128xf32, #tpu.memory_space<vmem>>, vector<16xf32>,
      %add3A_912 = arith.constant 16 : i32
      %add3A_913 = arith.addi %squeeze3A_900, %add3A_912 : i32
      %get3A_914 = arith.index_cast %add3A_896 : i32 to index
      %get3A_915 = arith.index_cast %add3A_913 : i32 to index
      %get3A_916 = tpu.vector_load %arg15[%get3A_914, %get3A_915] {strides = array<i32>} : memref<256x128xf32, #tpu.memory_space<vmem>>, vector<16xf32>,
      %slice3A_917 = vector.extract_strided_slice %min3A_154 {offsets = [8], sizes = [1], strides = [1]} : vector<16xi32> to vector<1xi32>
      %squeeze3A_918 = vector.extract %slice3A_917[0] : i32 from vector<1xi32>
      %shift_right_arithmetic3A_919 = arith.constant 2 : i32
      %shift_right_arithmetic3A_920 = arith.shrsi %squeeze3A_918, %shift_right_arithmetic3A_919 : i32
      %slice3A_921 = vector.extract_strided_slice %mul3A_169 {offsets = [8], sizes = [1], strides = [1]} : vector<16xi32> to vector<1xi32>
      %squeeze3A_922 = vector.extract %slice3A_921[0] : i32 from vector<1xi32>
      %get3A_923 = arith.index_cast %shift_right_arithmetic3A_920 : i32 to index
      %get3A_924 = arith.index_cast %squeeze3A_922 : i32 to index
      %get3A_925 = tpu.vector_load %arg16[%get3A_923, %get3A_924] {strides = array<i32>} : memref<16x128xf32, #tpu.memory_space<vmem>>, vector<16xf32>,
      %slice3A_926 = vector.extract_strided_slice %min3A_154 {offsets = [8], sizes = [1], strides = [1]} : vector<16xi32> to vector<1xi32>
      %squeeze3A_927 = vector.extract %slice3A_926[0] : i32 from vector<1xi32>
      %shift_right_arithmetic3A_928 = arith.constant 2 : i32
      %shift_right_arithmetic3A_929 = arith.shrsi %squeeze3A_927, %shift_right_arithmetic3A_928 : i32
      %slice3A_930 = vector.extract_strided_slice %mul3A_169 {offsets = [8], sizes = [1], strides = [1]} : vector<16xi32> to vector<1xi32>
      %squeeze3A_931 = vector.extract %slice3A_930[0] : i32 from vector<1xi32>
      %add3A_932 = arith.constant 16 : i32
      %add3A_933 = arith.addi %squeeze3A_931, %add3A_932 : i32
      %get3A_934 = arith.index_cast %shift_right_arithmetic3A_929 : i32 to index
      %get3A_935 = arith.index_cast %add3A_933 : i32 to index
      %get3A_936 = tpu.vector_load %arg16[%get3A_934, %get3A_935] {strides = array<i32>} : memref<16x128xf32, #tpu.memory_space<vmem>>, vector<16xf32>,
      %slice3A_937 = vector.extract_strided_slice %min3A_163 {offsets = [8], sizes = [1], strides = [1]} : vector<16xi32> to vector<1xi32>
      %squeeze3A_938 = vector.extract %slice3A_937[0] : i32 from vector<1xi32>
      %shift_right_arithmetic3A_939 = arith.constant 2 : i32
      %shift_right_arithmetic3A_940 = arith.shrsi %squeeze3A_938, %shift_right_arithmetic3A_939 : i32
      %slice3A_941 = vector.extract_strided_slice %mul3A_175 {offsets = [8], sizes = [1], strides = [1]} : vector<16xi32> to vector<1xi32>
      %squeeze3A_942 = vector.extract %slice3A_941[0] : i32 from vector<1xi32>
      %get3A_943 = arith.index_cast %shift_right_arithmetic3A_940 : i32 to index
      %get3A_944 = arith.index_cast %squeeze3A_942 : i32 to index
      %get3A_945 = tpu.vector_load %arg17[%get3A_943, %get3A_944] {strides = array<i32>} : memref<16x128xf32, #tpu.memory_space<vmem>>, vector<16xf32>,
      %slice3A_946 = vector.extract_strided_slice %min3A_163 {offsets = [8], sizes = [1], strides = [1]} : vector<16xi32> to vector<1xi32>
      %squeeze3A_947 = vector.extract %slice3A_946[0] : i32 from vector<1xi32>
      %shift_right_arithmetic3A_948 = arith.constant 2 : i32
      %shift_right_arithmetic3A_949 = arith.shrsi %squeeze3A_947, %shift_right_arithmetic3A_948 : i32
      %slice3A_950 = vector.extract_strided_slice %mul3A_175 {offsets = [8], sizes = [1], strides = [1]} : vector<16xi32> to vector<1xi32>
      %squeeze3A_951 = vector.extract %slice3A_950[0] : i32 from vector<1xi32>
      %add3A_952 = arith.constant 16 : i32
      %add3A_953 = arith.addi %squeeze3A_951, %add3A_952 : i32
      %get3A_954 = arith.index_cast %shift_right_arithmetic3A_949 : i32 to index
      %get3A_955 = arith.index_cast %add3A_953 : i32 to index
      %get3A_956 = tpu.vector_load %arg17[%get3A_954, %get3A_955] {strides = array<i32>} : memref<16x128xf32, #tpu.memory_space<vmem>>, vector<16xf32>,
      %slice3A_957 = vector.extract_strided_slice %get3A_134 {offsets = [8], sizes = [1], strides = [1]} : vector<16xi32> to vector<1xi32>
      %squeeze3A_958 = vector.extract %slice3A_957[0] : i32 from vector<1xi32>
      %ge3A_959 = arith.constant 999936 : i32
      %ge3A_960 = arith.cmpi sge, %squeeze3A_958, %ge3A_959 : i32
      %slice3A_961 = vector.extract_strided_slice %get3A_137 {offsets = [8], sizes = [1], strides = [1]} : vector<16xi32> to vector<1xi32>
      %squeeze3A_962 = vector.extract %slice3A_961[0] : i32 from vector<1xi32>
      %ge3A_963 = arith.constant 999936 : i32
      %ge3A_964 = arith.cmpi sge, %squeeze3A_962, %ge3A_963 : i32
      %select_n3A_965 = arith.select %ge3A_960, %get3A_925, %get3A_903 : vector<16xf32>
      %select_n3A_966 = arith.select %ge3A_960, %get3A_936, %get3A_908 : vector<16xf32>
      %select_n3A_967 = arith.select %ge3A_964, %get3A_945, %get3A_911 : vector<16xf32>
      %select_n3A_968 = arith.select %ge3A_964, %get3A_956, %get3A_916 : vector<16xf32>
      %mul3A_969 = arith.mulf %select_n3A_965, %select_n3A_967 : vector<16xf32>
      %mul3A_970 = arith.mulf %mul3A_969, %get3A_6 : vector<16xf32>
      %mul3A_971 = arith.mulf %select_n3A_966, %select_n3A_968 : vector<16xf32>
      %mul3A_972 = arith.mulf %mul3A_971, %get3A_8 : vector<16xf32>
      %add3A_973 = arith.addf %mul3A_970, %mul3A_972 : vector<16xf32>
      %reduce_sum3A_974 = arith.constant true
      %reduce_sum3A_975 = vector.broadcast %reduce_sum3A_974 : i1 to vector<16xi1>
      %reduce_sum3A_976 = tpu.scan <sum>, %add3A_973 masked %reduce_sum3A_975 : vector<16xf32>, vector<16xi1> -> vector<16xf32>
      %reduce_sum3A_977 = vector.extract %reduce_sum3A_976[15] : f32 from vector<16xf32>
      %eq3A_978 = arith.constant 8 : i32
      %eq3A_979 = vector.broadcast %eq3A_978 : i32 to vector<16xi32>
      %eq3A_980 = arith.cmpi eq, %iota3A, %eq3A_979 : vector<16xi32>
      %broadcast_in_dim3A_981 = vector.broadcast %reduce_sum3A_977 : f32 to vector<16xf32>
      %select_n3A_982 = arith.select %eq3A_980, %broadcast_in_dim3A_981, %select_n3A_892 : vector<16xi1>, vector<16xf32>
      %mul3A_983 = arith.constant 16 : i32
      %mul3A_984 = arith.muli %scan3A_125, %mul3A_983 : i32
      %add3A_985 = arith.constant 9 : i32
      %add3A_986 = arith.addi %mul3A_984, %add3A_985 : i32
      %slice3A_987 = vector.extract_strided_slice %mul3A_143 {offsets = [9], sizes = [1], strides = [1]} : vector<16xi32> to vector<1xi32>
      %squeeze3A_988 = vector.extract %slice3A_987[0] : i32 from vector<1xi32>
      %slice3A_989 = vector.extract_strided_slice %mul3A_149 {offsets = [9], sizes = [1], strides = [1]} : vector<16xi32> to vector<1xi32>
      %squeeze3A_990 = vector.extract %slice3A_989[0] : i32 from vector<1xi32>
      %get3A_991 = arith.index_cast %add3A_986 : i32 to index
      %get3A_992 = arith.index_cast %squeeze3A_988 : i32 to index
      %get3A_993 = tpu.vector_load %arg14[%get3A_991, %get3A_992] {strides = array<i32>} : memref<256x128xf32, #tpu.memory_space<vmem>>, vector<16xf32>,
      %add3A_994 = arith.constant 16 : i32
      %add3A_995 = arith.addi %squeeze3A_988, %add3A_994 : i32
      %get3A_996 = arith.index_cast %add3A_986 : i32 to index
      %get3A_997 = arith.index_cast %add3A_995 : i32 to index
      %get3A_998 = tpu.vector_load %arg14[%get3A_996, %get3A_997] {strides = array<i32>} : memref<256x128xf32, #tpu.memory_space<vmem>>, vector<16xf32>,
      %get3A_999 = arith.index_cast %add3A_986 : i32 to index
      %get3A_1000 = arith.index_cast %squeeze3A_990 : i32 to index
      %get3A_1001 = tpu.vector_load %arg15[%get3A_999, %get3A_1000] {strides = array<i32>} : memref<256x128xf32, #tpu.memory_space<vmem>>, vector<16xf32>,
      %add3A_1002 = arith.constant 16 : i32
      %add3A_1003 = arith.addi %squeeze3A_990, %add3A_1002 : i32
      %get3A_1004 = arith.index_cast %add3A_986 : i32 to index
      %get3A_1005 = arith.index_cast %add3A_1003 : i32 to index
      %get3A_1006 = tpu.vector_load %arg15[%get3A_1004, %get3A_1005] {strides = array<i32>} : memref<256x128xf32, #tpu.memory_space<vmem>>, vector<16xf32>,
      %slice3A_1007 = vector.extract_strided_slice %min3A_154 {offsets = [9], sizes = [1], strides = [1]} : vector<16xi32> to vector<1xi32>
      %squeeze3A_1008 = vector.extract %slice3A_1007[0] : i32 from vector<1xi32>
      %shift_right_arithmetic3A_1009 = arith.constant 2 : i32
      %shift_right_arithmetic3A_1010 = arith.shrsi %squeeze3A_1008, %shift_right_arithmetic3A_1009 : i32
      %slice3A_1011 = vector.extract_strided_slice %mul3A_169 {offsets = [9], sizes = [1], strides = [1]} : vector<16xi32> to vector<1xi32>
      %squeeze3A_1012 = vector.extract %slice3A_1011[0] : i32 from vector<1xi32>
      %get3A_1013 = arith.index_cast %shift_right_arithmetic3A_1010 : i32 to index
      %get3A_1014 = arith.index_cast %squeeze3A_1012 : i32 to index
      %get3A_1015 = tpu.vector_load %arg16[%get3A_1013, %get3A_1014] {strides = array<i32>} : memref<16x128xf32, #tpu.memory_space<vmem>>, vector<16xf32>,
      %slice3A_1016 = vector.extract_strided_slice %min3A_154 {offsets = [9], sizes = [1], strides = [1]} : vector<16xi32> to vector<1xi32>
      %squeeze3A_1017 = vector.extract %slice3A_1016[0] : i32 from vector<1xi32>
      %shift_right_arithmetic3A_1018 = arith.constant 2 : i32
      %shift_right_arithmetic3A_1019 = arith.shrsi %squeeze3A_1017, %shift_right_arithmetic3A_1018 : i32
      %slice3A_1020 = vector.extract_strided_slice %mul3A_169 {offsets = [9], sizes = [1], strides = [1]} : vector<16xi32> to vector<1xi32>
      %squeeze3A_1021 = vector.extract %slice3A_1020[0] : i32 from vector<1xi32>
      %add3A_1022 = arith.constant 16 : i32
      %add3A_1023 = arith.addi %squeeze3A_1021, %add3A_1022 : i32
      %get3A_1024 = arith.index_cast %shift_right_arithmetic3A_1019 : i32 to index
      %get3A_1025 = arith.index_cast %add3A_1023 : i32 to index
      %get3A_1026 = tpu.vector_load %arg16[%get3A_1024, %get3A_1025] {strides = array<i32>} : memref<16x128xf32, #tpu.memory_space<vmem>>, vector<16xf32>,
      %slice3A_1027 = vector.extract_strided_slice %min3A_163 {offsets = [9], sizes = [1], strides = [1]} : vector<16xi32> to vector<1xi32>
      %squeeze3A_1028 = vector.extract %slice3A_1027[0] : i32 from vector<1xi32>
      %shift_right_arithmetic3A_1029 = arith.constant 2 : i32
      %shift_right_arithmetic3A_1030 = arith.shrsi %squeeze3A_1028, %shift_right_arithmetic3A_1029 : i32
      %slice3A_1031 = vector.extract_strided_slice %mul3A_175 {offsets = [9], sizes = [1], strides = [1]} : vector<16xi32> to vector<1xi32>
      %squeeze3A_1032 = vector.extract %slice3A_1031[0] : i32 from vector<1xi32>
      %get3A_1033 = arith.index_cast %shift_right_arithmetic3A_1030 : i32 to index
      %get3A_1034 = arith.index_cast %squeeze3A_1032 : i32 to index
      %get3A_1035 = tpu.vector_load %arg17[%get3A_1033, %get3A_1034] {strides = array<i32>} : memref<16x128xf32, #tpu.memory_space<vmem>>, vector<16xf32>,
      %slice3A_1036 = vector.extract_strided_slice %min3A_163 {offsets = [9], sizes = [1], strides = [1]} : vector<16xi32> to vector<1xi32>
      %squeeze3A_1037 = vector.extract %slice3A_1036[0] : i32 from vector<1xi32>
      %shift_right_arithmetic3A_1038 = arith.constant 2 : i32
      %shift_right_arithmetic3A_1039 = arith.shrsi %squeeze3A_1037, %shift_right_arithmetic3A_1038 : i32
      %slice3A_1040 = vector.extract_strided_slice %mul3A_175 {offsets = [9], sizes = [1], strides = [1]} : vector<16xi32> to vector<1xi32>
      %squeeze3A_1041 = vector.extract %slice3A_1040[0] : i32 from vector<1xi32>
      %add3A_1042 = arith.constant 16 : i32
      %add3A_1043 = arith.addi %squeeze3A_1041, %add3A_1042 : i32
      %get3A_1044 = arith.index_cast %shift_right_arithmetic3A_1039 : i32 to index
      %get3A_1045 = arith.index_cast %add3A_1043 : i32 to index
      %get3A_1046 = tpu.vector_load %arg17[%get3A_1044, %get3A_1045] {strides = array<i32>} : memref<16x128xf32, #tpu.memory_space<vmem>>, vector<16xf32>,
      %slice3A_1047 = vector.extract_strided_slice %get3A_134 {offsets = [9], sizes = [1], strides = [1]} : vector<16xi32> to vector<1xi32>
      %squeeze3A_1048 = vector.extract %slice3A_1047[0] : i32 from vector<1xi32>
      %ge3A_1049 = arith.constant 999936 : i32
      %ge3A_1050 = arith.cmpi sge, %squeeze3A_1048, %ge3A_1049 : i32
      %slice3A_1051 = vector.extract_strided_slice %get3A_137 {offsets = [9], sizes = [1], strides = [1]} : vector<16xi32> to vector<1xi32>
      %squeeze3A_1052 = vector.extract %slice3A_1051[0] : i32 from vector<1xi32>
      %ge3A_1053 = arith.constant 999936 : i32
      %ge3A_1054 = arith.cmpi sge, %squeeze3A_1052, %ge3A_1053 : i32
      %select_n3A_1055 = arith.select %ge3A_1050, %get3A_1015, %get3A_993 : vector<16xf32>
      %select_n3A_1056 = arith.select %ge3A_1050, %get3A_1026, %get3A_998 : vector<16xf32>
      %select_n3A_1057 = arith.select %ge3A_1054, %get3A_1035, %get3A_1001 : vector<16xf32>
      %select_n3A_1058 = arith.select %ge3A_1054, %get3A_1046, %get3A_1006 : vector<16xf32>
      %mul3A_1059 = arith.mulf %select_n3A_1055, %select_n3A_1057 : vector<16xf32>
      %mul3A_1060 = arith.mulf %mul3A_1059, %get3A_6 : vector<16xf32>
      %mul3A_1061 = arith.mulf %select_n3A_1056, %select_n3A_1058 : vector<16xf32>
      %mul3A_1062 = arith.mulf %mul3A_1061, %get3A_8 : vector<16xf32>
      %add3A_1063 = arith.addf %mul3A_1060, %mul3A_1062 : vector<16xf32>
      %reduce_sum3A_1064 = arith.constant true
      %reduce_sum3A_1065 = vector.broadcast %reduce_sum3A_1064 : i1 to vector<16xi1>
      %reduce_sum3A_1066 = tpu.scan <sum>, %add3A_1063 masked %reduce_sum3A_1065 : vector<16xf32>, vector<16xi1> -> vector<16xf32>
      %reduce_sum3A_1067 = vector.extract %reduce_sum3A_1066[15] : f32 from vector<16xf32>
      %eq3A_1068 = arith.constant 9 : i32
      %eq3A_1069 = vector.broadcast %eq3A_1068 : i32 to vector<16xi32>
      %eq3A_1070 = arith.cmpi eq, %iota3A, %eq3A_1069 : vector<16xi32>
      %broadcast_in_dim3A_1071 = vector.broadcast %reduce_sum3A_1067 : f32 to vector<16xf32>
      %select_n3A_1072 = arith.select %eq3A_1070, %broadcast_in_dim3A_1071, %select_n3A_982 : vector<16xi1>, vector<16xf32>
      %mul3A_1073 = arith.constant 16 : i32
      %mul3A_1074 = arith.muli %scan3A_125, %mul3A_1073 : i32
      %add3A_1075 = arith.constant 10 : i32
      %add3A_1076 = arith.addi %mul3A_1074, %add3A_1075 : i32
      %slice3A_1077 = vector.extract_strided_slice %mul3A_143 {offsets = [10], sizes = [1], strides = [1]} : vector<16xi32> to vector<1xi32>
      %squeeze3A_1078 = vector.extract %slice3A_1077[0] : i32 from vector<1xi32>
      %slice3A_1079 = vector.extract_strided_slice %mul3A_149 {offsets = [10], sizes = [1], strides = [1]} : vector<16xi32> to vector<1xi32>
      %squeeze3A_1080 = vector.extract %slice3A_1079[0] : i32 from vector<1xi32>
      %get3A_1081 = arith.index_cast %add3A_1076 : i32 to index
      %get3A_1082 = arith.index_cast %squeeze3A_1078 : i32 to index
      %get3A_1083 = tpu.vector_load %arg14[%get3A_1081, %get3A_1082] {strides = array<i32>} : memref<256x128xf32, #tpu.memory_space<vmem>>, vector<16xf32>,
      %add3A_1084 = arith.constant 16 : i32
      %add3A_1085 = arith.addi %squeeze3A_1078, %add3A_1084 : i32
      %get3A_1086 = arith.index_cast %add3A_1076 : i32 to index
      %get3A_1087 = arith.index_cast %add3A_1085 : i32 to index
      %get3A_1088 = tpu.vector_load %arg14[%get3A_1086, %get3A_1087] {strides = array<i32>} : memref<256x128xf32, #tpu.memory_space<vmem>>, vector<16xf32>,
      %get3A_1089 = arith.index_cast %add3A_1076 : i32 to index
      %get3A_1090 = arith.index_cast %squeeze3A_1080 : i32 to index
      %get3A_1091 = tpu.vector_load %arg15[%get3A_1089, %get3A_1090] {strides = array<i32>} : memref<256x128xf32, #tpu.memory_space<vmem>>, vector<16xf32>,
      %add3A_1092 = arith.constant 16 : i32
      %add3A_1093 = arith.addi %squeeze3A_1080, %add3A_1092 : i32
      %get3A_1094 = arith.index_cast %add3A_1076 : i32 to index
      %get3A_1095 = arith.index_cast %add3A_1093 : i32 to index
      %get3A_1096 = tpu.vector_load %arg15[%get3A_1094, %get3A_1095] {strides = array<i32>} : memref<256x128xf32, #tpu.memory_space<vmem>>, vector<16xf32>,
      %slice3A_1097 = vector.extract_strided_slice %min3A_154 {offsets = [10], sizes = [1], strides = [1]} : vector<16xi32> to vector<1xi32>
      %squeeze3A_1098 = vector.extract %slice3A_1097[0] : i32 from vector<1xi32>
      %shift_right_arithmetic3A_1099 = arith.constant 2 : i32
      %shift_right_arithmetic3A_1100 = arith.shrsi %squeeze3A_1098, %shift_right_arithmetic3A_1099 : i32
      %slice3A_1101 = vector.extract_strided_slice %mul3A_169 {offsets = [10], sizes = [1], strides = [1]} : vector<16xi32> to vector<1xi32>
      %squeeze3A_1102 = vector.extract %slice3A_1101[0] : i32 from vector<1xi32>
      %get3A_1103 = arith.index_cast %shift_right_arithmetic3A_1100 : i32 to index
      %get3A_1104 = arith.index_cast %squeeze3A_1102 : i32 to index
      %get3A_1105 = tpu.vector_load %arg16[%get3A_1103, %get3A_1104] {strides = array<i32>} : memref<16x128xf32, #tpu.memory_space<vmem>>, vector<16xf32>,
      %slice3A_1106 = vector.extract_strided_slice %min3A_154 {offsets = [10], sizes = [1], strides = [1]} : vector<16xi32> to vector<1xi32>
      %squeeze3A_1107 = vector.extract %slice3A_1106[0] : i32 from vector<1xi32>
      %shift_right_arithmetic3A_1108 = arith.constant 2 : i32
      %shift_right_arithmetic3A_1109 = arith.shrsi %squeeze3A_1107, %shift_right_arithmetic3A_1108 : i32
      %slice3A_1110 = vector.extract_strided_slice %mul3A_169 {offsets = [10], sizes = [1], strides = [1]} : vector<16xi32> to vector<1xi32>
      %squeeze3A_1111 = vector.extract %slice3A_1110[0] : i32 from vector<1xi32>
      %add3A_1112 = arith.constant 16 : i32
      %add3A_1113 = arith.addi %squeeze3A_1111, %add3A_1112 : i32
      %get3A_1114 = arith.index_cast %shift_right_arithmetic3A_1109 : i32 to index
      %get3A_1115 = arith.index_cast %add3A_1113 : i32 to index
      %get3A_1116 = tpu.vector_load %arg16[%get3A_1114, %get3A_1115] {strides = array<i32>} : memref<16x128xf32, #tpu.memory_space<vmem>>, vector<16xf32>,
      %slice3A_1117 = vector.extract_strided_slice %min3A_163 {offsets = [10], sizes = [1], strides = [1]} : vector<16xi32> to vector<1xi32>
      %squeeze3A_1118 = vector.extract %slice3A_1117[0] : i32 from vector<1xi32>
      %shift_right_arithmetic3A_1119 = arith.constant 2 : i32
      %shift_right_arithmetic3A_1120 = arith.shrsi %squeeze3A_1118, %shift_right_arithmetic3A_1119 : i32
      %slice3A_1121 = vector.extract_strided_slice %mul3A_175 {offsets = [10], sizes = [1], strides = [1]} : vector<16xi32> to vector<1xi32>
      %squeeze3A_1122 = vector.extract %slice3A_1121[0] : i32 from vector<1xi32>
      %get3A_1123 = arith.index_cast %shift_right_arithmetic3A_1120 : i32 to index
      %get3A_1124 = arith.index_cast %squeeze3A_1122 : i32 to index
      %get3A_1125 = tpu.vector_load %arg17[%get3A_1123, %get3A_1124] {strides = array<i32>} : memref<16x128xf32, #tpu.memory_space<vmem>>, vector<16xf32>,
      %slice3A_1126 = vector.extract_strided_slice %min3A_163 {offsets = [10], sizes = [1], strides = [1]} : vector<16xi32> to vector<1xi32>
      %squeeze3A_1127 = vector.extract %slice3A_1126[0] : i32 from vector<1xi32>
      %shift_right_arithmetic3A_1128 = arith.constant 2 : i32
      %shift_right_arithmetic3A_1129 = arith.shrsi %squeeze3A_1127, %shift_right_arithmetic3A_1128 : i32
      %slice3A_1130 = vector.extract_strided_slice %mul3A_175 {offsets = [10], sizes = [1], strides = [1]} : vector<16xi32> to vector<1xi32>
      %squeeze3A_1131 = vector.extract %slice3A_1130[0] : i32 from vector<1xi32>
      %add3A_1132 = arith.constant 16 : i32
      %add3A_1133 = arith.addi %squeeze3A_1131, %add3A_1132 : i32
      %get3A_1134 = arith.index_cast %shift_right_arithmetic3A_1129 : i32 to index
      %get3A_1135 = arith.index_cast %add3A_1133 : i32 to index
      %get3A_1136 = tpu.vector_load %arg17[%get3A_1134, %get3A_1135] {strides = array<i32>} : memref<16x128xf32, #tpu.memory_space<vmem>>, vector<16xf32>,
      %slice3A_1137 = vector.extract_strided_slice %get3A_134 {offsets = [10], sizes = [1], strides = [1]} : vector<16xi32> to vector<1xi32>
      %squeeze3A_1138 = vector.extract %slice3A_1137[0] : i32 from vector<1xi32>
      %ge3A_1139 = arith.constant 999936 : i32
      %ge3A_1140 = arith.cmpi sge, %squeeze3A_1138, %ge3A_1139 : i32
      %slice3A_1141 = vector.extract_strided_slice %get3A_137 {offsets = [10], sizes = [1], strides = [1]} : vector<16xi32> to vector<1xi32>
      %squeeze3A_1142 = vector.extract %slice3A_1141[0] : i32 from vector<1xi32>
      %ge3A_1143 = arith.constant 999936 : i32
      %ge3A_1144 = arith.cmpi sge, %squeeze3A_1142, %ge3A_1143 : i32
      %select_n3A_1145 = arith.select %ge3A_1140, %get3A_1105, %get3A_1083 : vector<16xf32>
      %select_n3A_1146 = arith.select %ge3A_1140, %get3A_1116, %get3A_1088 : vector<16xf32>
      %select_n3A_1147 = arith.select %ge3A_1144, %get3A_1125, %get3A_1091 : vector<16xf32>
      %select_n3A_1148 = arith.select %ge3A_1144, %get3A_1136, %get3A_1096 : vector<16xf32>
      %mul3A_1149 = arith.mulf %select_n3A_1145, %select_n3A_1147 : vector<16xf32>
      %mul3A_1150 = arith.mulf %mul3A_1149, %get3A_6 : vector<16xf32>
      %mul3A_1151 = arith.mulf %select_n3A_1146, %select_n3A_1148 : vector<16xf32>
      %mul3A_1152 = arith.mulf %mul3A_1151, %get3A_8 : vector<16xf32>
      %add3A_1153 = arith.addf %mul3A_1150, %mul3A_1152 : vector<16xf32>
      %reduce_sum3A_1154 = arith.constant true
      %reduce_sum3A_1155 = vector.broadcast %reduce_sum3A_1154 : i1 to vector<16xi1>
      %reduce_sum3A_1156 = tpu.scan <sum>, %add3A_1153 masked %reduce_sum3A_1155 : vector<16xf32>, vector<16xi1> -> vector<16xf32>
      %reduce_sum3A_1157 = vector.extract %reduce_sum3A_1156[15] : f32 from vector<16xf32>
      %eq3A_1158 = arith.constant 10 : i32
      %eq3A_1159 = vector.broadcast %eq3A_1158 : i32 to vector<16xi32>
      %eq3A_1160 = arith.cmpi eq, %iota3A, %eq3A_1159 : vector<16xi32>
      %broadcast_in_dim3A_1161 = vector.broadcast %reduce_sum3A_1157 : f32 to vector<16xf32>
      %select_n3A_1162 = arith.select %eq3A_1160, %broadcast_in_dim3A_1161, %select_n3A_1072 : vector<16xi1>, vector<16xf32>
      %mul3A_1163 = arith.constant 16 : i32
      %mul3A_1164 = arith.muli %scan3A_125, %mul3A_1163 : i32
      %add3A_1165 = arith.constant 11 : i32
      %add3A_1166 = arith.addi %mul3A_1164, %add3A_1165 : i32
      %slice3A_1167 = vector.extract_strided_slice %mul3A_143 {offsets = [11], sizes = [1], strides = [1]} : vector<16xi32> to vector<1xi32>
      %squeeze3A_1168 = vector.extract %slice3A_1167[0] : i32 from vector<1xi32>
      %slice3A_1169 = vector.extract_strided_slice %mul3A_149 {offsets = [11], sizes = [1], strides = [1]} : vector<16xi32> to vector<1xi32>
      %squeeze3A_1170 = vector.extract %slice3A_1169[0] : i32 from vector<1xi32>
      %get3A_1171 = arith.index_cast %add3A_1166 : i32 to index
      %get3A_1172 = arith.index_cast %squeeze3A_1168 : i32 to index
      %get3A_1173 = tpu.vector_load %arg14[%get3A_1171, %get3A_1172] {strides = array<i32>} : memref<256x128xf32, #tpu.memory_space<vmem>>, vector<16xf32>,
      %add3A_1174 = arith.constant 16 : i32
      %add3A_1175 = arith.addi %squeeze3A_1168, %add3A_1174 : i32
      %get3A_1176 = arith.index_cast %add3A_1166 : i32 to index
      %get3A_1177 = arith.index_cast %add3A_1175 : i32 to index
      %get3A_1178 = tpu.vector_load %arg14[%get3A_1176, %get3A_1177] {strides = array<i32>} : memref<256x128xf32, #tpu.memory_space<vmem>>, vector<16xf32>,
      %get3A_1179 = arith.index_cast %add3A_1166 : i32 to index
      %get3A_1180 = arith.index_cast %squeeze3A_1170 : i32 to index
      %get3A_1181 = tpu.vector_load %arg15[%get3A_1179, %get3A_1180] {strides = array<i32>} : memref<256x128xf32, #tpu.memory_space<vmem>>, vector<16xf32>,
      %add3A_1182 = arith.constant 16 : i32
      %add3A_1183 = arith.addi %squeeze3A_1170, %add3A_1182 : i32
      %get3A_1184 = arith.index_cast %add3A_1166 : i32 to index
      %get3A_1185 = arith.index_cast %add3A_1183 : i32 to index
      %get3A_1186 = tpu.vector_load %arg15[%get3A_1184, %get3A_1185] {strides = array<i32>} : memref<256x128xf32, #tpu.memory_space<vmem>>, vector<16xf32>,
      %slice3A_1187 = vector.extract_strided_slice %min3A_154 {offsets = [11], sizes = [1], strides = [1]} : vector<16xi32> to vector<1xi32>
      %squeeze3A_1188 = vector.extract %slice3A_1187[0] : i32 from vector<1xi32>
      %shift_right_arithmetic3A_1189 = arith.constant 2 : i32
      %shift_right_arithmetic3A_1190 = arith.shrsi %squeeze3A_1188, %shift_right_arithmetic3A_1189 : i32
      %slice3A_1191 = vector.extract_strided_slice %mul3A_169 {offsets = [11], sizes = [1], strides = [1]} : vector<16xi32> to vector<1xi32>
      %squeeze3A_1192 = vector.extract %slice3A_1191[0] : i32 from vector<1xi32>
      %get3A_1193 = arith.index_cast %shift_right_arithmetic3A_1190 : i32 to index
      %get3A_1194 = arith.index_cast %squeeze3A_1192 : i32 to index
      %get3A_1195 = tpu.vector_load %arg16[%get3A_1193, %get3A_1194] {strides = array<i32>} : memref<16x128xf32, #tpu.memory_space<vmem>>, vector<16xf32>,
      %slice3A_1196 = vector.extract_strided_slice %min3A_154 {offsets = [11], sizes = [1], strides = [1]} : vector<16xi32> to vector<1xi32>
      %squeeze3A_1197 = vector.extract %slice3A_1196[0] : i32 from vector<1xi32>
      %shift_right_arithmetic3A_1198 = arith.constant 2 : i32
      %shift_right_arithmetic3A_1199 = arith.shrsi %squeeze3A_1197, %shift_right_arithmetic3A_1198 : i32
      %slice3A_1200 = vector.extract_strided_slice %mul3A_169 {offsets = [11], sizes = [1], strides = [1]} : vector<16xi32> to vector<1xi32>
      %squeeze3A_1201 = vector.extract %slice3A_1200[0] : i32 from vector<1xi32>
      %add3A_1202 = arith.constant 16 : i32
      %add3A_1203 = arith.addi %squeeze3A_1201, %add3A_1202 : i32
      %get3A_1204 = arith.index_cast %shift_right_arithmetic3A_1199 : i32 to index
      %get3A_1205 = arith.index_cast %add3A_1203 : i32 to index
      %get3A_1206 = tpu.vector_load %arg16[%get3A_1204, %get3A_1205] {strides = array<i32>} : memref<16x128xf32, #tpu.memory_space<vmem>>, vector<16xf32>,
      %slice3A_1207 = vector.extract_strided_slice %min3A_163 {offsets = [11], sizes = [1], strides = [1]} : vector<16xi32> to vector<1xi32>
      %squeeze3A_1208 = vector.extract %slice3A_1207[0] : i32 from vector<1xi32>
      %shift_right_arithmetic3A_1209 = arith.constant 2 : i32
      %shift_right_arithmetic3A_1210 = arith.shrsi %squeeze3A_1208, %shift_right_arithmetic3A_1209 : i32
      %slice3A_1211 = vector.extract_strided_slice %mul3A_175 {offsets = [11], sizes = [1], strides = [1]} : vector<16xi32> to vector<1xi32>
      %squeeze3A_1212 = vector.extract %slice3A_1211[0] : i32 from vector<1xi32>
      %get3A_1213 = arith.index_cast %shift_right_arithmetic3A_1210 : i32 to index
      %get3A_1214 = arith.index_cast %squeeze3A_1212 : i32 to index
      %get3A_1215 = tpu.vector_load %arg17[%get3A_1213, %get3A_1214] {strides = array<i32>} : memref<16x128xf32, #tpu.memory_space<vmem>>, vector<16xf32>,
      %slice3A_1216 = vector.extract_strided_slice %min3A_163 {offsets = [11], sizes = [1], strides = [1]} : vector<16xi32> to vector<1xi32>
      %squeeze3A_1217 = vector.extract %slice3A_1216[0] : i32 from vector<1xi32>
      %shift_right_arithmetic3A_1218 = arith.constant 2 : i32
      %shift_right_arithmetic3A_1219 = arith.shrsi %squeeze3A_1217, %shift_right_arithmetic3A_1218 : i32
      %slice3A_1220 = vector.extract_strided_slice %mul3A_175 {offsets = [11], sizes = [1], strides = [1]} : vector<16xi32> to vector<1xi32>
      %squeeze3A_1221 = vector.extract %slice3A_1220[0] : i32 from vector<1xi32>
      %add3A_1222 = arith.constant 16 : i32
      %add3A_1223 = arith.addi %squeeze3A_1221, %add3A_1222 : i32
      %get3A_1224 = arith.index_cast %shift_right_arithmetic3A_1219 : i32 to index
      %get3A_1225 = arith.index_cast %add3A_1223 : i32 to index
      %get3A_1226 = tpu.vector_load %arg17[%get3A_1224, %get3A_1225] {strides = array<i32>} : memref<16x128xf32, #tpu.memory_space<vmem>>, vector<16xf32>,
      %slice3A_1227 = vector.extract_strided_slice %get3A_134 {offsets = [11], sizes = [1], strides = [1]} : vector<16xi32> to vector<1xi32>
      %squeeze3A_1228 = vector.extract %slice3A_1227[0] : i32 from vector<1xi32>
      %ge3A_1229 = arith.constant 999936 : i32
      %ge3A_1230 = arith.cmpi sge, %squeeze3A_1228, %ge3A_1229 : i32
      %slice3A_1231 = vector.extract_strided_slice %get3A_137 {offsets = [11], sizes = [1], strides = [1]} : vector<16xi32> to vector<1xi32>
      %squeeze3A_1232 = vector.extract %slice3A_1231[0] : i32 from vector<1xi32>
      %ge3A_1233 = arith.constant 999936 : i32
      %ge3A_1234 = arith.cmpi sge, %squeeze3A_1232, %ge3A_1233 : i32
      %select_n3A_1235 = arith.select %ge3A_1230, %get3A_1195, %get3A_1173 : vector<16xf32>
      %select_n3A_1236 = arith.select %ge3A_1230, %get3A_1206, %get3A_1178 : vector<16xf32>
      %select_n3A_1237 = arith.select %ge3A_1234, %get3A_1215, %get3A_1181 : vector<16xf32>
      %select_n3A_1238 = arith.select %ge3A_1234, %get3A_1226, %get3A_1186 : vector<16xf32>
      %mul3A_1239 = arith.mulf %select_n3A_1235, %select_n3A_1237 : vector<16xf32>
      %mul3A_1240 = arith.mulf %mul3A_1239, %get3A_6 : vector<16xf32>
      %mul3A_1241 = arith.mulf %select_n3A_1236, %select_n3A_1238 : vector<16xf32>
      %mul3A_1242 = arith.mulf %mul3A_1241, %get3A_8 : vector<16xf32>
      %add3A_1243 = arith.addf %mul3A_1240, %mul3A_1242 : vector<16xf32>
      %reduce_sum3A_1244 = arith.constant true
      %reduce_sum3A_1245 = vector.broadcast %reduce_sum3A_1244 : i1 to vector<16xi1>
      %reduce_sum3A_1246 = tpu.scan <sum>, %add3A_1243 masked %reduce_sum3A_1245 : vector<16xf32>, vector<16xi1> -> vector<16xf32>
      %reduce_sum3A_1247 = vector.extract %reduce_sum3A_1246[15] : f32 from vector<16xf32>
      %eq3A_1248 = arith.constant 11 : i32
      %eq3A_1249 = vector.broadcast %eq3A_1248 : i32 to vector<16xi32>
      %eq3A_1250 = arith.cmpi eq, %iota3A, %eq3A_1249 : vector<16xi32>
      %broadcast_in_dim3A_1251 = vector.broadcast %reduce_sum3A_1247 : f32 to vector<16xf32>
      %select_n3A_1252 = arith.select %eq3A_1250, %broadcast_in_dim3A_1251, %select_n3A_1162 : vector<16xi1>, vector<16xf32>
      %mul3A_1253 = arith.constant 16 : i32
      %mul3A_1254 = arith.muli %scan3A_125, %mul3A_1253 : i32
      %add3A_1255 = arith.constant 12 : i32
      %add3A_1256 = arith.addi %mul3A_1254, %add3A_1255 : i32
      %slice3A_1257 = vector.extract_strided_slice %mul3A_143 {offsets = [12], sizes = [1], strides = [1]} : vector<16xi32> to vector<1xi32>
      %squeeze3A_1258 = vector.extract %slice3A_1257[0] : i32 from vector<1xi32>
      %slice3A_1259 = vector.extract_strided_slice %mul3A_149 {offsets = [12], sizes = [1], strides = [1]} : vector<16xi32> to vector<1xi32>
      %squeeze3A_1260 = vector.extract %slice3A_1259[0] : i32 from vector<1xi32>
      %get3A_1261 = arith.index_cast %add3A_1256 : i32 to index
      %get3A_1262 = arith.index_cast %squeeze3A_1258 : i32 to index
      %get3A_1263 = tpu.vector_load %arg14[%get3A_1261, %get3A_1262] {strides = array<i32>} : memref<256x128xf32, #tpu.memory_space<vmem>>, vector<16xf32>,
      %add3A_1264 = arith.constant 16 : i32
      %add3A_1265 = arith.addi %squeeze3A_1258, %add3A_1264 : i32
      %get3A_1266 = arith.index_cast %add3A_1256 : i32 to index
      %get3A_1267 = arith.index_cast %add3A_1265 : i32 to index
      %get3A_1268 = tpu.vector_load %arg14[%get3A_1266, %get3A_1267] {strides = array<i32>} : memref<256x128xf32, #tpu.memory_space<vmem>>, vector<16xf32>,
      %get3A_1269 = arith.index_cast %add3A_1256 : i32 to index
      %get3A_1270 = arith.index_cast %squeeze3A_1260 : i32 to index
      %get3A_1271 = tpu.vector_load %arg15[%get3A_1269, %get3A_1270] {strides = array<i32>} : memref<256x128xf32, #tpu.memory_space<vmem>>, vector<16xf32>,
      %add3A_1272 = arith.constant 16 : i32
      %add3A_1273 = arith.addi %squeeze3A_1260, %add3A_1272 : i32
      %get3A_1274 = arith.index_cast %add3A_1256 : i32 to index
      %get3A_1275 = arith.index_cast %add3A_1273 : i32 to index
      %get3A_1276 = tpu.vector_load %arg15[%get3A_1274, %get3A_1275] {strides = array<i32>} : memref<256x128xf32, #tpu.memory_space<vmem>>, vector<16xf32>,
      %slice3A_1277 = vector.extract_strided_slice %min3A_154 {offsets = [12], sizes = [1], strides = [1]} : vector<16xi32> to vector<1xi32>
      %squeeze3A_1278 = vector.extract %slice3A_1277[0] : i32 from vector<1xi32>
      %shift_right_arithmetic3A_1279 = arith.constant 2 : i32
      %shift_right_arithmetic3A_1280 = arith.shrsi %squeeze3A_1278, %shift_right_arithmetic3A_1279 : i32
      %slice3A_1281 = vector.extract_strided_slice %mul3A_169 {offsets = [12], sizes = [1], strides = [1]} : vector<16xi32> to vector<1xi32>
      %squeeze3A_1282 = vector.extract %slice3A_1281[0] : i32 from vector<1xi32>
      %get3A_1283 = arith.index_cast %shift_right_arithmetic3A_1280 : i32 to index
      %get3A_1284 = arith.index_cast %squeeze3A_1282 : i32 to index
      %get3A_1285 = tpu.vector_load %arg16[%get3A_1283, %get3A_1284] {strides = array<i32>} : memref<16x128xf32, #tpu.memory_space<vmem>>, vector<16xf32>,
      %slice3A_1286 = vector.extract_strided_slice %min3A_154 {offsets = [12], sizes = [1], strides = [1]} : vector<16xi32> to vector<1xi32>
      %squeeze3A_1287 = vector.extract %slice3A_1286[0] : i32 from vector<1xi32>
      %shift_right_arithmetic3A_1288 = arith.constant 2 : i32
      %shift_right_arithmetic3A_1289 = arith.shrsi %squeeze3A_1287, %shift_right_arithmetic3A_1288 : i32
      %slice3A_1290 = vector.extract_strided_slice %mul3A_169 {offsets = [12], sizes = [1], strides = [1]} : vector<16xi32> to vector<1xi32>
      %squeeze3A_1291 = vector.extract %slice3A_1290[0] : i32 from vector<1xi32>
      %add3A_1292 = arith.constant 16 : i32
      %add3A_1293 = arith.addi %squeeze3A_1291, %add3A_1292 : i32
      %get3A_1294 = arith.index_cast %shift_right_arithmetic3A_1289 : i32 to index
      %get3A_1295 = arith.index_cast %add3A_1293 : i32 to index
      %get3A_1296 = tpu.vector_load %arg16[%get3A_1294, %get3A_1295] {strides = array<i32>} : memref<16x128xf32, #tpu.memory_space<vmem>>, vector<16xf32>,
      %slice3A_1297 = vector.extract_strided_slice %min3A_163 {offsets = [12], sizes = [1], strides = [1]} : vector<16xi32> to vector<1xi32>
      %squeeze3A_1298 = vector.extract %slice3A_1297[0] : i32 from vector<1xi32>
      %shift_right_arithmetic3A_1299 = arith.constant 2 : i32
      %shift_right_arithmetic3A_1300 = arith.shrsi %squeeze3A_1298, %shift_right_arithmetic3A_1299 : i32
      %slice3A_1301 = vector.extract_strided_slice %mul3A_175 {offsets = [12], sizes = [1], strides = [1]} : vector<16xi32> to vector<1xi32>
      %squeeze3A_1302 = vector.extract %slice3A_1301[0] : i32 from vector<1xi32>
      %get3A_1303 = arith.index_cast %shift_right_arithmetic3A_1300 : i32 to index
      %get3A_1304 = arith.index_cast %squeeze3A_1302 : i32 to index
      %get3A_1305 = tpu.vector_load %arg17[%get3A_1303, %get3A_1304] {strides = array<i32>} : memref<16x128xf32, #tpu.memory_space<vmem>>, vector<16xf32>,
      %slice3A_1306 = vector.extract_strided_slice %min3A_163 {offsets = [12], sizes = [1], strides = [1]} : vector<16xi32> to vector<1xi32>
      %squeeze3A_1307 = vector.extract %slice3A_1306[0] : i32 from vector<1xi32>
      %shift_right_arithmetic3A_1308 = arith.constant 2 : i32
      %shift_right_arithmetic3A_1309 = arith.shrsi %squeeze3A_1307, %shift_right_arithmetic3A_1308 : i32
      %slice3A_1310 = vector.extract_strided_slice %mul3A_175 {offsets = [12], sizes = [1], strides = [1]} : vector<16xi32> to vector<1xi32>
      %squeeze3A_1311 = vector.extract %slice3A_1310[0] : i32 from vector<1xi32>
      %add3A_1312 = arith.constant 16 : i32
      %add3A_1313 = arith.addi %squeeze3A_1311, %add3A_1312 : i32
      %get3A_1314 = arith.index_cast %shift_right_arithmetic3A_1309 : i32 to index
      %get3A_1315 = arith.index_cast %add3A_1313 : i32 to index
      %get3A_1316 = tpu.vector_load %arg17[%get3A_1314, %get3A_1315] {strides = array<i32>} : memref<16x128xf32, #tpu.memory_space<vmem>>, vector<16xf32>,
      %slice3A_1317 = vector.extract_strided_slice %get3A_134 {offsets = [12], sizes = [1], strides = [1]} : vector<16xi32> to vector<1xi32>
      %squeeze3A_1318 = vector.extract %slice3A_1317[0] : i32 from vector<1xi32>
      %ge3A_1319 = arith.constant 999936 : i32
      %ge3A_1320 = arith.cmpi sge, %squeeze3A_1318, %ge3A_1319 : i32
      %slice3A_1321 = vector.extract_strided_slice %get3A_137 {offsets = [12], sizes = [1], strides = [1]} : vector<16xi32> to vector<1xi32>
      %squeeze3A_1322 = vector.extract %slice3A_1321[0] : i32 from vector<1xi32>
      %ge3A_1323 = arith.constant 999936 : i32
      %ge3A_1324 = arith.cmpi sge, %squeeze3A_1322, %ge3A_1323 : i32
      %select_n3A_1325 = arith.select %ge3A_1320, %get3A_1285, %get3A_1263 : vector<16xf32>
      %select_n3A_1326 = arith.select %ge3A_1320, %get3A_1296, %get3A_1268 : vector<16xf32>
      %select_n3A_1327 = arith.select %ge3A_1324, %get3A_1305, %get3A_1271 : vector<16xf32>
      %select_n3A_1328 = arith.select %ge3A_1324, %get3A_1316, %get3A_1276 : vector<16xf32>
      %mul3A_1329 = arith.mulf %select_n3A_1325, %select_n3A_1327 : vector<16xf32>
      %mul3A_1330 = arith.mulf %mul3A_1329, %get3A_6 : vector<16xf32>
      %mul3A_1331 = arith.mulf %select_n3A_1326, %select_n3A_1328 : vector<16xf32>
      %mul3A_1332 = arith.mulf %mul3A_1331, %get3A_8 : vector<16xf32>
      %add3A_1333 = arith.addf %mul3A_1330, %mul3A_1332 : vector<16xf32>
      %reduce_sum3A_1334 = arith.constant true
      %reduce_sum3A_1335 = vector.broadcast %reduce_sum3A_1334 : i1 to vector<16xi1>
      %reduce_sum3A_1336 = tpu.scan <sum>, %add3A_1333 masked %reduce_sum3A_1335 : vector<16xf32>, vector<16xi1> -> vector<16xf32>
      %reduce_sum3A_1337 = vector.extract %reduce_sum3A_1336[15] : f32 from vector<16xf32>
      %eq3A_1338 = arith.constant 12 : i32
      %eq3A_1339 = vector.broadcast %eq3A_1338 : i32 to vector<16xi32>
      %eq3A_1340 = arith.cmpi eq, %iota3A, %eq3A_1339 : vector<16xi32>
      %broadcast_in_dim3A_1341 = vector.broadcast %reduce_sum3A_1337 : f32 to vector<16xf32>
      %select_n3A_1342 = arith.select %eq3A_1340, %broadcast_in_dim3A_1341, %select_n3A_1252 : vector<16xi1>, vector<16xf32>
      %mul3A_1343 = arith.constant 16 : i32
      %mul3A_1344 = arith.muli %scan3A_125, %mul3A_1343 : i32
      %add3A_1345 = arith.constant 13 : i32
      %add3A_1346 = arith.addi %mul3A_1344, %add3A_1345 : i32
      %slice3A_1347 = vector.extract_strided_slice %mul3A_143 {offsets = [13], sizes = [1], strides = [1]} : vector<16xi32> to vector<1xi32>
      %squeeze3A_1348 = vector.extract %slice3A_1347[0] : i32 from vector<1xi32>
      %slice3A_1349 = vector.extract_strided_slice %mul3A_149 {offsets = [13], sizes = [1], strides = [1]} : vector<16xi32> to vector<1xi32>
      %squeeze3A_1350 = vector.extract %slice3A_1349[0] : i32 from vector<1xi32>
      %get3A_1351 = arith.index_cast %add3A_1346 : i32 to index
      %get3A_1352 = arith.index_cast %squeeze3A_1348 : i32 to index
      %get3A_1353 = tpu.vector_load %arg14[%get3A_1351, %get3A_1352] {strides = array<i32>} : memref<256x128xf32, #tpu.memory_space<vmem>>, vector<16xf32>,
      %add3A_1354 = arith.constant 16 : i32
      %add3A_1355 = arith.addi %squeeze3A_1348, %add3A_1354 : i32
      %get3A_1356 = arith.index_cast %add3A_1346 : i32 to index
      %get3A_1357 = arith.index_cast %add3A_1355 : i32 to index
      %get3A_1358 = tpu.vector_load %arg14[%get3A_1356, %get3A_1357] {strides = array<i32>} : memref<256x128xf32, #tpu.memory_space<vmem>>, vector<16xf32>,
      %get3A_1359 = arith.index_cast %add3A_1346 : i32 to index
      %get3A_1360 = arith.index_cast %squeeze3A_1350 : i32 to index
      %get3A_1361 = tpu.vector_load %arg15[%get3A_1359, %get3A_1360] {strides = array<i32>} : memref<256x128xf32, #tpu.memory_space<vmem>>, vector<16xf32>,
      %add3A_1362 = arith.constant 16 : i32
      %add3A_1363 = arith.addi %squeeze3A_1350, %add3A_1362 : i32
      %get3A_1364 = arith.index_cast %add3A_1346 : i32 to index
      %get3A_1365 = arith.index_cast %add3A_1363 : i32 to index
      %get3A_1366 = tpu.vector_load %arg15[%get3A_1364, %get3A_1365] {strides = array<i32>} : memref<256x128xf32, #tpu.memory_space<vmem>>, vector<16xf32>,
      %slice3A_1367 = vector.extract_strided_slice %min3A_154 {offsets = [13], sizes = [1], strides = [1]} : vector<16xi32> to vector<1xi32>
      %squeeze3A_1368 = vector.extract %slice3A_1367[0] : i32 from vector<1xi32>
      %shift_right_arithmetic3A_1369 = arith.constant 2 : i32
      %shift_right_arithmetic3A_1370 = arith.shrsi %squeeze3A_1368, %shift_right_arithmetic3A_1369 : i32
      %slice3A_1371 = vector.extract_strided_slice %mul3A_169 {offsets = [13], sizes = [1], strides = [1]} : vector<16xi32> to vector<1xi32>
      %squeeze3A_1372 = vector.extract %slice3A_1371[0] : i32 from vector<1xi32>
      %get3A_1373 = arith.index_cast %shift_right_arithmetic3A_1370 : i32 to index
      %get3A_1374 = arith.index_cast %squeeze3A_1372 : i32 to index
      %get3A_1375 = tpu.vector_load %arg16[%get3A_1373, %get3A_1374] {strides = array<i32>} : memref<16x128xf32, #tpu.memory_space<vmem>>, vector<16xf32>,
      %slice3A_1376 = vector.extract_strided_slice %min3A_154 {offsets = [13], sizes = [1], strides = [1]} : vector<16xi32> to vector<1xi32>
      %squeeze3A_1377 = vector.extract %slice3A_1376[0] : i32 from vector<1xi32>
      %shift_right_arithmetic3A_1378 = arith.constant 2 : i32
      %shift_right_arithmetic3A_1379 = arith.shrsi %squeeze3A_1377, %shift_right_arithmetic3A_1378 : i32
      %slice3A_1380 = vector.extract_strided_slice %mul3A_169 {offsets = [13], sizes = [1], strides = [1]} : vector<16xi32> to vector<1xi32>
      %squeeze3A_1381 = vector.extract %slice3A_1380[0] : i32 from vector<1xi32>
      %add3A_1382 = arith.constant 16 : i32
      %add3A_1383 = arith.addi %squeeze3A_1381, %add3A_1382 : i32
      %get3A_1384 = arith.index_cast %shift_right_arithmetic3A_1379 : i32 to index
      %get3A_1385 = arith.index_cast %add3A_1383 : i32 to index
      %get3A_1386 = tpu.vector_load %arg16[%get3A_1384, %get3A_1385] {strides = array<i32>} : memref<16x128xf32, #tpu.memory_space<vmem>>, vector<16xf32>,
      %slice3A_1387 = vector.extract_strided_slice %min3A_163 {offsets = [13], sizes = [1], strides = [1]} : vector<16xi32> to vector<1xi32>
      %squeeze3A_1388 = vector.extract %slice3A_1387[0] : i32 from vector<1xi32>
      %shift_right_arithmetic3A_1389 = arith.constant 2 : i32
      %shift_right_arithmetic3A_1390 = arith.shrsi %squeeze3A_1388, %shift_right_arithmetic3A_1389 : i32
      %slice3A_1391 = vector.extract_strided_slice %mul3A_175 {offsets = [13], sizes = [1], strides = [1]} : vector<16xi32> to vector<1xi32>
      %squeeze3A_1392 = vector.extract %slice3A_1391[0] : i32 from vector<1xi32>
      %get3A_1393 = arith.index_cast %shift_right_arithmetic3A_1390 : i32 to index
      %get3A_1394 = arith.index_cast %squeeze3A_1392 : i32 to index
      %get3A_1395 = tpu.vector_load %arg17[%get3A_1393, %get3A_1394] {strides = array<i32>} : memref<16x128xf32, #tpu.memory_space<vmem>>, vector<16xf32>,
      %slice3A_1396 = vector.extract_strided_slice %min3A_163 {offsets = [13], sizes = [1], strides = [1]} : vector<16xi32> to vector<1xi32>
      %squeeze3A_1397 = vector.extract %slice3A_1396[0] : i32 from vector<1xi32>
      %shift_right_arithmetic3A_1398 = arith.constant 2 : i32
      %shift_right_arithmetic3A_1399 = arith.shrsi %squeeze3A_1397, %shift_right_arithmetic3A_1398 : i32
      %slice3A_1400 = vector.extract_strided_slice %mul3A_175 {offsets = [13], sizes = [1], strides = [1]} : vector<16xi32> to vector<1xi32>
      %squeeze3A_1401 = vector.extract %slice3A_1400[0] : i32 from vector<1xi32>
      %add3A_1402 = arith.constant 16 : i32
      %add3A_1403 = arith.addi %squeeze3A_1401, %add3A_1402 : i32
      %get3A_1404 = arith.index_cast %shift_right_arithmetic3A_1399 : i32 to index
      %get3A_1405 = arith.index_cast %add3A_1403 : i32 to index
      %get3A_1406 = tpu.vector_load %arg17[%get3A_1404, %get3A_1405] {strides = array<i32>} : memref<16x128xf32, #tpu.memory_space<vmem>>, vector<16xf32>,
      %slice3A_1407 = vector.extract_strided_slice %get3A_134 {offsets = [13], sizes = [1], strides = [1]} : vector<16xi32> to vector<1xi32>
      %squeeze3A_1408 = vector.extract %slice3A_1407[0] : i32 from vector<1xi32>
      %ge3A_1409 = arith.constant 999936 : i32
      %ge3A_1410 = arith.cmpi sge, %squeeze3A_1408, %ge3A_1409 : i32
      %slice3A_1411 = vector.extract_strided_slice %get3A_137 {offsets = [13], sizes = [1], strides = [1]} : vector<16xi32> to vector<1xi32>
      %squeeze3A_1412 = vector.extract %slice3A_1411[0] : i32 from vector<1xi32>
      %ge3A_1413 = arith.constant 999936 : i32
      %ge3A_1414 = arith.cmpi sge, %squeeze3A_1412, %ge3A_1413 : i32
      %select_n3A_1415 = arith.select %ge3A_1410, %get3A_1375, %get3A_1353 : vector<16xf32>
      %select_n3A_1416 = arith.select %ge3A_1410, %get3A_1386, %get3A_1358 : vector<16xf32>
      %select_n3A_1417 = arith.select %ge3A_1414, %get3A_1395, %get3A_1361 : vector<16xf32>
      %select_n3A_1418 = arith.select %ge3A_1414, %get3A_1406, %get3A_1366 : vector<16xf32>
      %mul3A_1419 = arith.mulf %select_n3A_1415, %select_n3A_1417 : vector<16xf32>
      %mul3A_1420 = arith.mulf %mul3A_1419, %get3A_6 : vector<16xf32>
      %mul3A_1421 = arith.mulf %select_n3A_1416, %select_n3A_1418 : vector<16xf32>
      %mul3A_1422 = arith.mulf %mul3A_1421, %get3A_8 : vector<16xf32>
      %add3A_1423 = arith.addf %mul3A_1420, %mul3A_1422 : vector<16xf32>
      %reduce_sum3A_1424 = arith.constant true
      %reduce_sum3A_1425 = vector.broadcast %reduce_sum3A_1424 : i1 to vector<16xi1>
      %reduce_sum3A_1426 = tpu.scan <sum>, %add3A_1423 masked %reduce_sum3A_1425 : vector<16xf32>, vector<16xi1> -> vector<16xf32>
      %reduce_sum3A_1427 = vector.extract %reduce_sum3A_1426[15] : f32 from vector<16xf32>
      %eq3A_1428 = arith.constant 13 : i32
      %eq3A_1429 = vector.broadcast %eq3A_1428 : i32 to vector<16xi32>
      %eq3A_1430 = arith.cmpi eq, %iota3A, %eq3A_1429 : vector<16xi32>
      %broadcast_in_dim3A_1431 = vector.broadcast %reduce_sum3A_1427 : f32 to vector<16xf32>
      %select_n3A_1432 = arith.select %eq3A_1430, %broadcast_in_dim3A_1431, %select_n3A_1342 : vector<16xi1>, vector<16xf32>
      %mul3A_1433 = arith.constant 16 : i32
      %mul3A_1434 = arith.muli %scan3A_125, %mul3A_1433 : i32
      %add3A_1435 = arith.constant 14 : i32
      %add3A_1436 = arith.addi %mul3A_1434, %add3A_1435 : i32
      %slice3A_1437 = vector.extract_strided_slice %mul3A_143 {offsets = [14], sizes = [1], strides = [1]} : vector<16xi32> to vector<1xi32>
      %squeeze3A_1438 = vector.extract %slice3A_1437[0] : i32 from vector<1xi32>
      %slice3A_1439 = vector.extract_strided_slice %mul3A_149 {offsets = [14], sizes = [1], strides = [1]} : vector<16xi32> to vector<1xi32>
      %squeeze3A_1440 = vector.extract %slice3A_1439[0] : i32 from vector<1xi32>
      %get3A_1441 = arith.index_cast %add3A_1436 : i32 to index
      %get3A_1442 = arith.index_cast %squeeze3A_1438 : i32 to index
      %get3A_1443 = tpu.vector_load %arg14[%get3A_1441, %get3A_1442] {strides = array<i32>} : memref<256x128xf32, #tpu.memory_space<vmem>>, vector<16xf32>,
      %add3A_1444 = arith.constant 16 : i32
      %add3A_1445 = arith.addi %squeeze3A_1438, %add3A_1444 : i32
      %get3A_1446 = arith.index_cast %add3A_1436 : i32 to index
      %get3A_1447 = arith.index_cast %add3A_1445 : i32 to index
      %get3A_1448 = tpu.vector_load %arg14[%get3A_1446, %get3A_1447] {strides = array<i32>} : memref<256x128xf32, #tpu.memory_space<vmem>>, vector<16xf32>,
      %get3A_1449 = arith.index_cast %add3A_1436 : i32 to index
      %get3A_1450 = arith.index_cast %squeeze3A_1440 : i32 to index
      %get3A_1451 = tpu.vector_load %arg15[%get3A_1449, %get3A_1450] {strides = array<i32>} : memref<256x128xf32, #tpu.memory_space<vmem>>, vector<16xf32>,
      %add3A_1452 = arith.constant 16 : i32
      %add3A_1453 = arith.addi %squeeze3A_1440, %add3A_1452 : i32
      %get3A_1454 = arith.index_cast %add3A_1436 : i32 to index
      %get3A_1455 = arith.index_cast %add3A_1453 : i32 to index
      %get3A_1456 = tpu.vector_load %arg15[%get3A_1454, %get3A_1455] {strides = array<i32>} : memref<256x128xf32, #tpu.memory_space<vmem>>, vector<16xf32>,
      %slice3A_1457 = vector.extract_strided_slice %min3A_154 {offsets = [14], sizes = [1], strides = [1]} : vector<16xi32> to vector<1xi32>
      %squeeze3A_1458 = vector.extract %slice3A_1457[0] : i32 from vector<1xi32>
      %shift_right_arithmetic3A_1459 = arith.constant 2 : i32
      %shift_right_arithmetic3A_1460 = arith.shrsi %squeeze3A_1458, %shift_right_arithmetic3A_1459 : i32
      %slice3A_1461 = vector.extract_strided_slice %mul3A_169 {offsets = [14], sizes = [1], strides = [1]} : vector<16xi32> to vector<1xi32>
      %squeeze3A_1462 = vector.extract %slice3A_1461[0] : i32 from vector<1xi32>
      %get3A_1463 = arith.index_cast %shift_right_arithmetic3A_1460 : i32 to index
      %get3A_1464 = arith.index_cast %squeeze3A_1462 : i32 to index
      %get3A_1465 = tpu.vector_load %arg16[%get3A_1463, %get3A_1464] {strides = array<i32>} : memref<16x128xf32, #tpu.memory_space<vmem>>, vector<16xf32>,
      %slice3A_1466 = vector.extract_strided_slice %min3A_154 {offsets = [14], sizes = [1], strides = [1]} : vector<16xi32> to vector<1xi32>
      %squeeze3A_1467 = vector.extract %slice3A_1466[0] : i32 from vector<1xi32>
      %shift_right_arithmetic3A_1468 = arith.constant 2 : i32
      %shift_right_arithmetic3A_1469 = arith.shrsi %squeeze3A_1467, %shift_right_arithmetic3A_1468 : i32
      %slice3A_1470 = vector.extract_strided_slice %mul3A_169 {offsets = [14], sizes = [1], strides = [1]} : vector<16xi32> to vector<1xi32>
      %squeeze3A_1471 = vector.extract %slice3A_1470[0] : i32 from vector<1xi32>
      %add3A_1472 = arith.constant 16 : i32
      %add3A_1473 = arith.addi %squeeze3A_1471, %add3A_1472 : i32
      %get3A_1474 = arith.index_cast %shift_right_arithmetic3A_1469 : i32 to index
      %get3A_1475 = arith.index_cast %add3A_1473 : i32 to index
      %get3A_1476 = tpu.vector_load %arg16[%get3A_1474, %get3A_1475] {strides = array<i32>} : memref<16x128xf32, #tpu.memory_space<vmem>>, vector<16xf32>,
      %slice3A_1477 = vector.extract_strided_slice %min3A_163 {offsets = [14], sizes = [1], strides = [1]} : vector<16xi32> to vector<1xi32>
      %squeeze3A_1478 = vector.extract %slice3A_1477[0] : i32 from vector<1xi32>
      %shift_right_arithmetic3A_1479 = arith.constant 2 : i32
      %shift_right_arithmetic3A_1480 = arith.shrsi %squeeze3A_1478, %shift_right_arithmetic3A_1479 : i32
      %slice3A_1481 = vector.extract_strided_slice %mul3A_175 {offsets = [14], sizes = [1], strides = [1]} : vector<16xi32> to vector<1xi32>
      %squeeze3A_1482 = vector.extract %slice3A_1481[0] : i32 from vector<1xi32>
      %get3A_1483 = arith.index_cast %shift_right_arithmetic3A_1480 : i32 to index
      %get3A_1484 = arith.index_cast %squeeze3A_1482 : i32 to index
      %get3A_1485 = tpu.vector_load %arg17[%get3A_1483, %get3A_1484] {strides = array<i32>} : memref<16x128xf32, #tpu.memory_space<vmem>>, vector<16xf32>,
      %slice3A_1486 = vector.extract_strided_slice %min3A_163 {offsets = [14], sizes = [1], strides = [1]} : vector<16xi32> to vector<1xi32>
      %squeeze3A_1487 = vector.extract %slice3A_1486[0] : i32 from vector<1xi32>
      %shift_right_arithmetic3A_1488 = arith.constant 2 : i32
      %shift_right_arithmetic3A_1489 = arith.shrsi %squeeze3A_1487, %shift_right_arithmetic3A_1488 : i32
      %slice3A_1490 = vector.extract_strided_slice %mul3A_175 {offsets = [14], sizes = [1], strides = [1]} : vector<16xi32> to vector<1xi32>
      %squeeze3A_1491 = vector.extract %slice3A_1490[0] : i32 from vector<1xi32>
      %add3A_1492 = arith.constant 16 : i32
      %add3A_1493 = arith.addi %squeeze3A_1491, %add3A_1492 : i32
      %get3A_1494 = arith.index_cast %shift_right_arithmetic3A_1489 : i32 to index
      %get3A_1495 = arith.index_cast %add3A_1493 : i32 to index
      %get3A_1496 = tpu.vector_load %arg17[%get3A_1494, %get3A_1495] {strides = array<i32>} : memref<16x128xf32, #tpu.memory_space<vmem>>, vector<16xf32>,
      %slice3A_1497 = vector.extract_strided_slice %get3A_134 {offsets = [14], sizes = [1], strides = [1]} : vector<16xi32> to vector<1xi32>
      %squeeze3A_1498 = vector.extract %slice3A_1497[0] : i32 from vector<1xi32>
      %ge3A_1499 = arith.constant 999936 : i32
      %ge3A_1500 = arith.cmpi sge, %squeeze3A_1498, %ge3A_1499 : i32
      %slice3A_1501 = vector.extract_strided_slice %get3A_137 {offsets = [14], sizes = [1], strides = [1]} : vector<16xi32> to vector<1xi32>
      %squeeze3A_1502 = vector.extract %slice3A_1501[0] : i32 from vector<1xi32>
      %ge3A_1503 = arith.constant 999936 : i32
      %ge3A_1504 = arith.cmpi sge, %squeeze3A_1502, %ge3A_1503 : i32
      %select_n3A_1505 = arith.select %ge3A_1500, %get3A_1465, %get3A_1443 : vector<16xf32>
      %select_n3A_1506 = arith.select %ge3A_1500, %get3A_1476, %get3A_1448 : vector<16xf32>
      %select_n3A_1507 = arith.select %ge3A_1504, %get3A_1485, %get3A_1451 : vector<16xf32>
      %select_n3A_1508 = arith.select %ge3A_1504, %get3A_1496, %get3A_1456 : vector<16xf32>
      %mul3A_1509 = arith.mulf %select_n3A_1505, %select_n3A_1507 : vector<16xf32>
      %mul3A_1510 = arith.mulf %mul3A_1509, %get3A_6 : vector<16xf32>
      %mul3A_1511 = arith.mulf %select_n3A_1506, %select_n3A_1508 : vector<16xf32>
      %mul3A_1512 = arith.mulf %mul3A_1511, %get3A_8 : vector<16xf32>
      %add3A_1513 = arith.addf %mul3A_1510, %mul3A_1512 : vector<16xf32>
      %reduce_sum3A_1514 = arith.constant true
      %reduce_sum3A_1515 = vector.broadcast %reduce_sum3A_1514 : i1 to vector<16xi1>
      %reduce_sum3A_1516 = tpu.scan <sum>, %add3A_1513 masked %reduce_sum3A_1515 : vector<16xf32>, vector<16xi1> -> vector<16xf32>
      %reduce_sum3A_1517 = vector.extract %reduce_sum3A_1516[15] : f32 from vector<16xf32>
      %eq3A_1518 = arith.constant 14 : i32
      %eq3A_1519 = vector.broadcast %eq3A_1518 : i32 to vector<16xi32>
      %eq3A_1520 = arith.cmpi eq, %iota3A, %eq3A_1519 : vector<16xi32>
      %broadcast_in_dim3A_1521 = vector.broadcast %reduce_sum3A_1517 : f32 to vector<16xf32>
      %select_n3A_1522 = arith.select %eq3A_1520, %broadcast_in_dim3A_1521, %select_n3A_1432 : vector<16xi1>, vector<16xf32>
      %mul3A_1523 = arith.constant 16 : i32
      %mul3A_1524 = arith.muli %scan3A_125, %mul3A_1523 : i32
      %add3A_1525 = arith.constant 15 : i32
      %add3A_1526 = arith.addi %mul3A_1524, %add3A_1525 : i32
      %slice3A_1527 = vector.extract_strided_slice %mul3A_143 {offsets = [15], sizes = [1], strides = [1]} : vector<16xi32> to vector<1xi32>
      %squeeze3A_1528 = vector.extract %slice3A_1527[0] : i32 from vector<1xi32>
      %slice3A_1529 = vector.extract_strided_slice %mul3A_149 {offsets = [15], sizes = [1], strides = [1]} : vector<16xi32> to vector<1xi32>
      %squeeze3A_1530 = vector.extract %slice3A_1529[0] : i32 from vector<1xi32>
      %get3A_1531 = arith.index_cast %add3A_1526 : i32 to index
      %get3A_1532 = arith.index_cast %squeeze3A_1528 : i32 to index
      %get3A_1533 = tpu.vector_load %arg14[%get3A_1531, %get3A_1532] {strides = array<i32>} : memref<256x128xf32, #tpu.memory_space<vmem>>, vector<16xf32>,
      %add3A_1534 = arith.constant 16 : i32
      %add3A_1535 = arith.addi %squeeze3A_1528, %add3A_1534 : i32
      %get3A_1536 = arith.index_cast %add3A_1526 : i32 to index
      %get3A_1537 = arith.index_cast %add3A_1535 : i32 to index
      %get3A_1538 = tpu.vector_load %arg14[%get3A_1536, %get3A_1537] {strides = array<i32>} : memref<256x128xf32, #tpu.memory_space<vmem>>, vector<16xf32>,
      %get3A_1539 = arith.index_cast %add3A_1526 : i32 to index
      %get3A_1540 = arith.index_cast %squeeze3A_1530 : i32 to index
      %get3A_1541 = tpu.vector_load %arg15[%get3A_1539, %get3A_1540] {strides = array<i32>} : memref<256x128xf32, #tpu.memory_space<vmem>>, vector<16xf32>,
      %add3A_1542 = arith.constant 16 : i32
      %add3A_1543 = arith.addi %squeeze3A_1530, %add3A_1542 : i32
      %get3A_1544 = arith.index_cast %add3A_1526 : i32 to index
      %get3A_1545 = arith.index_cast %add3A_1543 : i32 to index
      %get3A_1546 = tpu.vector_load %arg15[%get3A_1544, %get3A_1545] {strides = array<i32>} : memref<256x128xf32, #tpu.memory_space<vmem>>, vector<16xf32>,
      %slice3A_1547 = vector.extract_strided_slice %min3A_154 {offsets = [15], sizes = [1], strides = [1]} : vector<16xi32> to vector<1xi32>
      %squeeze3A_1548 = vector.extract %slice3A_1547[0] : i32 from vector<1xi32>
      %shift_right_arithmetic3A_1549 = arith.constant 2 : i32
      %shift_right_arithmetic3A_1550 = arith.shrsi %squeeze3A_1548, %shift_right_arithmetic3A_1549 : i32
      %slice3A_1551 = vector.extract_strided_slice %mul3A_169 {offsets = [15], sizes = [1], strides = [1]} : vector<16xi32> to vector<1xi32>
      %squeeze3A_1552 = vector.extract %slice3A_1551[0] : i32 from vector<1xi32>
      %get3A_1553 = arith.index_cast %shift_right_arithmetic3A_1550 : i32 to index
      %get3A_1554 = arith.index_cast %squeeze3A_1552 : i32 to index
      %get3A_1555 = tpu.vector_load %arg16[%get3A_1553, %get3A_1554] {strides = array<i32>} : memref<16x128xf32, #tpu.memory_space<vmem>>, vector<16xf32>,
      %slice3A_1556 = vector.extract_strided_slice %min3A_154 {offsets = [15], sizes = [1], strides = [1]} : vector<16xi32> to vector<1xi32>
      %squeeze3A_1557 = vector.extract %slice3A_1556[0] : i32 from vector<1xi32>
      %shift_right_arithmetic3A_1558 = arith.constant 2 : i32
      %shift_right_arithmetic3A_1559 = arith.shrsi %squeeze3A_1557, %shift_right_arithmetic3A_1558 : i32
      %slice3A_1560 = vector.extract_strided_slice %mul3A_169 {offsets = [15], sizes = [1], strides = [1]} : vector<16xi32> to vector<1xi32>
      %squeeze3A_1561 = vector.extract %slice3A_1560[0] : i32 from vector<1xi32>
      %add3A_1562 = arith.constant 16 : i32
      %add3A_1563 = arith.addi %squeeze3A_1561, %add3A_1562 : i32
      %get3A_1564 = arith.index_cast %shift_right_arithmetic3A_1559 : i32 to index
      %get3A_1565 = arith.index_cast %add3A_1563 : i32 to index
      %get3A_1566 = tpu.vector_load %arg16[%get3A_1564, %get3A_1565] {strides = array<i32>} : memref<16x128xf32, #tpu.memory_space<vmem>>, vector<16xf32>,
      %slice3A_1567 = vector.extract_strided_slice %min3A_163 {offsets = [15], sizes = [1], strides = [1]} : vector<16xi32> to vector<1xi32>
      %squeeze3A_1568 = vector.extract %slice3A_1567[0] : i32 from vector<1xi32>
      %shift_right_arithmetic3A_1569 = arith.constant 2 : i32
      %shift_right_arithmetic3A_1570 = arith.shrsi %squeeze3A_1568, %shift_right_arithmetic3A_1569 : i32
      %slice3A_1571 = vector.extract_strided_slice %mul3A_175 {offsets = [15], sizes = [1], strides = [1]} : vector<16xi32> to vector<1xi32>
      %squeeze3A_1572 = vector.extract %slice3A_1571[0] : i32 from vector<1xi32>
      %get3A_1573 = arith.index_cast %shift_right_arithmetic3A_1570 : i32 to index
      %get3A_1574 = arith.index_cast %squeeze3A_1572 : i32 to index
      %get3A_1575 = tpu.vector_load %arg17[%get3A_1573, %get3A_1574] {strides = array<i32>} : memref<16x128xf32, #tpu.memory_space<vmem>>, vector<16xf32>,
      %slice3A_1576 = vector.extract_strided_slice %min3A_163 {offsets = [15], sizes = [1], strides = [1]} : vector<16xi32> to vector<1xi32>
      %squeeze3A_1577 = vector.extract %slice3A_1576[0] : i32 from vector<1xi32>
      %shift_right_arithmetic3A_1578 = arith.constant 2 : i32
      %shift_right_arithmetic3A_1579 = arith.shrsi %squeeze3A_1577, %shift_right_arithmetic3A_1578 : i32
      %slice3A_1580 = vector.extract_strided_slice %mul3A_175 {offsets = [15], sizes = [1], strides = [1]} : vector<16xi32> to vector<1xi32>
      %squeeze3A_1581 = vector.extract %slice3A_1580[0] : i32 from vector<1xi32>
      %add3A_1582 = arith.constant 16 : i32
      %add3A_1583 = arith.addi %squeeze3A_1581, %add3A_1582 : i32
      %get3A_1584 = arith.index_cast %shift_right_arithmetic3A_1579 : i32 to index
      %get3A_1585 = arith.index_cast %add3A_1583 : i32 to index
      %get3A_1586 = tpu.vector_load %arg17[%get3A_1584, %get3A_1585] {strides = array<i32>} : memref<16x128xf32, #tpu.memory_space<vmem>>, vector<16xf32>,
      %slice3A_1587 = vector.extract_strided_slice %get3A_134 {offsets = [15], sizes = [1], strides = [1]} : vector<16xi32> to vector<1xi32>
      %squeeze3A_1588 = vector.extract %slice3A_1587[0] : i32 from vector<1xi32>
      %ge3A_1589 = arith.constant 999936 : i32
      %ge3A_1590 = arith.cmpi sge, %squeeze3A_1588, %ge3A_1589 : i32
      %slice3A_1591 = vector.extract_strided_slice %get3A_137 {offsets = [15], sizes = [1], strides = [1]} : vector<16xi32> to vector<1xi32>
      %squeeze3A_1592 = vector.extract %slice3A_1591[0] : i32 from vector<1xi32>
      %ge3A_1593 = arith.constant 999936 : i32
      %ge3A_1594 = arith.cmpi sge, %squeeze3A_1592, %ge3A_1593 : i32
      %select_n3A_1595 = arith.select %ge3A_1590, %get3A_1555, %get3A_1533 : vector<16xf32>
      %select_n3A_1596 = arith.select %ge3A_1590, %get3A_1566, %get3A_1538 : vector<16xf32>
      %select_n3A_1597 = arith.select %ge3A_1594, %get3A_1575, %get3A_1541 : vector<16xf32>
      %select_n3A_1598 = arith.select %ge3A_1594, %get3A_1586, %get3A_1546 : vector<16xf32>
      %mul3A_1599 = arith.mulf %select_n3A_1595, %select_n3A_1597 : vector<16xf32>
      %mul3A_1600 = arith.mulf %mul3A_1599, %get3A_6 : vector<16xf32>
      %mul3A_1601 = arith.mulf %select_n3A_1596, %select_n3A_1598 : vector<16xf32>
      %mul3A_1602 = arith.mulf %mul3A_1601, %get3A_8 : vector<16xf32>
      %add3A_1603 = arith.addf %mul3A_1600, %mul3A_1602 : vector<16xf32>
      %reduce_sum3A_1604 = arith.constant true
      %reduce_sum3A_1605 = vector.broadcast %reduce_sum3A_1604 : i1 to vector<16xi1>
      %reduce_sum3A_1606 = tpu.scan <sum>, %add3A_1603 masked %reduce_sum3A_1605 : vector<16xf32>, vector<16xi1> -> vector<16xf32>
      %reduce_sum3A_1607 = vector.extract %reduce_sum3A_1606[15] : f32 from vector<16xf32>
      %eq3A_1608 = arith.constant 15 : i32
      %eq3A_1609 = vector.broadcast %eq3A_1608 : i32 to vector<16xi32>
      %eq3A_1610 = arith.cmpi eq, %iota3A, %eq3A_1609 : vector<16xi32>
      %broadcast_in_dim3A_1611 = vector.broadcast %reduce_sum3A_1607 : f32 to vector<16xf32>
      %select_n3A_1612 = arith.select %eq3A_1610, %broadcast_in_dim3A_1611, %select_n3A_1522 : vector<16xi1>, vector<16xf32>
      %add3A_1613 = vector.broadcast %squeeze3A : f32 to vector<16xf32>
      %add3A_1614 = arith.addf %select_n3A_1612, %add3A_1613 : vector<16xf32>
      %neg3A = arith.constant 0.000000e+00 : f32
      %neg3A_1615 = vector.broadcast %neg3A : f32 to vector<16xf32>
      %neg3A_1616 = arith.subf %neg3A_1615, %add3A_1614 : vector<16xf32>
      %exp3A = math.exp %neg3A_1616 : vector<16xf32>
      %add3A_1617 = arith.constant 1.000000e+00 : f32
      %add3A_1618 = vector.broadcast %add3A_1617 : f32 to vector<16xf32>
      %add3A_1619 = arith.addf %add3A_1618, %exp3A : vector<16xf32>
      %div3A = arith.constant 1.000000e+00 : f32
      %div3A_1620 = vector.broadcast %div3A : f32 to vector<16xf32>
      %div3A_1621 = arith.divf %div3A_1620, %add3A_1619 : vector<16xf32>
      %mul3A_1622 = arith.constant 16 : i32
      %mul3A_1623 = arith.muli %scan3A_125, %mul3A_1622 : i32
      %add3A_1624 = arith.constant 0 : i32
      %add3A_1625 = arith.addi %add3A_1624, %mul3A_1623 : i32
      %swap3A = arith.index_cast %add3A_1625 : i32 to index
      %swap3A_1626 = tpu.vector_load %arg19[%swap3A] {strides = array<i32>} : memref<512xf32, #tpu.memory_space<vmem>>, vector<16xf32>,
      tpu.vector_store %arg19[%swap3A], %div3A_1621 {strides = array<i32>} : memref<512xf32, #tpu.memory_space<vmem>>, vector<16xf32>,
    }
    %scan3A_66 = arith.constant 16 : i32
    %dma_start3A_67 = arith.constant 2 : i32
    %dma_start3A_68 = arith.constant 0 : i32
    %dma_start3A_69 = arith.constant 0 : i32
    %dma_start3A_70 = tpu.memref_slice %arg14[%dma_start3A_68, %dma_start3A_69] : memref<256x128xf32, #tpu.memory_space<vmem>> -> memref<128x128xf32, #tpu.memory_space<vmem>>
    %dma_start3A_71 = arith.constant 0 : i32
    %dma_start3A_72 = tpu.memref_slice %arg12[%dma_start3A_67, %dma_start3A_71] : memref<4x128xi32, #tpu.memory_space<vmem>> -> memref<1x128xi32, #tpu.memory_space<vmem>>
    %dma_start3A_73 = tpu.memref_squeeze %dma_start3A_72 : memref<1x128xi32, #tpu.memory_space<vmem>> -> memref<128xi32, #tpu.memory_space<vmem>>
    %dma_start3A_74 = arith.constant 0 : i32
    %dma_start3A_75 = arith.constant 0 : i32
    %dma_start3A_76 = tpu.memref_slice %arg4[%dma_start3A_74, %dma_start3A_75] : memref<249984x128xf32, #tpu.memory_space<hbm>> -> memref<249984x128xf32, #tpu.memory_space<hbm>>
    tpu.enqueue_indirect_dma source(%dma_start3A_76 : memref<249984x128xf32, #tpu.memory_space<hbm>>) target(%dma_start3A_70 : memref<128x128xf32, #tpu.memory_space<vmem>>) offsets(%dma_start3A_73 : memref<128xi32, #tpu.memory_space<vmem>>) semaphore(%arg20 : memref<!tpu.dma_semaphore, #tpu.memory_space<semaphore_mem>>)
    %dma_start3A_77 = arith.constant 2 : i32
    %dma_start3A_78 = arith.constant 0 : i32
    %dma_start3A_79 = arith.constant 0 : i32
    %dma_start3A_80 = tpu.memref_slice %arg15[%dma_start3A_78, %dma_start3A_79] : memref<256x128xf32, #tpu.memory_space<vmem>> -> memref<128x128xf32, #tpu.memory_space<vmem>>
    %dma_start3A_81 = arith.constant 0 : i32
    %dma_start3A_82 = tpu.memref_slice %arg13[%dma_start3A_77, %dma_start3A_81] : memref<4x128xi32, #tpu.memory_space<vmem>> -> memref<1x128xi32, #tpu.memory_space<vmem>>
    %dma_start3A_83 = tpu.memref_squeeze %dma_start3A_82 : memref<1x128xi32, #tpu.memory_space<vmem>> -> memref<128xi32, #tpu.memory_space<vmem>>
    %dma_start3A_84 = arith.constant 0 : i32
    %dma_start3A_85 = arith.constant 0 : i32
    %dma_start3A_86 = tpu.memref_slice %arg5[%dma_start3A_84, %dma_start3A_85] : memref<249984x128xf32, #tpu.memory_space<hbm>> -> memref<249984x128xf32, #tpu.memory_space<hbm>>
    tpu.enqueue_indirect_dma source(%dma_start3A_86 : memref<249984x128xf32, #tpu.memory_space<hbm>>) target(%dma_start3A_80 : memref<128x128xf32, #tpu.memory_space<vmem>>) offsets(%dma_start3A_83 : memref<128xi32, #tpu.memory_space<vmem>>) semaphore(%arg21 : memref<!tpu.dma_semaphore, #tpu.memory_space<semaphore_mem>>)
    %dma_start3A_87 = arith.constant 3 : i32
    %dma_start3A_88 = arith.constant 128 : i32
    %dma_start3A_89 = arith.constant 0 : i32
    %dma_start3A_90 = tpu.memref_slice %arg14[%dma_start3A_88, %dma_start3A_89] : memref<256x128xf32, #tpu.memory_space<vmem>> -> memref<128x128xf32, #tpu.memory_space<vmem>>
    %dma_start3A_91 = arith.constant 0 : i32
    %dma_start3A_92 = tpu.memref_slice %arg12[%dma_start3A_87, %dma_start3A_91] : memref<4x128xi32, #tpu.memory_space<vmem>> -> memref<1x128xi32, #tpu.memory_space<vmem>>
    %dma_start3A_93 = tpu.memref_squeeze %dma_start3A_92 : memref<1x128xi32, #tpu.memory_space<vmem>> -> memref<128xi32, #tpu.memory_space<vmem>>
    %dma_start3A_94 = arith.constant 0 : i32
    %dma_start3A_95 = arith.constant 0 : i32
    %dma_start3A_96 = tpu.memref_slice %arg4[%dma_start3A_94, %dma_start3A_95] : memref<249984x128xf32, #tpu.memory_space<hbm>> -> memref<249984x128xf32, #tpu.memory_space<hbm>>
    tpu.enqueue_indirect_dma source(%dma_start3A_96 : memref<249984x128xf32, #tpu.memory_space<hbm>>) target(%dma_start3A_90 : memref<128x128xf32, #tpu.memory_space<vmem>>) offsets(%dma_start3A_93 : memref<128xi32, #tpu.memory_space<vmem>>) semaphore(%arg20 : memref<!tpu.dma_semaphore, #tpu.memory_space<semaphore_mem>>)
    %dma_start3A_97 = arith.constant 3 : i32
    %dma_start3A_98 = arith.constant 128 : i32
    %dma_start3A_99 = arith.constant 0 : i32
    %dma_start3A_100 = tpu.memref_slice %arg15[%dma_start3A_98, %dma_start3A_99] : memref<256x128xf32, #tpu.memory_space<vmem>> -> memref<128x128xf32, #tpu.memory_space<vmem>>
    %dma_start3A_101 = arith.constant 0 : i32
    %dma_start3A_102 = tpu.memref_slice %arg13[%dma_start3A_97, %dma_start3A_101] : memref<4x128xi32, #tpu.memory_space<vmem>> -> memref<1x128xi32, #tpu.memory_space<vmem>>
    %dma_start3A_103 = tpu.memref_squeeze %dma_start3A_102 : memref<1x128xi32, #tpu.memory_space<vmem>> -> memref<128xi32, #tpu.memory_space<vmem>>
    %dma_start3A_104 = arith.constant 0 : i32
    %dma_start3A_105 = arith.constant 0 : i32
    %dma_start3A_106 = tpu.memref_slice %arg5[%dma_start3A_104, %dma_start3A_105] : memref<249984x128xf32, #tpu.memory_space<hbm>> -> memref<249984x128xf32, #tpu.memory_space<hbm>>
    tpu.enqueue_indirect_dma source(%dma_start3A_106 : memref<249984x128xf32, #tpu.memory_space<hbm>>) target(%dma_start3A_100 : memref<128x128xf32, #tpu.memory_space<vmem>>) offsets(%dma_start3A_103 : memref<128xi32, #tpu.memory_space<vmem>>) semaphore(%arg21 : memref<!tpu.dma_semaphore, #tpu.memory_space<semaphore_mem>>)
    %dma_wait3A_107 = arith.constant 0 : i32
    %dma_wait3A_108 = arith.constant 0 : i32
    %dma_wait3A_109 = tpu.memref_slice %arg4[%dma_wait3A_107, %dma_wait3A_108] : memref<249984x128xf32, #tpu.memory_space<hbm>> -> memref<256x128xf32, #tpu.memory_space<hbm>>
    %dma_wait3A_110 = arith.constant 0 : i32
    %dma_wait3A_111 = arith.constant 0 : i32
    %dma_wait3A_112 = tpu.memref_slice %arg4[%dma_wait3A_110, %dma_wait3A_111] : memref<249984x128xf32, #tpu.memory_space<hbm>> -> memref<256x128xf32, #tpu.memory_space<hbm>>
    tpu.wait_dma2 semaphore(%arg20 : memref<!tpu.dma_semaphore, #tpu.memory_space<semaphore_mem>>) src(%dma_wait3A_112 : memref<256x128xf32, #tpu.memory_space<hbm>>) dst(%arg14 : memref<256x128xf32, #tpu.memory_space<vmem>>)
    %dma_wait3A_113 = arith.constant 0 : i32
    %dma_wait3A_114 = arith.constant 0 : i32
    %dma_wait3A_115 = tpu.memref_slice %arg5[%dma_wait3A_113, %dma_wait3A_114] : memref<249984x128xf32, #tpu.memory_space<hbm>> -> memref<256x128xf32, #tpu.memory_space<hbm>>
    %dma_wait3A_116 = arith.constant 0 : i32
    %dma_wait3A_117 = arith.constant 0 : i32
    %dma_wait3A_118 = tpu.memref_slice %arg5[%dma_wait3A_116, %dma_wait3A_117] : memref<249984x128xf32, #tpu.memory_space<hbm>> -> memref<256x128xf32, #tpu.memory_space<hbm>>
    tpu.wait_dma2 semaphore(%arg21 : memref<!tpu.dma_semaphore, #tpu.memory_space<semaphore_mem>>) src(%dma_wait3A_118 : memref<256x128xf32, #tpu.memory_space<hbm>>) dst(%arg15 : memref<256x128xf32, #tpu.memory_space<vmem>>)
    %scan3A_119 = arith.constant 0 : i32
    %scan3A_120 = arith.constant 0 : i32
    %scan3A_121 = arith.constant 16 : i32
    %scan3A_122 = arith.addi %scan3A_120, %scan3A_121 : i32
    %scan3A_123 = arith.constant 1 : i32
    scf.for %scan3A_125 = %scan3A_120 to %scan3A_122 step %scan3A_123  : i32 {
      %mul3A_126 = arith.constant 16 : i32
      %mul3A_127 = arith.muli %scan3A_125, %mul3A_126 : i32
      %add3A_128 = arith.constant 256 : i32
      %add3A_129 = arith.addi %add3A_128, %mul3A_127 : i32
      %shift_right_arithmetic3A = arith.constant 7 : i32
      %shift_right_arithmetic3A_130 = arith.shrsi %add3A_129, %shift_right_arithmetic3A : i32
      %and3A = arith.constant 127 : i32
      %and3A_131 = arith.andi %add3A_129, %and3A : i32
      %get3A_132 = arith.index_cast %shift_right_arithmetic3A_130 : i32 to index
      %get3A_133 = arith.index_cast %and3A_131 : i32 to index
      %get3A_134 = tpu.vector_load %arg10[%get3A_132, %get3A_133] {strides = array<i32>} : memref<4x128xi32, #tpu.memory_space<vmem>>, vector<16xi32>,
      %get3A_135 = arith.index_cast %shift_right_arithmetic3A_130 : i32 to index
      %get3A_136 = arith.index_cast %and3A_131 : i32 to index
      %get3A_137 = tpu.vector_load %arg11[%get3A_135, %get3A_136] {strides = array<i32>} : memref<4x128xi32, #tpu.memory_space<vmem>>, vector<16xi32>,
      %and3A_138 = arith.constant 3 : i32
      %and3A_139 = vector.broadcast %and3A_138 : i32 to vector<16xi32>
      %and3A_140 = arith.andi %get3A_134, %and3A_139 : vector<16xi32>
      %mul3A_141 = arith.constant 32 : i32
      %mul3A_142 = vector.broadcast %mul3A_141 : i32 to vector<16xi32>
      %mul3A_143 = arith.muli %and3A_140, %mul3A_142 : vector<16xi32>
      %and3A_144 = arith.constant 3 : i32
      %and3A_145 = vector.broadcast %and3A_144 : i32 to vector<16xi32>
      %and3A_146 = arith.andi %get3A_137, %and3A_145 : vector<16xi32>
      %mul3A_147 = arith.constant 32 : i32
      %mul3A_148 = vector.broadcast %mul3A_147 : i32 to vector<16xi32>
      %mul3A_149 = arith.muli %and3A_146, %mul3A_148 : vector<16xi32>
      %sub3A = arith.constant 999936 : i32
      %sub3A_150 = vector.broadcast %sub3A : i32 to vector<16xi32>
      %sub3A_151 = arith.subi %get3A_134, %sub3A_150 : vector<16xi32>
      %jit3A = arith.constant 0 : i32
      %jit3A_152 = arith.constant 63 : i32
      %max3A = vector.broadcast %jit3A : i32 to vector<16xi32>
      %max3A_153 = arith.maxsi %max3A, %sub3A_151 : vector<16xi32>
      %min3A = vector.broadcast %jit3A_152 : i32 to vector<16xi32>
      %min3A_154 = arith.minsi %min3A, %max3A_153 : vector<16xi32>
      %sub3A_155 = arith.constant 999936 : i32
      %sub3A_156 = vector.broadcast %sub3A_155 : i32 to vector<16xi32>
      %sub3A_157 = arith.subi %get3A_137, %sub3A_156 : vector<16xi32>
      %jit3A_158 = arith.constant 0 : i32
      %jit3A_159 = arith.constant 63 : i32
      %max3A_160 = vector.broadcast %jit3A_158 : i32 to vector<16xi32>
      %max3A_161 = arith.maxsi %max3A_160, %sub3A_157 : vector<16xi32>
      %min3A_162 = vector.broadcast %jit3A_159 : i32 to vector<16xi32>
      %min3A_163 = arith.minsi %min3A_162, %max3A_161 : vector<16xi32>
      %and3A_164 = arith.constant 3 : i32
      %and3A_165 = vector.broadcast %and3A_164 : i32 to vector<16xi32>
      %and3A_166 = arith.andi %min3A_154, %and3A_165 : vector<16xi32>
      %mul3A_167 = arith.constant 32 : i32
      %mul3A_168 = vector.broadcast %mul3A_167 : i32 to vector<16xi32>
      %mul3A_169 = arith.muli %and3A_166, %mul3A_168 : vector<16xi32>
      %and3A_170 = arith.constant 3 : i32
      %and3A_171 = vector.broadcast %and3A_170 : i32 to vector<16xi32>
      %and3A_172 = arith.andi %min3A_163, %and3A_171 : vector<16xi32>
      %mul3A_173 = arith.constant 32 : i32
      %mul3A_174 = vector.broadcast %mul3A_173 : i32 to vector<16xi32>
      %mul3A_175 = arith.muli %and3A_172, %mul3A_174 : vector<16xi32>
      %broadcast_in_dim3A = arith.constant 0.000000e+00 : f32
      %broadcast_in_dim3A_176 = vector.broadcast %broadcast_in_dim3A : f32 to vector<16xf32>
      %mul3A_177 = arith.constant 16 : i32
      %mul3A_178 = arith.muli %scan3A_125, %mul3A_177 : i32
      %add3A_179 = arith.constant 0 : i32
      %add3A_180 = arith.addi %mul3A_178, %add3A_179 : i32
      %slice3A_181 = vector.extract_strided_slice %mul3A_143 {offsets = [0], sizes = [1], strides = [1]} : vector<16xi32> to vector<1xi32>
      %squeeze3A_182 = vector.extract %slice3A_181[0] : i32 from vector<1xi32>
      %slice3A_183 = vector.extract_strided_slice %mul3A_149 {offsets = [0], sizes = [1], strides = [1]} : vector<16xi32> to vector<1xi32>
      %squeeze3A_184 = vector.extract %slice3A_183[0] : i32 from vector<1xi32>
      %get3A_185 = arith.index_cast %add3A_180 : i32 to index
      %get3A_186 = arith.index_cast %squeeze3A_182 : i32 to index
      %get3A_187 = tpu.vector_load %arg14[%get3A_185, %get3A_186] {strides = array<i32>} : memref<256x128xf32, #tpu.memory_space<vmem>>, vector<16xf32>,
      %add3A_188 = arith.constant 16 : i32
      %add3A_189 = arith.addi %squeeze3A_182, %add3A_188 : i32
      %get3A_190 = arith.index_cast %add3A_180 : i32 to index
      %get3A_191 = arith.index_cast %add3A_189 : i32 to index
      %get3A_192 = tpu.vector_load %arg14[%get3A_190, %get3A_191] {strides = array<i32>} : memref<256x128xf32, #tpu.memory_space<vmem>>, vector<16xf32>,
      %get3A_193 = arith.index_cast %add3A_180 : i32 to index
      %get3A_194 = arith.index_cast %squeeze3A_184 : i32 to index
      %get3A_195 = tpu.vector_load %arg15[%get3A_193, %get3A_194] {strides = array<i32>} : memref<256x128xf32, #tpu.memory_space<vmem>>, vector<16xf32>,
      %add3A_196 = arith.constant 16 : i32
      %add3A_197 = arith.addi %squeeze3A_184, %add3A_196 : i32
      %get3A_198 = arith.index_cast %add3A_180 : i32 to index
      %get3A_199 = arith.index_cast %add3A_197 : i32 to index
      %get3A_200 = tpu.vector_load %arg15[%get3A_198, %get3A_199] {strides = array<i32>} : memref<256x128xf32, #tpu.memory_space<vmem>>, vector<16xf32>,
      %slice3A_201 = vector.extract_strided_slice %min3A_154 {offsets = [0], sizes = [1], strides = [1]} : vector<16xi32> to vector<1xi32>
      %squeeze3A_202 = vector.extract %slice3A_201[0] : i32 from vector<1xi32>
      %shift_right_arithmetic3A_203 = arith.constant 2 : i32
      %shift_right_arithmetic3A_204 = arith.shrsi %squeeze3A_202, %shift_right_arithmetic3A_203 : i32
      %slice3A_205 = vector.extract_strided_slice %mul3A_169 {offsets = [0], sizes = [1], strides = [1]} : vector<16xi32> to vector<1xi32>
      %squeeze3A_206 = vector.extract %slice3A_205[0] : i32 from vector<1xi32>
      %get3A_207 = arith.index_cast %shift_right_arithmetic3A_204 : i32 to index
      %get3A_208 = arith.index_cast %squeeze3A_206 : i32 to index
      %get3A_209 = tpu.vector_load %arg16[%get3A_207, %get3A_208] {strides = array<i32>} : memref<16x128xf32, #tpu.memory_space<vmem>>, vector<16xf32>,
      %slice3A_210 = vector.extract_strided_slice %min3A_154 {offsets = [0], sizes = [1], strides = [1]} : vector<16xi32> to vector<1xi32>
      %squeeze3A_211 = vector.extract %slice3A_210[0] : i32 from vector<1xi32>
      %shift_right_arithmetic3A_212 = arith.constant 2 : i32
      %shift_right_arithmetic3A_213 = arith.shrsi %squeeze3A_211, %shift_right_arithmetic3A_212 : i32
      %slice3A_214 = vector.extract_strided_slice %mul3A_169 {offsets = [0], sizes = [1], strides = [1]} : vector<16xi32> to vector<1xi32>
      %squeeze3A_215 = vector.extract %slice3A_214[0] : i32 from vector<1xi32>
      %add3A_216 = arith.constant 16 : i32
      %add3A_217 = arith.addi %squeeze3A_215, %add3A_216 : i32
      %get3A_218 = arith.index_cast %shift_right_arithmetic3A_213 : i32 to index
      %get3A_219 = arith.index_cast %add3A_217 : i32 to index
      %get3A_220 = tpu.vector_load %arg16[%get3A_218, %get3A_219] {strides = array<i32>} : memref<16x128xf32, #tpu.memory_space<vmem>>, vector<16xf32>,
      %slice3A_221 = vector.extract_strided_slice %min3A_163 {offsets = [0], sizes = [1], strides = [1]} : vector<16xi32> to vector<1xi32>
      %squeeze3A_222 = vector.extract %slice3A_221[0] : i32 from vector<1xi32>
      %shift_right_arithmetic3A_223 = arith.constant 2 : i32
      %shift_right_arithmetic3A_224 = arith.shrsi %squeeze3A_222, %shift_right_arithmetic3A_223 : i32
      %slice3A_225 = vector.extract_strided_slice %mul3A_175 {offsets = [0], sizes = [1], strides = [1]} : vector<16xi32> to vector<1xi32>
      %squeeze3A_226 = vector.extract %slice3A_225[0] : i32 from vector<1xi32>
      %get3A_227 = arith.index_cast %shift_right_arithmetic3A_224 : i32 to index
      %get3A_228 = arith.index_cast %squeeze3A_226 : i32 to index
      %get3A_229 = tpu.vector_load %arg17[%get3A_227, %get3A_228] {strides = array<i32>} : memref<16x128xf32, #tpu.memory_space<vmem>>, vector<16xf32>,
      %slice3A_230 = vector.extract_strided_slice %min3A_163 {offsets = [0], sizes = [1], strides = [1]} : vector<16xi32> to vector<1xi32>
      %squeeze3A_231 = vector.extract %slice3A_230[0] : i32 from vector<1xi32>
      %shift_right_arithmetic3A_232 = arith.constant 2 : i32
      %shift_right_arithmetic3A_233 = arith.shrsi %squeeze3A_231, %shift_right_arithmetic3A_232 : i32
      %slice3A_234 = vector.extract_strided_slice %mul3A_175 {offsets = [0], sizes = [1], strides = [1]} : vector<16xi32> to vector<1xi32>
      %squeeze3A_235 = vector.extract %slice3A_234[0] : i32 from vector<1xi32>
      %add3A_236 = arith.constant 16 : i32
      %add3A_237 = arith.addi %squeeze3A_235, %add3A_236 : i32
      %get3A_238 = arith.index_cast %shift_right_arithmetic3A_233 : i32 to index
      %get3A_239 = arith.index_cast %add3A_237 : i32 to index
      %get3A_240 = tpu.vector_load %arg17[%get3A_238, %get3A_239] {strides = array<i32>} : memref<16x128xf32, #tpu.memory_space<vmem>>, vector<16xf32>,
      %slice3A_241 = vector.extract_strided_slice %get3A_134 {offsets = [0], sizes = [1], strides = [1]} : vector<16xi32> to vector<1xi32>
      %squeeze3A_242 = vector.extract %slice3A_241[0] : i32 from vector<1xi32>
      %ge3A = arith.constant 999936 : i32
      %ge3A_243 = arith.cmpi sge, %squeeze3A_242, %ge3A : i32
      %slice3A_244 = vector.extract_strided_slice %get3A_137 {offsets = [0], sizes = [1], strides = [1]} : vector<16xi32> to vector<1xi32>
      %squeeze3A_245 = vector.extract %slice3A_244[0] : i32 from vector<1xi32>
      %ge3A_246 = arith.constant 999936 : i32
      %ge3A_247 = arith.cmpi sge, %squeeze3A_245, %ge3A_246 : i32
      %select_n3A = arith.select %ge3A_243, %get3A_209, %get3A_187 : vector<16xf32>
      %select_n3A_248 = arith.select %ge3A_243, %get3A_220, %get3A_192 : vector<16xf32>
      %select_n3A_249 = arith.select %ge3A_247, %get3A_229, %get3A_195 : vector<16xf32>
      %select_n3A_250 = arith.select %ge3A_247, %get3A_240, %get3A_200 : vector<16xf32>
      %mul3A_251 = arith.mulf %select_n3A, %select_n3A_249 : vector<16xf32>
      %mul3A_252 = arith.mulf %mul3A_251, %get3A_6 : vector<16xf32>
      %mul3A_253 = arith.mulf %select_n3A_248, %select_n3A_250 : vector<16xf32>
      %mul3A_254 = arith.mulf %mul3A_253, %get3A_8 : vector<16xf32>
      %add3A_255 = arith.addf %mul3A_252, %mul3A_254 : vector<16xf32>
      %reduce_sum3A = arith.constant true
      %reduce_sum3A_256 = vector.broadcast %reduce_sum3A : i1 to vector<16xi1>
      %reduce_sum3A_257 = tpu.scan <sum>, %add3A_255 masked %reduce_sum3A_256 : vector<16xf32>, vector<16xi1> -> vector<16xf32>
      %reduce_sum3A_258 = vector.extract %reduce_sum3A_257[15] : f32 from vector<16xf32>
      %eq3A = arith.constant 0 : i32
      %eq3A_259 = vector.broadcast %eq3A : i32 to vector<16xi32>
      %eq3A_260 = arith.cmpi eq, %iota3A, %eq3A_259 : vector<16xi32>
      %broadcast_in_dim3A_261 = vector.broadcast %reduce_sum3A_258 : f32 to vector<16xf32>
      %select_n3A_262 = arith.select %eq3A_260, %broadcast_in_dim3A_261, %broadcast_in_dim3A_176 : vector<16xi1>, vector<16xf32>
      %mul3A_263 = arith.constant 16 : i32
      %mul3A_264 = arith.muli %scan3A_125, %mul3A_263 : i32
      %add3A_265 = arith.constant 1 : i32
      %add3A_266 = arith.addi %mul3A_264, %add3A_265 : i32
      %slice3A_267 = vector.extract_strided_slice %mul3A_143 {offsets = [1], sizes = [1], strides = [1]} : vector<16xi32> to vector<1xi32>
      %squeeze3A_268 = vector.extract %slice3A_267[0] : i32 from vector<1xi32>
      %slice3A_269 = vector.extract_strided_slice %mul3A_149 {offsets = [1], sizes = [1], strides = [1]} : vector<16xi32> to vector<1xi32>
      %squeeze3A_270 = vector.extract %slice3A_269[0] : i32 from vector<1xi32>
      %get3A_271 = arith.index_cast %add3A_266 : i32 to index
      %get3A_272 = arith.index_cast %squeeze3A_268 : i32 to index
      %get3A_273 = tpu.vector_load %arg14[%get3A_271, %get3A_272] {strides = array<i32>} : memref<256x128xf32, #tpu.memory_space<vmem>>, vector<16xf32>,
      %add3A_274 = arith.constant 16 : i32
      %add3A_275 = arith.addi %squeeze3A_268, %add3A_274 : i32
      %get3A_276 = arith.index_cast %add3A_266 : i32 to index
      %get3A_277 = arith.index_cast %add3A_275 : i32 to index
      %get3A_278 = tpu.vector_load %arg14[%get3A_276, %get3A_277] {strides = array<i32>} : memref<256x128xf32, #tpu.memory_space<vmem>>, vector<16xf32>,
      %get3A_279 = arith.index_cast %add3A_266 : i32 to index
      %get3A_280 = arith.index_cast %squeeze3A_270 : i32 to index
      %get3A_281 = tpu.vector_load %arg15[%get3A_279, %get3A_280] {strides = array<i32>} : memref<256x128xf32, #tpu.memory_space<vmem>>, vector<16xf32>,
      %add3A_282 = arith.constant 16 : i32
      %add3A_283 = arith.addi %squeeze3A_270, %add3A_282 : i32
      %get3A_284 = arith.index_cast %add3A_266 : i32 to index
      %get3A_285 = arith.index_cast %add3A_283 : i32 to index
      %get3A_286 = tpu.vector_load %arg15[%get3A_284, %get3A_285] {strides = array<i32>} : memref<256x128xf32, #tpu.memory_space<vmem>>, vector<16xf32>,
      %slice3A_287 = vector.extract_strided_slice %min3A_154 {offsets = [1], sizes = [1], strides = [1]} : vector<16xi32> to vector<1xi32>
      %squeeze3A_288 = vector.extract %slice3A_287[0] : i32 from vector<1xi32>
      %shift_right_arithmetic3A_289 = arith.constant 2 : i32
      %shift_right_arithmetic3A_290 = arith.shrsi %squeeze3A_288, %shift_right_arithmetic3A_289 : i32
      %slice3A_291 = vector.extract_strided_slice %mul3A_169 {offsets = [1], sizes = [1], strides = [1]} : vector<16xi32> to vector<1xi32>
      %squeeze3A_292 = vector.extract %slice3A_291[0] : i32 from vector<1xi32>
      %get3A_293 = arith.index_cast %shift_right_arithmetic3A_290 : i32 to index
      %get3A_294 = arith.index_cast %squeeze3A_292 : i32 to index
      %get3A_295 = tpu.vector_load %arg16[%get3A_293, %get3A_294] {strides = array<i32>} : memref<16x128xf32, #tpu.memory_space<vmem>>, vector<16xf32>,
      %slice3A_296 = vector.extract_strided_slice %min3A_154 {offsets = [1], sizes = [1], strides = [1]} : vector<16xi32> to vector<1xi32>
      %squeeze3A_297 = vector.extract %slice3A_296[0] : i32 from vector<1xi32>
      %shift_right_arithmetic3A_298 = arith.constant 2 : i32
      %shift_right_arithmetic3A_299 = arith.shrsi %squeeze3A_297, %shift_right_arithmetic3A_298 : i32
      %slice3A_300 = vector.extract_strided_slice %mul3A_169 {offsets = [1], sizes = [1], strides = [1]} : vector<16xi32> to vector<1xi32>
      %squeeze3A_301 = vector.extract %slice3A_300[0] : i32 from vector<1xi32>
      %add3A_302 = arith.constant 16 : i32
      %add3A_303 = arith.addi %squeeze3A_301, %add3A_302 : i32
      %get3A_304 = arith.index_cast %shift_right_arithmetic3A_299 : i32 to index
      %get3A_305 = arith.index_cast %add3A_303 : i32 to index
      %get3A_306 = tpu.vector_load %arg16[%get3A_304, %get3A_305] {strides = array<i32>} : memref<16x128xf32, #tpu.memory_space<vmem>>, vector<16xf32>,
      %slice3A_307 = vector.extract_strided_slice %min3A_163 {offsets = [1], sizes = [1], strides = [1]} : vector<16xi32> to vector<1xi32>
      %squeeze3A_308 = vector.extract %slice3A_307[0] : i32 from vector<1xi32>
      %shift_right_arithmetic3A_309 = arith.constant 2 : i32
      %shift_right_arithmetic3A_310 = arith.shrsi %squeeze3A_308, %shift_right_arithmetic3A_309 : i32
      %slice3A_311 = vector.extract_strided_slice %mul3A_175 {offsets = [1], sizes = [1], strides = [1]} : vector<16xi32> to vector<1xi32>
      %squeeze3A_312 = vector.extract %slice3A_311[0] : i32 from vector<1xi32>
      %get3A_313 = arith.index_cast %shift_right_arithmetic3A_310 : i32 to index
      %get3A_314 = arith.index_cast %squeeze3A_312 : i32 to index
      %get3A_315 = tpu.vector_load %arg17[%get3A_313, %get3A_314] {strides = array<i32>} : memref<16x128xf32, #tpu.memory_space<vmem>>, vector<16xf32>,
      %slice3A_316 = vector.extract_strided_slice %min3A_163 {offsets = [1], sizes = [1], strides = [1]} : vector<16xi32> to vector<1xi32>
      %squeeze3A_317 = vector.extract %slice3A_316[0] : i32 from vector<1xi32>
      %shift_right_arithmetic3A_318 = arith.constant 2 : i32
      %shift_right_arithmetic3A_319 = arith.shrsi %squeeze3A_317, %shift_right_arithmetic3A_318 : i32
      %slice3A_320 = vector.extract_strided_slice %mul3A_175 {offsets = [1], sizes = [1], strides = [1]} : vector<16xi32> to vector<1xi32>
      %squeeze3A_321 = vector.extract %slice3A_320[0] : i32 from vector<1xi32>
      %add3A_322 = arith.constant 16 : i32
      %add3A_323 = arith.addi %squeeze3A_321, %add3A_322 : i32
      %get3A_324 = arith.index_cast %shift_right_arithmetic3A_319 : i32 to index
      %get3A_325 = arith.index_cast %add3A_323 : i32 to index
      %get3A_326 = tpu.vector_load %arg17[%get3A_324, %get3A_325] {strides = array<i32>} : memref<16x128xf32, #tpu.memory_space<vmem>>, vector<16xf32>,
      %slice3A_327 = vector.extract_strided_slice %get3A_134 {offsets = [1], sizes = [1], strides = [1]} : vector<16xi32> to vector<1xi32>
      %squeeze3A_328 = vector.extract %slice3A_327[0] : i32 from vector<1xi32>
      %ge3A_329 = arith.constant 999936 : i32
      %ge3A_330 = arith.cmpi sge, %squeeze3A_328, %ge3A_329 : i32
      %slice3A_331 = vector.extract_strided_slice %get3A_137 {offsets = [1], sizes = [1], strides = [1]} : vector<16xi32> to vector<1xi32>
      %squeeze3A_332 = vector.extract %slice3A_331[0] : i32 from vector<1xi32>
      %ge3A_333 = arith.constant 999936 : i32
      %ge3A_334 = arith.cmpi sge, %squeeze3A_332, %ge3A_333 : i32
      %select_n3A_335 = arith.select %ge3A_330, %get3A_295, %get3A_273 : vector<16xf32>
      %select_n3A_336 = arith.select %ge3A_330, %get3A_306, %get3A_278 : vector<16xf32>
      %select_n3A_337 = arith.select %ge3A_334, %get3A_315, %get3A_281 : vector<16xf32>
      %select_n3A_338 = arith.select %ge3A_334, %get3A_326, %get3A_286 : vector<16xf32>
      %mul3A_339 = arith.mulf %select_n3A_335, %select_n3A_337 : vector<16xf32>
      %mul3A_340 = arith.mulf %mul3A_339, %get3A_6 : vector<16xf32>
      %mul3A_341 = arith.mulf %select_n3A_336, %select_n3A_338 : vector<16xf32>
      %mul3A_342 = arith.mulf %mul3A_341, %get3A_8 : vector<16xf32>
      %add3A_343 = arith.addf %mul3A_340, %mul3A_342 : vector<16xf32>
      %reduce_sum3A_344 = arith.constant true
      %reduce_sum3A_345 = vector.broadcast %reduce_sum3A_344 : i1 to vector<16xi1>
      %reduce_sum3A_346 = tpu.scan <sum>, %add3A_343 masked %reduce_sum3A_345 : vector<16xf32>, vector<16xi1> -> vector<16xf32>
      %reduce_sum3A_347 = vector.extract %reduce_sum3A_346[15] : f32 from vector<16xf32>
      %eq3A_348 = arith.constant 1 : i32
      %eq3A_349 = vector.broadcast %eq3A_348 : i32 to vector<16xi32>
      %eq3A_350 = arith.cmpi eq, %iota3A, %eq3A_349 : vector<16xi32>
      %broadcast_in_dim3A_351 = vector.broadcast %reduce_sum3A_347 : f32 to vector<16xf32>
      %select_n3A_352 = arith.select %eq3A_350, %broadcast_in_dim3A_351, %select_n3A_262 : vector<16xi1>, vector<16xf32>
      %mul3A_353 = arith.constant 16 : i32
      %mul3A_354 = arith.muli %scan3A_125, %mul3A_353 : i32
      %add3A_355 = arith.constant 2 : i32
      %add3A_356 = arith.addi %mul3A_354, %add3A_355 : i32
      %slice3A_357 = vector.extract_strided_slice %mul3A_143 {offsets = [2], sizes = [1], strides = [1]} : vector<16xi32> to vector<1xi32>
      %squeeze3A_358 = vector.extract %slice3A_357[0] : i32 from vector<1xi32>
      %slice3A_359 = vector.extract_strided_slice %mul3A_149 {offsets = [2], sizes = [1], strides = [1]} : vector<16xi32> to vector<1xi32>
      %squeeze3A_360 = vector.extract %slice3A_359[0] : i32 from vector<1xi32>
      %get3A_361 = arith.index_cast %add3A_356 : i32 to index
      %get3A_362 = arith.index_cast %squeeze3A_358 : i32 to index
      %get3A_363 = tpu.vector_load %arg14[%get3A_361, %get3A_362] {strides = array<i32>} : memref<256x128xf32, #tpu.memory_space<vmem>>, vector<16xf32>,
      %add3A_364 = arith.constant 16 : i32
      %add3A_365 = arith.addi %squeeze3A_358, %add3A_364 : i32
      %get3A_366 = arith.index_cast %add3A_356 : i32 to index
      %get3A_367 = arith.index_cast %add3A_365 : i32 to index
      %get3A_368 = tpu.vector_load %arg14[%get3A_366, %get3A_367] {strides = array<i32>} : memref<256x128xf32, #tpu.memory_space<vmem>>, vector<16xf32>,
      %get3A_369 = arith.index_cast %add3A_356 : i32 to index
      %get3A_370 = arith.index_cast %squeeze3A_360 : i32 to index
      %get3A_371 = tpu.vector_load %arg15[%get3A_369, %get3A_370] {strides = array<i32>} : memref<256x128xf32, #tpu.memory_space<vmem>>, vector<16xf32>,
      %add3A_372 = arith.constant 16 : i32
      %add3A_373 = arith.addi %squeeze3A_360, %add3A_372 : i32
      %get3A_374 = arith.index_cast %add3A_356 : i32 to index
      %get3A_375 = arith.index_cast %add3A_373 : i32 to index
      %get3A_376 = tpu.vector_load %arg15[%get3A_374, %get3A_375] {strides = array<i32>} : memref<256x128xf32, #tpu.memory_space<vmem>>, vector<16xf32>,
      %slice3A_377 = vector.extract_strided_slice %min3A_154 {offsets = [2], sizes = [1], strides = [1]} : vector<16xi32> to vector<1xi32>
      %squeeze3A_378 = vector.extract %slice3A_377[0] : i32 from vector<1xi32>
      %shift_right_arithmetic3A_379 = arith.constant 2 : i32
      %shift_right_arithmetic3A_380 = arith.shrsi %squeeze3A_378, %shift_right_arithmetic3A_379 : i32
      %slice3A_381 = vector.extract_strided_slice %mul3A_169 {offsets = [2], sizes = [1], strides = [1]} : vector<16xi32> to vector<1xi32>
      %squeeze3A_382 = vector.extract %slice3A_381[0] : i32 from vector<1xi32>
      %get3A_383 = arith.index_cast %shift_right_arithmetic3A_380 : i32 to index
      %get3A_384 = arith.index_cast %squeeze3A_382 : i32 to index
      %get3A_385 = tpu.vector_load %arg16[%get3A_383, %get3A_384] {strides = array<i32>} : memref<16x128xf32, #tpu.memory_space<vmem>>, vector<16xf32>,
      %slice3A_386 = vector.extract_strided_slice %min3A_154 {offsets = [2], sizes = [1], strides = [1]} : vector<16xi32> to vector<1xi32>
      %squeeze3A_387 = vector.extract %slice3A_386[0] : i32 from vector<1xi32>
      %shift_right_arithmetic3A_388 = arith.constant 2 : i32
      %shift_right_arithmetic3A_389 = arith.shrsi %squeeze3A_387, %shift_right_arithmetic3A_388 : i32
      %slice3A_390 = vector.extract_strided_slice %mul3A_169 {offsets = [2], sizes = [1], strides = [1]} : vector<16xi32> to vector<1xi32>
      %squeeze3A_391 = vector.extract %slice3A_390[0] : i32 from vector<1xi32>
      %add3A_392 = arith.constant 16 : i32
      %add3A_393 = arith.addi %squeeze3A_391, %add3A_392 : i32
      %get3A_394 = arith.index_cast %shift_right_arithmetic3A_389 : i32 to index
      %get3A_395 = arith.index_cast %add3A_393 : i32 to index
      %get3A_396 = tpu.vector_load %arg16[%get3A_394, %get3A_395] {strides = array<i32>} : memref<16x128xf32, #tpu.memory_space<vmem>>, vector<16xf32>,
      %slice3A_397 = vector.extract_strided_slice %min3A_163 {offsets = [2], sizes = [1], strides = [1]} : vector<16xi32> to vector<1xi32>
      %squeeze3A_398 = vector.extract %slice3A_397[0] : i32 from vector<1xi32>
      %shift_right_arithmetic3A_399 = arith.constant 2 : i32
      %shift_right_arithmetic3A_400 = arith.shrsi %squeeze3A_398, %shift_right_arithmetic3A_399 : i32
      %slice3A_401 = vector.extract_strided_slice %mul3A_175 {offsets = [2], sizes = [1], strides = [1]} : vector<16xi32> to vector<1xi32>
      %squeeze3A_402 = vector.extract %slice3A_401[0] : i32 from vector<1xi32>
      %get3A_403 = arith.index_cast %shift_right_arithmetic3A_400 : i32 to index
      %get3A_404 = arith.index_cast %squeeze3A_402 : i32 to index
      %get3A_405 = tpu.vector_load %arg17[%get3A_403, %get3A_404] {strides = array<i32>} : memref<16x128xf32, #tpu.memory_space<vmem>>, vector<16xf32>,
      %slice3A_406 = vector.extract_strided_slice %min3A_163 {offsets = [2], sizes = [1], strides = [1]} : vector<16xi32> to vector<1xi32>
      %squeeze3A_407 = vector.extract %slice3A_406[0] : i32 from vector<1xi32>
      %shift_right_arithmetic3A_408 = arith.constant 2 : i32
      %shift_right_arithmetic3A_409 = arith.shrsi %squeeze3A_407, %shift_right_arithmetic3A_408 : i32
      %slice3A_410 = vector.extract_strided_slice %mul3A_175 {offsets = [2], sizes = [1], strides = [1]} : vector<16xi32> to vector<1xi32>
      %squeeze3A_411 = vector.extract %slice3A_410[0] : i32 from vector<1xi32>
      %add3A_412 = arith.constant 16 : i32
      %add3A_413 = arith.addi %squeeze3A_411, %add3A_412 : i32
      %get3A_414 = arith.index_cast %shift_right_arithmetic3A_409 : i32 to index
      %get3A_415 = arith.index_cast %add3A_413 : i32 to index
      %get3A_416 = tpu.vector_load %arg17[%get3A_414, %get3A_415] {strides = array<i32>} : memref<16x128xf32, #tpu.memory_space<vmem>>, vector<16xf32>,
      %slice3A_417 = vector.extract_strided_slice %get3A_134 {offsets = [2], sizes = [1], strides = [1]} : vector<16xi32> to vector<1xi32>
      %squeeze3A_418 = vector.extract %slice3A_417[0] : i32 from vector<1xi32>
      %ge3A_419 = arith.constant 999936 : i32
      %ge3A_420 = arith.cmpi sge, %squeeze3A_418, %ge3A_419 : i32
      %slice3A_421 = vector.extract_strided_slice %get3A_137 {offsets = [2], sizes = [1], strides = [1]} : vector<16xi32> to vector<1xi32>
      %squeeze3A_422 = vector.extract %slice3A_421[0] : i32 from vector<1xi32>
      %ge3A_423 = arith.constant 999936 : i32
      %ge3A_424 = arith.cmpi sge, %squeeze3A_422, %ge3A_423 : i32
      %select_n3A_425 = arith.select %ge3A_420, %get3A_385, %get3A_363 : vector<16xf32>
      %select_n3A_426 = arith.select %ge3A_420, %get3A_396, %get3A_368 : vector<16xf32>
      %select_n3A_427 = arith.select %ge3A_424, %get3A_405, %get3A_371 : vector<16xf32>
      %select_n3A_428 = arith.select %ge3A_424, %get3A_416, %get3A_376 : vector<16xf32>
      %mul3A_429 = arith.mulf %select_n3A_425, %select_n3A_427 : vector<16xf32>
      %mul3A_430 = arith.mulf %mul3A_429, %get3A_6 : vector<16xf32>
      %mul3A_431 = arith.mulf %select_n3A_426, %select_n3A_428 : vector<16xf32>
      %mul3A_432 = arith.mulf %mul3A_431, %get3A_8 : vector<16xf32>
      %add3A_433 = arith.addf %mul3A_430, %mul3A_432 : vector<16xf32>
      %reduce_sum3A_434 = arith.constant true
      %reduce_sum3A_435 = vector.broadcast %reduce_sum3A_434 : i1 to vector<16xi1>
      %reduce_sum3A_436 = tpu.scan <sum>, %add3A_433 masked %reduce_sum3A_435 : vector<16xf32>, vector<16xi1> -> vector<16xf32>
      %reduce_sum3A_437 = vector.extract %reduce_sum3A_436[15] : f32 from vector<16xf32>
      %eq3A_438 = arith.constant 2 : i32
      %eq3A_439 = vector.broadcast %eq3A_438 : i32 to vector<16xi32>
      %eq3A_440 = arith.cmpi eq, %iota3A, %eq3A_439 : vector<16xi32>
      %broadcast_in_dim3A_441 = vector.broadcast %reduce_sum3A_437 : f32 to vector<16xf32>
      %select_n3A_442 = arith.select %eq3A_440, %broadcast_in_dim3A_441, %select_n3A_352 : vector<16xi1>, vector<16xf32>
      %mul3A_443 = arith.constant 16 : i32
      %mul3A_444 = arith.muli %scan3A_125, %mul3A_443 : i32
      %add3A_445 = arith.constant 3 : i32
      %add3A_446 = arith.addi %mul3A_444, %add3A_445 : i32
      %slice3A_447 = vector.extract_strided_slice %mul3A_143 {offsets = [3], sizes = [1], strides = [1]} : vector<16xi32> to vector<1xi32>
      %squeeze3A_448 = vector.extract %slice3A_447[0] : i32 from vector<1xi32>
      %slice3A_449 = vector.extract_strided_slice %mul3A_149 {offsets = [3], sizes = [1], strides = [1]} : vector<16xi32> to vector<1xi32>
      %squeeze3A_450 = vector.extract %slice3A_449[0] : i32 from vector<1xi32>
      %get3A_451 = arith.index_cast %add3A_446 : i32 to index
      %get3A_452 = arith.index_cast %squeeze3A_448 : i32 to index
      %get3A_453 = tpu.vector_load %arg14[%get3A_451, %get3A_452] {strides = array<i32>} : memref<256x128xf32, #tpu.memory_space<vmem>>, vector<16xf32>,
      %add3A_454 = arith.constant 16 : i32
      %add3A_455 = arith.addi %squeeze3A_448, %add3A_454 : i32
      %get3A_456 = arith.index_cast %add3A_446 : i32 to index
      %get3A_457 = arith.index_cast %add3A_455 : i32 to index
      %get3A_458 = tpu.vector_load %arg14[%get3A_456, %get3A_457] {strides = array<i32>} : memref<256x128xf32, #tpu.memory_space<vmem>>, vector<16xf32>,
      %get3A_459 = arith.index_cast %add3A_446 : i32 to index
      %get3A_460 = arith.index_cast %squeeze3A_450 : i32 to index
      %get3A_461 = tpu.vector_load %arg15[%get3A_459, %get3A_460] {strides = array<i32>} : memref<256x128xf32, #tpu.memory_space<vmem>>, vector<16xf32>,
      %add3A_462 = arith.constant 16 : i32
      %add3A_463 = arith.addi %squeeze3A_450, %add3A_462 : i32
      %get3A_464 = arith.index_cast %add3A_446 : i32 to index
      %get3A_465 = arith.index_cast %add3A_463 : i32 to index
      %get3A_466 = tpu.vector_load %arg15[%get3A_464, %get3A_465] {strides = array<i32>} : memref<256x128xf32, #tpu.memory_space<vmem>>, vector<16xf32>,
      %slice3A_467 = vector.extract_strided_slice %min3A_154 {offsets = [3], sizes = [1], strides = [1]} : vector<16xi32> to vector<1xi32>
      %squeeze3A_468 = vector.extract %slice3A_467[0] : i32 from vector<1xi32>
      %shift_right_arithmetic3A_469 = arith.constant 2 : i32
      %shift_right_arithmetic3A_470 = arith.shrsi %squeeze3A_468, %shift_right_arithmetic3A_469 : i32
      %slice3A_471 = vector.extract_strided_slice %mul3A_169 {offsets = [3], sizes = [1], strides = [1]} : vector<16xi32> to vector<1xi32>
      %squeeze3A_472 = vector.extract %slice3A_471[0] : i32 from vector<1xi32>
      %get3A_473 = arith.index_cast %shift_right_arithmetic3A_470 : i32 to index
      %get3A_474 = arith.index_cast %squeeze3A_472 : i32 to index
      %get3A_475 = tpu.vector_load %arg16[%get3A_473, %get3A_474] {strides = array<i32>} : memref<16x128xf32, #tpu.memory_space<vmem>>, vector<16xf32>,
      %slice3A_476 = vector.extract_strided_slice %min3A_154 {offsets = [3], sizes = [1], strides = [1]} : vector<16xi32> to vector<1xi32>
      %squeeze3A_477 = vector.extract %slice3A_476[0] : i32 from vector<1xi32>
      %shift_right_arithmetic3A_478 = arith.constant 2 : i32
      %shift_right_arithmetic3A_479 = arith.shrsi %squeeze3A_477, %shift_right_arithmetic3A_478 : i32
      %slice3A_480 = vector.extract_strided_slice %mul3A_169 {offsets = [3], sizes = [1], strides = [1]} : vector<16xi32> to vector<1xi32>
      %squeeze3A_481 = vector.extract %slice3A_480[0] : i32 from vector<1xi32>
      %add3A_482 = arith.constant 16 : i32
      %add3A_483 = arith.addi %squeeze3A_481, %add3A_482 : i32
      %get3A_484 = arith.index_cast %shift_right_arithmetic3A_479 : i32 to index
      %get3A_485 = arith.index_cast %add3A_483 : i32 to index
      %get3A_486 = tpu.vector_load %arg16[%get3A_484, %get3A_485] {strides = array<i32>} : memref<16x128xf32, #tpu.memory_space<vmem>>, vector<16xf32>,
      %slice3A_487 = vector.extract_strided_slice %min3A_163 {offsets = [3], sizes = [1], strides = [1]} : vector<16xi32> to vector<1xi32>
      %squeeze3A_488 = vector.extract %slice3A_487[0] : i32 from vector<1xi32>
      %shift_right_arithmetic3A_489 = arith.constant 2 : i32
      %shift_right_arithmetic3A_490 = arith.shrsi %squeeze3A_488, %shift_right_arithmetic3A_489 : i32
      %slice3A_491 = vector.extract_strided_slice %mul3A_175 {offsets = [3], sizes = [1], strides = [1]} : vector<16xi32> to vector<1xi32>
      %squeeze3A_492 = vector.extract %slice3A_491[0] : i32 from vector<1xi32>
      %get3A_493 = arith.index_cast %shift_right_arithmetic3A_490 : i32 to index
      %get3A_494 = arith.index_cast %squeeze3A_492 : i32 to index
      %get3A_495 = tpu.vector_load %arg17[%get3A_493, %get3A_494] {strides = array<i32>} : memref<16x128xf32, #tpu.memory_space<vmem>>, vector<16xf32>,
      %slice3A_496 = vector.extract_strided_slice %min3A_163 {offsets = [3], sizes = [1], strides = [1]} : vector<16xi32> to vector<1xi32>
      %squeeze3A_497 = vector.extract %slice3A_496[0] : i32 from vector<1xi32>
      %shift_right_arithmetic3A_498 = arith.constant 2 : i32
      %shift_right_arithmetic3A_499 = arith.shrsi %squeeze3A_497, %shift_right_arithmetic3A_498 : i32
      %slice3A_500 = vector.extract_strided_slice %mul3A_175 {offsets = [3], sizes = [1], strides = [1]} : vector<16xi32> to vector<1xi32>
      %squeeze3A_501 = vector.extract %slice3A_500[0] : i32 from vector<1xi32>
      %add3A_502 = arith.constant 16 : i32
      %add3A_503 = arith.addi %squeeze3A_501, %add3A_502 : i32
      %get3A_504 = arith.index_cast %shift_right_arithmetic3A_499 : i32 to index
      %get3A_505 = arith.index_cast %add3A_503 : i32 to index
      %get3A_506 = tpu.vector_load %arg17[%get3A_504, %get3A_505] {strides = array<i32>} : memref<16x128xf32, #tpu.memory_space<vmem>>, vector<16xf32>,
      %slice3A_507 = vector.extract_strided_slice %get3A_134 {offsets = [3], sizes = [1], strides = [1]} : vector<16xi32> to vector<1xi32>
      %squeeze3A_508 = vector.extract %slice3A_507[0] : i32 from vector<1xi32>
      %ge3A_509 = arith.constant 999936 : i32
      %ge3A_510 = arith.cmpi sge, %squeeze3A_508, %ge3A_509 : i32
      %slice3A_511 = vector.extract_strided_slice %get3A_137 {offsets = [3], sizes = [1], strides = [1]} : vector<16xi32> to vector<1xi32>
      %squeeze3A_512 = vector.extract %slice3A_511[0] : i32 from vector<1xi32>
      %ge3A_513 = arith.constant 999936 : i32
      %ge3A_514 = arith.cmpi sge, %squeeze3A_512, %ge3A_513 : i32
      %select_n3A_515 = arith.select %ge3A_510, %get3A_475, %get3A_453 : vector<16xf32>
      %select_n3A_516 = arith.select %ge3A_510, %get3A_486, %get3A_458 : vector<16xf32>
      %select_n3A_517 = arith.select %ge3A_514, %get3A_495, %get3A_461 : vector<16xf32>
      %select_n3A_518 = arith.select %ge3A_514, %get3A_506, %get3A_466 : vector<16xf32>
      %mul3A_519 = arith.mulf %select_n3A_515, %select_n3A_517 : vector<16xf32>
      %mul3A_520 = arith.mulf %mul3A_519, %get3A_6 : vector<16xf32>
      %mul3A_521 = arith.mulf %select_n3A_516, %select_n3A_518 : vector<16xf32>
      %mul3A_522 = arith.mulf %mul3A_521, %get3A_8 : vector<16xf32>
      %add3A_523 = arith.addf %mul3A_520, %mul3A_522 : vector<16xf32>
      %reduce_sum3A_524 = arith.constant true
      %reduce_sum3A_525 = vector.broadcast %reduce_sum3A_524 : i1 to vector<16xi1>
      %reduce_sum3A_526 = tpu.scan <sum>, %add3A_523 masked %reduce_sum3A_525 : vector<16xf32>, vector<16xi1> -> vector<16xf32>
      %reduce_sum3A_527 = vector.extract %reduce_sum3A_526[15] : f32 from vector<16xf32>
      %eq3A_528 = arith.constant 3 : i32
      %eq3A_529 = vector.broadcast %eq3A_528 : i32 to vector<16xi32>
      %eq3A_530 = arith.cmpi eq, %iota3A, %eq3A_529 : vector<16xi32>
      %broadcast_in_dim3A_531 = vector.broadcast %reduce_sum3A_527 : f32 to vector<16xf32>
      %select_n3A_532 = arith.select %eq3A_530, %broadcast_in_dim3A_531, %select_n3A_442 : vector<16xi1>, vector<16xf32>
      %mul3A_533 = arith.constant 16 : i32
      %mul3A_534 = arith.muli %scan3A_125, %mul3A_533 : i32
      %add3A_535 = arith.constant 4 : i32
      %add3A_536 = arith.addi %mul3A_534, %add3A_535 : i32
      %slice3A_537 = vector.extract_strided_slice %mul3A_143 {offsets = [4], sizes = [1], strides = [1]} : vector<16xi32> to vector<1xi32>
      %squeeze3A_538 = vector.extract %slice3A_537[0] : i32 from vector<1xi32>
      %slice3A_539 = vector.extract_strided_slice %mul3A_149 {offsets = [4], sizes = [1], strides = [1]} : vector<16xi32> to vector<1xi32>
      %squeeze3A_540 = vector.extract %slice3A_539[0] : i32 from vector<1xi32>
      %get3A_541 = arith.index_cast %add3A_536 : i32 to index
      %get3A_542 = arith.index_cast %squeeze3A_538 : i32 to index
      %get3A_543 = tpu.vector_load %arg14[%get3A_541, %get3A_542] {strides = array<i32>} : memref<256x128xf32, #tpu.memory_space<vmem>>, vector<16xf32>,
      %add3A_544 = arith.constant 16 : i32
      %add3A_545 = arith.addi %squeeze3A_538, %add3A_544 : i32
      %get3A_546 = arith.index_cast %add3A_536 : i32 to index
      %get3A_547 = arith.index_cast %add3A_545 : i32 to index
      %get3A_548 = tpu.vector_load %arg14[%get3A_546, %get3A_547] {strides = array<i32>} : memref<256x128xf32, #tpu.memory_space<vmem>>, vector<16xf32>,
      %get3A_549 = arith.index_cast %add3A_536 : i32 to index
      %get3A_550 = arith.index_cast %squeeze3A_540 : i32 to index
      %get3A_551 = tpu.vector_load %arg15[%get3A_549, %get3A_550] {strides = array<i32>} : memref<256x128xf32, #tpu.memory_space<vmem>>, vector<16xf32>,
      %add3A_552 = arith.constant 16 : i32
      %add3A_553 = arith.addi %squeeze3A_540, %add3A_552 : i32
      %get3A_554 = arith.index_cast %add3A_536 : i32 to index
      %get3A_555 = arith.index_cast %add3A_553 : i32 to index
      %get3A_556 = tpu.vector_load %arg15[%get3A_554, %get3A_555] {strides = array<i32>} : memref<256x128xf32, #tpu.memory_space<vmem>>, vector<16xf32>,
      %slice3A_557 = vector.extract_strided_slice %min3A_154 {offsets = [4], sizes = [1], strides = [1]} : vector<16xi32> to vector<1xi32>
      %squeeze3A_558 = vector.extract %slice3A_557[0] : i32 from vector<1xi32>
      %shift_right_arithmetic3A_559 = arith.constant 2 : i32
      %shift_right_arithmetic3A_560 = arith.shrsi %squeeze3A_558, %shift_right_arithmetic3A_559 : i32
      %slice3A_561 = vector.extract_strided_slice %mul3A_169 {offsets = [4], sizes = [1], strides = [1]} : vector<16xi32> to vector<1xi32>
      %squeeze3A_562 = vector.extract %slice3A_561[0] : i32 from vector<1xi32>
      %get3A_563 = arith.index_cast %shift_right_arithmetic3A_560 : i32 to index
      %get3A_564 = arith.index_cast %squeeze3A_562 : i32 to index
      %get3A_565 = tpu.vector_load %arg16[%get3A_563, %get3A_564] {strides = array<i32>} : memref<16x128xf32, #tpu.memory_space<vmem>>, vector<16xf32>,
      %slice3A_566 = vector.extract_strided_slice %min3A_154 {offsets = [4], sizes = [1], strides = [1]} : vector<16xi32> to vector<1xi32>
      %squeeze3A_567 = vector.extract %slice3A_566[0] : i32 from vector<1xi32>
      %shift_right_arithmetic3A_568 = arith.constant 2 : i32
      %shift_right_arithmetic3A_569 = arith.shrsi %squeeze3A_567, %shift_right_arithmetic3A_568 : i32
      %slice3A_570 = vector.extract_strided_slice %mul3A_169 {offsets = [4], sizes = [1], strides = [1]} : vector<16xi32> to vector<1xi32>
      %squeeze3A_571 = vector.extract %slice3A_570[0] : i32 from vector<1xi32>
      %add3A_572 = arith.constant 16 : i32
      %add3A_573 = arith.addi %squeeze3A_571, %add3A_572 : i32
      %get3A_574 = arith.index_cast %shift_right_arithmetic3A_569 : i32 to index
      %get3A_575 = arith.index_cast %add3A_573 : i32 to index
      %get3A_576 = tpu.vector_load %arg16[%get3A_574, %get3A_575] {strides = array<i32>} : memref<16x128xf32, #tpu.memory_space<vmem>>, vector<16xf32>,
      %slice3A_577 = vector.extract_strided_slice %min3A_163 {offsets = [4], sizes = [1], strides = [1]} : vector<16xi32> to vector<1xi32>
      %squeeze3A_578 = vector.extract %slice3A_577[0] : i32 from vector<1xi32>
      %shift_right_arithmetic3A_579 = arith.constant 2 : i32
      %shift_right_arithmetic3A_580 = arith.shrsi %squeeze3A_578, %shift_right_arithmetic3A_579 : i32
      %slice3A_581 = vector.extract_strided_slice %mul3A_175 {offsets = [4], sizes = [1], strides = [1]} : vector<16xi32> to vector<1xi32>
      %squeeze3A_582 = vector.extract %slice3A_581[0] : i32 from vector<1xi32>
      %get3A_583 = arith.index_cast %shift_right_arithmetic3A_580 : i32 to index
      %get3A_584 = arith.index_cast %squeeze3A_582 : i32 to index
      %get3A_585 = tpu.vector_load %arg17[%get3A_583, %get3A_584] {strides = array<i32>} : memref<16x128xf32, #tpu.memory_space<vmem>>, vector<16xf32>,
      %slice3A_586 = vector.extract_strided_slice %min3A_163 {offsets = [4], sizes = [1], strides = [1]} : vector<16xi32> to vector<1xi32>
      %squeeze3A_587 = vector.extract %slice3A_586[0] : i32 from vector<1xi32>
      %shift_right_arithmetic3A_588 = arith.constant 2 : i32
      %shift_right_arithmetic3A_589 = arith.shrsi %squeeze3A_587, %shift_right_arithmetic3A_588 : i32
      %slice3A_590 = vector.extract_strided_slice %mul3A_175 {offsets = [4], sizes = [1], strides = [1]} : vector<16xi32> to vector<1xi32>
      %squeeze3A_591 = vector.extract %slice3A_590[0] : i32 from vector<1xi32>
      %add3A_592 = arith.constant 16 : i32
      %add3A_593 = arith.addi %squeeze3A_591, %add3A_592 : i32
      %get3A_594 = arith.index_cast %shift_right_arithmetic3A_589 : i32 to index
      %get3A_595 = arith.index_cast %add3A_593 : i32 to index
      %get3A_596 = tpu.vector_load %arg17[%get3A_594, %get3A_595] {strides = array<i32>} : memref<16x128xf32, #tpu.memory_space<vmem>>, vector<16xf32>,
      %slice3A_597 = vector.extract_strided_slice %get3A_134 {offsets = [4], sizes = [1], strides = [1]} : vector<16xi32> to vector<1xi32>
      %squeeze3A_598 = vector.extract %slice3A_597[0] : i32 from vector<1xi32>
      %ge3A_599 = arith.constant 999936 : i32
      %ge3A_600 = arith.cmpi sge, %squeeze3A_598, %ge3A_599 : i32
      %slice3A_601 = vector.extract_strided_slice %get3A_137 {offsets = [4], sizes = [1], strides = [1]} : vector<16xi32> to vector<1xi32>
      %squeeze3A_602 = vector.extract %slice3A_601[0] : i32 from vector<1xi32>
      %ge3A_603 = arith.constant 999936 : i32
      %ge3A_604 = arith.cmpi sge, %squeeze3A_602, %ge3A_603 : i32
      %select_n3A_605 = arith.select %ge3A_600, %get3A_565, %get3A_543 : vector<16xf32>
      %select_n3A_606 = arith.select %ge3A_600, %get3A_576, %get3A_548 : vector<16xf32>
      %select_n3A_607 = arith.select %ge3A_604, %get3A_585, %get3A_551 : vector<16xf32>
      %select_n3A_608 = arith.select %ge3A_604, %get3A_596, %get3A_556 : vector<16xf32>
      %mul3A_609 = arith.mulf %select_n3A_605, %select_n3A_607 : vector<16xf32>
      %mul3A_610 = arith.mulf %mul3A_609, %get3A_6 : vector<16xf32>
      %mul3A_611 = arith.mulf %select_n3A_606, %select_n3A_608 : vector<16xf32>
      %mul3A_612 = arith.mulf %mul3A_611, %get3A_8 : vector<16xf32>
      %add3A_613 = arith.addf %mul3A_610, %mul3A_612 : vector<16xf32>
      %reduce_sum3A_614 = arith.constant true
      %reduce_sum3A_615 = vector.broadcast %reduce_sum3A_614 : i1 to vector<16xi1>
      %reduce_sum3A_616 = tpu.scan <sum>, %add3A_613 masked %reduce_sum3A_615 : vector<16xf32>, vector<16xi1> -> vector<16xf32>
      %reduce_sum3A_617 = vector.extract %reduce_sum3A_616[15] : f32 from vector<16xf32>
      %eq3A_618 = arith.constant 4 : i32
      %eq3A_619 = vector.broadcast %eq3A_618 : i32 to vector<16xi32>
      %eq3A_620 = arith.cmpi eq, %iota3A, %eq3A_619 : vector<16xi32>
      %broadcast_in_dim3A_621 = vector.broadcast %reduce_sum3A_617 : f32 to vector<16xf32>
      %select_n3A_622 = arith.select %eq3A_620, %broadcast_in_dim3A_621, %select_n3A_532 : vector<16xi1>, vector<16xf32>
      %mul3A_623 = arith.constant 16 : i32
      %mul3A_624 = arith.muli %scan3A_125, %mul3A_623 : i32
      %add3A_625 = arith.constant 5 : i32
      %add3A_626 = arith.addi %mul3A_624, %add3A_625 : i32
      %slice3A_627 = vector.extract_strided_slice %mul3A_143 {offsets = [5], sizes = [1], strides = [1]} : vector<16xi32> to vector<1xi32>
      %squeeze3A_628 = vector.extract %slice3A_627[0] : i32 from vector<1xi32>
      %slice3A_629 = vector.extract_strided_slice %mul3A_149 {offsets = [5], sizes = [1], strides = [1]} : vector<16xi32> to vector<1xi32>
      %squeeze3A_630 = vector.extract %slice3A_629[0] : i32 from vector<1xi32>
      %get3A_631 = arith.index_cast %add3A_626 : i32 to index
      %get3A_632 = arith.index_cast %squeeze3A_628 : i32 to index
      %get3A_633 = tpu.vector_load %arg14[%get3A_631, %get3A_632] {strides = array<i32>} : memref<256x128xf32, #tpu.memory_space<vmem>>, vector<16xf32>,
      %add3A_634 = arith.constant 16 : i32
      %add3A_635 = arith.addi %squeeze3A_628, %add3A_634 : i32
      %get3A_636 = arith.index_cast %add3A_626 : i32 to index
      %get3A_637 = arith.index_cast %add3A_635 : i32 to index
      %get3A_638 = tpu.vector_load %arg14[%get3A_636, %get3A_637] {strides = array<i32>} : memref<256x128xf32, #tpu.memory_space<vmem>>, vector<16xf32>,
      %get3A_639 = arith.index_cast %add3A_626 : i32 to index
      %get3A_640 = arith.index_cast %squeeze3A_630 : i32 to index
      %get3A_641 = tpu.vector_load %arg15[%get3A_639, %get3A_640] {strides = array<i32>} : memref<256x128xf32, #tpu.memory_space<vmem>>, vector<16xf32>,
      %add3A_642 = arith.constant 16 : i32
      %add3A_643 = arith.addi %squeeze3A_630, %add3A_642 : i32
      %get3A_644 = arith.index_cast %add3A_626 : i32 to index
      %get3A_645 = arith.index_cast %add3A_643 : i32 to index
      %get3A_646 = tpu.vector_load %arg15[%get3A_644, %get3A_645] {strides = array<i32>} : memref<256x128xf32, #tpu.memory_space<vmem>>, vector<16xf32>,
      %slice3A_647 = vector.extract_strided_slice %min3A_154 {offsets = [5], sizes = [1], strides = [1]} : vector<16xi32> to vector<1xi32>
      %squeeze3A_648 = vector.extract %slice3A_647[0] : i32 from vector<1xi32>
      %shift_right_arithmetic3A_649 = arith.constant 2 : i32
      %shift_right_arithmetic3A_650 = arith.shrsi %squeeze3A_648, %shift_right_arithmetic3A_649 : i32
      %slice3A_651 = vector.extract_strided_slice %mul3A_169 {offsets = [5], sizes = [1], strides = [1]} : vector<16xi32> to vector<1xi32>
      %squeeze3A_652 = vector.extract %slice3A_651[0] : i32 from vector<1xi32>
      %get3A_653 = arith.index_cast %shift_right_arithmetic3A_650 : i32 to index
      %get3A_654 = arith.index_cast %squeeze3A_652 : i32 to index
      %get3A_655 = tpu.vector_load %arg16[%get3A_653, %get3A_654] {strides = array<i32>} : memref<16x128xf32, #tpu.memory_space<vmem>>, vector<16xf32>,
      %slice3A_656 = vector.extract_strided_slice %min3A_154 {offsets = [5], sizes = [1], strides = [1]} : vector<16xi32> to vector<1xi32>
      %squeeze3A_657 = vector.extract %slice3A_656[0] : i32 from vector<1xi32>
      %shift_right_arithmetic3A_658 = arith.constant 2 : i32
      %shift_right_arithmetic3A_659 = arith.shrsi %squeeze3A_657, %shift_right_arithmetic3A_658 : i32
      %slice3A_660 = vector.extract_strided_slice %mul3A_169 {offsets = [5], sizes = [1], strides = [1]} : vector<16xi32> to vector<1xi32>
      %squeeze3A_661 = vector.extract %slice3A_660[0] : i32 from vector<1xi32>
      %add3A_662 = arith.constant 16 : i32
      %add3A_663 = arith.addi %squeeze3A_661, %add3A_662 : i32
      %get3A_664 = arith.index_cast %shift_right_arithmetic3A_659 : i32 to index
      %get3A_665 = arith.index_cast %add3A_663 : i32 to index
      %get3A_666 = tpu.vector_load %arg16[%get3A_664, %get3A_665] {strides = array<i32>} : memref<16x128xf32, #tpu.memory_space<vmem>>, vector<16xf32>,
      %slice3A_667 = vector.extract_strided_slice %min3A_163 {offsets = [5], sizes = [1], strides = [1]} : vector<16xi32> to vector<1xi32>
      %squeeze3A_668 = vector.extract %slice3A_667[0] : i32 from vector<1xi32>
      %shift_right_arithmetic3A_669 = arith.constant 2 : i32
      %shift_right_arithmetic3A_670 = arith.shrsi %squeeze3A_668, %shift_right_arithmetic3A_669 : i32
      %slice3A_671 = vector.extract_strided_slice %mul3A_175 {offsets = [5], sizes = [1], strides = [1]} : vector<16xi32> to vector<1xi32>
      %squeeze3A_672 = vector.extract %slice3A_671[0] : i32 from vector<1xi32>
      %get3A_673 = arith.index_cast %shift_right_arithmetic3A_670 : i32 to index
      %get3A_674 = arith.index_cast %squeeze3A_672 : i32 to index
      %get3A_675 = tpu.vector_load %arg17[%get3A_673, %get3A_674] {strides = array<i32>} : memref<16x128xf32, #tpu.memory_space<vmem>>, vector<16xf32>,
      %slice3A_676 = vector.extract_strided_slice %min3A_163 {offsets = [5], sizes = [1], strides = [1]} : vector<16xi32> to vector<1xi32>
      %squeeze3A_677 = vector.extract %slice3A_676[0] : i32 from vector<1xi32>
      %shift_right_arithmetic3A_678 = arith.constant 2 : i32
      %shift_right_arithmetic3A_679 = arith.shrsi %squeeze3A_677, %shift_right_arithmetic3A_678 : i32
      %slice3A_680 = vector.extract_strided_slice %mul3A_175 {offsets = [5], sizes = [1], strides = [1]} : vector<16xi32> to vector<1xi32>
      %squeeze3A_681 = vector.extract %slice3A_680[0] : i32 from vector<1xi32>
      %add3A_682 = arith.constant 16 : i32
      %add3A_683 = arith.addi %squeeze3A_681, %add3A_682 : i32
      %get3A_684 = arith.index_cast %shift_right_arithmetic3A_679 : i32 to index
      %get3A_685 = arith.index_cast %add3A_683 : i32 to index
      %get3A_686 = tpu.vector_load %arg17[%get3A_684, %get3A_685] {strides = array<i32>} : memref<16x128xf32, #tpu.memory_space<vmem>>, vector<16xf32>,
      %slice3A_687 = vector.extract_strided_slice %get3A_134 {offsets = [5], sizes = [1], strides = [1]} : vector<16xi32> to vector<1xi32>
      %squeeze3A_688 = vector.extract %slice3A_687[0] : i32 from vector<1xi32>
      %ge3A_689 = arith.constant 999936 : i32
      %ge3A_690 = arith.cmpi sge, %squeeze3A_688, %ge3A_689 : i32
      %slice3A_691 = vector.extract_strided_slice %get3A_137 {offsets = [5], sizes = [1], strides = [1]} : vector<16xi32> to vector<1xi32>
      %squeeze3A_692 = vector.extract %slice3A_691[0] : i32 from vector<1xi32>
      %ge3A_693 = arith.constant 999936 : i32
      %ge3A_694 = arith.cmpi sge, %squeeze3A_692, %ge3A_693 : i32
      %select_n3A_695 = arith.select %ge3A_690, %get3A_655, %get3A_633 : vector<16xf32>
      %select_n3A_696 = arith.select %ge3A_690, %get3A_666, %get3A_638 : vector<16xf32>
      %select_n3A_697 = arith.select %ge3A_694, %get3A_675, %get3A_641 : vector<16xf32>
      %select_n3A_698 = arith.select %ge3A_694, %get3A_686, %get3A_646 : vector<16xf32>
      %mul3A_699 = arith.mulf %select_n3A_695, %select_n3A_697 : vector<16xf32>
      %mul3A_700 = arith.mulf %mul3A_699, %get3A_6 : vector<16xf32>
      %mul3A_701 = arith.mulf %select_n3A_696, %select_n3A_698 : vector<16xf32>
      %mul3A_702 = arith.mulf %mul3A_701, %get3A_8 : vector<16xf32>
      %add3A_703 = arith.addf %mul3A_700, %mul3A_702 : vector<16xf32>
      %reduce_sum3A_704 = arith.constant true
      %reduce_sum3A_705 = vector.broadcast %reduce_sum3A_704 : i1 to vector<16xi1>
      %reduce_sum3A_706 = tpu.scan <sum>, %add3A_703 masked %reduce_sum3A_705 : vector<16xf32>, vector<16xi1> -> vector<16xf32>
      %reduce_sum3A_707 = vector.extract %reduce_sum3A_706[15] : f32 from vector<16xf32>
      %eq3A_708 = arith.constant 5 : i32
      %eq3A_709 = vector.broadcast %eq3A_708 : i32 to vector<16xi32>
      %eq3A_710 = arith.cmpi eq, %iota3A, %eq3A_709 : vector<16xi32>
      %broadcast_in_dim3A_711 = vector.broadcast %reduce_sum3A_707 : f32 to vector<16xf32>
      %select_n3A_712 = arith.select %eq3A_710, %broadcast_in_dim3A_711, %select_n3A_622 : vector<16xi1>, vector<16xf32>
      %mul3A_713 = arith.constant 16 : i32
      %mul3A_714 = arith.muli %scan3A_125, %mul3A_713 : i32
      %add3A_715 = arith.constant 6 : i32
      %add3A_716 = arith.addi %mul3A_714, %add3A_715 : i32
      %slice3A_717 = vector.extract_strided_slice %mul3A_143 {offsets = [6], sizes = [1], strides = [1]} : vector<16xi32> to vector<1xi32>
      %squeeze3A_718 = vector.extract %slice3A_717[0] : i32 from vector<1xi32>
      %slice3A_719 = vector.extract_strided_slice %mul3A_149 {offsets = [6], sizes = [1], strides = [1]} : vector<16xi32> to vector<1xi32>
      %squeeze3A_720 = vector.extract %slice3A_719[0] : i32 from vector<1xi32>
      %get3A_721 = arith.index_cast %add3A_716 : i32 to index
      %get3A_722 = arith.index_cast %squeeze3A_718 : i32 to index
      %get3A_723 = tpu.vector_load %arg14[%get3A_721, %get3A_722] {strides = array<i32>} : memref<256x128xf32, #tpu.memory_space<vmem>>, vector<16xf32>,
      %add3A_724 = arith.constant 16 : i32
      %add3A_725 = arith.addi %squeeze3A_718, %add3A_724 : i32
      %get3A_726 = arith.index_cast %add3A_716 : i32 to index
      %get3A_727 = arith.index_cast %add3A_725 : i32 to index
      %get3A_728 = tpu.vector_load %arg14[%get3A_726, %get3A_727] {strides = array<i32>} : memref<256x128xf32, #tpu.memory_space<vmem>>, vector<16xf32>,
      %get3A_729 = arith.index_cast %add3A_716 : i32 to index
      %get3A_730 = arith.index_cast %squeeze3A_720 : i32 to index
      %get3A_731 = tpu.vector_load %arg15[%get3A_729, %get3A_730] {strides = array<i32>} : memref<256x128xf32, #tpu.memory_space<vmem>>, vector<16xf32>,
      %add3A_732 = arith.constant 16 : i32
      %add3A_733 = arith.addi %squeeze3A_720, %add3A_732 : i32
      %get3A_734 = arith.index_cast %add3A_716 : i32 to index
      %get3A_735 = arith.index_cast %add3A_733 : i32 to index
      %get3A_736 = tpu.vector_load %arg15[%get3A_734, %get3A_735] {strides = array<i32>} : memref<256x128xf32, #tpu.memory_space<vmem>>, vector<16xf32>,
      %slice3A_737 = vector.extract_strided_slice %min3A_154 {offsets = [6], sizes = [1], strides = [1]} : vector<16xi32> to vector<1xi32>
      %squeeze3A_738 = vector.extract %slice3A_737[0] : i32 from vector<1xi32>
      %shift_right_arithmetic3A_739 = arith.constant 2 : i32
      %shift_right_arithmetic3A_740 = arith.shrsi %squeeze3A_738, %shift_right_arithmetic3A_739 : i32
      %slice3A_741 = vector.extract_strided_slice %mul3A_169 {offsets = [6], sizes = [1], strides = [1]} : vector<16xi32> to vector<1xi32>
      %squeeze3A_742 = vector.extract %slice3A_741[0] : i32 from vector<1xi32>
      %get3A_743 = arith.index_cast %shift_right_arithmetic3A_740 : i32 to index
      %get3A_744 = arith.index_cast %squeeze3A_742 : i32 to index
      %get3A_745 = tpu.vector_load %arg16[%get3A_743, %get3A_744] {strides = array<i32>} : memref<16x128xf32, #tpu.memory_space<vmem>>, vector<16xf32>,
      %slice3A_746 = vector.extract_strided_slice %min3A_154 {offsets = [6], sizes = [1], strides = [1]} : vector<16xi32> to vector<1xi32>
      %squeeze3A_747 = vector.extract %slice3A_746[0] : i32 from vector<1xi32>
      %shift_right_arithmetic3A_748 = arith.constant 2 : i32
      %shift_right_arithmetic3A_749 = arith.shrsi %squeeze3A_747, %shift_right_arithmetic3A_748 : i32
      %slice3A_750 = vector.extract_strided_slice %mul3A_169 {offsets = [6], sizes = [1], strides = [1]} : vector<16xi32> to vector<1xi32>
      %squeeze3A_751 = vector.extract %slice3A_750[0] : i32 from vector<1xi32>
      %add3A_752 = arith.constant 16 : i32
      %add3A_753 = arith.addi %squeeze3A_751, %add3A_752 : i32
      %get3A_754 = arith.index_cast %shift_right_arithmetic3A_749 : i32 to index
      %get3A_755 = arith.index_cast %add3A_753 : i32 to index
      %get3A_756 = tpu.vector_load %arg16[%get3A_754, %get3A_755] {strides = array<i32>} : memref<16x128xf32, #tpu.memory_space<vmem>>, vector<16xf32>,
      %slice3A_757 = vector.extract_strided_slice %min3A_163 {offsets = [6], sizes = [1], strides = [1]} : vector<16xi32> to vector<1xi32>
      %squeeze3A_758 = vector.extract %slice3A_757[0] : i32 from vector<1xi32>
      %shift_right_arithmetic3A_759 = arith.constant 2 : i32
      %shift_right_arithmetic3A_760 = arith.shrsi %squeeze3A_758, %shift_right_arithmetic3A_759 : i32
      %slice3A_761 = vector.extract_strided_slice %mul3A_175 {offsets = [6], sizes = [1], strides = [1]} : vector<16xi32> to vector<1xi32>
      %squeeze3A_762 = vector.extract %slice3A_761[0] : i32 from vector<1xi32>
      %get3A_763 = arith.index_cast %shift_right_arithmetic3A_760 : i32 to index
      %get3A_764 = arith.index_cast %squeeze3A_762 : i32 to index
      %get3A_765 = tpu.vector_load %arg17[%get3A_763, %get3A_764] {strides = array<i32>} : memref<16x128xf32, #tpu.memory_space<vmem>>, vector<16xf32>,
      %slice3A_766 = vector.extract_strided_slice %min3A_163 {offsets = [6], sizes = [1], strides = [1]} : vector<16xi32> to vector<1xi32>
      %squeeze3A_767 = vector.extract %slice3A_766[0] : i32 from vector<1xi32>
      %shift_right_arithmetic3A_768 = arith.constant 2 : i32
      %shift_right_arithmetic3A_769 = arith.shrsi %squeeze3A_767, %shift_right_arithmetic3A_768 : i32
      %slice3A_770 = vector.extract_strided_slice %mul3A_175 {offsets = [6], sizes = [1], strides = [1]} : vector<16xi32> to vector<1xi32>
      %squeeze3A_771 = vector.extract %slice3A_770[0] : i32 from vector<1xi32>
      %add3A_772 = arith.constant 16 : i32
      %add3A_773 = arith.addi %squeeze3A_771, %add3A_772 : i32
      %get3A_774 = arith.index_cast %shift_right_arithmetic3A_769 : i32 to index
      %get3A_775 = arith.index_cast %add3A_773 : i32 to index
      %get3A_776 = tpu.vector_load %arg17[%get3A_774, %get3A_775] {strides = array<i32>} : memref<16x128xf32, #tpu.memory_space<vmem>>, vector<16xf32>,
      %slice3A_777 = vector.extract_strided_slice %get3A_134 {offsets = [6], sizes = [1], strides = [1]} : vector<16xi32> to vector<1xi32>
      %squeeze3A_778 = vector.extract %slice3A_777[0] : i32 from vector<1xi32>
      %ge3A_779 = arith.constant 999936 : i32
      %ge3A_780 = arith.cmpi sge, %squeeze3A_778, %ge3A_779 : i32
      %slice3A_781 = vector.extract_strided_slice %get3A_137 {offsets = [6], sizes = [1], strides = [1]} : vector<16xi32> to vector<1xi32>
      %squeeze3A_782 = vector.extract %slice3A_781[0] : i32 from vector<1xi32>
      %ge3A_783 = arith.constant 999936 : i32
      %ge3A_784 = arith.cmpi sge, %squeeze3A_782, %ge3A_783 : i32
      %select_n3A_785 = arith.select %ge3A_780, %get3A_745, %get3A_723 : vector<16xf32>
      %select_n3A_786 = arith.select %ge3A_780, %get3A_756, %get3A_728 : vector<16xf32>
      %select_n3A_787 = arith.select %ge3A_784, %get3A_765, %get3A_731 : vector<16xf32>
      %select_n3A_788 = arith.select %ge3A_784, %get3A_776, %get3A_736 : vector<16xf32>
      %mul3A_789 = arith.mulf %select_n3A_785, %select_n3A_787 : vector<16xf32>
      %mul3A_790 = arith.mulf %mul3A_789, %get3A_6 : vector<16xf32>
      %mul3A_791 = arith.mulf %select_n3A_786, %select_n3A_788 : vector<16xf32>
      %mul3A_792 = arith.mulf %mul3A_791, %get3A_8 : vector<16xf32>
      %add3A_793 = arith.addf %mul3A_790, %mul3A_792 : vector<16xf32>
      %reduce_sum3A_794 = arith.constant true
      %reduce_sum3A_795 = vector.broadcast %reduce_sum3A_794 : i1 to vector<16xi1>
      %reduce_sum3A_796 = tpu.scan <sum>, %add3A_793 masked %reduce_sum3A_795 : vector<16xf32>, vector<16xi1> -> vector<16xf32>
      %reduce_sum3A_797 = vector.extract %reduce_sum3A_796[15] : f32 from vector<16xf32>
      %eq3A_798 = arith.constant 6 : i32
      %eq3A_799 = vector.broadcast %eq3A_798 : i32 to vector<16xi32>
      %eq3A_800 = arith.cmpi eq, %iota3A, %eq3A_799 : vector<16xi32>
      %broadcast_in_dim3A_801 = vector.broadcast %reduce_sum3A_797 : f32 to vector<16xf32>
      %select_n3A_802 = arith.select %eq3A_800, %broadcast_in_dim3A_801, %select_n3A_712 : vector<16xi1>, vector<16xf32>
      %mul3A_803 = arith.constant 16 : i32
      %mul3A_804 = arith.muli %scan3A_125, %mul3A_803 : i32
      %add3A_805 = arith.constant 7 : i32
      %add3A_806 = arith.addi %mul3A_804, %add3A_805 : i32
      %slice3A_807 = vector.extract_strided_slice %mul3A_143 {offsets = [7], sizes = [1], strides = [1]} : vector<16xi32> to vector<1xi32>
      %squeeze3A_808 = vector.extract %slice3A_807[0] : i32 from vector<1xi32>
      %slice3A_809 = vector.extract_strided_slice %mul3A_149 {offsets = [7], sizes = [1], strides = [1]} : vector<16xi32> to vector<1xi32>
      %squeeze3A_810 = vector.extract %slice3A_809[0] : i32 from vector<1xi32>
      %get3A_811 = arith.index_cast %add3A_806 : i32 to index
      %get3A_812 = arith.index_cast %squeeze3A_808 : i32 to index
      %get3A_813 = tpu.vector_load %arg14[%get3A_811, %get3A_812] {strides = array<i32>} : memref<256x128xf32, #tpu.memory_space<vmem>>, vector<16xf32>,
      %add3A_814 = arith.constant 16 : i32
      %add3A_815 = arith.addi %squeeze3A_808, %add3A_814 : i32
      %get3A_816 = arith.index_cast %add3A_806 : i32 to index
      %get3A_817 = arith.index_cast %add3A_815 : i32 to index
      %get3A_818 = tpu.vector_load %arg14[%get3A_816, %get3A_817] {strides = array<i32>} : memref<256x128xf32, #tpu.memory_space<vmem>>, vector<16xf32>,
      %get3A_819 = arith.index_cast %add3A_806 : i32 to index
      %get3A_820 = arith.index_cast %squeeze3A_810 : i32 to index
      %get3A_821 = tpu.vector_load %arg15[%get3A_819, %get3A_820] {strides = array<i32>} : memref<256x128xf32, #tpu.memory_space<vmem>>, vector<16xf32>,
      %add3A_822 = arith.constant 16 : i32
      %add3A_823 = arith.addi %squeeze3A_810, %add3A_822 : i32
      %get3A_824 = arith.index_cast %add3A_806 : i32 to index
      %get3A_825 = arith.index_cast %add3A_823 : i32 to index
      %get3A_826 = tpu.vector_load %arg15[%get3A_824, %get3A_825] {strides = array<i32>} : memref<256x128xf32, #tpu.memory_space<vmem>>, vector<16xf32>,
      %slice3A_827 = vector.extract_strided_slice %min3A_154 {offsets = [7], sizes = [1], strides = [1]} : vector<16xi32> to vector<1xi32>
      %squeeze3A_828 = vector.extract %slice3A_827[0] : i32 from vector<1xi32>
      %shift_right_arithmetic3A_829 = arith.constant 2 : i32
      %shift_right_arithmetic3A_830 = arith.shrsi %squeeze3A_828, %shift_right_arithmetic3A_829 : i32
      %slice3A_831 = vector.extract_strided_slice %mul3A_169 {offsets = [7], sizes = [1], strides = [1]} : vector<16xi32> to vector<1xi32>
      %squeeze3A_832 = vector.extract %slice3A_831[0] : i32 from vector<1xi32>
      %get3A_833 = arith.index_cast %shift_right_arithmetic3A_830 : i32 to index
      %get3A_834 = arith.index_cast %squeeze3A_832 : i32 to index
      %get3A_835 = tpu.vector_load %arg16[%get3A_833, %get3A_834] {strides = array<i32>} : memref<16x128xf32, #tpu.memory_space<vmem>>, vector<16xf32>,
      %slice3A_836 = vector.extract_strided_slice %min3A_154 {offsets = [7], sizes = [1], strides = [1]} : vector<16xi32> to vector<1xi32>
      %squeeze3A_837 = vector.extract %slice3A_836[0] : i32 from vector<1xi32>
      %shift_right_arithmetic3A_838 = arith.constant 2 : i32
      %shift_right_arithmetic3A_839 = arith.shrsi %squeeze3A_837, %shift_right_arithmetic3A_838 : i32
      %slice3A_840 = vector.extract_strided_slice %mul3A_169 {offsets = [7], sizes = [1], strides = [1]} : vector<16xi32> to vector<1xi32>
      %squeeze3A_841 = vector.extract %slice3A_840[0] : i32 from vector<1xi32>
      %add3A_842 = arith.constant 16 : i32
      %add3A_843 = arith.addi %squeeze3A_841, %add3A_842 : i32
      %get3A_844 = arith.index_cast %shift_right_arithmetic3A_839 : i32 to index
      %get3A_845 = arith.index_cast %add3A_843 : i32 to index
      %get3A_846 = tpu.vector_load %arg16[%get3A_844, %get3A_845] {strides = array<i32>} : memref<16x128xf32, #tpu.memory_space<vmem>>, vector<16xf32>,
      %slice3A_847 = vector.extract_strided_slice %min3A_163 {offsets = [7], sizes = [1], strides = [1]} : vector<16xi32> to vector<1xi32>
      %squeeze3A_848 = vector.extract %slice3A_847[0] : i32 from vector<1xi32>
      %shift_right_arithmetic3A_849 = arith.constant 2 : i32
      %shift_right_arithmetic3A_850 = arith.shrsi %squeeze3A_848, %shift_right_arithmetic3A_849 : i32
      %slice3A_851 = vector.extract_strided_slice %mul3A_175 {offsets = [7], sizes = [1], strides = [1]} : vector<16xi32> to vector<1xi32>
      %squeeze3A_852 = vector.extract %slice3A_851[0] : i32 from vector<1xi32>
      %get3A_853 = arith.index_cast %shift_right_arithmetic3A_850 : i32 to index
      %get3A_854 = arith.index_cast %squeeze3A_852 : i32 to index
      %get3A_855 = tpu.vector_load %arg17[%get3A_853, %get3A_854] {strides = array<i32>} : memref<16x128xf32, #tpu.memory_space<vmem>>, vector<16xf32>,
      %slice3A_856 = vector.extract_strided_slice %min3A_163 {offsets = [7], sizes = [1], strides = [1]} : vector<16xi32> to vector<1xi32>
      %squeeze3A_857 = vector.extract %slice3A_856[0] : i32 from vector<1xi32>
      %shift_right_arithmetic3A_858 = arith.constant 2 : i32
      %shift_right_arithmetic3A_859 = arith.shrsi %squeeze3A_857, %shift_right_arithmetic3A_858 : i32
      %slice3A_860 = vector.extract_strided_slice %mul3A_175 {offsets = [7], sizes = [1], strides = [1]} : vector<16xi32> to vector<1xi32>
      %squeeze3A_861 = vector.extract %slice3A_860[0] : i32 from vector<1xi32>
      %add3A_862 = arith.constant 16 : i32
      %add3A_863 = arith.addi %squeeze3A_861, %add3A_862 : i32
      %get3A_864 = arith.index_cast %shift_right_arithmetic3A_859 : i32 to index
      %get3A_865 = arith.index_cast %add3A_863 : i32 to index
      %get3A_866 = tpu.vector_load %arg17[%get3A_864, %get3A_865] {strides = array<i32>} : memref<16x128xf32, #tpu.memory_space<vmem>>, vector<16xf32>,
      %slice3A_867 = vector.extract_strided_slice %get3A_134 {offsets = [7], sizes = [1], strides = [1]} : vector<16xi32> to vector<1xi32>
      %squeeze3A_868 = vector.extract %slice3A_867[0] : i32 from vector<1xi32>
      %ge3A_869 = arith.constant 999936 : i32
      %ge3A_870 = arith.cmpi sge, %squeeze3A_868, %ge3A_869 : i32
      %slice3A_871 = vector.extract_strided_slice %get3A_137 {offsets = [7], sizes = [1], strides = [1]} : vector<16xi32> to vector<1xi32>
      %squeeze3A_872 = vector.extract %slice3A_871[0] : i32 from vector<1xi32>
      %ge3A_873 = arith.constant 999936 : i32
      %ge3A_874 = arith.cmpi sge, %squeeze3A_872, %ge3A_873 : i32
      %select_n3A_875 = arith.select %ge3A_870, %get3A_835, %get3A_813 : vector<16xf32>
      %select_n3A_876 = arith.select %ge3A_870, %get3A_846, %get3A_818 : vector<16xf32>
      %select_n3A_877 = arith.select %ge3A_874, %get3A_855, %get3A_821 : vector<16xf32>
      %select_n3A_878 = arith.select %ge3A_874, %get3A_866, %get3A_826 : vector<16xf32>
      %mul3A_879 = arith.mulf %select_n3A_875, %select_n3A_877 : vector<16xf32>
      %mul3A_880 = arith.mulf %mul3A_879, %get3A_6 : vector<16xf32>
      %mul3A_881 = arith.mulf %select_n3A_876, %select_n3A_878 : vector<16xf32>
      %mul3A_882 = arith.mulf %mul3A_881, %get3A_8 : vector<16xf32>
      %add3A_883 = arith.addf %mul3A_880, %mul3A_882 : vector<16xf32>
      %reduce_sum3A_884 = arith.constant true
      %reduce_sum3A_885 = vector.broadcast %reduce_sum3A_884 : i1 to vector<16xi1>
      %reduce_sum3A_886 = tpu.scan <sum>, %add3A_883 masked %reduce_sum3A_885 : vector<16xf32>, vector<16xi1> -> vector<16xf32>
      %reduce_sum3A_887 = vector.extract %reduce_sum3A_886[15] : f32 from vector<16xf32>
      %eq3A_888 = arith.constant 7 : i32
      %eq3A_889 = vector.broadcast %eq3A_888 : i32 to vector<16xi32>
      %eq3A_890 = arith.cmpi eq, %iota3A, %eq3A_889 : vector<16xi32>
      %broadcast_in_dim3A_891 = vector.broadcast %reduce_sum3A_887 : f32 to vector<16xf32>
      %select_n3A_892 = arith.select %eq3A_890, %broadcast_in_dim3A_891, %select_n3A_802 : vector<16xi1>, vector<16xf32>
      %mul3A_893 = arith.constant 16 : i32
      %mul3A_894 = arith.muli %scan3A_125, %mul3A_893 : i32
      %add3A_895 = arith.constant 8 : i32
      %add3A_896 = arith.addi %mul3A_894, %add3A_895 : i32
      %slice3A_897 = vector.extract_strided_slice %mul3A_143 {offsets = [8], sizes = [1], strides = [1]} : vector<16xi32> to vector<1xi32>
      %squeeze3A_898 = vector.extract %slice3A_897[0] : i32 from vector<1xi32>
      %slice3A_899 = vector.extract_strided_slice %mul3A_149 {offsets = [8], sizes = [1], strides = [1]} : vector<16xi32> to vector<1xi32>
      %squeeze3A_900 = vector.extract %slice3A_899[0] : i32 from vector<1xi32>
      %get3A_901 = arith.index_cast %add3A_896 : i32 to index
      %get3A_902 = arith.index_cast %squeeze3A_898 : i32 to index
      %get3A_903 = tpu.vector_load %arg14[%get3A_901, %get3A_902] {strides = array<i32>} : memref<256x128xf32, #tpu.memory_space<vmem>>, vector<16xf32>,
      %add3A_904 = arith.constant 16 : i32
      %add3A_905 = arith.addi %squeeze3A_898, %add3A_904 : i32
      %get3A_906 = arith.index_cast %add3A_896 : i32 to index
      %get3A_907 = arith.index_cast %add3A_905 : i32 to index
      %get3A_908 = tpu.vector_load %arg14[%get3A_906, %get3A_907] {strides = array<i32>} : memref<256x128xf32, #tpu.memory_space<vmem>>, vector<16xf32>,
      %get3A_909 = arith.index_cast %add3A_896 : i32 to index
      %get3A_910 = arith.index_cast %squeeze3A_900 : i32 to index
      %get3A_911 = tpu.vector_load %arg15[%get3A_909, %get3A_910] {strides = array<i32>} : memref<256x128xf32, #tpu.memory_space<vmem>>, vector<16xf32>,
      %add3A_912 = arith.constant 16 : i32
      %add3A_913 = arith.addi %squeeze3A_900, %add3A_912 : i32
      %get3A_914 = arith.index_cast %add3A_896 : i32 to index
      %get3A_915 = arith.index_cast %add3A_913 : i32 to index
      %get3A_916 = tpu.vector_load %arg15[%get3A_914, %get3A_915] {strides = array<i32>} : memref<256x128xf32, #tpu.memory_space<vmem>>, vector<16xf32>,
      %slice3A_917 = vector.extract_strided_slice %min3A_154 {offsets = [8], sizes = [1], strides = [1]} : vector<16xi32> to vector<1xi32>
      %squeeze3A_918 = vector.extract %slice3A_917[0] : i32 from vector<1xi32>
      %shift_right_arithmetic3A_919 = arith.constant 2 : i32
      %shift_right_arithmetic3A_920 = arith.shrsi %squeeze3A_918, %shift_right_arithmetic3A_919 : i32
      %slice3A_921 = vector.extract_strided_slice %mul3A_169 {offsets = [8], sizes = [1], strides = [1]} : vector<16xi32> to vector<1xi32>
      %squeeze3A_922 = vector.extract %slice3A_921[0] : i32 from vector<1xi32>
      %get3A_923 = arith.index_cast %shift_right_arithmetic3A_920 : i32 to index
      %get3A_924 = arith.index_cast %squeeze3A_922 : i32 to index
      %get3A_925 = tpu.vector_load %arg16[%get3A_923, %get3A_924] {strides = array<i32>} : memref<16x128xf32, #tpu.memory_space<vmem>>, vector<16xf32>,
      %slice3A_926 = vector.extract_strided_slice %min3A_154 {offsets = [8], sizes = [1], strides = [1]} : vector<16xi32> to vector<1xi32>
      %squeeze3A_927 = vector.extract %slice3A_926[0] : i32 from vector<1xi32>
      %shift_right_arithmetic3A_928 = arith.constant 2 : i32
      %shift_right_arithmetic3A_929 = arith.shrsi %squeeze3A_927, %shift_right_arithmetic3A_928 : i32
      %slice3A_930 = vector.extract_strided_slice %mul3A_169 {offsets = [8], sizes = [1], strides = [1]} : vector<16xi32> to vector<1xi32>
      %squeeze3A_931 = vector.extract %slice3A_930[0] : i32 from vector<1xi32>
      %add3A_932 = arith.constant 16 : i32
      %add3A_933 = arith.addi %squeeze3A_931, %add3A_932 : i32
      %get3A_934 = arith.index_cast %shift_right_arithmetic3A_929 : i32 to index
      %get3A_935 = arith.index_cast %add3A_933 : i32 to index
      %get3A_936 = tpu.vector_load %arg16[%get3A_934, %get3A_935] {strides = array<i32>} : memref<16x128xf32, #tpu.memory_space<vmem>>, vector<16xf32>,
      %slice3A_937 = vector.extract_strided_slice %min3A_163 {offsets = [8], sizes = [1], strides = [1]} : vector<16xi32> to vector<1xi32>
      %squeeze3A_938 = vector.extract %slice3A_937[0] : i32 from vector<1xi32>
      %shift_right_arithmetic3A_939 = arith.constant 2 : i32
      %shift_right_arithmetic3A_940 = arith.shrsi %squeeze3A_938, %shift_right_arithmetic3A_939 : i32
      %slice3A_941 = vector.extract_strided_slice %mul3A_175 {offsets = [8], sizes = [1], strides = [1]} : vector<16xi32> to vector<1xi32>
      %squeeze3A_942 = vector.extract %slice3A_941[0] : i32 from vector<1xi32>
      %get3A_943 = arith.index_cast %shift_right_arithmetic3A_940 : i32 to index
      %get3A_944 = arith.index_cast %squeeze3A_942 : i32 to index
      %get3A_945 = tpu.vector_load %arg17[%get3A_943, %get3A_944] {strides = array<i32>} : memref<16x128xf32, #tpu.memory_space<vmem>>, vector<16xf32>,
      %slice3A_946 = vector.extract_strided_slice %min3A_163 {offsets = [8], sizes = [1], strides = [1]} : vector<16xi32> to vector<1xi32>
      %squeeze3A_947 = vector.extract %slice3A_946[0] : i32 from vector<1xi32>
      %shift_right_arithmetic3A_948 = arith.constant 2 : i32
      %shift_right_arithmetic3A_949 = arith.shrsi %squeeze3A_947, %shift_right_arithmetic3A_948 : i32
      %slice3A_950 = vector.extract_strided_slice %mul3A_175 {offsets = [8], sizes = [1], strides = [1]} : vector<16xi32> to vector<1xi32>
      %squeeze3A_951 = vector.extract %slice3A_950[0] : i32 from vector<1xi32>
      %add3A_952 = arith.constant 16 : i32
      %add3A_953 = arith.addi %squeeze3A_951, %add3A_952 : i32
      %get3A_954 = arith.index_cast %shift_right_arithmetic3A_949 : i32 to index
      %get3A_955 = arith.index_cast %add3A_953 : i32 to index
      %get3A_956 = tpu.vector_load %arg17[%get3A_954, %get3A_955] {strides = array<i32>} : memref<16x128xf32, #tpu.memory_space<vmem>>, vector<16xf32>,
      %slice3A_957 = vector.extract_strided_slice %get3A_134 {offsets = [8], sizes = [1], strides = [1]} : vector<16xi32> to vector<1xi32>
      %squeeze3A_958 = vector.extract %slice3A_957[0] : i32 from vector<1xi32>
      %ge3A_959 = arith.constant 999936 : i32
      %ge3A_960 = arith.cmpi sge, %squeeze3A_958, %ge3A_959 : i32
      %slice3A_961 = vector.extract_strided_slice %get3A_137 {offsets = [8], sizes = [1], strides = [1]} : vector<16xi32> to vector<1xi32>
      %squeeze3A_962 = vector.extract %slice3A_961[0] : i32 from vector<1xi32>
      %ge3A_963 = arith.constant 999936 : i32
      %ge3A_964 = arith.cmpi sge, %squeeze3A_962, %ge3A_963 : i32
      %select_n3A_965 = arith.select %ge3A_960, %get3A_925, %get3A_903 : vector<16xf32>
      %select_n3A_966 = arith.select %ge3A_960, %get3A_936, %get3A_908 : vector<16xf32>
      %select_n3A_967 = arith.select %ge3A_964, %get3A_945, %get3A_911 : vector<16xf32>
      %select_n3A_968 = arith.select %ge3A_964, %get3A_956, %get3A_916 : vector<16xf32>
      %mul3A_969 = arith.mulf %select_n3A_965, %select_n3A_967 : vector<16xf32>
      %mul3A_970 = arith.mulf %mul3A_969, %get3A_6 : vector<16xf32>
      %mul3A_971 = arith.mulf %select_n3A_966, %select_n3A_968 : vector<16xf32>
      %mul3A_972 = arith.mulf %mul3A_971, %get3A_8 : vector<16xf32>
      %add3A_973 = arith.addf %mul3A_970, %mul3A_972 : vector<16xf32>
      %reduce_sum3A_974 = arith.constant true
      %reduce_sum3A_975 = vector.broadcast %reduce_sum3A_974 : i1 to vector<16xi1>
      %reduce_sum3A_976 = tpu.scan <sum>, %add3A_973 masked %reduce_sum3A_975 : vector<16xf32>, vector<16xi1> -> vector<16xf32>
      %reduce_sum3A_977 = vector.extract %reduce_sum3A_976[15] : f32 from vector<16xf32>
      %eq3A_978 = arith.constant 8 : i32
      %eq3A_979 = vector.broadcast %eq3A_978 : i32 to vector<16xi32>
      %eq3A_980 = arith.cmpi eq, %iota3A, %eq3A_979 : vector<16xi32>
      %broadcast_in_dim3A_981 = vector.broadcast %reduce_sum3A_977 : f32 to vector<16xf32>
      %select_n3A_982 = arith.select %eq3A_980, %broadcast_in_dim3A_981, %select_n3A_892 : vector<16xi1>, vector<16xf32>
      %mul3A_983 = arith.constant 16 : i32
      %mul3A_984 = arith.muli %scan3A_125, %mul3A_983 : i32
      %add3A_985 = arith.constant 9 : i32
      %add3A_986 = arith.addi %mul3A_984, %add3A_985 : i32
      %slice3A_987 = vector.extract_strided_slice %mul3A_143 {offsets = [9], sizes = [1], strides = [1]} : vector<16xi32> to vector<1xi32>
      %squeeze3A_988 = vector.extract %slice3A_987[0] : i32 from vector<1xi32>
      %slice3A_989 = vector.extract_strided_slice %mul3A_149 {offsets = [9], sizes = [1], strides = [1]} : vector<16xi32> to vector<1xi32>
      %squeeze3A_990 = vector.extract %slice3A_989[0] : i32 from vector<1xi32>
      %get3A_991 = arith.index_cast %add3A_986 : i32 to index
      %get3A_992 = arith.index_cast %squeeze3A_988 : i32 to index
      %get3A_993 = tpu.vector_load %arg14[%get3A_991, %get3A_992] {strides = array<i32>} : memref<256x128xf32, #tpu.memory_space<vmem>>, vector<16xf32>,
      %add3A_994 = arith.constant 16 : i32
      %add3A_995 = arith.addi %squeeze3A_988, %add3A_994 : i32
      %get3A_996 = arith.index_cast %add3A_986 : i32 to index
      %get3A_997 = arith.index_cast %add3A_995 : i32 to index
      %get3A_998 = tpu.vector_load %arg14[%get3A_996, %get3A_997] {strides = array<i32>} : memref<256x128xf32, #tpu.memory_space<vmem>>, vector<16xf32>,
      %get3A_999 = arith.index_cast %add3A_986 : i32 to index
      %get3A_1000 = arith.index_cast %squeeze3A_990 : i32 to index
      %get3A_1001 = tpu.vector_load %arg15[%get3A_999, %get3A_1000] {strides = array<i32>} : memref<256x128xf32, #tpu.memory_space<vmem>>, vector<16xf32>,
      %add3A_1002 = arith.constant 16 : i32
      %add3A_1003 = arith.addi %squeeze3A_990, %add3A_1002 : i32
      %get3A_1004 = arith.index_cast %add3A_986 : i32 to index
      %get3A_1005 = arith.index_cast %add3A_1003 : i32 to index
      %get3A_1006 = tpu.vector_load %arg15[%get3A_1004, %get3A_1005] {strides = array<i32>} : memref<256x128xf32, #tpu.memory_space<vmem>>, vector<16xf32>,
      %slice3A_1007 = vector.extract_strided_slice %min3A_154 {offsets = [9], sizes = [1], strides = [1]} : vector<16xi32> to vector<1xi32>
      %squeeze3A_1008 = vector.extract %slice3A_1007[0] : i32 from vector<1xi32>
      %shift_right_arithmetic3A_1009 = arith.constant 2 : i32
      %shift_right_arithmetic3A_1010 = arith.shrsi %squeeze3A_1008, %shift_right_arithmetic3A_1009 : i32
      %slice3A_1011 = vector.extract_strided_slice %mul3A_169 {offsets = [9], sizes = [1], strides = [1]} : vector<16xi32> to vector<1xi32>
      %squeeze3A_1012 = vector.extract %slice3A_1011[0] : i32 from vector<1xi32>
      %get3A_1013 = arith.index_cast %shift_right_arithmetic3A_1010 : i32 to index
      %get3A_1014 = arith.index_cast %squeeze3A_1012 : i32 to index
      %get3A_1015 = tpu.vector_load %arg16[%get3A_1013, %get3A_1014] {strides = array<i32>} : memref<16x128xf32, #tpu.memory_space<vmem>>, vector<16xf32>,
      %slice3A_1016 = vector.extract_strided_slice %min3A_154 {offsets = [9], sizes = [1], strides = [1]} : vector<16xi32> to vector<1xi32>
      %squeeze3A_1017 = vector.extract %slice3A_1016[0] : i32 from vector<1xi32>
      %shift_right_arithmetic3A_1018 = arith.constant 2 : i32
      %shift_right_arithmetic3A_1019 = arith.shrsi %squeeze3A_1017, %shift_right_arithmetic3A_1018 : i32
      %slice3A_1020 = vector.extract_strided_slice %mul3A_169 {offsets = [9], sizes = [1], strides = [1]} : vector<16xi32> to vector<1xi32>
      %squeeze3A_1021 = vector.extract %slice3A_1020[0] : i32 from vector<1xi32>
      %add3A_1022 = arith.constant 16 : i32
      %add3A_1023 = arith.addi %squeeze3A_1021, %add3A_1022 : i32
      %get3A_1024 = arith.index_cast %shift_right_arithmetic3A_1019 : i32 to index
      %get3A_1025 = arith.index_cast %add3A_1023 : i32 to index
      %get3A_1026 = tpu.vector_load %arg16[%get3A_1024, %get3A_1025] {strides = array<i32>} : memref<16x128xf32, #tpu.memory_space<vmem>>, vector<16xf32>,
      %slice3A_1027 = vector.extract_strided_slice %min3A_163 {offsets = [9], sizes = [1], strides = [1]} : vector<16xi32> to vector<1xi32>
      %squeeze3A_1028 = vector.extract %slice3A_1027[0] : i32 from vector<1xi32>
      %shift_right_arithmetic3A_1029 = arith.constant 2 : i32
      %shift_right_arithmetic3A_1030 = arith.shrsi %squeeze3A_1028, %shift_right_arithmetic3A_1029 : i32
      %slice3A_1031 = vector.extract_strided_slice %mul3A_175 {offsets = [9], sizes = [1], strides = [1]} : vector<16xi32> to vector<1xi32>
      %squeeze3A_1032 = vector.extract %slice3A_1031[0] : i32 from vector<1xi32>
      %get3A_1033 = arith.index_cast %shift_right_arithmetic3A_1030 : i32 to index
      %get3A_1034 = arith.index_cast %squeeze3A_1032 : i32 to index
      %get3A_1035 = tpu.vector_load %arg17[%get3A_1033, %get3A_1034] {strides = array<i32>} : memref<16x128xf32, #tpu.memory_space<vmem>>, vector<16xf32>,
      %slice3A_1036 = vector.extract_strided_slice %min3A_163 {offsets = [9], sizes = [1], strides = [1]} : vector<16xi32> to vector<1xi32>
      %squeeze3A_1037 = vector.extract %slice3A_1036[0] : i32 from vector<1xi32>
      %shift_right_arithmetic3A_1038 = arith.constant 2 : i32
      %shift_right_arithmetic3A_1039 = arith.shrsi %squeeze3A_1037, %shift_right_arithmetic3A_1038 : i32
      %slice3A_1040 = vector.extract_strided_slice %mul3A_175 {offsets = [9], sizes = [1], strides = [1]} : vector<16xi32> to vector<1xi32>
      %squeeze3A_1041 = vector.extract %slice3A_1040[0] : i32 from vector<1xi32>
      %add3A_1042 = arith.constant 16 : i32
      %add3A_1043 = arith.addi %squeeze3A_1041, %add3A_1042 : i32
      %get3A_1044 = arith.index_cast %shift_right_arithmetic3A_1039 : i32 to index
      %get3A_1045 = arith.index_cast %add3A_1043 : i32 to index
      %get3A_1046 = tpu.vector_load %arg17[%get3A_1044, %get3A_1045] {strides = array<i32>} : memref<16x128xf32, #tpu.memory_space<vmem>>, vector<16xf32>,
      %slice3A_1047 = vector.extract_strided_slice %get3A_134 {offsets = [9], sizes = [1], strides = [1]} : vector<16xi32> to vector<1xi32>
      %squeeze3A_1048 = vector.extract %slice3A_1047[0] : i32 from vector<1xi32>
      %ge3A_1049 = arith.constant 999936 : i32
      %ge3A_1050 = arith.cmpi sge, %squeeze3A_1048, %ge3A_1049 : i32
      %slice3A_1051 = vector.extract_strided_slice %get3A_137 {offsets = [9], sizes = [1], strides = [1]} : vector<16xi32> to vector<1xi32>
      %squeeze3A_1052 = vector.extract %slice3A_1051[0] : i32 from vector<1xi32>
      %ge3A_1053 = arith.constant 999936 : i32
      %ge3A_1054 = arith.cmpi sge, %squeeze3A_1052, %ge3A_1053 : i32
      %select_n3A_1055 = arith.select %ge3A_1050, %get3A_1015, %get3A_993 : vector<16xf32>
      %select_n3A_1056 = arith.select %ge3A_1050, %get3A_1026, %get3A_998 : vector<16xf32>
      %select_n3A_1057 = arith.select %ge3A_1054, %get3A_1035, %get3A_1001 : vector<16xf32>
      %select_n3A_1058 = arith.select %ge3A_1054, %get3A_1046, %get3A_1006 : vector<16xf32>
      %mul3A_1059 = arith.mulf %select_n3A_1055, %select_n3A_1057 : vector<16xf32>
      %mul3A_1060 = arith.mulf %mul3A_1059, %get3A_6 : vector<16xf32>
      %mul3A_1061 = arith.mulf %select_n3A_1056, %select_n3A_1058 : vector<16xf32>
      %mul3A_1062 = arith.mulf %mul3A_1061, %get3A_8 : vector<16xf32>
      %add3A_1063 = arith.addf %mul3A_1060, %mul3A_1062 : vector<16xf32>
      %reduce_sum3A_1064 = arith.constant true
      %reduce_sum3A_1065 = vector.broadcast %reduce_sum3A_1064 : i1 to vector<16xi1>
      %reduce_sum3A_1066 = tpu.scan <sum>, %add3A_1063 masked %reduce_sum3A_1065 : vector<16xf32>, vector<16xi1> -> vector<16xf32>
      %reduce_sum3A_1067 = vector.extract %reduce_sum3A_1066[15] : f32 from vector<16xf32>
      %eq3A_1068 = arith.constant 9 : i32
      %eq3A_1069 = vector.broadcast %eq3A_1068 : i32 to vector<16xi32>
      %eq3A_1070 = arith.cmpi eq, %iota3A, %eq3A_1069 : vector<16xi32>
      %broadcast_in_dim3A_1071 = vector.broadcast %reduce_sum3A_1067 : f32 to vector<16xf32>
      %select_n3A_1072 = arith.select %eq3A_1070, %broadcast_in_dim3A_1071, %select_n3A_982 : vector<16xi1>, vector<16xf32>
      %mul3A_1073 = arith.constant 16 : i32
      %mul3A_1074 = arith.muli %scan3A_125, %mul3A_1073 : i32
      %add3A_1075 = arith.constant 10 : i32
      %add3A_1076 = arith.addi %mul3A_1074, %add3A_1075 : i32
      %slice3A_1077 = vector.extract_strided_slice %mul3A_143 {offsets = [10], sizes = [1], strides = [1]} : vector<16xi32> to vector<1xi32>
      %squeeze3A_1078 = vector.extract %slice3A_1077[0] : i32 from vector<1xi32>
      %slice3A_1079 = vector.extract_strided_slice %mul3A_149 {offsets = [10], sizes = [1], strides = [1]} : vector<16xi32> to vector<1xi32>
      %squeeze3A_1080 = vector.extract %slice3A_1079[0] : i32 from vector<1xi32>
      %get3A_1081 = arith.index_cast %add3A_1076 : i32 to index
      %get3A_1082 = arith.index_cast %squeeze3A_1078 : i32 to index
      %get3A_1083 = tpu.vector_load %arg14[%get3A_1081, %get3A_1082] {strides = array<i32>} : memref<256x128xf32, #tpu.memory_space<vmem>>, vector<16xf32>,
      %add3A_1084 = arith.constant 16 : i32
      %add3A_1085 = arith.addi %squeeze3A_1078, %add3A_1084 : i32
      %get3A_1086 = arith.index_cast %add3A_1076 : i32 to index
      %get3A_1087 = arith.index_cast %add3A_1085 : i32 to index
      %get3A_1088 = tpu.vector_load %arg14[%get3A_1086, %get3A_1087] {strides = array<i32>} : memref<256x128xf32, #tpu.memory_space<vmem>>, vector<16xf32>,
      %get3A_1089 = arith.index_cast %add3A_1076 : i32 to index
      %get3A_1090 = arith.index_cast %squeeze3A_1080 : i32 to index
      %get3A_1091 = tpu.vector_load %arg15[%get3A_1089, %get3A_1090] {strides = array<i32>} : memref<256x128xf32, #tpu.memory_space<vmem>>, vector<16xf32>,
      %add3A_1092 = arith.constant 16 : i32
      %add3A_1093 = arith.addi %squeeze3A_1080, %add3A_1092 : i32
      %get3A_1094 = arith.index_cast %add3A_1076 : i32 to index
      %get3A_1095 = arith.index_cast %add3A_1093 : i32 to index
      %get3A_1096 = tpu.vector_load %arg15[%get3A_1094, %get3A_1095] {strides = array<i32>} : memref<256x128xf32, #tpu.memory_space<vmem>>, vector<16xf32>,
      %slice3A_1097 = vector.extract_strided_slice %min3A_154 {offsets = [10], sizes = [1], strides = [1]} : vector<16xi32> to vector<1xi32>
      %squeeze3A_1098 = vector.extract %slice3A_1097[0] : i32 from vector<1xi32>
      %shift_right_arithmetic3A_1099 = arith.constant 2 : i32
      %shift_right_arithmetic3A_1100 = arith.shrsi %squeeze3A_1098, %shift_right_arithmetic3A_1099 : i32
      %slice3A_1101 = vector.extract_strided_slice %mul3A_169 {offsets = [10], sizes = [1], strides = [1]} : vector<16xi32> to vector<1xi32>
      %squeeze3A_1102 = vector.extract %slice3A_1101[0] : i32 from vector<1xi32>
      %get3A_1103 = arith.index_cast %shift_right_arithmetic3A_1100 : i32 to index
      %get3A_1104 = arith.index_cast %squeeze3A_1102 : i32 to index
      %get3A_1105 = tpu.vector_load %arg16[%get3A_1103, %get3A_1104] {strides = array<i32>} : memref<16x128xf32, #tpu.memory_space<vmem>>, vector<16xf32>,
      %slice3A_1106 = vector.extract_strided_slice %min3A_154 {offsets = [10], sizes = [1], strides = [1]} : vector<16xi32> to vector<1xi32>
      %squeeze3A_1107 = vector.extract %slice3A_1106[0] : i32 from vector<1xi32>
      %shift_right_arithmetic3A_1108 = arith.constant 2 : i32
      %shift_right_arithmetic3A_1109 = arith.shrsi %squeeze3A_1107, %shift_right_arithmetic3A_1108 : i32
      %slice3A_1110 = vector.extract_strided_slice %mul3A_169 {offsets = [10], sizes = [1], strides = [1]} : vector<16xi32> to vector<1xi32>
      %squeeze3A_1111 = vector.extract %slice3A_1110[0] : i32 from vector<1xi32>
      %add3A_1112 = arith.constant 16 : i32
      %add3A_1113 = arith.addi %squeeze3A_1111, %add3A_1112 : i32
      %get3A_1114 = arith.index_cast %shift_right_arithmetic3A_1109 : i32 to index
      %get3A_1115 = arith.index_cast %add3A_1113 : i32 to index
      %get3A_1116 = tpu.vector_load %arg16[%get3A_1114, %get3A_1115] {strides = array<i32>} : memref<16x128xf32, #tpu.memory_space<vmem>>, vector<16xf32>,
      %slice3A_1117 = vector.extract_strided_slice %min3A_163 {offsets = [10], sizes = [1], strides = [1]} : vector<16xi32> to vector<1xi32>
      %squeeze3A_1118 = vector.extract %slice3A_1117[0] : i32 from vector<1xi32>
      %shift_right_arithmetic3A_1119 = arith.constant 2 : i32
      %shift_right_arithmetic3A_1120 = arith.shrsi %squeeze3A_1118, %shift_right_arithmetic3A_1119 : i32
      %slice3A_1121 = vector.extract_strided_slice %mul3A_175 {offsets = [10], sizes = [1], strides = [1]} : vector<16xi32> to vector<1xi32>
      %squeeze3A_1122 = vector.extract %slice3A_1121[0] : i32 from vector<1xi32>
      %get3A_1123 = arith.index_cast %shift_right_arithmetic3A_1120 : i32 to index
      %get3A_1124 = arith.index_cast %squeeze3A_1122 : i32 to index
      %get3A_1125 = tpu.vector_load %arg17[%get3A_1123, %get3A_1124] {strides = array<i32>} : memref<16x128xf32, #tpu.memory_space<vmem>>, vector<16xf32>,
      %slice3A_1126 = vector.extract_strided_slice %min3A_163 {offsets = [10], sizes = [1], strides = [1]} : vector<16xi32> to vector<1xi32>
      %squeeze3A_1127 = vector.extract %slice3A_1126[0] : i32 from vector<1xi32>
      %shift_right_arithmetic3A_1128 = arith.constant 2 : i32
      %shift_right_arithmetic3A_1129 = arith.shrsi %squeeze3A_1127, %shift_right_arithmetic3A_1128 : i32
      %slice3A_1130 = vector.extract_strided_slice %mul3A_175 {offsets = [10], sizes = [1], strides = [1]} : vector<16xi32> to vector<1xi32>
      %squeeze3A_1131 = vector.extract %slice3A_1130[0] : i32 from vector<1xi32>
      %add3A_1132 = arith.constant 16 : i32
      %add3A_1133 = arith.addi %squeeze3A_1131, %add3A_1132 : i32
      %get3A_1134 = arith.index_cast %shift_right_arithmetic3A_1129 : i32 to index
      %get3A_1135 = arith.index_cast %add3A_1133 : i32 to index
      %get3A_1136 = tpu.vector_load %arg17[%get3A_1134, %get3A_1135] {strides = array<i32>} : memref<16x128xf32, #tpu.memory_space<vmem>>, vector<16xf32>,
      %slice3A_1137 = vector.extract_strided_slice %get3A_134 {offsets = [10], sizes = [1], strides = [1]} : vector<16xi32> to vector<1xi32>
      %squeeze3A_1138 = vector.extract %slice3A_1137[0] : i32 from vector<1xi32>
      %ge3A_1139 = arith.constant 999936 : i32
      %ge3A_1140 = arith.cmpi sge, %squeeze3A_1138, %ge3A_1139 : i32
      %slice3A_1141 = vector.extract_strided_slice %get3A_137 {offsets = [10], sizes = [1], strides = [1]} : vector<16xi32> to vector<1xi32>
      %squeeze3A_1142 = vector.extract %slice3A_1141[0] : i32 from vector<1xi32>
      %ge3A_1143 = arith.constant 999936 : i32
      %ge3A_1144 = arith.cmpi sge, %squeeze3A_1142, %ge3A_1143 : i32
      %select_n3A_1145 = arith.select %ge3A_1140, %get3A_1105, %get3A_1083 : vector<16xf32>
      %select_n3A_1146 = arith.select %ge3A_1140, %get3A_1116, %get3A_1088 : vector<16xf32>
      %select_n3A_1147 = arith.select %ge3A_1144, %get3A_1125, %get3A_1091 : vector<16xf32>
      %select_n3A_1148 = arith.select %ge3A_1144, %get3A_1136, %get3A_1096 : vector<16xf32>
      %mul3A_1149 = arith.mulf %select_n3A_1145, %select_n3A_1147 : vector<16xf32>
      %mul3A_1150 = arith.mulf %mul3A_1149, %get3A_6 : vector<16xf32>
      %mul3A_1151 = arith.mulf %select_n3A_1146, %select_n3A_1148 : vector<16xf32>
      %mul3A_1152 = arith.mulf %mul3A_1151, %get3A_8 : vector<16xf32>
      %add3A_1153 = arith.addf %mul3A_1150, %mul3A_1152 : vector<16xf32>
      %reduce_sum3A_1154 = arith.constant true
      %reduce_sum3A_1155 = vector.broadcast %reduce_sum3A_1154 : i1 to vector<16xi1>
      %reduce_sum3A_1156 = tpu.scan <sum>, %add3A_1153 masked %reduce_sum3A_1155 : vector<16xf32>, vector<16xi1> -> vector<16xf32>
      %reduce_sum3A_1157 = vector.extract %reduce_sum3A_1156[15] : f32 from vector<16xf32>
      %eq3A_1158 = arith.constant 10 : i32
      %eq3A_1159 = vector.broadcast %eq3A_1158 : i32 to vector<16xi32>
      %eq3A_1160 = arith.cmpi eq, %iota3A, %eq3A_1159 : vector<16xi32>
      %broadcast_in_dim3A_1161 = vector.broadcast %reduce_sum3A_1157 : f32 to vector<16xf32>
      %select_n3A_1162 = arith.select %eq3A_1160, %broadcast_in_dim3A_1161, %select_n3A_1072 : vector<16xi1>, vector<16xf32>
      %mul3A_1163 = arith.constant 16 : i32
      %mul3A_1164 = arith.muli %scan3A_125, %mul3A_1163 : i32
      %add3A_1165 = arith.constant 11 : i32
      %add3A_1166 = arith.addi %mul3A_1164, %add3A_1165 : i32
      %slice3A_1167 = vector.extract_strided_slice %mul3A_143 {offsets = [11], sizes = [1], strides = [1]} : vector<16xi32> to vector<1xi32>
      %squeeze3A_1168 = vector.extract %slice3A_1167[0] : i32 from vector<1xi32>
      %slice3A_1169 = vector.extract_strided_slice %mul3A_149 {offsets = [11], sizes = [1], strides = [1]} : vector<16xi32> to vector<1xi32>
      %squeeze3A_1170 = vector.extract %slice3A_1169[0] : i32 from vector<1xi32>
      %get3A_1171 = arith.index_cast %add3A_1166 : i32 to index
      %get3A_1172 = arith.index_cast %squeeze3A_1168 : i32 to index
      %get3A_1173 = tpu.vector_load %arg14[%get3A_1171, %get3A_1172] {strides = array<i32>} : memref<256x128xf32, #tpu.memory_space<vmem>>, vector<16xf32>,
      %add3A_1174 = arith.constant 16 : i32
      %add3A_1175 = arith.addi %squeeze3A_1168, %add3A_1174 : i32
      %get3A_1176 = arith.index_cast %add3A_1166 : i32 to index
      %get3A_1177 = arith.index_cast %add3A_1175 : i32 to index
      %get3A_1178 = tpu.vector_load %arg14[%get3A_1176, %get3A_1177] {strides = array<i32>} : memref<256x128xf32, #tpu.memory_space<vmem>>, vector<16xf32>,
      %get3A_1179 = arith.index_cast %add3A_1166 : i32 to index
      %get3A_1180 = arith.index_cast %squeeze3A_1170 : i32 to index
      %get3A_1181 = tpu.vector_load %arg15[%get3A_1179, %get3A_1180] {strides = array<i32>} : memref<256x128xf32, #tpu.memory_space<vmem>>, vector<16xf32>,
      %add3A_1182 = arith.constant 16 : i32
      %add3A_1183 = arith.addi %squeeze3A_1170, %add3A_1182 : i32
      %get3A_1184 = arith.index_cast %add3A_1166 : i32 to index
      %get3A_1185 = arith.index_cast %add3A_1183 : i32 to index
      %get3A_1186 = tpu.vector_load %arg15[%get3A_1184, %get3A_1185] {strides = array<i32>} : memref<256x128xf32, #tpu.memory_space<vmem>>, vector<16xf32>,
      %slice3A_1187 = vector.extract_strided_slice %min3A_154 {offsets = [11], sizes = [1], strides = [1]} : vector<16xi32> to vector<1xi32>
      %squeeze3A_1188 = vector.extract %slice3A_1187[0] : i32 from vector<1xi32>
      %shift_right_arithmetic3A_1189 = arith.constant 2 : i32
      %shift_right_arithmetic3A_1190 = arith.shrsi %squeeze3A_1188, %shift_right_arithmetic3A_1189 : i32
      %slice3A_1191 = vector.extract_strided_slice %mul3A_169 {offsets = [11], sizes = [1], strides = [1]} : vector<16xi32> to vector<1xi32>
      %squeeze3A_1192 = vector.extract %slice3A_1191[0] : i32 from vector<1xi32>
      %get3A_1193 = arith.index_cast %shift_right_arithmetic3A_1190 : i32 to index
      %get3A_1194 = arith.index_cast %squeeze3A_1192 : i32 to index
      %get3A_1195 = tpu.vector_load %arg16[%get3A_1193, %get3A_1194] {strides = array<i32>} : memref<16x128xf32, #tpu.memory_space<vmem>>, vector<16xf32>,
      %slice3A_1196 = vector.extract_strided_slice %min3A_154 {offsets = [11], sizes = [1], strides = [1]} : vector<16xi32> to vector<1xi32>
      %squeeze3A_1197 = vector.extract %slice3A_1196[0] : i32 from vector<1xi32>
      %shift_right_arithmetic3A_1198 = arith.constant 2 : i32
      %shift_right_arithmetic3A_1199 = arith.shrsi %squeeze3A_1197, %shift_right_arithmetic3A_1198 : i32
      %slice3A_1200 = vector.extract_strided_slice %mul3A_169 {offsets = [11], sizes = [1], strides = [1]} : vector<16xi32> to vector<1xi32>
      %squeeze3A_1201 = vector.extract %slice3A_1200[0] : i32 from vector<1xi32>
      %add3A_1202 = arith.constant 16 : i32
      %add3A_1203 = arith.addi %squeeze3A_1201, %add3A_1202 : i32
      %get3A_1204 = arith.index_cast %shift_right_arithmetic3A_1199 : i32 to index
      %get3A_1205 = arith.index_cast %add3A_1203 : i32 to index
      %get3A_1206 = tpu.vector_load %arg16[%get3A_1204, %get3A_1205] {strides = array<i32>} : memref<16x128xf32, #tpu.memory_space<vmem>>, vector<16xf32>,
      %slice3A_1207 = vector.extract_strided_slice %min3A_163 {offsets = [11], sizes = [1], strides = [1]} : vector<16xi32> to vector<1xi32>
      %squeeze3A_1208 = vector.extract %slice3A_1207[0] : i32 from vector<1xi32>
      %shift_right_arithmetic3A_1209 = arith.constant 2 : i32
      %shift_right_arithmetic3A_1210 = arith.shrsi %squeeze3A_1208, %shift_right_arithmetic3A_1209 : i32
      %slice3A_1211 = vector.extract_strided_slice %mul3A_175 {offsets = [11], sizes = [1], strides = [1]} : vector<16xi32> to vector<1xi32>
      %squeeze3A_1212 = vector.extract %slice3A_1211[0] : i32 from vector<1xi32>
      %get3A_1213 = arith.index_cast %shift_right_arithmetic3A_1210 : i32 to index
      %get3A_1214 = arith.index_cast %squeeze3A_1212 : i32 to index
      %get3A_1215 = tpu.vector_load %arg17[%get3A_1213, %get3A_1214] {strides = array<i32>} : memref<16x128xf32, #tpu.memory_space<vmem>>, vector<16xf32>,
      %slice3A_1216 = vector.extract_strided_slice %min3A_163 {offsets = [11], sizes = [1], strides = [1]} : vector<16xi32> to vector<1xi32>
      %squeeze3A_1217 = vector.extract %slice3A_1216[0] : i32 from vector<1xi32>
      %shift_right_arithmetic3A_1218 = arith.constant 2 : i32
      %shift_right_arithmetic3A_1219 = arith.shrsi %squeeze3A_1217, %shift_right_arithmetic3A_1218 : i32
      %slice3A_1220 = vector.extract_strided_slice %mul3A_175 {offsets = [11], sizes = [1], strides = [1]} : vector<16xi32> to vector<1xi32>
      %squeeze3A_1221 = vector.extract %slice3A_1220[0] : i32 from vector<1xi32>
      %add3A_1222 = arith.constant 16 : i32
      %add3A_1223 = arith.addi %squeeze3A_1221, %add3A_1222 : i32
      %get3A_1224 = arith.index_cast %shift_right_arithmetic3A_1219 : i32 to index
      %get3A_1225 = arith.index_cast %add3A_1223 : i32 to index
      %get3A_1226 = tpu.vector_load %arg17[%get3A_1224, %get3A_1225] {strides = array<i32>} : memref<16x128xf32, #tpu.memory_space<vmem>>, vector<16xf32>,
      %slice3A_1227 = vector.extract_strided_slice %get3A_134 {offsets = [11], sizes = [1], strides = [1]} : vector<16xi32> to vector<1xi32>
      %squeeze3A_1228 = vector.extract %slice3A_1227[0] : i32 from vector<1xi32>
      %ge3A_1229 = arith.constant 999936 : i32
      %ge3A_1230 = arith.cmpi sge, %squeeze3A_1228, %ge3A_1229 : i32
      %slice3A_1231 = vector.extract_strided_slice %get3A_137 {offsets = [11], sizes = [1], strides = [1]} : vector<16xi32> to vector<1xi32>
      %squeeze3A_1232 = vector.extract %slice3A_1231[0] : i32 from vector<1xi32>
      %ge3A_1233 = arith.constant 999936 : i32
      %ge3A_1234 = arith.cmpi sge, %squeeze3A_1232, %ge3A_1233 : i32
      %select_n3A_1235 = arith.select %ge3A_1230, %get3A_1195, %get3A_1173 : vector<16xf32>
      %select_n3A_1236 = arith.select %ge3A_1230, %get3A_1206, %get3A_1178 : vector<16xf32>
      %select_n3A_1237 = arith.select %ge3A_1234, %get3A_1215, %get3A_1181 : vector<16xf32>
      %select_n3A_1238 = arith.select %ge3A_1234, %get3A_1226, %get3A_1186 : vector<16xf32>
      %mul3A_1239 = arith.mulf %select_n3A_1235, %select_n3A_1237 : vector<16xf32>
      %mul3A_1240 = arith.mulf %mul3A_1239, %get3A_6 : vector<16xf32>
      %mul3A_1241 = arith.mulf %select_n3A_1236, %select_n3A_1238 : vector<16xf32>
      %mul3A_1242 = arith.mulf %mul3A_1241, %get3A_8 : vector<16xf32>
      %add3A_1243 = arith.addf %mul3A_1240, %mul3A_1242 : vector<16xf32>
      %reduce_sum3A_1244 = arith.constant true
      %reduce_sum3A_1245 = vector.broadcast %reduce_sum3A_1244 : i1 to vector<16xi1>
      %reduce_sum3A_1246 = tpu.scan <sum>, %add3A_1243 masked %reduce_sum3A_1245 : vector<16xf32>, vector<16xi1> -> vector<16xf32>
      %reduce_sum3A_1247 = vector.extract %reduce_sum3A_1246[15] : f32 from vector<16xf32>
      %eq3A_1248 = arith.constant 11 : i32
      %eq3A_1249 = vector.broadcast %eq3A_1248 : i32 to vector<16xi32>
      %eq3A_1250 = arith.cmpi eq, %iota3A, %eq3A_1249 : vector<16xi32>
      %broadcast_in_dim3A_1251 = vector.broadcast %reduce_sum3A_1247 : f32 to vector<16xf32>
      %select_n3A_1252 = arith.select %eq3A_1250, %broadcast_in_dim3A_1251, %select_n3A_1162 : vector<16xi1>, vector<16xf32>
      %mul3A_1253 = arith.constant 16 : i32
      %mul3A_1254 = arith.muli %scan3A_125, %mul3A_1253 : i32
      %add3A_1255 = arith.constant 12 : i32
      %add3A_1256 = arith.addi %mul3A_1254, %add3A_1255 : i32
      %slice3A_1257 = vector.extract_strided_slice %mul3A_143 {offsets = [12], sizes = [1], strides = [1]} : vector<16xi32> to vector<1xi32>
      %squeeze3A_1258 = vector.extract %slice3A_1257[0] : i32 from vector<1xi32>
      %slice3A_1259 = vector.extract_strided_slice %mul3A_149 {offsets = [12], sizes = [1], strides = [1]} : vector<16xi32> to vector<1xi32>
      %squeeze3A_1260 = vector.extract %slice3A_1259[0] : i32 from vector<1xi32>
      %get3A_1261 = arith.index_cast %add3A_1256 : i32 to index
      %get3A_1262 = arith.index_cast %squeeze3A_1258 : i32 to index
      %get3A_1263 = tpu.vector_load %arg14[%get3A_1261, %get3A_1262] {strides = array<i32>} : memref<256x128xf32, #tpu.memory_space<vmem>>, vector<16xf32>,
      %add3A_1264 = arith.constant 16 : i32
      %add3A_1265 = arith.addi %squeeze3A_1258, %add3A_1264 : i32
      %get3A_1266 = arith.index_cast %add3A_1256 : i32 to index
      %get3A_1267 = arith.index_cast %add3A_1265 : i32 to index
      %get3A_1268 = tpu.vector_load %arg14[%get3A_1266, %get3A_1267] {strides = array<i32>} : memref<256x128xf32, #tpu.memory_space<vmem>>, vector<16xf32>,
      %get3A_1269 = arith.index_cast %add3A_1256 : i32 to index
      %get3A_1270 = arith.index_cast %squeeze3A_1260 : i32 to index
      %get3A_1271 = tpu.vector_load %arg15[%get3A_1269, %get3A_1270] {strides = array<i32>} : memref<256x128xf32, #tpu.memory_space<vmem>>, vector<16xf32>,
      %add3A_1272 = arith.constant 16 : i32
      %add3A_1273 = arith.addi %squeeze3A_1260, %add3A_1272 : i32
      %get3A_1274 = arith.index_cast %add3A_1256 : i32 to index
      %get3A_1275 = arith.index_cast %add3A_1273 : i32 to index
      %get3A_1276 = tpu.vector_load %arg15[%get3A_1274, %get3A_1275] {strides = array<i32>} : memref<256x128xf32, #tpu.memory_space<vmem>>, vector<16xf32>,
      %slice3A_1277 = vector.extract_strided_slice %min3A_154 {offsets = [12], sizes = [1], strides = [1]} : vector<16xi32> to vector<1xi32>
      %squeeze3A_1278 = vector.extract %slice3A_1277[0] : i32 from vector<1xi32>
      %shift_right_arithmetic3A_1279 = arith.constant 2 : i32
      %shift_right_arithmetic3A_1280 = arith.shrsi %squeeze3A_1278, %shift_right_arithmetic3A_1279 : i32
      %slice3A_1281 = vector.extract_strided_slice %mul3A_169 {offsets = [12], sizes = [1], strides = [1]} : vector<16xi32> to vector<1xi32>
      %squeeze3A_1282 = vector.extract %slice3A_1281[0] : i32 from vector<1xi32>
      %get3A_1283 = arith.index_cast %shift_right_arithmetic3A_1280 : i32 to index
      %get3A_1284 = arith.index_cast %squeeze3A_1282 : i32 to index
      %get3A_1285 = tpu.vector_load %arg16[%get3A_1283, %get3A_1284] {strides = array<i32>} : memref<16x128xf32, #tpu.memory_space<vmem>>, vector<16xf32>,
      %slice3A_1286 = vector.extract_strided_slice %min3A_154 {offsets = [12], sizes = [1], strides = [1]} : vector<16xi32> to vector<1xi32>
      %squeeze3A_1287 = vector.extract %slice3A_1286[0] : i32 from vector<1xi32>
      %shift_right_arithmetic3A_1288 = arith.constant 2 : i32
      %shift_right_arithmetic3A_1289 = arith.shrsi %squeeze3A_1287, %shift_right_arithmetic3A_1288 : i32
      %slice3A_1290 = vector.extract_strided_slice %mul3A_169 {offsets = [12], sizes = [1], strides = [1]} : vector<16xi32> to vector<1xi32>
      %squeeze3A_1291 = vector.extract %slice3A_1290[0] : i32 from vector<1xi32>
      %add3A_1292 = arith.constant 16 : i32
      %add3A_1293 = arith.addi %squeeze3A_1291, %add3A_1292 : i32
      %get3A_1294 = arith.index_cast %shift_right_arithmetic3A_1289 : i32 to index
      %get3A_1295 = arith.index_cast %add3A_1293 : i32 to index
      %get3A_1296 = tpu.vector_load %arg16[%get3A_1294, %get3A_1295] {strides = array<i32>} : memref<16x128xf32, #tpu.memory_space<vmem>>, vector<16xf32>,
      %slice3A_1297 = vector.extract_strided_slice %min3A_163 {offsets = [12], sizes = [1], strides = [1]} : vector<16xi32> to vector<1xi32>
      %squeeze3A_1298 = vector.extract %slice3A_1297[0] : i32 from vector<1xi32>
      %shift_right_arithmetic3A_1299 = arith.constant 2 : i32
      %shift_right_arithmetic3A_1300 = arith.shrsi %squeeze3A_1298, %shift_right_arithmetic3A_1299 : i32
      %slice3A_1301 = vector.extract_strided_slice %mul3A_175 {offsets = [12], sizes = [1], strides = [1]} : vector<16xi32> to vector<1xi32>
      %squeeze3A_1302 = vector.extract %slice3A_1301[0] : i32 from vector<1xi32>
      %get3A_1303 = arith.index_cast %shift_right_arithmetic3A_1300 : i32 to index
      %get3A_1304 = arith.index_cast %squeeze3A_1302 : i32 to index
      %get3A_1305 = tpu.vector_load %arg17[%get3A_1303, %get3A_1304] {strides = array<i32>} : memref<16x128xf32, #tpu.memory_space<vmem>>, vector<16xf32>,
      %slice3A_1306 = vector.extract_strided_slice %min3A_163 {offsets = [12], sizes = [1], strides = [1]} : vector<16xi32> to vector<1xi32>
      %squeeze3A_1307 = vector.extract %slice3A_1306[0] : i32 from vector<1xi32>
      %shift_right_arithmetic3A_1308 = arith.constant 2 : i32
      %shift_right_arithmetic3A_1309 = arith.shrsi %squeeze3A_1307, %shift_right_arithmetic3A_1308 : i32
      %slice3A_1310 = vector.extract_strided_slice %mul3A_175 {offsets = [12], sizes = [1], strides = [1]} : vector<16xi32> to vector<1xi32>
      %squeeze3A_1311 = vector.extract %slice3A_1310[0] : i32 from vector<1xi32>
      %add3A_1312 = arith.constant 16 : i32
      %add3A_1313 = arith.addi %squeeze3A_1311, %add3A_1312 : i32
      %get3A_1314 = arith.index_cast %shift_right_arithmetic3A_1309 : i32 to index
      %get3A_1315 = arith.index_cast %add3A_1313 : i32 to index
      %get3A_1316 = tpu.vector_load %arg17[%get3A_1314, %get3A_1315] {strides = array<i32>} : memref<16x128xf32, #tpu.memory_space<vmem>>, vector<16xf32>,
      %slice3A_1317 = vector.extract_strided_slice %get3A_134 {offsets = [12], sizes = [1], strides = [1]} : vector<16xi32> to vector<1xi32>
      %squeeze3A_1318 = vector.extract %slice3A_1317[0] : i32 from vector<1xi32>
      %ge3A_1319 = arith.constant 999936 : i32
      %ge3A_1320 = arith.cmpi sge, %squeeze3A_1318, %ge3A_1319 : i32
      %slice3A_1321 = vector.extract_strided_slice %get3A_137 {offsets = [12], sizes = [1], strides = [1]} : vector<16xi32> to vector<1xi32>
      %squeeze3A_1322 = vector.extract %slice3A_1321[0] : i32 from vector<1xi32>
      %ge3A_1323 = arith.constant 999936 : i32
      %ge3A_1324 = arith.cmpi sge, %squeeze3A_1322, %ge3A_1323 : i32
      %select_n3A_1325 = arith.select %ge3A_1320, %get3A_1285, %get3A_1263 : vector<16xf32>
      %select_n3A_1326 = arith.select %ge3A_1320, %get3A_1296, %get3A_1268 : vector<16xf32>
      %select_n3A_1327 = arith.select %ge3A_1324, %get3A_1305, %get3A_1271 : vector<16xf32>
      %select_n3A_1328 = arith.select %ge3A_1324, %get3A_1316, %get3A_1276 : vector<16xf32>
      %mul3A_1329 = arith.mulf %select_n3A_1325, %select_n3A_1327 : vector<16xf32>
      %mul3A_1330 = arith.mulf %mul3A_1329, %get3A_6 : vector<16xf32>
      %mul3A_1331 = arith.mulf %select_n3A_1326, %select_n3A_1328 : vector<16xf32>
      %mul3A_1332 = arith.mulf %mul3A_1331, %get3A_8 : vector<16xf32>
      %add3A_1333 = arith.addf %mul3A_1330, %mul3A_1332 : vector<16xf32>
      %reduce_sum3A_1334 = arith.constant true
      %reduce_sum3A_1335 = vector.broadcast %reduce_sum3A_1334 : i1 to vector<16xi1>
      %reduce_sum3A_1336 = tpu.scan <sum>, %add3A_1333 masked %reduce_sum3A_1335 : vector<16xf32>, vector<16xi1> -> vector<16xf32>
      %reduce_sum3A_1337 = vector.extract %reduce_sum3A_1336[15] : f32 from vector<16xf32>
      %eq3A_1338 = arith.constant 12 : i32
      %eq3A_1339 = vector.broadcast %eq3A_1338 : i32 to vector<16xi32>
      %eq3A_1340 = arith.cmpi eq, %iota3A, %eq3A_1339 : vector<16xi32>
      %broadcast_in_dim3A_1341 = vector.broadcast %reduce_sum3A_1337 : f32 to vector<16xf32>
      %select_n3A_1342 = arith.select %eq3A_1340, %broadcast_in_dim3A_1341, %select_n3A_1252 : vector<16xi1>, vector<16xf32>
      %mul3A_1343 = arith.constant 16 : i32
      %mul3A_1344 = arith.muli %scan3A_125, %mul3A_1343 : i32
      %add3A_1345 = arith.constant 13 : i32
      %add3A_1346 = arith.addi %mul3A_1344, %add3A_1345 : i32
      %slice3A_1347 = vector.extract_strided_slice %mul3A_143 {offsets = [13], sizes = [1], strides = [1]} : vector<16xi32> to vector<1xi32>
      %squeeze3A_1348 = vector.extract %slice3A_1347[0] : i32 from vector<1xi32>
      %slice3A_1349 = vector.extract_strided_slice %mul3A_149 {offsets = [13], sizes = [1], strides = [1]} : vector<16xi32> to vector<1xi32>
      %squeeze3A_1350 = vector.extract %slice3A_1349[0] : i32 from vector<1xi32>
      %get3A_1351 = arith.index_cast %add3A_1346 : i32 to index
      %get3A_1352 = arith.index_cast %squeeze3A_1348 : i32 to index
      %get3A_1353 = tpu.vector_load %arg14[%get3A_1351, %get3A_1352] {strides = array<i32>} : memref<256x128xf32, #tpu.memory_space<vmem>>, vector<16xf32>,
      %add3A_1354 = arith.constant 16 : i32
      %add3A_1355 = arith.addi %squeeze3A_1348, %add3A_1354 : i32
      %get3A_1356 = arith.index_cast %add3A_1346 : i32 to index
      %get3A_1357 = arith.index_cast %add3A_1355 : i32 to index
      %get3A_1358 = tpu.vector_load %arg14[%get3A_1356, %get3A_1357] {strides = array<i32>} : memref<256x128xf32, #tpu.memory_space<vmem>>, vector<16xf32>,
      %get3A_1359 = arith.index_cast %add3A_1346 : i32 to index
      %get3A_1360 = arith.index_cast %squeeze3A_1350 : i32 to index
      %get3A_1361 = tpu.vector_load %arg15[%get3A_1359, %get3A_1360] {strides = array<i32>} : memref<256x128xf32, #tpu.memory_space<vmem>>, vector<16xf32>,
      %add3A_1362 = arith.constant 16 : i32
      %add3A_1363 = arith.addi %squeeze3A_1350, %add3A_1362 : i32
      %get3A_1364 = arith.index_cast %add3A_1346 : i32 to index
      %get3A_1365 = arith.index_cast %add3A_1363 : i32 to index
      %get3A_1366 = tpu.vector_load %arg15[%get3A_1364, %get3A_1365] {strides = array<i32>} : memref<256x128xf32, #tpu.memory_space<vmem>>, vector<16xf32>,
      %slice3A_1367 = vector.extract_strided_slice %min3A_154 {offsets = [13], sizes = [1], strides = [1]} : vector<16xi32> to vector<1xi32>
      %squeeze3A_1368 = vector.extract %slice3A_1367[0] : i32 from vector<1xi32>
      %shift_right_arithmetic3A_1369 = arith.constant 2 : i32
      %shift_right_arithmetic3A_1370 = arith.shrsi %squeeze3A_1368, %shift_right_arithmetic3A_1369 : i32
      %slice3A_1371 = vector.extract_strided_slice %mul3A_169 {offsets = [13], sizes = [1], strides = [1]} : vector<16xi32> to vector<1xi32>
      %squeeze3A_1372 = vector.extract %slice3A_1371[0] : i32 from vector<1xi32>
      %get3A_1373 = arith.index_cast %shift_right_arithmetic3A_1370 : i32 to index
      %get3A_1374 = arith.index_cast %squeeze3A_1372 : i32 to index
      %get3A_1375 = tpu.vector_load %arg16[%get3A_1373, %get3A_1374] {strides = array<i32>} : memref<16x128xf32, #tpu.memory_space<vmem>>, vector<16xf32>,
      %slice3A_1376 = vector.extract_strided_slice %min3A_154 {offsets = [13], sizes = [1], strides = [1]} : vector<16xi32> to vector<1xi32>
      %squeeze3A_1377 = vector.extract %slice3A_1376[0] : i32 from vector<1xi32>
      %shift_right_arithmetic3A_1378 = arith.constant 2 : i32
      %shift_right_arithmetic3A_1379 = arith.shrsi %squeeze3A_1377, %shift_right_arithmetic3A_1378 : i32
      %slice3A_1380 = vector.extract_strided_slice %mul3A_169 {offsets = [13], sizes = [1], strides = [1]} : vector<16xi32> to vector<1xi32>
      %squeeze3A_1381 = vector.extract %slice3A_1380[0] : i32 from vector<1xi32>
      %add3A_1382 = arith.constant 16 : i32
      %add3A_1383 = arith.addi %squeeze3A_1381, %add3A_1382 : i32
      %get3A_1384 = arith.index_cast %shift_right_arithmetic3A_1379 : i32 to index
      %get3A_1385 = arith.index_cast %add3A_1383 : i32 to index
      %get3A_1386 = tpu.vector_load %arg16[%get3A_1384, %get3A_1385] {strides = array<i32>} : memref<16x128xf32, #tpu.memory_space<vmem>>, vector<16xf32>,
      %slice3A_1387 = vector.extract_strided_slice %min3A_163 {offsets = [13], sizes = [1], strides = [1]} : vector<16xi32> to vector<1xi32>
      %squeeze3A_1388 = vector.extract %slice3A_1387[0] : i32 from vector<1xi32>
      %shift_right_arithmetic3A_1389 = arith.constant 2 : i32
      %shift_right_arithmetic3A_1390 = arith.shrsi %squeeze3A_1388, %shift_right_arithmetic3A_1389 : i32
      %slice3A_1391 = vector.extract_strided_slice %mul3A_175 {offsets = [13], sizes = [1], strides = [1]} : vector<16xi32> to vector<1xi32>
      %squeeze3A_1392 = vector.extract %slice3A_1391[0] : i32 from vector<1xi32>
      %get3A_1393 = arith.index_cast %shift_right_arithmetic3A_1390 : i32 to index
      %get3A_1394 = arith.index_cast %squeeze3A_1392 : i32 to index
      %get3A_1395 = tpu.vector_load %arg17[%get3A_1393, %get3A_1394] {strides = array<i32>} : memref<16x128xf32, #tpu.memory_space<vmem>>, vector<16xf32>,
      %slice3A_1396 = vector.extract_strided_slice %min3A_163 {offsets = [13], sizes = [1], strides = [1]} : vector<16xi32> to vector<1xi32>
      %squeeze3A_1397 = vector.extract %slice3A_1396[0] : i32 from vector<1xi32>
      %shift_right_arithmetic3A_1398 = arith.constant 2 : i32
      %shift_right_arithmetic3A_1399 = arith.shrsi %squeeze3A_1397, %shift_right_arithmetic3A_1398 : i32
      %slice3A_1400 = vector.extract_strided_slice %mul3A_175 {offsets = [13], sizes = [1], strides = [1]} : vector<16xi32> to vector<1xi32>
      %squeeze3A_1401 = vector.extract %slice3A_1400[0] : i32 from vector<1xi32>
      %add3A_1402 = arith.constant 16 : i32
      %add3A_1403 = arith.addi %squeeze3A_1401, %add3A_1402 : i32
      %get3A_1404 = arith.index_cast %shift_right_arithmetic3A_1399 : i32 to index
      %get3A_1405 = arith.index_cast %add3A_1403 : i32 to index
      %get3A_1406 = tpu.vector_load %arg17[%get3A_1404, %get3A_1405] {strides = array<i32>} : memref<16x128xf32, #tpu.memory_space<vmem>>, vector<16xf32>,
      %slice3A_1407 = vector.extract_strided_slice %get3A_134 {offsets = [13], sizes = [1], strides = [1]} : vector<16xi32> to vector<1xi32>
      %squeeze3A_1408 = vector.extract %slice3A_1407[0] : i32 from vector<1xi32>
      %ge3A_1409 = arith.constant 999936 : i32
      %ge3A_1410 = arith.cmpi sge, %squeeze3A_1408, %ge3A_1409 : i32
      %slice3A_1411 = vector.extract_strided_slice %get3A_137 {offsets = [13], sizes = [1], strides = [1]} : vector<16xi32> to vector<1xi32>
      %squeeze3A_1412 = vector.extract %slice3A_1411[0] : i32 from vector<1xi32>
      %ge3A_1413 = arith.constant 999936 : i32
      %ge3A_1414 = arith.cmpi sge, %squeeze3A_1412, %ge3A_1413 : i32
      %select_n3A_1415 = arith.select %ge3A_1410, %get3A_1375, %get3A_1353 : vector<16xf32>
      %select_n3A_1416 = arith.select %ge3A_1410, %get3A_1386, %get3A_1358 : vector<16xf32>
      %select_n3A_1417 = arith.select %ge3A_1414, %get3A_1395, %get3A_1361 : vector<16xf32>
      %select_n3A_1418 = arith.select %ge3A_1414, %get3A_1406, %get3A_1366 : vector<16xf32>
      %mul3A_1419 = arith.mulf %select_n3A_1415, %select_n3A_1417 : vector<16xf32>
      %mul3A_1420 = arith.mulf %mul3A_1419, %get3A_6 : vector<16xf32>
      %mul3A_1421 = arith.mulf %select_n3A_1416, %select_n3A_1418 : vector<16xf32>
      %mul3A_1422 = arith.mulf %mul3A_1421, %get3A_8 : vector<16xf32>
      %add3A_1423 = arith.addf %mul3A_1420, %mul3A_1422 : vector<16xf32>
      %reduce_sum3A_1424 = arith.constant true
      %reduce_sum3A_1425 = vector.broadcast %reduce_sum3A_1424 : i1 to vector<16xi1>
      %reduce_sum3A_1426 = tpu.scan <sum>, %add3A_1423 masked %reduce_sum3A_1425 : vector<16xf32>, vector<16xi1> -> vector<16xf32>
      %reduce_sum3A_1427 = vector.extract %reduce_sum3A_1426[15] : f32 from vector<16xf32>
      %eq3A_1428 = arith.constant 13 : i32
      %eq3A_1429 = vector.broadcast %eq3A_1428 : i32 to vector<16xi32>
      %eq3A_1430 = arith.cmpi eq, %iota3A, %eq3A_1429 : vector<16xi32>
      %broadcast_in_dim3A_1431 = vector.broadcast %reduce_sum3A_1427 : f32 to vector<16xf32>
      %select_n3A_1432 = arith.select %eq3A_1430, %broadcast_in_dim3A_1431, %select_n3A_1342 : vector<16xi1>, vector<16xf32>
      %mul3A_1433 = arith.constant 16 : i32
      %mul3A_1434 = arith.muli %scan3A_125, %mul3A_1433 : i32
      %add3A_1435 = arith.constant 14 : i32
      %add3A_1436 = arith.addi %mul3A_1434, %add3A_1435 : i32
      %slice3A_1437 = vector.extract_strided_slice %mul3A_143 {offsets = [14], sizes = [1], strides = [1]} : vector<16xi32> to vector<1xi32>
      %squeeze3A_1438 = vector.extract %slice3A_1437[0] : i32 from vector<1xi32>
      %slice3A_1439 = vector.extract_strided_slice %mul3A_149 {offsets = [14], sizes = [1], strides = [1]} : vector<16xi32> to vector<1xi32>
      %squeeze3A_1440 = vector.extract %slice3A_1439[0] : i32 from vector<1xi32>
      %get3A_1441 = arith.index_cast %add3A_1436 : i32 to index
      %get3A_1442 = arith.index_cast %squeeze3A_1438 : i32 to index
      %get3A_1443 = tpu.vector_load %arg14[%get3A_1441, %get3A_1442] {strides = array<i32>} : memref<256x128xf32, #tpu.memory_space<vmem>>, vector<16xf32>,
      %add3A_1444 = arith.constant 16 : i32
      %add3A_1445 = arith.addi %squeeze3A_1438, %add3A_1444 : i32
      %get3A_1446 = arith.index_cast %add3A_1436 : i32 to index
      %get3A_1447 = arith.index_cast %add3A_1445 : i32 to index
      %get3A_1448 = tpu.vector_load %arg14[%get3A_1446, %get3A_1447] {strides = array<i32>} : memref<256x128xf32, #tpu.memory_space<vmem>>, vector<16xf32>,
      %get3A_1449 = arith.index_cast %add3A_1436 : i32 to index
      %get3A_1450 = arith.index_cast %squeeze3A_1440 : i32 to index
      %get3A_1451 = tpu.vector_load %arg15[%get3A_1449, %get3A_1450] {strides = array<i32>} : memref<256x128xf32, #tpu.memory_space<vmem>>, vector<16xf32>,
      %add3A_1452 = arith.constant 16 : i32
      %add3A_1453 = arith.addi %squeeze3A_1440, %add3A_1452 : i32
      %get3A_1454 = arith.index_cast %add3A_1436 : i32 to index
      %get3A_1455 = arith.index_cast %add3A_1453 : i32 to index
      %get3A_1456 = tpu.vector_load %arg15[%get3A_1454, %get3A_1455] {strides = array<i32>} : memref<256x128xf32, #tpu.memory_space<vmem>>, vector<16xf32>,
      %slice3A_1457 = vector.extract_strided_slice %min3A_154 {offsets = [14], sizes = [1], strides = [1]} : vector<16xi32> to vector<1xi32>
      %squeeze3A_1458 = vector.extract %slice3A_1457[0] : i32 from vector<1xi32>
      %shift_right_arithmetic3A_1459 = arith.constant 2 : i32
      %shift_right_arithmetic3A_1460 = arith.shrsi %squeeze3A_1458, %shift_right_arithmetic3A_1459 : i32
      %slice3A_1461 = vector.extract_strided_slice %mul3A_169 {offsets = [14], sizes = [1], strides = [1]} : vector<16xi32> to vector<1xi32>
      %squeeze3A_1462 = vector.extract %slice3A_1461[0] : i32 from vector<1xi32>
      %get3A_1463 = arith.index_cast %shift_right_arithmetic3A_1460 : i32 to index
      %get3A_1464 = arith.index_cast %squeeze3A_1462 : i32 to index
      %get3A_1465 = tpu.vector_load %arg16[%get3A_1463, %get3A_1464] {strides = array<i32>} : memref<16x128xf32, #tpu.memory_space<vmem>>, vector<16xf32>,
      %slice3A_1466 = vector.extract_strided_slice %min3A_154 {offsets = [14], sizes = [1], strides = [1]} : vector<16xi32> to vector<1xi32>
      %squeeze3A_1467 = vector.extract %slice3A_1466[0] : i32 from vector<1xi32>
      %shift_right_arithmetic3A_1468 = arith.constant 2 : i32
      %shift_right_arithmetic3A_1469 = arith.shrsi %squeeze3A_1467, %shift_right_arithmetic3A_1468 : i32
      %slice3A_1470 = vector.extract_strided_slice %mul3A_169 {offsets = [14], sizes = [1], strides = [1]} : vector<16xi32> to vector<1xi32>
      %squeeze3A_1471 = vector.extract %slice3A_1470[0] : i32 from vector<1xi32>
      %add3A_1472 = arith.constant 16 : i32
      %add3A_1473 = arith.addi %squeeze3A_1471, %add3A_1472 : i32
      %get3A_1474 = arith.index_cast %shift_right_arithmetic3A_1469 : i32 to index
      %get3A_1475 = arith.index_cast %add3A_1473 : i32 to index
      %get3A_1476 = tpu.vector_load %arg16[%get3A_1474, %get3A_1475] {strides = array<i32>} : memref<16x128xf32, #tpu.memory_space<vmem>>, vector<16xf32>,
      %slice3A_1477 = vector.extract_strided_slice %min3A_163 {offsets = [14], sizes = [1], strides = [1]} : vector<16xi32> to vector<1xi32>
      %squeeze3A_1478 = vector.extract %slice3A_1477[0] : i32 from vector<1xi32>
      %shift_right_arithmetic3A_1479 = arith.constant 2 : i32
      %shift_right_arithmetic3A_1480 = arith.shrsi %squeeze3A_1478, %shift_right_arithmetic3A_1479 : i32
      %slice3A_1481 = vector.extract_strided_slice %mul3A_175 {offsets = [14], sizes = [1], strides = [1]} : vector<16xi32> to vector<1xi32>
      %squeeze3A_1482 = vector.extract %slice3A_1481[0] : i32 from vector<1xi32>
      %get3A_1483 = arith.index_cast %shift_right_arithmetic3A_1480 : i32 to index
      %get3A_1484 = arith.index_cast %squeeze3A_1482 : i32 to index
      %get3A_1485 = tpu.vector_load %arg17[%get3A_1483, %get3A_1484] {strides = array<i32>} : memref<16x128xf32, #tpu.memory_space<vmem>>, vector<16xf32>,
      %slice3A_1486 = vector.extract_strided_slice %min3A_163 {offsets = [14], sizes = [1], strides = [1]} : vector<16xi32> to vector<1xi32>
      %squeeze3A_1487 = vector.extract %slice3A_1486[0] : i32 from vector<1xi32>
      %shift_right_arithmetic3A_1488 = arith.constant 2 : i32
      %shift_right_arithmetic3A_1489 = arith.shrsi %squeeze3A_1487, %shift_right_arithmetic3A_1488 : i32
      %slice3A_1490 = vector.extract_strided_slice %mul3A_175 {offsets = [14], sizes = [1], strides = [1]} : vector<16xi32> to vector<1xi32>
      %squeeze3A_1491 = vector.extract %slice3A_1490[0] : i32 from vector<1xi32>
      %add3A_1492 = arith.constant 16 : i32
      %add3A_1493 = arith.addi %squeeze3A_1491, %add3A_1492 : i32
      %get3A_1494 = arith.index_cast %shift_right_arithmetic3A_1489 : i32 to index
      %get3A_1495 = arith.index_cast %add3A_1493 : i32 to index
      %get3A_1496 = tpu.vector_load %arg17[%get3A_1494, %get3A_1495] {strides = array<i32>} : memref<16x128xf32, #tpu.memory_space<vmem>>, vector<16xf32>,
      %slice3A_1497 = vector.extract_strided_slice %get3A_134 {offsets = [14], sizes = [1], strides = [1]} : vector<16xi32> to vector<1xi32>
      %squeeze3A_1498 = vector.extract %slice3A_1497[0] : i32 from vector<1xi32>
      %ge3A_1499 = arith.constant 999936 : i32
      %ge3A_1500 = arith.cmpi sge, %squeeze3A_1498, %ge3A_1499 : i32
      %slice3A_1501 = vector.extract_strided_slice %get3A_137 {offsets = [14], sizes = [1], strides = [1]} : vector<16xi32> to vector<1xi32>
      %squeeze3A_1502 = vector.extract %slice3A_1501[0] : i32 from vector<1xi32>
      %ge3A_1503 = arith.constant 999936 : i32
      %ge3A_1504 = arith.cmpi sge, %squeeze3A_1502, %ge3A_1503 : i32
      %select_n3A_1505 = arith.select %ge3A_1500, %get3A_1465, %get3A_1443 : vector<16xf32>
      %select_n3A_1506 = arith.select %ge3A_1500, %get3A_1476, %get3A_1448 : vector<16xf32>
      %select_n3A_1507 = arith.select %ge3A_1504, %get3A_1485, %get3A_1451 : vector<16xf32>
      %select_n3A_1508 = arith.select %ge3A_1504, %get3A_1496, %get3A_1456 : vector<16xf32>
      %mul3A_1509 = arith.mulf %select_n3A_1505, %select_n3A_1507 : vector<16xf32>
      %mul3A_1510 = arith.mulf %mul3A_1509, %get3A_6 : vector<16xf32>
      %mul3A_1511 = arith.mulf %select_n3A_1506, %select_n3A_1508 : vector<16xf32>
      %mul3A_1512 = arith.mulf %mul3A_1511, %get3A_8 : vector<16xf32>
      %add3A_1513 = arith.addf %mul3A_1510, %mul3A_1512 : vector<16xf32>
      %reduce_sum3A_1514 = arith.constant true
      %reduce_sum3A_1515 = vector.broadcast %reduce_sum3A_1514 : i1 to vector<16xi1>
      %reduce_sum3A_1516 = tpu.scan <sum>, %add3A_1513 masked %reduce_sum3A_1515 : vector<16xf32>, vector<16xi1> -> vector<16xf32>
      %reduce_sum3A_1517 = vector.extract %reduce_sum3A_1516[15] : f32 from vector<16xf32>
      %eq3A_1518 = arith.constant 14 : i32
      %eq3A_1519 = vector.broadcast %eq3A_1518 : i32 to vector<16xi32>
      %eq3A_1520 = arith.cmpi eq, %iota3A, %eq3A_1519 : vector<16xi32>
      %broadcast_in_dim3A_1521 = vector.broadcast %reduce_sum3A_1517 : f32 to vector<16xf32>
      %select_n3A_1522 = arith.select %eq3A_1520, %broadcast_in_dim3A_1521, %select_n3A_1432 : vector<16xi1>, vector<16xf32>
      %mul3A_1523 = arith.constant 16 : i32
      %mul3A_1524 = arith.muli %scan3A_125, %mul3A_1523 : i32
      %add3A_1525 = arith.constant 15 : i32
      %add3A_1526 = arith.addi %mul3A_1524, %add3A_1525 : i32
      %slice3A_1527 = vector.extract_strided_slice %mul3A_143 {offsets = [15], sizes = [1], strides = [1]} : vector<16xi32> to vector<1xi32>
      %squeeze3A_1528 = vector.extract %slice3A_1527[0] : i32 from vector<1xi32>
      %slice3A_1529 = vector.extract_strided_slice %mul3A_149 {offsets = [15], sizes = [1], strides = [1]} : vector<16xi32> to vector<1xi32>
      %squeeze3A_1530 = vector.extract %slice3A_1529[0] : i32 from vector<1xi32>
      %get3A_1531 = arith.index_cast %add3A_1526 : i32 to index
      %get3A_1532 = arith.index_cast %squeeze3A_1528 : i32 to index
      %get3A_1533 = tpu.vector_load %arg14[%get3A_1531, %get3A_1532] {strides = array<i32>} : memref<256x128xf32, #tpu.memory_space<vmem>>, vector<16xf32>,
      %add3A_1534 = arith.constant 16 : i32
      %add3A_1535 = arith.addi %squeeze3A_1528, %add3A_1534 : i32
      %get3A_1536 = arith.index_cast %add3A_1526 : i32 to index
      %get3A_1537 = arith.index_cast %add3A_1535 : i32 to index
      %get3A_1538 = tpu.vector_load %arg14[%get3A_1536, %get3A_1537] {strides = array<i32>} : memref<256x128xf32, #tpu.memory_space<vmem>>, vector<16xf32>,
      %get3A_1539 = arith.index_cast %add3A_1526 : i32 to index
      %get3A_1540 = arith.index_cast %squeeze3A_1530 : i32 to index
      %get3A_1541 = tpu.vector_load %arg15[%get3A_1539, %get3A_1540] {strides = array<i32>} : memref<256x128xf32, #tpu.memory_space<vmem>>, vector<16xf32>,
      %add3A_1542 = arith.constant 16 : i32
      %add3A_1543 = arith.addi %squeeze3A_1530, %add3A_1542 : i32
      %get3A_1544 = arith.index_cast %add3A_1526 : i32 to index
      %get3A_1545 = arith.index_cast %add3A_1543 : i32 to index
      %get3A_1546 = tpu.vector_load %arg15[%get3A_1544, %get3A_1545] {strides = array<i32>} : memref<256x128xf32, #tpu.memory_space<vmem>>, vector<16xf32>,
      %slice3A_1547 = vector.extract_strided_slice %min3A_154 {offsets = [15], sizes = [1], strides = [1]} : vector<16xi32> to vector<1xi32>
      %squeeze3A_1548 = vector.extract %slice3A_1547[0] : i32 from vector<1xi32>
      %shift_right_arithmetic3A_1549 = arith.constant 2 : i32
      %shift_right_arithmetic3A_1550 = arith.shrsi %squeeze3A_1548, %shift_right_arithmetic3A_1549 : i32
      %slice3A_1551 = vector.extract_strided_slice %mul3A_169 {offsets = [15], sizes = [1], strides = [1]} : vector<16xi32> to vector<1xi32>
      %squeeze3A_1552 = vector.extract %slice3A_1551[0] : i32 from vector<1xi32>
      %get3A_1553 = arith.index_cast %shift_right_arithmetic3A_1550 : i32 to index
      %get3A_1554 = arith.index_cast %squeeze3A_1552 : i32 to index
      %get3A_1555 = tpu.vector_load %arg16[%get3A_1553, %get3A_1554] {strides = array<i32>} : memref<16x128xf32, #tpu.memory_space<vmem>>, vector<16xf32>,
      %slice3A_1556 = vector.extract_strided_slice %min3A_154 {offsets = [15], sizes = [1], strides = [1]} : vector<16xi32> to vector<1xi32>
      %squeeze3A_1557 = vector.extract %slice3A_1556[0] : i32 from vector<1xi32>
      %shift_right_arithmetic3A_1558 = arith.constant 2 : i32
      %shift_right_arithmetic3A_1559 = arith.shrsi %squeeze3A_1557, %shift_right_arithmetic3A_1558 : i32
      %slice3A_1560 = vector.extract_strided_slice %mul3A_169 {offsets = [15], sizes = [1], strides = [1]} : vector<16xi32> to vector<1xi32>
      %squeeze3A_1561 = vector.extract %slice3A_1560[0] : i32 from vector<1xi32>
      %add3A_1562 = arith.constant 16 : i32
      %add3A_1563 = arith.addi %squeeze3A_1561, %add3A_1562 : i32
      %get3A_1564 = arith.index_cast %shift_right_arithmetic3A_1559 : i32 to index
      %get3A_1565 = arith.index_cast %add3A_1563 : i32 to index
      %get3A_1566 = tpu.vector_load %arg16[%get3A_1564, %get3A_1565] {strides = array<i32>} : memref<16x128xf32, #tpu.memory_space<vmem>>, vector<16xf32>,
      %slice3A_1567 = vector.extract_strided_slice %min3A_163 {offsets = [15], sizes = [1], strides = [1]} : vector<16xi32> to vector<1xi32>
      %squeeze3A_1568 = vector.extract %slice3A_1567[0] : i32 from vector<1xi32>
      %shift_right_arithmetic3A_1569 = arith.constant 2 : i32
      %shift_right_arithmetic3A_1570 = arith.shrsi %squeeze3A_1568, %shift_right_arithmetic3A_1569 : i32
      %slice3A_1571 = vector.extract_strided_slice %mul3A_175 {offsets = [15], sizes = [1], strides = [1]} : vector<16xi32> to vector<1xi32>
      %squeeze3A_1572 = vector.extract %slice3A_1571[0] : i32 from vector<1xi32>
      %get3A_1573 = arith.index_cast %shift_right_arithmetic3A_1570 : i32 to index
      %get3A_1574 = arith.index_cast %squeeze3A_1572 : i32 to index
      %get3A_1575 = tpu.vector_load %arg17[%get3A_1573, %get3A_1574] {strides = array<i32>} : memref<16x128xf32, #tpu.memory_space<vmem>>, vector<16xf32>,
      %slice3A_1576 = vector.extract_strided_slice %min3A_163 {offsets = [15], sizes = [1], strides = [1]} : vector<16xi32> to vector<1xi32>
      %squeeze3A_1577 = vector.extract %slice3A_1576[0] : i32 from vector<1xi32>
      %shift_right_arithmetic3A_1578 = arith.constant 2 : i32
      %shift_right_arithmetic3A_1579 = arith.shrsi %squeeze3A_1577, %shift_right_arithmetic3A_1578 : i32
      %slice3A_1580 = vector.extract_strided_slice %mul3A_175 {offsets = [15], sizes = [1], strides = [1]} : vector<16xi32> to vector<1xi32>
      %squeeze3A_1581 = vector.extract %slice3A_1580[0] : i32 from vector<1xi32>
      %add3A_1582 = arith.constant 16 : i32
      %add3A_1583 = arith.addi %squeeze3A_1581, %add3A_1582 : i32
      %get3A_1584 = arith.index_cast %shift_right_arithmetic3A_1579 : i32 to index
      %get3A_1585 = arith.index_cast %add3A_1583 : i32 to index
      %get3A_1586 = tpu.vector_load %arg17[%get3A_1584, %get3A_1585] {strides = array<i32>} : memref<16x128xf32, #tpu.memory_space<vmem>>, vector<16xf32>,
      %slice3A_1587 = vector.extract_strided_slice %get3A_134 {offsets = [15], sizes = [1], strides = [1]} : vector<16xi32> to vector<1xi32>
      %squeeze3A_1588 = vector.extract %slice3A_1587[0] : i32 from vector<1xi32>
      %ge3A_1589 = arith.constant 999936 : i32
      %ge3A_1590 = arith.cmpi sge, %squeeze3A_1588, %ge3A_1589 : i32
      %slice3A_1591 = vector.extract_strided_slice %get3A_137 {offsets = [15], sizes = [1], strides = [1]} : vector<16xi32> to vector<1xi32>
      %squeeze3A_1592 = vector.extract %slice3A_1591[0] : i32 from vector<1xi32>
      %ge3A_1593 = arith.constant 999936 : i32
      %ge3A_1594 = arith.cmpi sge, %squeeze3A_1592, %ge3A_1593 : i32
      %select_n3A_1595 = arith.select %ge3A_1590, %get3A_1555, %get3A_1533 : vector<16xf32>
      %select_n3A_1596 = arith.select %ge3A_1590, %get3A_1566, %get3A_1538 : vector<16xf32>
      %select_n3A_1597 = arith.select %ge3A_1594, %get3A_1575, %get3A_1541 : vector<16xf32>
      %select_n3A_1598 = arith.select %ge3A_1594, %get3A_1586, %get3A_1546 : vector<16xf32>
      %mul3A_1599 = arith.mulf %select_n3A_1595, %select_n3A_1597 : vector<16xf32>
      %mul3A_1600 = arith.mulf %mul3A_1599, %get3A_6 : vector<16xf32>
      %mul3A_1601 = arith.mulf %select_n3A_1596, %select_n3A_1598 : vector<16xf32>
      %mul3A_1602 = arith.mulf %mul3A_1601, %get3A_8 : vector<16xf32>
      %add3A_1603 = arith.addf %mul3A_1600, %mul3A_1602 : vector<16xf32>
      %reduce_sum3A_1604 = arith.constant true
      %reduce_sum3A_1605 = vector.broadcast %reduce_sum3A_1604 : i1 to vector<16xi1>
      %reduce_sum3A_1606 = tpu.scan <sum>, %add3A_1603 masked %reduce_sum3A_1605 : vector<16xf32>, vector<16xi1> -> vector<16xf32>
      %reduce_sum3A_1607 = vector.extract %reduce_sum3A_1606[15] : f32 from vector<16xf32>
      %eq3A_1608 = arith.constant 15 : i32
      %eq3A_1609 = vector.broadcast %eq3A_1608 : i32 to vector<16xi32>
      %eq3A_1610 = arith.cmpi eq, %iota3A, %eq3A_1609 : vector<16xi32>
      %broadcast_in_dim3A_1611 = vector.broadcast %reduce_sum3A_1607 : f32 to vector<16xf32>
      %select_n3A_1612 = arith.select %eq3A_1610, %broadcast_in_dim3A_1611, %select_n3A_1522 : vector<16xi1>, vector<16xf32>
      %add3A_1613 = vector.broadcast %squeeze3A : f32 to vector<16xf32>
      %add3A_1614 = arith.addf %select_n3A_1612, %add3A_1613 : vector<16xf32>
      %neg3A = arith.constant 0.000000e+00 : f32
      %neg3A_1615 = vector.broadcast %neg3A : f32 to vector<16xf32>
      %neg3A_1616 = arith.subf %neg3A_1615, %add3A_1614 : vector<16xf32>
      %exp3A = math.exp %neg3A_1616 : vector<16xf32>
      %add3A_1617 = arith.constant 1.000000e+00 : f32
      %add3A_1618 = vector.broadcast %add3A_1617 : f32 to vector<16xf32>
      %add3A_1619 = arith.addf %add3A_1618, %exp3A : vector<16xf32>
      %div3A = arith.constant 1.000000e+00 : f32
      %div3A_1620 = vector.broadcast %div3A : f32 to vector<16xf32>
      %div3A_1621 = arith.divf %div3A_1620, %add3A_1619 : vector<16xf32>
      %mul3A_1622 = arith.constant 16 : i32
      %mul3A_1623 = arith.muli %scan3A_125, %mul3A_1622 : i32
      %add3A_1624 = arith.constant 256 : i32
      %add3A_1625 = arith.addi %add3A_1624, %mul3A_1623 : i32
      %swap3A = arith.index_cast %add3A_1625 : i32 to index
      %swap3A_1626 = tpu.vector_load %arg19[%swap3A] {strides = array<i32>} : memref<512xf32, #tpu.memory_space<vmem>>, vector<16xf32>,
      tpu.vector_store %arg19[%swap3A], %div3A_1621 {strides = array<i32>} : memref<512xf32, #tpu.memory_space<vmem>>, vector<16xf32>,
    }
    %scan3A_124 = arith.constant 16 : i32
    "tpu.region"() ({
      %run_scoped3A = tpu.sem_alloc : memref<!tpu.dma_semaphore, #tpu.memory_space<semaphore_mem>>
      %dma_start3A_125 = arith.constant 0 : i32
      %dma_start3A_126 = tpu.memref_slice %arg9[%add3A, %dma_start3A_125] : memref<32x512xf32, #tpu.memory_space<hbm>> -> memref<1x512xf32, #tpu.memory_space<hbm>>
      %dma_start3A_127 = tpu.memref_squeeze %dma_start3A_126 : memref<1x512xf32, #tpu.memory_space<hbm>> -> memref<512xf32, #tpu.memory_space<hbm>>
      %dma_start3A_128 = arith.constant 0 : i32
      %dma_start3A_129 = tpu.memref_slice %arg9[%add3A, %dma_start3A_128] : memref<32x512xf32, #tpu.memory_space<hbm>> -> memref<1x512xf32, #tpu.memory_space<hbm>>
      %dma_start3A_130 = tpu.memref_squeeze %dma_start3A_129 : memref<1x512xf32, #tpu.memory_space<hbm>> -> memref<512xf32, #tpu.memory_space<hbm>>
      tpu.enqueue_dma source(%arg19 : memref<512xf32, #tpu.memory_space<vmem>>) target(%dma_start3A_130 : memref<512xf32, #tpu.memory_space<hbm>>) target_semaphore(%run_scoped3A : memref<!tpu.dma_semaphore, #tpu.memory_space<semaphore_mem>>)
      %dma_wait3A_131 = arith.constant 0 : i32
      %dma_wait3A_132 = tpu.memref_slice %arg9[%add3A, %dma_wait3A_131] : memref<32x512xf32, #tpu.memory_space<hbm>> -> memref<1x512xf32, #tpu.memory_space<hbm>>
      %dma_wait3A_133 = tpu.memref_squeeze %dma_wait3A_132 : memref<1x512xf32, #tpu.memory_space<hbm>> -> memref<512xf32, #tpu.memory_space<hbm>>
      %dma_wait3A_134 = arith.constant 0 : i32
      %dma_wait3A_135 = tpu.memref_slice %arg9[%add3A, %dma_wait3A_134] : memref<32x512xf32, #tpu.memory_space<hbm>> -> memref<1x512xf32, #tpu.memory_space<hbm>>
      %dma_wait3A_136 = tpu.memref_squeeze %dma_wait3A_135 : memref<1x512xf32, #tpu.memory_space<hbm>> -> memref<512xf32, #tpu.memory_space<hbm>>
      tpu.wait_dma2 semaphore(%run_scoped3A : memref<!tpu.dma_semaphore, #tpu.memory_space<semaphore_mem>>) src(%arg19 : memref<512xf32, #tpu.memory_space<vmem>>) dst(%dma_wait3A_136 : memref<512xf32, #tpu.memory_space<hbm>>)
      tpu.yield
    }) : () -> ()
    return
  }
}

#map = affine_map<(d0, d1) -> (0, 0)>
#map1 = affine_map<(d0, d1) -> (0)>
module attributes {stable_mosaic.version = 14 : i64} {
  func.func @_detile_kernel(%arg0: i32, %arg1: i32, %arg2: memref<32x1000000xf32, #tpu.memory_space<hbm>>, %arg3: memref<32x1000000xf32, #tpu.memory_space<hbm>>, %arg4: memref<31997952xf32, #tpu.memory_space<hbm>>, %arg5: memref<31997952xf32, #tpu.memory_space<hbm>>, %arg6: memref<32x128xf32, #tpu.memory_space<vmem>>, %arg7: memref<32x128xf32, #tpu.memory_space<vmem>>, %arg8: memref<32x128xf32, #tpu.memory_space<vmem>>, %arg9: memref<32x128xf32, #tpu.memory_space<vmem>>, %arg10: memref<32x128xf32, #tpu.memory_space<vmem>>, %arg11: memref<32x128xf32, #tpu.memory_space<vmem>>, %arg12: memref<32x128xf32, #tpu.memory_space<vmem>>, %arg13: memref<32x128xf32, #tpu.memory_space<vmem>>, %arg14: memref<4096xf32, #tpu.memory_space<vmem>>, %arg15: memref<4096xf32, #tpu.memory_space<vmem>>, %arg16: memref<4096xf32, #tpu.memory_space<vmem>>, %arg17: memref<4096xf32, #tpu.memory_space<vmem>>, %arg18: memref<4096xf32, #tpu.memory_space<vmem>>, %arg19: memref<4096xf32, #tpu.memory_space<vmem>>, %arg20: memref<4096xf32, #tpu.memory_space<vmem>>, %arg21: memref<4096xf32, #tpu.memory_space<vmem>>, %arg22: memref<!tpu.dma_semaphore, #tpu.memory_space<semaphore_mem>>, %arg23: memref<!tpu.dma_semaphore, #tpu.memory_space<semaphore_mem>>, %arg24: memref<!tpu.dma_semaphore, #tpu.memory_space<semaphore_mem>>, %arg25: memref<!tpu.dma_semaphore, #tpu.memory_space<semaphore_mem>>) attributes {dimension_semantics = [#tpu.dimension_semantics<core_parallel>, #tpu.dimension_semantics<subcore_parallel>], iteration_bounds = array<i64: 2, 16>, scalar_prefetch = 0 : i64, scratch_operands = 20 : i64, tpu.core_type = #tpu.core_type<sc_vector_subcore>, window_params = [{transform_indices = #map}, {transform_indices = #map}, {transform_indices = #map1}, {transform_indices = #map1}]} {
    %mul3A = arith.constant 2 : i32
    %mul3A_0 = arith.muli %arg1, %mul3A : i32
    %add3A = arith.addi %mul3A_0, %arg0 : i32
    %iota3A = tpu.iota {dimensions = array<i32: 0>} : vector<16xi32>
    %add3A_1 = arith.constant 0 : i32
    %add3A_2 = vector.broadcast %add3A_1 : i32 to vector<16xi32>
    %add3A_3 = arith.addi %add3A_2, %iota3A : vector<16xi32>
    %mul3A_4 = arith.constant 32 : i32
    %mul3A_5 = vector.broadcast %mul3A_4 : i32 to vector<16xi32>
    %mul3A_6 = arith.muli %add3A_3, %mul3A_5 : vector<16xi32>
    %add3A_7 = arith.constant 16 : i32
    %add3A_8 = vector.broadcast %add3A_7 : i32 to vector<16xi32>
    %add3A_9 = arith.addi %add3A_8, %iota3A : vector<16xi32>
    %mul3A_10 = arith.constant 32 : i32
    %mul3A_11 = vector.broadcast %mul3A_10 : i32 to vector<16xi32>
    %mul3A_12 = arith.muli %add3A_9, %mul3A_11 : vector<16xi32>
    %add3A_13 = arith.constant 32 : i32
    %add3A_14 = vector.broadcast %add3A_13 : i32 to vector<16xi32>
    %add3A_15 = arith.addi %add3A_14, %iota3A : vector<16xi32>
    %mul3A_16 = arith.constant 32 : i32
    %mul3A_17 = vector.broadcast %mul3A_16 : i32 to vector<16xi32>
    %mul3A_18 = arith.muli %add3A_15, %mul3A_17 : vector<16xi32>
    %add3A_19 = arith.constant 48 : i32
    %add3A_20 = vector.broadcast %add3A_19 : i32 to vector<16xi32>
    %add3A_21 = arith.addi %add3A_20, %iota3A : vector<16xi32>
    %mul3A_22 = arith.constant 32 : i32
    %mul3A_23 = vector.broadcast %mul3A_22 : i32 to vector<16xi32>
    %mul3A_24 = arith.muli %add3A_21, %mul3A_23 : vector<16xi32>
    %add3A_25 = arith.constant 64 : i32
    %add3A_26 = vector.broadcast %add3A_25 : i32 to vector<16xi32>
    %add3A_27 = arith.addi %add3A_26, %iota3A : vector<16xi32>
    %mul3A_28 = arith.constant 32 : i32
    %mul3A_29 = vector.broadcast %mul3A_28 : i32 to vector<16xi32>
    %mul3A_30 = arith.muli %add3A_27, %mul3A_29 : vector<16xi32>
    %add3A_31 = arith.constant 80 : i32
    %add3A_32 = vector.broadcast %add3A_31 : i32 to vector<16xi32>
    %add3A_33 = arith.addi %add3A_32, %iota3A : vector<16xi32>
    %mul3A_34 = arith.constant 32 : i32
    %mul3A_35 = vector.broadcast %mul3A_34 : i32 to vector<16xi32>
    %mul3A_36 = arith.muli %add3A_33, %mul3A_35 : vector<16xi32>
    %add3A_37 = arith.constant 96 : i32
    %add3A_38 = vector.broadcast %add3A_37 : i32 to vector<16xi32>
    %add3A_39 = arith.addi %add3A_38, %iota3A : vector<16xi32>
    %mul3A_40 = arith.constant 32 : i32
    %mul3A_41 = vector.broadcast %mul3A_40 : i32 to vector<16xi32>
    %mul3A_42 = arith.muli %add3A_39, %mul3A_41 : vector<16xi32>
    %add3A_43 = arith.constant 112 : i32
    %add3A_44 = vector.broadcast %add3A_43 : i32 to vector<16xi32>
    %add3A_45 = arith.addi %add3A_44, %iota3A : vector<16xi32>
    %mul3A_46 = arith.constant 32 : i32
    %mul3A_47 = vector.broadcast %mul3A_46 : i32 to vector<16xi32>
    %mul3A_48 = arith.muli %add3A_45, %mul3A_47 : vector<16xi32>
    %add3A_49 = arith.constant 0 : i32
    %add3A_50 = arith.addi %add3A, %add3A_49 : i32
    %add3A_51 = arith.constant 7808 : i32
    %add3A_52 = arith.addi %add3A_51, %add3A : i32
    %jit3A = arith.constant true
    %select_n3A = arith.select %jit3A, %add3A_50, %add3A_52 : i32
    %mul3A_53 = arith.constant 128 : i32
    %mul3A_54 = arith.muli %select_n3A, %mul3A_53 : i32
    %multiple_of3A = tpu.assume_multiple %mul3A_54, 128 : i32
    %dma_start3A = arith.constant 0 : i32
    %dma_start3A_55 = tpu.memref_slice %arg2[%dma_start3A, %multiple_of3A] : memref<32x1000000xf32, #tpu.memory_space<hbm>> -> memref<32x128xf32, #tpu.memory_space<hbm>>
    %dma_start3A_56 = arith.constant 0 : i32
    %dma_start3A_57 = tpu.memref_slice %arg2[%dma_start3A_56, %multiple_of3A] : memref<32x1000000xf32, #tpu.memory_space<hbm>> -> memref<32x128xf32, #tpu.memory_space<hbm>>
    tpu.enqueue_dma source(%dma_start3A_57 : memref<32x128xf32, #tpu.memory_space<hbm>>) target(%arg6 : memref<32x128xf32, #tpu.memory_space<vmem>>) target_semaphore(%arg22 : memref<!tpu.dma_semaphore, #tpu.memory_space<semaphore_mem>>)
    %dma_start3A_58 = arith.constant 0 : i32
    %dma_start3A_59 = tpu.memref_slice %arg3[%dma_start3A_58, %multiple_of3A] : memref<32x1000000xf32, #tpu.memory_space<hbm>> -> memref<32x128xf32, #tpu.memory_space<hbm>>
    %dma_start3A_60 = arith.constant 0 : i32
    %dma_start3A_61 = tpu.memref_slice %arg3[%dma_start3A_60, %multiple_of3A] : memref<32x1000000xf32, #tpu.memory_space<hbm>> -> memref<32x128xf32, #tpu.memory_space<hbm>>
    tpu.enqueue_dma source(%dma_start3A_61 : memref<32x128xf32, #tpu.memory_space<hbm>>) target(%arg10 : memref<32x128xf32, #tpu.memory_space<vmem>>) target_semaphore(%arg23 : memref<!tpu.dma_semaphore, #tpu.memory_space<semaphore_mem>>)
    %add3A_62 = arith.constant 32 : i32
    %add3A_63 = arith.addi %add3A, %add3A_62 : i32
    %add3A_64 = arith.constant 7808 : i32
    %add3A_65 = arith.addi %add3A_64, %add3A : i32
    %jit3A_66 = arith.constant true
    %select_n3A_67 = arith.select %jit3A_66, %add3A_63, %add3A_65 : i32
    %mul3A_68 = arith.constant 128 : i32
    %mul3A_69 = arith.muli %select_n3A_67, %mul3A_68 : i32
    %multiple_of3A_70 = tpu.assume_multiple %mul3A_69, 128 : i32
    %dma_start3A_71 = arith.constant 0 : i32
    %dma_start3A_72 = tpu.memref_slice %arg2[%dma_start3A_71, %multiple_of3A_70] : memref<32x1000000xf32, #tpu.memory_space<hbm>> -> memref<32x128xf32, #tpu.memory_space<hbm>>
    %dma_start3A_73 = arith.constant 0 : i32
    %dma_start3A_74 = tpu.memref_slice %arg2[%dma_start3A_73, %multiple_of3A_70] : memref<32x1000000xf32, #tpu.memory_space<hbm>> -> memref<32x128xf32, #tpu.memory_space<hbm>>
    tpu.enqueue_dma source(%dma_start3A_74 : memref<32x128xf32, #tpu.memory_space<hbm>>) target(%arg7 : memref<32x128xf32, #tpu.memory_space<vmem>>) target_semaphore(%arg22 : memref<!tpu.dma_semaphore, #tpu.memory_space<semaphore_mem>>)
    %dma_start3A_75 = arith.constant 0 : i32
    %dma_start3A_76 = tpu.memref_slice %arg3[%dma_start3A_75, %multiple_of3A_70] : memref<32x1000000xf32, #tpu.memory_space<hbm>> -> memref<32x128xf32, #tpu.memory_space<hbm>>
    %dma_start3A_77 = arith.constant 0 : i32
    %dma_start3A_78 = tpu.memref_slice %arg3[%dma_start3A_77, %multiple_of3A_70] : memref<32x1000000xf32, #tpu.memory_space<hbm>> -> memref<32x128xf32, #tpu.memory_space<hbm>>
    tpu.enqueue_dma source(%dma_start3A_78 : memref<32x128xf32, #tpu.memory_space<hbm>>) target(%arg11 : memref<32x128xf32, #tpu.memory_space<vmem>>) target_semaphore(%arg23 : memref<!tpu.dma_semaphore, #tpu.memory_space<semaphore_mem>>)
    %add3A_79 = arith.constant 64 : i32
    %add3A_80 = arith.addi %add3A, %add3A_79 : i32
    %add3A_81 = arith.constant 7808 : i32
    %add3A_82 = arith.addi %add3A_81, %add3A : i32
    %jit3A_83 = arith.constant true
    %select_n3A_84 = arith.select %jit3A_83, %add3A_80, %add3A_82 : i32
    %mul3A_85 = arith.constant 128 : i32
    %mul3A_86 = arith.muli %select_n3A_84, %mul3A_85 : i32
    %multiple_of3A_87 = tpu.assume_multiple %mul3A_86, 128 : i32
    %dma_start3A_88 = arith.constant 0 : i32
    %dma_start3A_89 = tpu.memref_slice %arg2[%dma_start3A_88, %multiple_of3A_87] : memref<32x1000000xf32, #tpu.memory_space<hbm>> -> memref<32x128xf32, #tpu.memory_space<hbm>>
    %dma_start3A_90 = arith.constant 0 : i32
    %dma_start3A_91 = tpu.memref_slice %arg2[%dma_start3A_90, %multiple_of3A_87] : memref<32x1000000xf32, #tpu.memory_space<hbm>> -> memref<32x128xf32, #tpu.memory_space<hbm>>
    tpu.enqueue_dma source(%dma_start3A_91 : memref<32x128xf32, #tpu.memory_space<hbm>>) target(%arg8 : memref<32x128xf32, #tpu.memory_space<vmem>>) target_semaphore(%arg22 : memref<!tpu.dma_semaphore, #tpu.memory_space<semaphore_mem>>)
    %dma_start3A_92 = arith.constant 0 : i32
    %dma_start3A_93 = tpu.memref_slice %arg3[%dma_start3A_92, %multiple_of3A_87] : memref<32x1000000xf32, #tpu.memory_space<hbm>> -> memref<32x128xf32, #tpu.memory_space<hbm>>
    %dma_start3A_94 = arith.constant 0 : i32
    %dma_start3A_95 = tpu.memref_slice %arg3[%dma_start3A_94, %multiple_of3A_87] : memref<32x1000000xf32, #tpu.memory_space<hbm>> -> memref<32x128xf32, #tpu.memory_space<hbm>>
    tpu.enqueue_dma source(%dma_start3A_95 : memref<32x128xf32, #tpu.memory_space<hbm>>) target(%arg12 : memref<32x128xf32, #tpu.memory_space<vmem>>) target_semaphore(%arg23 : memref<!tpu.dma_semaphore, #tpu.memory_space<semaphore_mem>>)
    %scan3A = arith.constant 0 : i32
    %scan3A_96 = arith.constant 0 : i32
    %scan3A_97 = arith.constant 61 : i32
    %scan3A_98 = arith.addi %scan3A_96, %scan3A_97 : i32
    %scan3A_99 = arith.constant 1 : i32
    scf.for %scan3A_134 = %scan3A_96 to %scan3A_98 step %scan3A_99  : i32 {
      %mul3A_135 = arith.constant 4 : i32
      %mul3A_136 = arith.muli %scan3A_134, %mul3A_135 : i32
      %add3A_137 = arith.constant 0 : i32
      %add3A_138 = arith.addi %mul3A_136, %add3A_137 : i32
      %dma_wait3A_139 = arith.constant 0 : i32
      %dma_wait3A_140 = arith.constant 0 : i32
      %dma_wait3A_141 = tpu.memref_slice %arg2[%dma_wait3A_139, %dma_wait3A_140] : memref<32x1000000xf32, #tpu.memory_space<hbm>> -> memref<32x128xf32, #tpu.memory_space<hbm>>
      %dma_wait3A_142 = arith.constant 0 : i32
      %dma_wait3A_143 = arith.constant 0 : i32
      %dma_wait3A_144 = tpu.memref_slice %arg2[%dma_wait3A_142, %dma_wait3A_143] : memref<32x1000000xf32, #tpu.memory_space<hbm>> -> memref<32x128xf32, #tpu.memory_space<hbm>>
      tpu.wait_dma2 semaphore(%arg22 : memref<!tpu.dma_semaphore, #tpu.memory_space<semaphore_mem>>) src(%dma_wait3A_144 : memref<32x128xf32, #tpu.memory_space<hbm>>) dst(%arg6 : memref<32x128xf32, #tpu.memory_space<vmem>>)
      %dma_wait3A_145 = arith.constant 0 : i32
      %dma_wait3A_146 = arith.constant 0 : i32
      %dma_wait3A_147 = tpu.memref_slice %arg3[%dma_wait3A_145, %dma_wait3A_146] : memref<32x1000000xf32, #tpu.memory_space<hbm>> -> memref<32x128xf32, #tpu.memory_space<hbm>>
      %dma_wait3A_148 = arith.constant 0 : i32
      %dma_wait3A_149 = arith.constant 0 : i32
      %dma_wait3A_150 = tpu.memref_slice %arg3[%dma_wait3A_148, %dma_wait3A_149] : memref<32x1000000xf32, #tpu.memory_space<hbm>> -> memref<32x128xf32, #tpu.memory_space<hbm>>
      tpu.wait_dma2 semaphore(%arg23 : memref<!tpu.dma_semaphore, #tpu.memory_space<semaphore_mem>>) src(%dma_wait3A_150 : memref<32x128xf32, #tpu.memory_space<hbm>>) dst(%arg10 : memref<32x128xf32, #tpu.memory_space<vmem>>)
      %add3A_151 = arith.constant 3 : i32
      %add3A_152 = arith.addi %add3A_138, %add3A_151 : i32
      %lt3A_153 = arith.constant 244 : i32
      %lt3A_154 = arith.cmpi slt, %add3A_152, %lt3A_153 : i32
      %eq3A = arith.constant 244 : i32
      %eq3A_155 = arith.cmpi eq, %add3A_152, %eq3A : i32
      %lt3A_156 = arith.constant 4 : i32
      %lt3A_157 = arith.cmpi slt, %add3A, %lt3A_156 : i32
      %and3A = arith.andi %eq3A_155, %lt3A_157 : i1
      %or3A = arith.ori %lt3A_154, %and3A : i1
      %convert_element_type3A_158 = arith.extui %or3A : i1 to i32
      %cond3A_159 = arith.constant 0 : i32
      %cond3A_160 = arith.cmpi ne, %convert_element_type3A_158, %cond3A_159 : i32
      scf.if %cond3A_160 {
        %add3A_351 = arith.constant 3 : i32
        %add3A_352 = arith.addi %add3A_138, %add3A_351 : i32
        %lt3A_353 = arith.constant 244 : i32
        %lt3A_354 = arith.cmpi slt, %add3A_352, %lt3A_353 : i32
        %mul3A_355 = arith.constant 32 : i32
        %mul3A_356 = arith.muli %add3A_352, %mul3A_355 : i32
        %add3A_357 = arith.addi %add3A, %mul3A_356 : i32
        %add3A_358 = arith.constant 7808 : i32
        %add3A_359 = arith.addi %add3A_358, %add3A : i32
        %select_n3A_360 = arith.select %lt3A_354, %add3A_357, %add3A_359 : i32
        %mul3A_361 = arith.constant 128 : i32
        %mul3A_362 = arith.muli %select_n3A_360, %mul3A_361 : i32
        %multiple_of3A_363 = tpu.assume_multiple %mul3A_362, 128 : i32
        %dma_start3A_364 = arith.constant 0 : i32
        %dma_start3A_365 = tpu.memref_slice %arg2[%dma_start3A_364, %multiple_of3A_363] : memref<32x1000000xf32, #tpu.memory_space<hbm>> -> memref<32x128xf32, #tpu.memory_space<hbm>>
        %dma_start3A_366 = arith.constant 0 : i32
        %dma_start3A_367 = tpu.memref_slice %arg2[%dma_start3A_366, %multiple_of3A_363] : memref<32x1000000xf32, #tpu.memory_space<hbm>> -> memref<32x128xf32, #tpu.memory_space<hbm>>
        tpu.enqueue_dma source(%dma_start3A_367 : memref<32x128xf32, #tpu.memory_space<hbm>>) target(%arg9 : memref<32x128xf32, #tpu.memory_space<vmem>>) target_semaphore(%arg22 : memref<!tpu.dma_semaphore, #tpu.memory_space<semaphore_mem>>)
        %dma_start3A_368 = arith.constant 0 : i32
        %dma_start3A_369 = tpu.memref_slice %arg3[%dma_start3A_368, %multiple_of3A_363] : memref<32x1000000xf32, #tpu.memory_space<hbm>> -> memref<32x128xf32, #tpu.memory_space<hbm>>
        %dma_start3A_370 = arith.constant 0 : i32
        %dma_start3A_371 = tpu.memref_slice %arg3[%dma_start3A_370, %multiple_of3A_363] : memref<32x1000000xf32, #tpu.memory_space<hbm>> -> memref<32x128xf32, #tpu.memory_space<hbm>>
        tpu.enqueue_dma source(%dma_start3A_371 : memref<32x128xf32, #tpu.memory_space<hbm>>) target(%arg13 : memref<32x128xf32, #tpu.memory_space<vmem>>) target_semaphore(%arg23 : memref<!tpu.dma_semaphore, #tpu.memory_space<semaphore_mem>>)
      } else {
      }
      %ge3A = arith.constant 4 : i32
      %ge3A_161 = arith.cmpi sge, %add3A_138, %ge3A : i32
      %convert_element_type3A_162 = arith.extui %ge3A_161 : i1 to i32
      %cond3A_163 = arith.constant 0 : i32
      %cond3A_164 = arith.cmpi ne, %convert_element_type3A_162, %cond3A_163 : i32
      scf.if %cond3A_164 {
        %dma_wait3A_351 = arith.constant 0 : i32
        %dma_wait3A_352 = tpu.memref_slice %arg4[%dma_wait3A_351] : memref<31997952xf32, #tpu.memory_space<hbm>> -> memref<4096xf32, #tpu.memory_space<hbm>>
        %dma_wait3A_353 = arith.constant 0 : i32
        %dma_wait3A_354 = tpu.memref_slice %arg4[%dma_wait3A_353] : memref<31997952xf32, #tpu.memory_space<hbm>> -> memref<4096xf32, #tpu.memory_space<hbm>>
        tpu.wait_dma2 semaphore(%arg24 : memref<!tpu.dma_semaphore, #tpu.memory_space<semaphore_mem>>) src(%arg14 : memref<4096xf32, #tpu.memory_space<vmem>>) dst(%dma_wait3A_354 : memref<4096xf32, #tpu.memory_space<hbm>>)
        %dma_wait3A_355 = arith.constant 0 : i32
        %dma_wait3A_356 = tpu.memref_slice %arg5[%dma_wait3A_355] : memref<31997952xf32, #tpu.memory_space<hbm>> -> memref<4096xf32, #tpu.memory_space<hbm>>
        %dma_wait3A_357 = arith.constant 0 : i32
        %dma_wait3A_358 = tpu.memref_slice %arg5[%dma_wait3A_357] : memref<31997952xf32, #tpu.memory_space<hbm>> -> memref<4096xf32, #tpu.memory_space<hbm>>
        tpu.wait_dma2 semaphore(%arg25 : memref<!tpu.dma_semaphore, #tpu.memory_space<semaphore_mem>>) src(%arg18 : memref<4096xf32, #tpu.memory_space<vmem>>) dst(%dma_wait3A_358 : memref<4096xf32, #tpu.memory_space<hbm>>)
      } else {
      }
      %scan3A_165 = arith.constant 0 : i32
      %scan3A_166 = arith.constant 0 : i32
      %scan3A_167 = arith.constant 32 : i32
      %scan3A_168 = arith.addi %scan3A_166, %scan3A_167 : i32
      %scan3A_169 = arith.constant 1 : i32
      scf.for %scan3A_351 = %scan3A_166 to %scan3A_168 step %scan3A_169  : i32 {
        %get3A = arith.index_cast %scan3A_351 : i32 to index
        %get3A_352 = arith.constant 0 : index
        %get3A_353 = tpu.vector_load %arg6[%get3A, %get3A_352] {strides = array<i32>} : memref<32x128xf32, #tpu.memory_space<vmem>>, vector<16xf32>,
        %get3A_354 = arith.index_cast %scan3A_351 : i32 to index
        %get3A_355 = arith.constant 0 : index
        %get3A_356 = tpu.vector_load %arg10[%get3A_354, %get3A_355] {strides = array<i32>} : memref<32x128xf32, #tpu.memory_space<vmem>>, vector<16xf32>,
        %add3A_357 = vector.broadcast %scan3A_351 : i32 to vector<16xi32>
        %add3A_358 = arith.addi %mul3A_6, %add3A_357 : vector<16xi32>
        tpu.vector_store_idx %arg14[%add3A_358], %get3A_353 : memref<4096xf32, #tpu.memory_space<vmem>>[vector<16xi32>], vector<16xf32>,
        tpu.vector_store_idx %arg18[%add3A_358], %get3A_356 : memref<4096xf32, #tpu.memory_space<vmem>>[vector<16xi32>], vector<16xf32>,
        %get3A_359 = arith.index_cast %scan3A_351 : i32 to index
        %get3A_360 = arith.constant 16 : index
        %get3A_361 = tpu.vector_load %arg6[%get3A_359, %get3A_360] {strides = array<i32>} : memref<32x128xf32, #tpu.memory_space<vmem>>, vector<16xf32>,
        %get3A_362 = arith.index_cast %scan3A_351 : i32 to index
        %get3A_363 = arith.constant 16 : index
        %get3A_364 = tpu.vector_load %arg10[%get3A_362, %get3A_363] {strides = array<i32>} : memref<32x128xf32, #tpu.memory_space<vmem>>, vector<16xf32>,
        %add3A_365 = vector.broadcast %scan3A_351 : i32 to vector<16xi32>
        %add3A_366 = arith.addi %mul3A_12, %add3A_365 : vector<16xi32>
        tpu.vector_store_idx %arg14[%add3A_366], %get3A_361 : memref<4096xf32, #tpu.memory_space<vmem>>[vector<16xi32>], vector<16xf32>,
        tpu.vector_store_idx %arg18[%add3A_366], %get3A_364 : memref<4096xf32, #tpu.memory_space<vmem>>[vector<16xi32>], vector<16xf32>,
        %get3A_367 = arith.index_cast %scan3A_351 : i32 to index
        %get3A_368 = arith.constant 32 : index
        %get3A_369 = tpu.vector_load %arg6[%get3A_367, %get3A_368] {strides = array<i32>} : memref<32x128xf32, #tpu.memory_space<vmem>>, vector<16xf32>,
        %get3A_370 = arith.index_cast %scan3A_351 : i32 to index
        %get3A_371 = arith.constant 32 : index
        %get3A_372 = tpu.vector_load %arg10[%get3A_370, %get3A_371] {strides = array<i32>} : memref<32x128xf32, #tpu.memory_space<vmem>>, vector<16xf32>,
        %add3A_373 = vector.broadcast %scan3A_351 : i32 to vector<16xi32>
        %add3A_374 = arith.addi %mul3A_18, %add3A_373 : vector<16xi32>
        tpu.vector_store_idx %arg14[%add3A_374], %get3A_369 : memref<4096xf32, #tpu.memory_space<vmem>>[vector<16xi32>], vector<16xf32>,
        tpu.vector_store_idx %arg18[%add3A_374], %get3A_372 : memref<4096xf32, #tpu.memory_space<vmem>>[vector<16xi32>], vector<16xf32>,
        %get3A_375 = arith.index_cast %scan3A_351 : i32 to index
        %get3A_376 = arith.constant 48 : index
        %get3A_377 = tpu.vector_load %arg6[%get3A_375, %get3A_376] {strides = array<i32>} : memref<32x128xf32, #tpu.memory_space<vmem>>, vector<16xf32>,
        %get3A_378 = arith.index_cast %scan3A_351 : i32 to index
        %get3A_379 = arith.constant 48 : index
        %get3A_380 = tpu.vector_load %arg10[%get3A_378, %get3A_379] {strides = array<i32>} : memref<32x128xf32, #tpu.memory_space<vmem>>, vector<16xf32>,
        %add3A_381 = vector.broadcast %scan3A_351 : i32 to vector<16xi32>
        %add3A_382 = arith.addi %mul3A_24, %add3A_381 : vector<16xi32>
        tpu.vector_store_idx %arg14[%add3A_382], %get3A_377 : memref<4096xf32, #tpu.memory_space<vmem>>[vector<16xi32>], vector<16xf32>,
        tpu.vector_store_idx %arg18[%add3A_382], %get3A_380 : memref<4096xf32, #tpu.memory_space<vmem>>[vector<16xi32>], vector<16xf32>,
        %get3A_383 = arith.index_cast %scan3A_351 : i32 to index
        %get3A_384 = arith.constant 64 : index
        %get3A_385 = tpu.vector_load %arg6[%get3A_383, %get3A_384] {strides = array<i32>} : memref<32x128xf32, #tpu.memory_space<vmem>>, vector<16xf32>,
        %get3A_386 = arith.index_cast %scan3A_351 : i32 to index
        %get3A_387 = arith.constant 64 : index
        %get3A_388 = tpu.vector_load %arg10[%get3A_386, %get3A_387] {strides = array<i32>} : memref<32x128xf32, #tpu.memory_space<vmem>>, vector<16xf32>,
        %add3A_389 = vector.broadcast %scan3A_351 : i32 to vector<16xi32>
        %add3A_390 = arith.addi %mul3A_30, %add3A_389 : vector<16xi32>
        tpu.vector_store_idx %arg14[%add3A_390], %get3A_385 : memref<4096xf32, #tpu.memory_space<vmem>>[vector<16xi32>], vector<16xf32>,
        tpu.vector_store_idx %arg18[%add3A_390], %get3A_388 : memref<4096xf32, #tpu.memory_space<vmem>>[vector<16xi32>], vector<16xf32>,
        %get3A_391 = arith.index_cast %scan3A_351 : i32 to index
        %get3A_392 = arith.constant 80 : index
        %get3A_393 = tpu.vector_load %arg6[%get3A_391, %get3A_392] {strides = array<i32>} : memref<32x128xf32, #tpu.memory_space<vmem>>, vector<16xf32>,
        %get3A_394 = arith.index_cast %scan3A_351 : i32 to index
        %get3A_395 = arith.constant 80 : index
        %get3A_396 = tpu.vector_load %arg10[%get3A_394, %get3A_395] {strides = array<i32>} : memref<32x128xf32, #tpu.memory_space<vmem>>, vector<16xf32>,
        %add3A_397 = vector.broadcast %scan3A_351 : i32 to vector<16xi32>
        %add3A_398 = arith.addi %mul3A_36, %add3A_397 : vector<16xi32>
        tpu.vector_store_idx %arg14[%add3A_398], %get3A_393 : memref<4096xf32, #tpu.memory_space<vmem>>[vector<16xi32>], vector<16xf32>,
        tpu.vector_store_idx %arg18[%add3A_398], %get3A_396 : memref<4096xf32, #tpu.memory_space<vmem>>[vector<16xi32>], vector<16xf32>,
        %get3A_399 = arith.index_cast %scan3A_351 : i32 to index
        %get3A_400 = arith.constant 96 : index
        %get3A_401 = tpu.vector_load %arg6[%get3A_399, %get3A_400] {strides = array<i32>} : memref<32x128xf32, #tpu.memory_space<vmem>>, vector<16xf32>,
        %get3A_402 = arith.index_cast %scan3A_351 : i32 to index
        %get3A_403 = arith.constant 96 : index
        %get3A_404 = tpu.vector_load %arg10[%get3A_402, %get3A_403] {strides = array<i32>} : memref<32x128xf32, #tpu.memory_space<vmem>>, vector<16xf32>,
        %add3A_405 = vector.broadcast %scan3A_351 : i32 to vector<16xi32>
        %add3A_406 = arith.addi %mul3A_42, %add3A_405 : vector<16xi32>
        tpu.vector_store_idx %arg14[%add3A_406], %get3A_401 : memref<4096xf32, #tpu.memory_space<vmem>>[vector<16xi32>], vector<16xf32>,
        tpu.vector_store_idx %arg18[%add3A_406], %get3A_404 : memref<4096xf32, #tpu.memory_space<vmem>>[vector<16xi32>], vector<16xf32>,
        %get3A_407 = arith.index_cast %scan3A_351 : i32 to index
        %get3A_408 = arith.constant 112 : index
        %get3A_409 = tpu.vector_load %arg6[%get3A_407, %get3A_408] {strides = array<i32>} : memref<32x128xf32, #tpu.memory_space<vmem>>, vector<16xf32>,
        %get3A_410 = arith.index_cast %scan3A_351 : i32 to index
        %get3A_411 = arith.constant 112 : index
        %get3A_412 = tpu.vector_load %arg10[%get3A_410, %get3A_411] {strides = array<i32>} : memref<32x128xf32, #tpu.memory_space<vmem>>, vector<16xf32>,
        %add3A_413 = vector.broadcast %scan3A_351 : i32 to vector<16xi32>
        %add3A_414 = arith.addi %mul3A_48, %add3A_413 : vector<16xi32>
        tpu.vector_store_idx %arg14[%add3A_414], %get3A_409 : memref<4096xf32, #tpu.memory_space<vmem>>[vector<16xi32>], vector<16xf32>,
        tpu.vector_store_idx %arg18[%add3A_414], %get3A_412 : memref<4096xf32, #tpu.memory_space<vmem>>[vector<16xi32>], vector<16xf32>,
      }
      %scan3A_170 = arith.constant 32 : i32
      %lt3A_171 = arith.constant 244 : i32
      %lt3A_172 = arith.cmpi slt, %add3A_138, %lt3A_171 : i32
      %mul3A_173 = arith.constant 32 : i32
      %mul3A_174 = arith.muli %add3A_138, %mul3A_173 : i32
      %add3A_175 = arith.addi %add3A, %mul3A_174 : i32
      %add3A_176 = arith.constant 7808 : i32
      %add3A_177 = arith.addi %add3A_176, %add3A : i32
      %select_n3A_178 = arith.select %lt3A_172, %add3A_175, %add3A_177 : i32
      %mul3A_179 = arith.constant 4096 : i32
      %mul3A_180 = arith.muli %select_n3A_178, %mul3A_179 : i32
      %multiple_of3A_181 = tpu.assume_multiple %mul3A_180, 4096 : i32
      %dma_start3A_182 = tpu.memref_slice %arg4[%multiple_of3A_181] : memref<31997952xf32, #tpu.memory_space<hbm>> -> memref<4096xf32, #tpu.memory_space<hbm>>
      %dma_start3A_183 = tpu.memref_slice %arg4[%multiple_of3A_181] : memref<31997952xf32, #tpu.memory_space<hbm>> -> memref<4096xf32, #tpu.memory_space<hbm>>
      tpu.enqueue_dma source(%arg14 : memref<4096xf32, #tpu.memory_space<vmem>>) target(%dma_start3A_183 : memref<4096xf32, #tpu.memory_space<hbm>>) target_semaphore(%arg24 : memref<!tpu.dma_semaphore, #tpu.memory_space<semaphore_mem>>)
      %dma_start3A_184 = tpu.memref_slice %arg5[%multiple_of3A_181] : memref<31997952xf32, #tpu.memory_space<hbm>> -> memref<4096xf32, #tpu.memory_space<hbm>>
      %dma_start3A_185 = tpu.memref_slice %arg5[%multiple_of3A_181] : memref<31997952xf32, #tpu.memory_space<hbm>> -> memref<4096xf32, #tpu.memory_space<hbm>>
      tpu.enqueue_dma source(%arg18 : memref<4096xf32, #tpu.memory_space<vmem>>) target(%dma_start3A_185 : memref<4096xf32, #tpu.memory_space<hbm>>) target_semaphore(%arg25 : memref<!tpu.dma_semaphore, #tpu.memory_space<semaphore_mem>>)
      %mul3A_186 = arith.constant 4 : i32
      %mul3A_187 = arith.muli %scan3A_134, %mul3A_186 : i32
      %add3A_188 = arith.constant 1 : i32
      %add3A_189 = arith.addi %mul3A_187, %add3A_188 : i32
      %dma_wait3A_190 = arith.constant 0 : i32
      %dma_wait3A_191 = arith.constant 0 : i32
      %dma_wait3A_192 = tpu.memref_slice %arg2[%dma_wait3A_190, %dma_wait3A_191] : memref<32x1000000xf32, #tpu.memory_space<hbm>> -> memref<32x128xf32, #tpu.memory_space<hbm>>
      %dma_wait3A_193 = arith.constant 0 : i32
      %dma_wait3A_194 = arith.constant 0 : i32
      %dma_wait3A_195 = tpu.memref_slice %arg2[%dma_wait3A_193, %dma_wait3A_194] : memref<32x1000000xf32, #tpu.memory_space<hbm>> -> memref<32x128xf32, #tpu.memory_space<hbm>>
      tpu.wait_dma2 semaphore(%arg22 : memref<!tpu.dma_semaphore, #tpu.memory_space<semaphore_mem>>) src(%dma_wait3A_195 : memref<32x128xf32, #tpu.memory_space<hbm>>) dst(%arg6 : memref<32x128xf32, #tpu.memory_space<vmem>>)
      %dma_wait3A_196 = arith.constant 0 : i32
      %dma_wait3A_197 = arith.constant 0 : i32
      %dma_wait3A_198 = tpu.memref_slice %arg3[%dma_wait3A_196, %dma_wait3A_197] : memref<32x1000000xf32, #tpu.memory_space<hbm>> -> memref<32x128xf32, #tpu.memory_space<hbm>>
      %dma_wait3A_199 = arith.constant 0 : i32
      %dma_wait3A_200 = arith.constant 0 : i32
      %dma_wait3A_201 = tpu.memref_slice %arg3[%dma_wait3A_199, %dma_wait3A_200] : memref<32x1000000xf32, #tpu.memory_space<hbm>> -> memref<32x128xf32, #tpu.memory_space<hbm>>
      tpu.wait_dma2 semaphore(%arg23 : memref<!tpu.dma_semaphore, #tpu.memory_space<semaphore_mem>>) src(%dma_wait3A_201 : memref<32x128xf32, #tpu.memory_space<hbm>>) dst(%arg10 : memref<32x128xf32, #tpu.memory_space<vmem>>)
      %add3A_202 = arith.constant 3 : i32
      %add3A_203 = arith.addi %add3A_189, %add3A_202 : i32
      %lt3A_204 = arith.constant 244 : i32
      %lt3A_205 = arith.cmpi slt, %add3A_203, %lt3A_204 : i32
      %eq3A_206 = arith.constant 244 : i32
      %eq3A_207 = arith.cmpi eq, %add3A_203, %eq3A_206 : i32
      %lt3A_208 = arith.constant 4 : i32
      %lt3A_209 = arith.cmpi slt, %add3A, %lt3A_208 : i32
      %and3A_210 = arith.andi %eq3A_207, %lt3A_209 : i1
      %or3A_211 = arith.ori %lt3A_205, %and3A_210 : i1
      %convert_element_type3A_212 = arith.extui %or3A_211 : i1 to i32
      %cond3A_213 = arith.constant 0 : i32
      %cond3A_214 = arith.cmpi ne, %convert_element_type3A_212, %cond3A_213 : i32
      scf.if %cond3A_214 {
        %add3A_351 = arith.constant 3 : i32
        %add3A_352 = arith.addi %add3A_189, %add3A_351 : i32
        %lt3A_353 = arith.constant 244 : i32
        %lt3A_354 = arith.cmpi slt, %add3A_352, %lt3A_353 : i32
        %mul3A_355 = arith.constant 32 : i32
        %mul3A_356 = arith.muli %add3A_352, %mul3A_355 : i32
        %add3A_357 = arith.addi %add3A, %mul3A_356 : i32
        %add3A_358 = arith.constant 7808 : i32
        %add3A_359 = arith.addi %add3A_358, %add3A : i32
        %select_n3A_360 = arith.select %lt3A_354, %add3A_357, %add3A_359 : i32
        %mul3A_361 = arith.constant 128 : i32
        %mul3A_362 = arith.muli %select_n3A_360, %mul3A_361 : i32
        %multiple_of3A_363 = tpu.assume_multiple %mul3A_362, 128 : i32
        %dma_start3A_364 = arith.constant 0 : i32
        %dma_start3A_365 = tpu.memref_slice %arg2[%dma_start3A_364, %multiple_of3A_363] : memref<32x1000000xf32, #tpu.memory_space<hbm>> -> memref<32x128xf32, #tpu.memory_space<hbm>>
        %dma_start3A_366 = arith.constant 0 : i32
        %dma_start3A_367 = tpu.memref_slice %arg2[%dma_start3A_366, %multiple_of3A_363] : memref<32x1000000xf32, #tpu.memory_space<hbm>> -> memref<32x128xf32, #tpu.memory_space<hbm>>
        tpu.enqueue_dma source(%dma_start3A_367 : memref<32x128xf32, #tpu.memory_space<hbm>>) target(%arg6 : memref<32x128xf32, #tpu.memory_space<vmem>>) target_semaphore(%arg22 : memref<!tpu.dma_semaphore, #tpu.memory_space<semaphore_mem>>)
        %dma_start3A_368 = arith.constant 0 : i32
        %dma_start3A_369 = tpu.memref_slice %arg3[%dma_start3A_368, %multiple_of3A_363] : memref<32x1000000xf32, #tpu.memory_space<hbm>> -> memref<32x128xf32, #tpu.memory_space<hbm>>
        %dma_start3A_370 = arith.constant 0 : i32
        %dma_start3A_371 = tpu.memref_slice %arg3[%dma_start3A_370, %multiple_of3A_363] : memref<32x1000000xf32, #tpu.memory_space<hbm>> -> memref<32x128xf32, #tpu.memory_space<hbm>>
        tpu.enqueue_dma source(%dma_start3A_371 : memref<32x128xf32, #tpu.memory_space<hbm>>) target(%arg10 : memref<32x128xf32, #tpu.memory_space<vmem>>) target_semaphore(%arg23 : memref<!tpu.dma_semaphore, #tpu.memory_space<semaphore_mem>>)
      } else {
      }
      %ge3A_215 = arith.constant 4 : i32
      %ge3A_216 = arith.cmpi sge, %add3A_189, %ge3A_215 : i32
      %convert_element_type3A_217 = arith.extui %ge3A_216 : i1 to i32
      %cond3A_218 = arith.constant 0 : i32
      %cond3A_219 = arith.cmpi ne, %convert_element_type3A_217, %cond3A_218 : i32
      scf.if %cond3A_219 {
        %dma_wait3A_351 = arith.constant 0 : i32
        %dma_wait3A_352 = tpu.memref_slice %arg4[%dma_wait3A_351] : memref<31997952xf32, #tpu.memory_space<hbm>> -> memref<4096xf32, #tpu.memory_space<hbm>>
        %dma_wait3A_353 = arith.constant 0 : i32
        %dma_wait3A_354 = tpu.memref_slice %arg4[%dma_wait3A_353] : memref<31997952xf32, #tpu.memory_space<hbm>> -> memref<4096xf32, #tpu.memory_space<hbm>>
        tpu.wait_dma2 semaphore(%arg24 : memref<!tpu.dma_semaphore, #tpu.memory_space<semaphore_mem>>) src(%arg14 : memref<4096xf32, #tpu.memory_space<vmem>>) dst(%dma_wait3A_354 : memref<4096xf32, #tpu.memory_space<hbm>>)
        %dma_wait3A_355 = arith.constant 0 : i32
        %dma_wait3A_356 = tpu.memref_slice %arg5[%dma_wait3A_355] : memref<31997952xf32, #tpu.memory_space<hbm>> -> memref<4096xf32, #tpu.memory_space<hbm>>
        %dma_wait3A_357 = arith.constant 0 : i32
        %dma_wait3A_358 = tpu.memref_slice %arg5[%dma_wait3A_357] : memref<31997952xf32, #tpu.memory_space<hbm>> -> memref<4096xf32, #tpu.memory_space<hbm>>
        tpu.wait_dma2 semaphore(%arg25 : memref<!tpu.dma_semaphore, #tpu.memory_space<semaphore_mem>>) src(%arg18 : memref<4096xf32, #tpu.memory_space<vmem>>) dst(%dma_wait3A_358 : memref<4096xf32, #tpu.memory_space<hbm>>)
      } else {
      }
      %scan3A_220 = arith.constant 0 : i32
      %scan3A_221 = arith.constant 0 : i32
      %scan3A_222 = arith.constant 32 : i32
      %scan3A_223 = arith.addi %scan3A_221, %scan3A_222 : i32
      %scan3A_224 = arith.constant 1 : i32
      scf.for %scan3A_351 = %scan3A_221 to %scan3A_223 step %scan3A_224  : i32 {
        %get3A = arith.index_cast %scan3A_351 : i32 to index
        %get3A_352 = arith.constant 0 : index
        %get3A_353 = tpu.vector_load %arg7[%get3A, %get3A_352] {strides = array<i32>} : memref<32x128xf32, #tpu.memory_space<vmem>>, vector<16xf32>,
        %get3A_354 = arith.index_cast %scan3A_351 : i32 to index
        %get3A_355 = arith.constant 0 : index
        %get3A_356 = tpu.vector_load %arg11[%get3A_354, %get3A_355] {strides = array<i32>} : memref<32x128xf32, #tpu.memory_space<vmem>>, vector<16xf32>,
        %add3A_357 = vector.broadcast %scan3A_351 : i32 to vector<16xi32>
        %add3A_358 = arith.addi %mul3A_6, %add3A_357 : vector<16xi32>
        tpu.vector_store_idx %arg15[%add3A_358], %get3A_353 : memref<4096xf32, #tpu.memory_space<vmem>>[vector<16xi32>], vector<16xf32>,
        tpu.vector_store_idx %arg19[%add3A_358], %get3A_356 : memref<4096xf32, #tpu.memory_space<vmem>>[vector<16xi32>], vector<16xf32>,
        %get3A_359 = arith.index_cast %scan3A_351 : i32 to index
        %get3A_360 = arith.constant 16 : index
        %get3A_361 = tpu.vector_load %arg7[%get3A_359, %get3A_360] {strides = array<i32>} : memref<32x128xf32, #tpu.memory_space<vmem>>, vector<16xf32>,
        %get3A_362 = arith.index_cast %scan3A_351 : i32 to index
        %get3A_363 = arith.constant 16 : index
        %get3A_364 = tpu.vector_load %arg11[%get3A_362, %get3A_363] {strides = array<i32>} : memref<32x128xf32, #tpu.memory_space<vmem>>, vector<16xf32>,
        %add3A_365 = vector.broadcast %scan3A_351 : i32 to vector<16xi32>
        %add3A_366 = arith.addi %mul3A_12, %add3A_365 : vector<16xi32>
        tpu.vector_store_idx %arg15[%add3A_366], %get3A_361 : memref<4096xf32, #tpu.memory_space<vmem>>[vector<16xi32>], vector<16xf32>,
        tpu.vector_store_idx %arg19[%add3A_366], %get3A_364 : memref<4096xf32, #tpu.memory_space<vmem>>[vector<16xi32>], vector<16xf32>,
        %get3A_367 = arith.index_cast %scan3A_351 : i32 to index
        %get3A_368 = arith.constant 32 : index
        %get3A_369 = tpu.vector_load %arg7[%get3A_367, %get3A_368] {strides = array<i32>} : memref<32x128xf32, #tpu.memory_space<vmem>>, vector<16xf32>,
        %get3A_370 = arith.index_cast %scan3A_351 : i32 to index
        %get3A_371 = arith.constant 32 : index
        %get3A_372 = tpu.vector_load %arg11[%get3A_370, %get3A_371] {strides = array<i32>} : memref<32x128xf32, #tpu.memory_space<vmem>>, vector<16xf32>,
        %add3A_373 = vector.broadcast %scan3A_351 : i32 to vector<16xi32>
        %add3A_374 = arith.addi %mul3A_18, %add3A_373 : vector<16xi32>
        tpu.vector_store_idx %arg15[%add3A_374], %get3A_369 : memref<4096xf32, #tpu.memory_space<vmem>>[vector<16xi32>], vector<16xf32>,
        tpu.vector_store_idx %arg19[%add3A_374], %get3A_372 : memref<4096xf32, #tpu.memory_space<vmem>>[vector<16xi32>], vector<16xf32>,
        %get3A_375 = arith.index_cast %scan3A_351 : i32 to index
        %get3A_376 = arith.constant 48 : index
        %get3A_377 = tpu.vector_load %arg7[%get3A_375, %get3A_376] {strides = array<i32>} : memref<32x128xf32, #tpu.memory_space<vmem>>, vector<16xf32>,
        %get3A_378 = arith.index_cast %scan3A_351 : i32 to index
        %get3A_379 = arith.constant 48 : index
        %get3A_380 = tpu.vector_load %arg11[%get3A_378, %get3A_379] {strides = array<i32>} : memref<32x128xf32, #tpu.memory_space<vmem>>, vector<16xf32>,
        %add3A_381 = vector.broadcast %scan3A_351 : i32 to vector<16xi32>
        %add3A_382 = arith.addi %mul3A_24, %add3A_381 : vector<16xi32>
        tpu.vector_store_idx %arg15[%add3A_382], %get3A_377 : memref<4096xf32, #tpu.memory_space<vmem>>[vector<16xi32>], vector<16xf32>,
        tpu.vector_store_idx %arg19[%add3A_382], %get3A_380 : memref<4096xf32, #tpu.memory_space<vmem>>[vector<16xi32>], vector<16xf32>,
        %get3A_383 = arith.index_cast %scan3A_351 : i32 to index
        %get3A_384 = arith.constant 64 : index
        %get3A_385 = tpu.vector_load %arg7[%get3A_383, %get3A_384] {strides = array<i32>} : memref<32x128xf32, #tpu.memory_space<vmem>>, vector<16xf32>,
        %get3A_386 = arith.index_cast %scan3A_351 : i32 to index
        %get3A_387 = arith.constant 64 : index
        %get3A_388 = tpu.vector_load %arg11[%get3A_386, %get3A_387] {strides = array<i32>} : memref<32x128xf32, #tpu.memory_space<vmem>>, vector<16xf32>,
        %add3A_389 = vector.broadcast %scan3A_351 : i32 to vector<16xi32>
        %add3A_390 = arith.addi %mul3A_30, %add3A_389 : vector<16xi32>
        tpu.vector_store_idx %arg15[%add3A_390], %get3A_385 : memref<4096xf32, #tpu.memory_space<vmem>>[vector<16xi32>], vector<16xf32>,
        tpu.vector_store_idx %arg19[%add3A_390], %get3A_388 : memref<4096xf32, #tpu.memory_space<vmem>>[vector<16xi32>], vector<16xf32>,
        %get3A_391 = arith.index_cast %scan3A_351 : i32 to index
        %get3A_392 = arith.constant 80 : index
        %get3A_393 = tpu.vector_load %arg7[%get3A_391, %get3A_392] {strides = array<i32>} : memref<32x128xf32, #tpu.memory_space<vmem>>, vector<16xf32>,
        %get3A_394 = arith.index_cast %scan3A_351 : i32 to index
        %get3A_395 = arith.constant 80 : index
        %get3A_396 = tpu.vector_load %arg11[%get3A_394, %get3A_395] {strides = array<i32>} : memref<32x128xf32, #tpu.memory_space<vmem>>, vector<16xf32>,
        %add3A_397 = vector.broadcast %scan3A_351 : i32 to vector<16xi32>
        %add3A_398 = arith.addi %mul3A_36, %add3A_397 : vector<16xi32>
        tpu.vector_store_idx %arg15[%add3A_398], %get3A_393 : memref<4096xf32, #tpu.memory_space<vmem>>[vector<16xi32>], vector<16xf32>,
        tpu.vector_store_idx %arg19[%add3A_398], %get3A_396 : memref<4096xf32, #tpu.memory_space<vmem>>[vector<16xi32>], vector<16xf32>,
        %get3A_399 = arith.index_cast %scan3A_351 : i32 to index
        %get3A_400 = arith.constant 96 : index
        %get3A_401 = tpu.vector_load %arg7[%get3A_399, %get3A_400] {strides = array<i32>} : memref<32x128xf32, #tpu.memory_space<vmem>>, vector<16xf32>,
        %get3A_402 = arith.index_cast %scan3A_351 : i32 to index
        %get3A_403 = arith.constant 96 : index
        %get3A_404 = tpu.vector_load %arg11[%get3A_402, %get3A_403] {strides = array<i32>} : memref<32x128xf32, #tpu.memory_space<vmem>>, vector<16xf32>,
        %add3A_405 = vector.broadcast %scan3A_351 : i32 to vector<16xi32>
        %add3A_406 = arith.addi %mul3A_42, %add3A_405 : vector<16xi32>
        tpu.vector_store_idx %arg15[%add3A_406], %get3A_401 : memref<4096xf32, #tpu.memory_space<vmem>>[vector<16xi32>], vector<16xf32>,
        tpu.vector_store_idx %arg19[%add3A_406], %get3A_404 : memref<4096xf32, #tpu.memory_space<vmem>>[vector<16xi32>], vector<16xf32>,
        %get3A_407 = arith.index_cast %scan3A_351 : i32 to index
        %get3A_408 = arith.constant 112 : index
        %get3A_409 = tpu.vector_load %arg7[%get3A_407, %get3A_408] {strides = array<i32>} : memref<32x128xf32, #tpu.memory_space<vmem>>, vector<16xf32>,
        %get3A_410 = arith.index_cast %scan3A_351 : i32 to index
        %get3A_411 = arith.constant 112 : index
        %get3A_412 = tpu.vector_load %arg11[%get3A_410, %get3A_411] {strides = array<i32>} : memref<32x128xf32, #tpu.memory_space<vmem>>, vector<16xf32>,
        %add3A_413 = vector.broadcast %scan3A_351 : i32 to vector<16xi32>
        %add3A_414 = arith.addi %mul3A_48, %add3A_413 : vector<16xi32>
        tpu.vector_store_idx %arg15[%add3A_414], %get3A_409 : memref<4096xf32, #tpu.memory_space<vmem>>[vector<16xi32>], vector<16xf32>,
        tpu.vector_store_idx %arg19[%add3A_414], %get3A_412 : memref<4096xf32, #tpu.memory_space<vmem>>[vector<16xi32>], vector<16xf32>,
      }
      %scan3A_225 = arith.constant 32 : i32
      %lt3A_226 = arith.constant 244 : i32
      %lt3A_227 = arith.cmpi slt, %add3A_189, %lt3A_226 : i32
      %mul3A_228 = arith.constant 32 : i32
      %mul3A_229 = arith.muli %add3A_189, %mul3A_228 : i32
      %add3A_230 = arith.addi %add3A, %mul3A_229 : i32
      %add3A_231 = arith.constant 7808 : i32
      %add3A_232 = arith.addi %add3A_231, %add3A : i32
      %select_n3A_233 = arith.select %lt3A_227, %add3A_230, %add3A_232 : i32
      %mul3A_234 = arith.constant 4096 : i32
      %mul3A_235 = arith.muli %select_n3A_233, %mul3A_234 : i32
      %multiple_of3A_236 = tpu.assume_multiple %mul3A_235, 4096 : i32
      %dma_start3A_237 = tpu.memref_slice %arg4[%multiple_of3A_236] : memref<31997952xf32, #tpu.memory_space<hbm>> -> memref<4096xf32, #tpu.memory_space<hbm>>
      %dma_start3A_238 = tpu.memref_slice %arg4[%multiple_of3A_236] : memref<31997952xf32, #tpu.memory_space<hbm>> -> memref<4096xf32, #tpu.memory_space<hbm>>
      tpu.enqueue_dma source(%arg15 : memref<4096xf32, #tpu.memory_space<vmem>>) target(%dma_start3A_238 : memref<4096xf32, #tpu.memory_space<hbm>>) target_semaphore(%arg24 : memref<!tpu.dma_semaphore, #tpu.memory_space<semaphore_mem>>)
      %dma_start3A_239 = tpu.memref_slice %arg5[%multiple_of3A_236] : memref<31997952xf32, #tpu.memory_space<hbm>> -> memref<4096xf32, #tpu.memory_space<hbm>>
      %dma_start3A_240 = tpu.memref_slice %arg5[%multiple_of3A_236] : memref<31997952xf32, #tpu.memory_space<hbm>> -> memref<4096xf32, #tpu.memory_space<hbm>>
      tpu.enqueue_dma source(%arg19 : memref<4096xf32, #tpu.memory_space<vmem>>) target(%dma_start3A_240 : memref<4096xf32, #tpu.memory_space<hbm>>) target_semaphore(%arg25 : memref<!tpu.dma_semaphore, #tpu.memory_space<semaphore_mem>>)
      %mul3A_241 = arith.constant 4 : i32
      %mul3A_242 = arith.muli %scan3A_134, %mul3A_241 : i32
      %add3A_243 = arith.constant 2 : i32
      %add3A_244 = arith.addi %mul3A_242, %add3A_243 : i32
      %dma_wait3A_245 = arith.constant 0 : i32
      %dma_wait3A_246 = arith.constant 0 : i32
      %dma_wait3A_247 = tpu.memref_slice %arg2[%dma_wait3A_245, %dma_wait3A_246] : memref<32x1000000xf32, #tpu.memory_space<hbm>> -> memref<32x128xf32, #tpu.memory_space<hbm>>
      %dma_wait3A_248 = arith.constant 0 : i32
      %dma_wait3A_249 = arith.constant 0 : i32
      %dma_wait3A_250 = tpu.memref_slice %arg2[%dma_wait3A_248, %dma_wait3A_249] : memref<32x1000000xf32, #tpu.memory_space<hbm>> -> memref<32x128xf32, #tpu.memory_space<hbm>>
      tpu.wait_dma2 semaphore(%arg22 : memref<!tpu.dma_semaphore, #tpu.memory_space<semaphore_mem>>) src(%dma_wait3A_250 : memref<32x128xf32, #tpu.memory_space<hbm>>) dst(%arg6 : memref<32x128xf32, #tpu.memory_space<vmem>>)
      %dma_wait3A_251 = arith.constant 0 : i32
      %dma_wait3A_252 = arith.constant 0 : i32
      %dma_wait3A_253 = tpu.memref_slice %arg3[%dma_wait3A_251, %dma_wait3A_252] : memref<32x1000000xf32, #tpu.memory_space<hbm>> -> memref<32x128xf32, #tpu.memory_space<hbm>>
      %dma_wait3A_254 = arith.constant 0 : i32
      %dma_wait3A_255 = arith.constant 0 : i32
      %dma_wait3A_256 = tpu.memref_slice %arg3[%dma_wait3A_254, %dma_wait3A_255] : memref<32x1000000xf32, #tpu.memory_space<hbm>> -> memref<32x128xf32, #tpu.memory_space<hbm>>
      tpu.wait_dma2 semaphore(%arg23 : memref<!tpu.dma_semaphore, #tpu.memory_space<semaphore_mem>>) src(%dma_wait3A_256 : memref<32x128xf32, #tpu.memory_space<hbm>>) dst(%arg10 : memref<32x128xf32, #tpu.memory_space<vmem>>)
      %add3A_257 = arith.constant 3 : i32
      %add3A_258 = arith.addi %add3A_244, %add3A_257 : i32
      %lt3A_259 = arith.constant 244 : i32
      %lt3A_260 = arith.cmpi slt, %add3A_258, %lt3A_259 : i32
      %eq3A_261 = arith.constant 244 : i32
      %eq3A_262 = arith.cmpi eq, %add3A_258, %eq3A_261 : i32
      %lt3A_263 = arith.constant 4 : i32
      %lt3A_264 = arith.cmpi slt, %add3A, %lt3A_263 : i32
      %and3A_265 = arith.andi %eq3A_262, %lt3A_264 : i1
      %or3A_266 = arith.ori %lt3A_260, %and3A_265 : i1
      %convert_element_type3A_267 = arith.extui %or3A_266 : i1 to i32
      %cond3A_268 = arith.constant 0 : i32
      %cond3A_269 = arith.cmpi ne, %convert_element_type3A_267, %cond3A_268 : i32
      scf.if %cond3A_269 {
        %add3A_351 = arith.constant 3 : i32
        %add3A_352 = arith.addi %add3A_244, %add3A_351 : i32
        %lt3A_353 = arith.constant 244 : i32
        %lt3A_354 = arith.cmpi slt, %add3A_352, %lt3A_353 : i32
        %mul3A_355 = arith.constant 32 : i32
        %mul3A_356 = arith.muli %add3A_352, %mul3A_355 : i32
        %add3A_357 = arith.addi %add3A, %mul3A_356 : i32
        %add3A_358 = arith.constant 7808 : i32
        %add3A_359 = arith.addi %add3A_358, %add3A : i32
        %select_n3A_360 = arith.select %lt3A_354, %add3A_357, %add3A_359 : i32
        %mul3A_361 = arith.constant 128 : i32
        %mul3A_362 = arith.muli %select_n3A_360, %mul3A_361 : i32
        %multiple_of3A_363 = tpu.assume_multiple %mul3A_362, 128 : i32
        %dma_start3A_364 = arith.constant 0 : i32
        %dma_start3A_365 = tpu.memref_slice %arg2[%dma_start3A_364, %multiple_of3A_363] : memref<32x1000000xf32, #tpu.memory_space<hbm>> -> memref<32x128xf32, #tpu.memory_space<hbm>>
        %dma_start3A_366 = arith.constant 0 : i32
        %dma_start3A_367 = tpu.memref_slice %arg2[%dma_start3A_366, %multiple_of3A_363] : memref<32x1000000xf32, #tpu.memory_space<hbm>> -> memref<32x128xf32, #tpu.memory_space<hbm>>
        tpu.enqueue_dma source(%dma_start3A_367 : memref<32x128xf32, #tpu.memory_space<hbm>>) target(%arg7 : memref<32x128xf32, #tpu.memory_space<vmem>>) target_semaphore(%arg22 : memref<!tpu.dma_semaphore, #tpu.memory_space<semaphore_mem>>)
        %dma_start3A_368 = arith.constant 0 : i32
        %dma_start3A_369 = tpu.memref_slice %arg3[%dma_start3A_368, %multiple_of3A_363] : memref<32x1000000xf32, #tpu.memory_space<hbm>> -> memref<32x128xf32, #tpu.memory_space<hbm>>
        %dma_start3A_370 = arith.constant 0 : i32
        %dma_start3A_371 = tpu.memref_slice %arg3[%dma_start3A_370, %multiple_of3A_363] : memref<32x1000000xf32, #tpu.memory_space<hbm>> -> memref<32x128xf32, #tpu.memory_space<hbm>>
        tpu.enqueue_dma source(%dma_start3A_371 : memref<32x128xf32, #tpu.memory_space<hbm>>) target(%arg11 : memref<32x128xf32, #tpu.memory_space<vmem>>) target_semaphore(%arg23 : memref<!tpu.dma_semaphore, #tpu.memory_space<semaphore_mem>>)
      } else {
      }
      %ge3A_270 = arith.constant 4 : i32
      %ge3A_271 = arith.cmpi sge, %add3A_244, %ge3A_270 : i32
      %convert_element_type3A_272 = arith.extui %ge3A_271 : i1 to i32
      %cond3A_273 = arith.constant 0 : i32
      %cond3A_274 = arith.cmpi ne, %convert_element_type3A_272, %cond3A_273 : i32
      scf.if %cond3A_274 {
        %dma_wait3A_351 = arith.constant 0 : i32
        %dma_wait3A_352 = tpu.memref_slice %arg4[%dma_wait3A_351] : memref<31997952xf32, #tpu.memory_space<hbm>> -> memref<4096xf32, #tpu.memory_space<hbm>>
        %dma_wait3A_353 = arith.constant 0 : i32
        %dma_wait3A_354 = tpu.memref_slice %arg4[%dma_wait3A_353] : memref<31997952xf32, #tpu.memory_space<hbm>> -> memref<4096xf32, #tpu.memory_space<hbm>>
        tpu.wait_dma2 semaphore(%arg24 : memref<!tpu.dma_semaphore, #tpu.memory_space<semaphore_mem>>) src(%arg14 : memref<4096xf32, #tpu.memory_space<vmem>>) dst(%dma_wait3A_354 : memref<4096xf32, #tpu.memory_space<hbm>>)
        %dma_wait3A_355 = arith.constant 0 : i32
        %dma_wait3A_356 = tpu.memref_slice %arg5[%dma_wait3A_355] : memref<31997952xf32, #tpu.memory_space<hbm>> -> memref<4096xf32, #tpu.memory_space<hbm>>
        %dma_wait3A_357 = arith.constant 0 : i32
        %dma_wait3A_358 = tpu.memref_slice %arg5[%dma_wait3A_357] : memref<31997952xf32, #tpu.memory_space<hbm>> -> memref<4096xf32, #tpu.memory_space<hbm>>
        tpu.wait_dma2 semaphore(%arg25 : memref<!tpu.dma_semaphore, #tpu.memory_space<semaphore_mem>>) src(%arg18 : memref<4096xf32, #tpu.memory_space<vmem>>) dst(%dma_wait3A_358 : memref<4096xf32, #tpu.memory_space<hbm>>)
      } else {
      }
      %scan3A_275 = arith.constant 0 : i32
      %scan3A_276 = arith.constant 0 : i32
      %scan3A_277 = arith.constant 32 : i32
      %scan3A_278 = arith.addi %scan3A_276, %scan3A_277 : i32
      %scan3A_279 = arith.constant 1 : i32
      scf.for %scan3A_351 = %scan3A_276 to %scan3A_278 step %scan3A_279  : i32 {
        %get3A = arith.index_cast %scan3A_351 : i32 to index
        %get3A_352 = arith.constant 0 : index
        %get3A_353 = tpu.vector_load %arg8[%get3A, %get3A_352] {strides = array<i32>} : memref<32x128xf32, #tpu.memory_space<vmem>>, vector<16xf32>,
        %get3A_354 = arith.index_cast %scan3A_351 : i32 to index
        %get3A_355 = arith.constant 0 : index
        %get3A_356 = tpu.vector_load %arg12[%get3A_354, %get3A_355] {strides = array<i32>} : memref<32x128xf32, #tpu.memory_space<vmem>>, vector<16xf32>,
        %add3A_357 = vector.broadcast %scan3A_351 : i32 to vector<16xi32>
        %add3A_358 = arith.addi %mul3A_6, %add3A_357 : vector<16xi32>
        tpu.vector_store_idx %arg16[%add3A_358], %get3A_353 : memref<4096xf32, #tpu.memory_space<vmem>>[vector<16xi32>], vector<16xf32>,
        tpu.vector_store_idx %arg20[%add3A_358], %get3A_356 : memref<4096xf32, #tpu.memory_space<vmem>>[vector<16xi32>], vector<16xf32>,
        %get3A_359 = arith.index_cast %scan3A_351 : i32 to index
        %get3A_360 = arith.constant 16 : index
        %get3A_361 = tpu.vector_load %arg8[%get3A_359, %get3A_360] {strides = array<i32>} : memref<32x128xf32, #tpu.memory_space<vmem>>, vector<16xf32>,
        %get3A_362 = arith.index_cast %scan3A_351 : i32 to index
        %get3A_363 = arith.constant 16 : index
        %get3A_364 = tpu.vector_load %arg12[%get3A_362, %get3A_363] {strides = array<i32>} : memref<32x128xf32, #tpu.memory_space<vmem>>, vector<16xf32>,
        %add3A_365 = vector.broadcast %scan3A_351 : i32 to vector<16xi32>
        %add3A_366 = arith.addi %mul3A_12, %add3A_365 : vector<16xi32>
        tpu.vector_store_idx %arg16[%add3A_366], %get3A_361 : memref<4096xf32, #tpu.memory_space<vmem>>[vector<16xi32>], vector<16xf32>,
        tpu.vector_store_idx %arg20[%add3A_366], %get3A_364 : memref<4096xf32, #tpu.memory_space<vmem>>[vector<16xi32>], vector<16xf32>,
        %get3A_367 = arith.index_cast %scan3A_351 : i32 to index
        %get3A_368 = arith.constant 32 : index
        %get3A_369 = tpu.vector_load %arg8[%get3A_367, %get3A_368] {strides = array<i32>} : memref<32x128xf32, #tpu.memory_space<vmem>>, vector<16xf32>,
        %get3A_370 = arith.index_cast %scan3A_351 : i32 to index
        %get3A_371 = arith.constant 32 : index
        %get3A_372 = tpu.vector_load %arg12[%get3A_370, %get3A_371] {strides = array<i32>} : memref<32x128xf32, #tpu.memory_space<vmem>>, vector<16xf32>,
        %add3A_373 = vector.broadcast %scan3A_351 : i32 to vector<16xi32>
        %add3A_374 = arith.addi %mul3A_18, %add3A_373 : vector<16xi32>
        tpu.vector_store_idx %arg16[%add3A_374], %get3A_369 : memref<4096xf32, #tpu.memory_space<vmem>>[vector<16xi32>], vector<16xf32>,
        tpu.vector_store_idx %arg20[%add3A_374], %get3A_372 : memref<4096xf32, #tpu.memory_space<vmem>>[vector<16xi32>], vector<16xf32>,
        %get3A_375 = arith.index_cast %scan3A_351 : i32 to index
        %get3A_376 = arith.constant 48 : index
        %get3A_377 = tpu.vector_load %arg8[%get3A_375, %get3A_376] {strides = array<i32>} : memref<32x128xf32, #tpu.memory_space<vmem>>, vector<16xf32>,
        %get3A_378 = arith.index_cast %scan3A_351 : i32 to index
        %get3A_379 = arith.constant 48 : index
        %get3A_380 = tpu.vector_load %arg12[%get3A_378, %get3A_379] {strides = array<i32>} : memref<32x128xf32, #tpu.memory_space<vmem>>, vector<16xf32>,
        %add3A_381 = vector.broadcast %scan3A_351 : i32 to vector<16xi32>
        %add3A_382 = arith.addi %mul3A_24, %add3A_381 : vector<16xi32>
        tpu.vector_store_idx %arg16[%add3A_382], %get3A_377 : memref<4096xf32, #tpu.memory_space<vmem>>[vector<16xi32>], vector<16xf32>,
        tpu.vector_store_idx %arg20[%add3A_382], %get3A_380 : memref<4096xf32, #tpu.memory_space<vmem>>[vector<16xi32>], vector<16xf32>,
        %get3A_383 = arith.index_cast %scan3A_351 : i32 to index
        %get3A_384 = arith.constant 64 : index
        %get3A_385 = tpu.vector_load %arg8[%get3A_383, %get3A_384] {strides = array<i32>} : memref<32x128xf32, #tpu.memory_space<vmem>>, vector<16xf32>,
        %get3A_386 = arith.index_cast %scan3A_351 : i32 to index
        %get3A_387 = arith.constant 64 : index
        %get3A_388 = tpu.vector_load %arg12[%get3A_386, %get3A_387] {strides = array<i32>} : memref<32x128xf32, #tpu.memory_space<vmem>>, vector<16xf32>,
        %add3A_389 = vector.broadcast %scan3A_351 : i32 to vector<16xi32>
        %add3A_390 = arith.addi %mul3A_30, %add3A_389 : vector<16xi32>
        tpu.vector_store_idx %arg16[%add3A_390], %get3A_385 : memref<4096xf32, #tpu.memory_space<vmem>>[vector<16xi32>], vector<16xf32>,
        tpu.vector_store_idx %arg20[%add3A_390], %get3A_388 : memref<4096xf32, #tpu.memory_space<vmem>>[vector<16xi32>], vector<16xf32>,
        %get3A_391 = arith.index_cast %scan3A_351 : i32 to index
        %get3A_392 = arith.constant 80 : index
        %get3A_393 = tpu.vector_load %arg8[%get3A_391, %get3A_392] {strides = array<i32>} : memref<32x128xf32, #tpu.memory_space<vmem>>, vector<16xf32>,
        %get3A_394 = arith.index_cast %scan3A_351 : i32 to index
        %get3A_395 = arith.constant 80 : index
        %get3A_396 = tpu.vector_load %arg12[%get3A_394, %get3A_395] {strides = array<i32>} : memref<32x128xf32, #tpu.memory_space<vmem>>, vector<16xf32>,
        %add3A_397 = vector.broadcast %scan3A_351 : i32 to vector<16xi32>
        %add3A_398 = arith.addi %mul3A_36, %add3A_397 : vector<16xi32>
        tpu.vector_store_idx %arg16[%add3A_398], %get3A_393 : memref<4096xf32, #tpu.memory_space<vmem>>[vector<16xi32>], vector<16xf32>,
        tpu.vector_store_idx %arg20[%add3A_398], %get3A_396 : memref<4096xf32, #tpu.memory_space<vmem>>[vector<16xi32>], vector<16xf32>,
        %get3A_399 = arith.index_cast %scan3A_351 : i32 to index
        %get3A_400 = arith.constant 96 : index
        %get3A_401 = tpu.vector_load %arg8[%get3A_399, %get3A_400] {strides = array<i32>} : memref<32x128xf32, #tpu.memory_space<vmem>>, vector<16xf32>,
        %get3A_402 = arith.index_cast %scan3A_351 : i32 to index
        %get3A_403 = arith.constant 96 : index
        %get3A_404 = tpu.vector_load %arg12[%get3A_402, %get3A_403] {strides = array<i32>} : memref<32x128xf32, #tpu.memory_space<vmem>>, vector<16xf32>,
        %add3A_405 = vector.broadcast %scan3A_351 : i32 to vector<16xi32>
        %add3A_406 = arith.addi %mul3A_42, %add3A_405 : vector<16xi32>
        tpu.vector_store_idx %arg16[%add3A_406], %get3A_401 : memref<4096xf32, #tpu.memory_space<vmem>>[vector<16xi32>], vector<16xf32>,
        tpu.vector_store_idx %arg20[%add3A_406], %get3A_404 : memref<4096xf32, #tpu.memory_space<vmem>>[vector<16xi32>], vector<16xf32>,
        %get3A_407 = arith.index_cast %scan3A_351 : i32 to index
        %get3A_408 = arith.constant 112 : index
        %get3A_409 = tpu.vector_load %arg8[%get3A_407, %get3A_408] {strides = array<i32>} : memref<32x128xf32, #tpu.memory_space<vmem>>, vector<16xf32>,
        %get3A_410 = arith.index_cast %scan3A_351 : i32 to index
        %get3A_411 = arith.constant 112 : index
        %get3A_412 = tpu.vector_load %arg12[%get3A_410, %get3A_411] {strides = array<i32>} : memref<32x128xf32, #tpu.memory_space<vmem>>, vector<16xf32>,
        %add3A_413 = vector.broadcast %scan3A_351 : i32 to vector<16xi32>
        %add3A_414 = arith.addi %mul3A_48, %add3A_413 : vector<16xi32>
        tpu.vector_store_idx %arg16[%add3A_414], %get3A_409 : memref<4096xf32, #tpu.memory_space<vmem>>[vector<16xi32>], vector<16xf32>,
        tpu.vector_store_idx %arg20[%add3A_414], %get3A_412 : memref<4096xf32, #tpu.memory_space<vmem>>[vector<16xi32>], vector<16xf32>,
      }
      %scan3A_280 = arith.constant 32 : i32
      %lt3A_281 = arith.constant 244 : i32
      %lt3A_282 = arith.cmpi slt, %add3A_244, %lt3A_281 : i32
      %mul3A_283 = arith.constant 32 : i32
      %mul3A_284 = arith.muli %add3A_244, %mul3A_283 : i32
      %add3A_285 = arith.addi %add3A, %mul3A_284 : i32
      %add3A_286 = arith.constant 7808 : i32
      %add3A_287 = arith.addi %add3A_286, %add3A : i32
      %select_n3A_288 = arith.select %lt3A_282, %add3A_285, %add3A_287 : i32
      %mul3A_289 = arith.constant 4096 : i32
      %mul3A_290 = arith.muli %select_n3A_288, %mul3A_289 : i32
      %multiple_of3A_291 = tpu.assume_multiple %mul3A_290, 4096 : i32
      %dma_start3A_292 = tpu.memref_slice %arg4[%multiple_of3A_291] : memref<31997952xf32, #tpu.memory_space<hbm>> -> memref<4096xf32, #tpu.memory_space<hbm>>
      %dma_start3A_293 = tpu.memref_slice %arg4[%multiple_of3A_291] : memref<31997952xf32, #tpu.memory_space<hbm>> -> memref<4096xf32, #tpu.memory_space<hbm>>
      tpu.enqueue_dma source(%arg16 : memref<4096xf32, #tpu.memory_space<vmem>>) target(%dma_start3A_293 : memref<4096xf32, #tpu.memory_space<hbm>>) target_semaphore(%arg24 : memref<!tpu.dma_semaphore, #tpu.memory_space<semaphore_mem>>)
      %dma_start3A_294 = tpu.memref_slice %arg5[%multiple_of3A_291] : memref<31997952xf32, #tpu.memory_space<hbm>> -> memref<4096xf32, #tpu.memory_space<hbm>>
      %dma_start3A_295 = tpu.memref_slice %arg5[%multiple_of3A_291] : memref<31997952xf32, #tpu.memory_space<hbm>> -> memref<4096xf32, #tpu.memory_space<hbm>>
      tpu.enqueue_dma source(%arg20 : memref<4096xf32, #tpu.memory_space<vmem>>) target(%dma_start3A_295 : memref<4096xf32, #tpu.memory_space<hbm>>) target_semaphore(%arg25 : memref<!tpu.dma_semaphore, #tpu.memory_space<semaphore_mem>>)
      %mul3A_296 = arith.constant 4 : i32
      %mul3A_297 = arith.muli %scan3A_134, %mul3A_296 : i32
      %add3A_298 = arith.constant 3 : i32
      %add3A_299 = arith.addi %mul3A_297, %add3A_298 : i32
      %dma_wait3A_300 = arith.constant 0 : i32
      %dma_wait3A_301 = arith.constant 0 : i32
      %dma_wait3A_302 = tpu.memref_slice %arg2[%dma_wait3A_300, %dma_wait3A_301] : memref<32x1000000xf32, #tpu.memory_space<hbm>> -> memref<32x128xf32, #tpu.memory_space<hbm>>
      %dma_wait3A_303 = arith.constant 0 : i32
      %dma_wait3A_304 = arith.constant 0 : i32
      %dma_wait3A_305 = tpu.memref_slice %arg2[%dma_wait3A_303, %dma_wait3A_304] : memref<32x1000000xf32, #tpu.memory_space<hbm>> -> memref<32x128xf32, #tpu.memory_space<hbm>>
      tpu.wait_dma2 semaphore(%arg22 : memref<!tpu.dma_semaphore, #tpu.memory_space<semaphore_mem>>) src(%dma_wait3A_305 : memref<32x128xf32, #tpu.memory_space<hbm>>) dst(%arg6 : memref<32x128xf32, #tpu.memory_space<vmem>>)
      %dma_wait3A_306 = arith.constant 0 : i32
      %dma_wait3A_307 = arith.constant 0 : i32
      %dma_wait3A_308 = tpu.memref_slice %arg3[%dma_wait3A_306, %dma_wait3A_307] : memref<32x1000000xf32, #tpu.memory_space<hbm>> -> memref<32x128xf32, #tpu.memory_space<hbm>>
      %dma_wait3A_309 = arith.constant 0 : i32
      %dma_wait3A_310 = arith.constant 0 : i32
      %dma_wait3A_311 = tpu.memref_slice %arg3[%dma_wait3A_309, %dma_wait3A_310] : memref<32x1000000xf32, #tpu.memory_space<hbm>> -> memref<32x128xf32, #tpu.memory_space<hbm>>
      tpu.wait_dma2 semaphore(%arg23 : memref<!tpu.dma_semaphore, #tpu.memory_space<semaphore_mem>>) src(%dma_wait3A_311 : memref<32x128xf32, #tpu.memory_space<hbm>>) dst(%arg10 : memref<32x128xf32, #tpu.memory_space<vmem>>)
      %add3A_312 = arith.constant 3 : i32
      %add3A_313 = arith.addi %add3A_299, %add3A_312 : i32
      %lt3A_314 = arith.constant 244 : i32
      %lt3A_315 = arith.cmpi slt, %add3A_313, %lt3A_314 : i32
      %eq3A_316 = arith.constant 244 : i32
      %eq3A_317 = arith.cmpi eq, %add3A_313, %eq3A_316 : i32
      %lt3A_318 = arith.constant 4 : i32
      %lt3A_319 = arith.cmpi slt, %add3A, %lt3A_318 : i32
      %and3A_320 = arith.andi %eq3A_317, %lt3A_319 : i1
      %or3A_321 = arith.ori %lt3A_315, %and3A_320 : i1
      %convert_element_type3A_322 = arith.extui %or3A_321 : i1 to i32
      %cond3A_323 = arith.constant 0 : i32
      %cond3A_324 = arith.cmpi ne, %convert_element_type3A_322, %cond3A_323 : i32
      scf.if %cond3A_324 {
        %add3A_351 = arith.constant 3 : i32
        %add3A_352 = arith.addi %add3A_299, %add3A_351 : i32
        %lt3A_353 = arith.constant 244 : i32
        %lt3A_354 = arith.cmpi slt, %add3A_352, %lt3A_353 : i32
        %mul3A_355 = arith.constant 32 : i32
        %mul3A_356 = arith.muli %add3A_352, %mul3A_355 : i32
        %add3A_357 = arith.addi %add3A, %mul3A_356 : i32
        %add3A_358 = arith.constant 7808 : i32
        %add3A_359 = arith.addi %add3A_358, %add3A : i32
        %select_n3A_360 = arith.select %lt3A_354, %add3A_357, %add3A_359 : i32
        %mul3A_361 = arith.constant 128 : i32
        %mul3A_362 = arith.muli %select_n3A_360, %mul3A_361 : i32
        %multiple_of3A_363 = tpu.assume_multiple %mul3A_362, 128 : i32
        %dma_start3A_364 = arith.constant 0 : i32
        %dma_start3A_365 = tpu.memref_slice %arg2[%dma_start3A_364, %multiple_of3A_363] : memref<32x1000000xf32, #tpu.memory_space<hbm>> -> memref<32x128xf32, #tpu.memory_space<hbm>>
        %dma_start3A_366 = arith.constant 0 : i32
        %dma_start3A_367 = tpu.memref_slice %arg2[%dma_start3A_366, %multiple_of3A_363] : memref<32x1000000xf32, #tpu.memory_space<hbm>> -> memref<32x128xf32, #tpu.memory_space<hbm>>
        tpu.enqueue_dma source(%dma_start3A_367 : memref<32x128xf32, #tpu.memory_space<hbm>>) target(%arg8 : memref<32x128xf32, #tpu.memory_space<vmem>>) target_semaphore(%arg22 : memref<!tpu.dma_semaphore, #tpu.memory_space<semaphore_mem>>)
        %dma_start3A_368 = arith.constant 0 : i32
        %dma_start3A_369 = tpu.memref_slice %arg3[%dma_start3A_368, %multiple_of3A_363] : memref<32x1000000xf32, #tpu.memory_space<hbm>> -> memref<32x128xf32, #tpu.memory_space<hbm>>
        %dma_start3A_370 = arith.constant 0 : i32
        %dma_start3A_371 = tpu.memref_slice %arg3[%dma_start3A_370, %multiple_of3A_363] : memref<32x1000000xf32, #tpu.memory_space<hbm>> -> memref<32x128xf32, #tpu.memory_space<hbm>>
        tpu.enqueue_dma source(%dma_start3A_371 : memref<32x128xf32, #tpu.memory_space<hbm>>) target(%arg12 : memref<32x128xf32, #tpu.memory_space<vmem>>) target_semaphore(%arg23 : memref<!tpu.dma_semaphore, #tpu.memory_space<semaphore_mem>>)
      } else {
      }
      %ge3A_325 = arith.constant 4 : i32
      %ge3A_326 = arith.cmpi sge, %add3A_299, %ge3A_325 : i32
      %convert_element_type3A_327 = arith.extui %ge3A_326 : i1 to i32
      %cond3A_328 = arith.constant 0 : i32
      %cond3A_329 = arith.cmpi ne, %convert_element_type3A_327, %cond3A_328 : i32
      scf.if %cond3A_329 {
        %dma_wait3A_351 = arith.constant 0 : i32
        %dma_wait3A_352 = tpu.memref_slice %arg4[%dma_wait3A_351] : memref<31997952xf32, #tpu.memory_space<hbm>> -> memref<4096xf32, #tpu.memory_space<hbm>>
        %dma_wait3A_353 = arith.constant 0 : i32
        %dma_wait3A_354 = tpu.memref_slice %arg4[%dma_wait3A_353] : memref<31997952xf32, #tpu.memory_space<hbm>> -> memref<4096xf32, #tpu.memory_space<hbm>>
        tpu.wait_dma2 semaphore(%arg24 : memref<!tpu.dma_semaphore, #tpu.memory_space<semaphore_mem>>) src(%arg14 : memref<4096xf32, #tpu.memory_space<vmem>>) dst(%dma_wait3A_354 : memref<4096xf32, #tpu.memory_space<hbm>>)
        %dma_wait3A_355 = arith.constant 0 : i32
        %dma_wait3A_356 = tpu.memref_slice %arg5[%dma_wait3A_355] : memref<31997952xf32, #tpu.memory_space<hbm>> -> memref<4096xf32, #tpu.memory_space<hbm>>
        %dma_wait3A_357 = arith.constant 0 : i32
        %dma_wait3A_358 = tpu.memref_slice %arg5[%dma_wait3A_357] : memref<31997952xf32, #tpu.memory_space<hbm>> -> memref<4096xf32, #tpu.memory_space<hbm>>
        tpu.wait_dma2 semaphore(%arg25 : memref<!tpu.dma_semaphore, #tpu.memory_space<semaphore_mem>>) src(%arg18 : memref<4096xf32, #tpu.memory_space<vmem>>) dst(%dma_wait3A_358 : memref<4096xf32, #tpu.memory_space<hbm>>)
      } else {
      }
      %scan3A_330 = arith.constant 0 : i32
      %scan3A_331 = arith.constant 0 : i32
      %scan3A_332 = arith.constant 32 : i32
      %scan3A_333 = arith.addi %scan3A_331, %scan3A_332 : i32
      %scan3A_334 = arith.constant 1 : i32
      scf.for %scan3A_351 = %scan3A_331 to %scan3A_333 step %scan3A_334  : i32 {
        %get3A = arith.index_cast %scan3A_351 : i32 to index
        %get3A_352 = arith.constant 0 : index
        %get3A_353 = tpu.vector_load %arg9[%get3A, %get3A_352] {strides = array<i32>} : memref<32x128xf32, #tpu.memory_space<vmem>>, vector<16xf32>,
        %get3A_354 = arith.index_cast %scan3A_351 : i32 to index
        %get3A_355 = arith.constant 0 : index
        %get3A_356 = tpu.vector_load %arg13[%get3A_354, %get3A_355] {strides = array<i32>} : memref<32x128xf32, #tpu.memory_space<vmem>>, vector<16xf32>,
        %add3A_357 = vector.broadcast %scan3A_351 : i32 to vector<16xi32>
        %add3A_358 = arith.addi %mul3A_6, %add3A_357 : vector<16xi32>
        tpu.vector_store_idx %arg17[%add3A_358], %get3A_353 : memref<4096xf32, #tpu.memory_space<vmem>>[vector<16xi32>], vector<16xf32>,
        tpu.vector_store_idx %arg21[%add3A_358], %get3A_356 : memref<4096xf32, #tpu.memory_space<vmem>>[vector<16xi32>], vector<16xf32>,
        %get3A_359 = arith.index_cast %scan3A_351 : i32 to index
        %get3A_360 = arith.constant 16 : index
        %get3A_361 = tpu.vector_load %arg9[%get3A_359, %get3A_360] {strides = array<i32>} : memref<32x128xf32, #tpu.memory_space<vmem>>, vector<16xf32>,
        %get3A_362 = arith.index_cast %scan3A_351 : i32 to index
        %get3A_363 = arith.constant 16 : index
        %get3A_364 = tpu.vector_load %arg13[%get3A_362, %get3A_363] {strides = array<i32>} : memref<32x128xf32, #tpu.memory_space<vmem>>, vector<16xf32>,
        %add3A_365 = vector.broadcast %scan3A_351 : i32 to vector<16xi32>
        %add3A_366 = arith.addi %mul3A_12, %add3A_365 : vector<16xi32>
        tpu.vector_store_idx %arg17[%add3A_366], %get3A_361 : memref<4096xf32, #tpu.memory_space<vmem>>[vector<16xi32>], vector<16xf32>,
        tpu.vector_store_idx %arg21[%add3A_366], %get3A_364 : memref<4096xf32, #tpu.memory_space<vmem>>[vector<16xi32>], vector<16xf32>,
        %get3A_367 = arith.index_cast %scan3A_351 : i32 to index
        %get3A_368 = arith.constant 32 : index
        %get3A_369 = tpu.vector_load %arg9[%get3A_367, %get3A_368] {strides = array<i32>} : memref<32x128xf32, #tpu.memory_space<vmem>>, vector<16xf32>,
        %get3A_370 = arith.index_cast %scan3A_351 : i32 to index
        %get3A_371 = arith.constant 32 : index
        %get3A_372 = tpu.vector_load %arg13[%get3A_370, %get3A_371] {strides = array<i32>} : memref<32x128xf32, #tpu.memory_space<vmem>>, vector<16xf32>,
        %add3A_373 = vector.broadcast %scan3A_351 : i32 to vector<16xi32>
        %add3A_374 = arith.addi %mul3A_18, %add3A_373 : vector<16xi32>
        tpu.vector_store_idx %arg17[%add3A_374], %get3A_369 : memref<4096xf32, #tpu.memory_space<vmem>>[vector<16xi32>], vector<16xf32>,
        tpu.vector_store_idx %arg21[%add3A_374], %get3A_372 : memref<4096xf32, #tpu.memory_space<vmem>>[vector<16xi32>], vector<16xf32>,
        %get3A_375 = arith.index_cast %scan3A_351 : i32 to index
        %get3A_376 = arith.constant 48 : index
        %get3A_377 = tpu.vector_load %arg9[%get3A_375, %get3A_376] {strides = array<i32>} : memref<32x128xf32, #tpu.memory_space<vmem>>, vector<16xf32>,
        %get3A_378 = arith.index_cast %scan3A_351 : i32 to index
        %get3A_379 = arith.constant 48 : index
        %get3A_380 = tpu.vector_load %arg13[%get3A_378, %get3A_379] {strides = array<i32>} : memref<32x128xf32, #tpu.memory_space<vmem>>, vector<16xf32>,
        %add3A_381 = vector.broadcast %scan3A_351 : i32 to vector<16xi32>
        %add3A_382 = arith.addi %mul3A_24, %add3A_381 : vector<16xi32>
        tpu.vector_store_idx %arg17[%add3A_382], %get3A_377 : memref<4096xf32, #tpu.memory_space<vmem>>[vector<16xi32>], vector<16xf32>,
        tpu.vector_store_idx %arg21[%add3A_382], %get3A_380 : memref<4096xf32, #tpu.memory_space<vmem>>[vector<16xi32>], vector<16xf32>,
        %get3A_383 = arith.index_cast %scan3A_351 : i32 to index
        %get3A_384 = arith.constant 64 : index
        %get3A_385 = tpu.vector_load %arg9[%get3A_383, %get3A_384] {strides = array<i32>} : memref<32x128xf32, #tpu.memory_space<vmem>>, vector<16xf32>,
        %get3A_386 = arith.index_cast %scan3A_351 : i32 to index
        %get3A_387 = arith.constant 64 : index
        %get3A_388 = tpu.vector_load %arg13[%get3A_386, %get3A_387] {strides = array<i32>} : memref<32x128xf32, #tpu.memory_space<vmem>>, vector<16xf32>,
        %add3A_389 = vector.broadcast %scan3A_351 : i32 to vector<16xi32>
        %add3A_390 = arith.addi %mul3A_30, %add3A_389 : vector<16xi32>
        tpu.vector_store_idx %arg17[%add3A_390], %get3A_385 : memref<4096xf32, #tpu.memory_space<vmem>>[vector<16xi32>], vector<16xf32>,
        tpu.vector_store_idx %arg21[%add3A_390], %get3A_388 : memref<4096xf32, #tpu.memory_space<vmem>>[vector<16xi32>], vector<16xf32>,
        %get3A_391 = arith.index_cast %scan3A_351 : i32 to index
        %get3A_392 = arith.constant 80 : index
        %get3A_393 = tpu.vector_load %arg9[%get3A_391, %get3A_392] {strides = array<i32>} : memref<32x128xf32, #tpu.memory_space<vmem>>, vector<16xf32>,
        %get3A_394 = arith.index_cast %scan3A_351 : i32 to index
        %get3A_395 = arith.constant 80 : index
        %get3A_396 = tpu.vector_load %arg13[%get3A_394, %get3A_395] {strides = array<i32>} : memref<32x128xf32, #tpu.memory_space<vmem>>, vector<16xf32>,
        %add3A_397 = vector.broadcast %scan3A_351 : i32 to vector<16xi32>
        %add3A_398 = arith.addi %mul3A_36, %add3A_397 : vector<16xi32>
        tpu.vector_store_idx %arg17[%add3A_398], %get3A_393 : memref<4096xf32, #tpu.memory_space<vmem>>[vector<16xi32>], vector<16xf32>,
        tpu.vector_store_idx %arg21[%add3A_398], %get3A_396 : memref<4096xf32, #tpu.memory_space<vmem>>[vector<16xi32>], vector<16xf32>,
        %get3A_399 = arith.index_cast %scan3A_351 : i32 to index
        %get3A_400 = arith.constant 96 : index
        %get3A_401 = tpu.vector_load %arg9[%get3A_399, %get3A_400] {strides = array<i32>} : memref<32x128xf32, #tpu.memory_space<vmem>>, vector<16xf32>,
        %get3A_402 = arith.index_cast %scan3A_351 : i32 to index
        %get3A_403 = arith.constant 96 : index
        %get3A_404 = tpu.vector_load %arg13[%get3A_402, %get3A_403] {strides = array<i32>} : memref<32x128xf32, #tpu.memory_space<vmem>>, vector<16xf32>,
        %add3A_405 = vector.broadcast %scan3A_351 : i32 to vector<16xi32>
        %add3A_406 = arith.addi %mul3A_42, %add3A_405 : vector<16xi32>
        tpu.vector_store_idx %arg17[%add3A_406], %get3A_401 : memref<4096xf32, #tpu.memory_space<vmem>>[vector<16xi32>], vector<16xf32>,
        tpu.vector_store_idx %arg21[%add3A_406], %get3A_404 : memref<4096xf32, #tpu.memory_space<vmem>>[vector<16xi32>], vector<16xf32>,
        %get3A_407 = arith.index_cast %scan3A_351 : i32 to index
        %get3A_408 = arith.constant 112 : index
        %get3A_409 = tpu.vector_load %arg9[%get3A_407, %get3A_408] {strides = array<i32>} : memref<32x128xf32, #tpu.memory_space<vmem>>, vector<16xf32>,
        %get3A_410 = arith.index_cast %scan3A_351 : i32 to index
        %get3A_411 = arith.constant 112 : index
        %get3A_412 = tpu.vector_load %arg13[%get3A_410, %get3A_411] {strides = array<i32>} : memref<32x128xf32, #tpu.memory_space<vmem>>, vector<16xf32>,
        %add3A_413 = vector.broadcast %scan3A_351 : i32 to vector<16xi32>
        %add3A_414 = arith.addi %mul3A_48, %add3A_413 : vector<16xi32>
        tpu.vector_store_idx %arg17[%add3A_414], %get3A_409 : memref<4096xf32, #tpu.memory_space<vmem>>[vector<16xi32>], vector<16xf32>,
        tpu.vector_store_idx %arg21[%add3A_414], %get3A_412 : memref<4096xf32, #tpu.memory_space<vmem>>[vector<16xi32>], vector<16xf32>,
      }
      %scan3A_335 = arith.constant 32 : i32
      %lt3A_336 = arith.constant 244 : i32
      %lt3A_337 = arith.cmpi slt, %add3A_299, %lt3A_336 : i32
      %mul3A_338 = arith.constant 32 : i32
      %mul3A_339 = arith.muli %add3A_299, %mul3A_338 : i32
      %add3A_340 = arith.addi %add3A, %mul3A_339 : i32
      %add3A_341 = arith.constant 7808 : i32
      %add3A_342 = arith.addi %add3A_341, %add3A : i32
      %select_n3A_343 = arith.select %lt3A_337, %add3A_340, %add3A_342 : i32
      %mul3A_344 = arith.constant 4096 : i32
      %mul3A_345 = arith.muli %select_n3A_343, %mul3A_344 : i32
      %multiple_of3A_346 = tpu.assume_multiple %mul3A_345, 4096 : i32
      %dma_start3A_347 = tpu.memref_slice %arg4[%multiple_of3A_346] : memref<31997952xf32, #tpu.memory_space<hbm>> -> memref<4096xf32, #tpu.memory_space<hbm>>
      %dma_start3A_348 = tpu.memref_slice %arg4[%multiple_of3A_346] : memref<31997952xf32, #tpu.memory_space<hbm>> -> memref<4096xf32, #tpu.memory_space<hbm>>
      tpu.enqueue_dma source(%arg17 : memref<4096xf32, #tpu.memory_space<vmem>>) target(%dma_start3A_348 : memref<4096xf32, #tpu.memory_space<hbm>>) target_semaphore(%arg24 : memref<!tpu.dma_semaphore, #tpu.memory_space<semaphore_mem>>)
      %dma_start3A_349 = tpu.memref_slice %arg5[%multiple_of3A_346] : memref<31997952xf32, #tpu.memory_space<hbm>> -> memref<4096xf32, #tpu.memory_space<hbm>>
      %dma_start3A_350 = tpu.memref_slice %arg5[%multiple_of3A_346] : memref<31997952xf32, #tpu.memory_space<hbm>> -> memref<4096xf32, #tpu.memory_space<hbm>>
      tpu.enqueue_dma source(%arg21 : memref<4096xf32, #tpu.memory_space<vmem>>) target(%dma_start3A_350 : memref<4096xf32, #tpu.memory_space<hbm>>) target_semaphore(%arg25 : memref<!tpu.dma_semaphore, #tpu.memory_space<semaphore_mem>>)
    }
    %scan3A_100 = arith.constant 61 : i32
    %lt3A = arith.constant 4 : i32
    %lt3A_101 = arith.cmpi slt, %add3A, %lt3A : i32
    %convert_element_type3A = arith.extui %lt3A_101 : i1 to i32
    %cond3A = arith.constant 0 : i32
    %cond3A_102 = arith.cmpi ne, %convert_element_type3A, %cond3A : i32
    scf.if %cond3A_102 {
      %dma_wait3A_134 = arith.constant 0 : i32
      %dma_wait3A_135 = arith.constant 0 : i32
      %dma_wait3A_136 = tpu.memref_slice %arg2[%dma_wait3A_134, %dma_wait3A_135] : memref<32x1000000xf32, #tpu.memory_space<hbm>> -> memref<32x128xf32, #tpu.memory_space<hbm>>
      %dma_wait3A_137 = arith.constant 0 : i32
      %dma_wait3A_138 = arith.constant 0 : i32
      %dma_wait3A_139 = tpu.memref_slice %arg2[%dma_wait3A_137, %dma_wait3A_138] : memref<32x1000000xf32, #tpu.memory_space<hbm>> -> memref<32x128xf32, #tpu.memory_space<hbm>>
      tpu.wait_dma2 semaphore(%arg22 : memref<!tpu.dma_semaphore, #tpu.memory_space<semaphore_mem>>) src(%dma_wait3A_139 : memref<32x128xf32, #tpu.memory_space<hbm>>) dst(%arg6 : memref<32x128xf32, #tpu.memory_space<vmem>>)
      %dma_wait3A_140 = arith.constant 0 : i32
      %dma_wait3A_141 = arith.constant 0 : i32
      %dma_wait3A_142 = tpu.memref_slice %arg3[%dma_wait3A_140, %dma_wait3A_141] : memref<32x1000000xf32, #tpu.memory_space<hbm>> -> memref<32x128xf32, #tpu.memory_space<hbm>>
      %dma_wait3A_143 = arith.constant 0 : i32
      %dma_wait3A_144 = arith.constant 0 : i32
      %dma_wait3A_145 = tpu.memref_slice %arg3[%dma_wait3A_143, %dma_wait3A_144] : memref<32x1000000xf32, #tpu.memory_space<hbm>> -> memref<32x128xf32, #tpu.memory_space<hbm>>
      tpu.wait_dma2 semaphore(%arg23 : memref<!tpu.dma_semaphore, #tpu.memory_space<semaphore_mem>>) src(%dma_wait3A_145 : memref<32x128xf32, #tpu.memory_space<hbm>>) dst(%arg10 : memref<32x128xf32, #tpu.memory_space<vmem>>)
      %dma_wait3A_146 = arith.constant 0 : i32
      %dma_wait3A_147 = tpu.memref_slice %arg4[%dma_wait3A_146] : memref<31997952xf32, #tpu.memory_space<hbm>> -> memref<4096xf32, #tpu.memory_space<hbm>>
      %dma_wait3A_148 = arith.constant 0 : i32
      %dma_wait3A_149 = tpu.memref_slice %arg4[%dma_wait3A_148] : memref<31997952xf32, #tpu.memory_space<hbm>> -> memref<4096xf32, #tpu.memory_space<hbm>>
      tpu.wait_dma2 semaphore(%arg24 : memref<!tpu.dma_semaphore, #tpu.memory_space<semaphore_mem>>) src(%arg14 : memref<4096xf32, #tpu.memory_space<vmem>>) dst(%dma_wait3A_149 : memref<4096xf32, #tpu.memory_space<hbm>>)
      %dma_wait3A_150 = arith.constant 0 : i32
      %dma_wait3A_151 = tpu.memref_slice %arg5[%dma_wait3A_150] : memref<31997952xf32, #tpu.memory_space<hbm>> -> memref<4096xf32, #tpu.memory_space<hbm>>
      %dma_wait3A_152 = arith.constant 0 : i32
      %dma_wait3A_153 = tpu.memref_slice %arg5[%dma_wait3A_152] : memref<31997952xf32, #tpu.memory_space<hbm>> -> memref<4096xf32, #tpu.memory_space<hbm>>
      tpu.wait_dma2 semaphore(%arg25 : memref<!tpu.dma_semaphore, #tpu.memory_space<semaphore_mem>>) src(%arg18 : memref<4096xf32, #tpu.memory_space<vmem>>) dst(%dma_wait3A_153 : memref<4096xf32, #tpu.memory_space<hbm>>)
      %scan3A_154 = arith.constant 0 : i32
      %scan3A_155 = arith.constant 0 : i32
      %scan3A_156 = arith.constant 32 : i32
      %scan3A_157 = arith.addi %scan3A_155, %scan3A_156 : i32
      %scan3A_158 = arith.constant 1 : i32
      scf.for %scan3A_173 = %scan3A_155 to %scan3A_157 step %scan3A_158  : i32 {
        %get3A = arith.index_cast %scan3A_173 : i32 to index
        %get3A_174 = arith.constant 0 : index
        %get3A_175 = tpu.vector_load %arg6[%get3A, %get3A_174] {strides = array<i32>} : memref<32x128xf32, #tpu.memory_space<vmem>>, vector<16xf32>,
        %get3A_176 = arith.index_cast %scan3A_173 : i32 to index
        %get3A_177 = arith.constant 0 : index
        %get3A_178 = tpu.vector_load %arg10[%get3A_176, %get3A_177] {strides = array<i32>} : memref<32x128xf32, #tpu.memory_space<vmem>>, vector<16xf32>,
        %add3A_179 = vector.broadcast %scan3A_173 : i32 to vector<16xi32>
        %add3A_180 = arith.addi %mul3A_6, %add3A_179 : vector<16xi32>
        tpu.vector_store_idx %arg14[%add3A_180], %get3A_175 : memref<4096xf32, #tpu.memory_space<vmem>>[vector<16xi32>], vector<16xf32>,
        tpu.vector_store_idx %arg18[%add3A_180], %get3A_178 : memref<4096xf32, #tpu.memory_space<vmem>>[vector<16xi32>], vector<16xf32>,
        %get3A_181 = arith.index_cast %scan3A_173 : i32 to index
        %get3A_182 = arith.constant 16 : index
        %get3A_183 = tpu.vector_load %arg6[%get3A_181, %get3A_182] {strides = array<i32>} : memref<32x128xf32, #tpu.memory_space<vmem>>, vector<16xf32>,
        %get3A_184 = arith.index_cast %scan3A_173 : i32 to index
        %get3A_185 = arith.constant 16 : index
        %get3A_186 = tpu.vector_load %arg10[%get3A_184, %get3A_185] {strides = array<i32>} : memref<32x128xf32, #tpu.memory_space<vmem>>, vector<16xf32>,
        %add3A_187 = vector.broadcast %scan3A_173 : i32 to vector<16xi32>
        %add3A_188 = arith.addi %mul3A_12, %add3A_187 : vector<16xi32>
        tpu.vector_store_idx %arg14[%add3A_188], %get3A_183 : memref<4096xf32, #tpu.memory_space<vmem>>[vector<16xi32>], vector<16xf32>,
        tpu.vector_store_idx %arg18[%add3A_188], %get3A_186 : memref<4096xf32, #tpu.memory_space<vmem>>[vector<16xi32>], vector<16xf32>,
        %get3A_189 = arith.index_cast %scan3A_173 : i32 to index
        %get3A_190 = arith.constant 32 : index
        %get3A_191 = tpu.vector_load %arg6[%get3A_189, %get3A_190] {strides = array<i32>} : memref<32x128xf32, #tpu.memory_space<vmem>>, vector<16xf32>,
        %get3A_192 = arith.index_cast %scan3A_173 : i32 to index
        %get3A_193 = arith.constant 32 : index
        %get3A_194 = tpu.vector_load %arg10[%get3A_192, %get3A_193] {strides = array<i32>} : memref<32x128xf32, #tpu.memory_space<vmem>>, vector<16xf32>,
        %add3A_195 = vector.broadcast %scan3A_173 : i32 to vector<16xi32>
        %add3A_196 = arith.addi %mul3A_18, %add3A_195 : vector<16xi32>
        tpu.vector_store_idx %arg14[%add3A_196], %get3A_191 : memref<4096xf32, #tpu.memory_space<vmem>>[vector<16xi32>], vector<16xf32>,
        tpu.vector_store_idx %arg18[%add3A_196], %get3A_194 : memref<4096xf32, #tpu.memory_space<vmem>>[vector<16xi32>], vector<16xf32>,
        %get3A_197 = arith.index_cast %scan3A_173 : i32 to index
        %get3A_198 = arith.constant 48 : index
        %get3A_199 = tpu.vector_load %arg6[%get3A_197, %get3A_198] {strides = array<i32>} : memref<32x128xf32, #tpu.memory_space<vmem>>, vector<16xf32>,
        %get3A_200 = arith.index_cast %scan3A_173 : i32 to index
        %get3A_201 = arith.constant 48 : index
        %get3A_202 = tpu.vector_load %arg10[%get3A_200, %get3A_201] {strides = array<i32>} : memref<32x128xf32, #tpu.memory_space<vmem>>, vector<16xf32>,
        %add3A_203 = vector.broadcast %scan3A_173 : i32 to vector<16xi32>
        %add3A_204 = arith.addi %mul3A_24, %add3A_203 : vector<16xi32>
        tpu.vector_store_idx %arg14[%add3A_204], %get3A_199 : memref<4096xf32, #tpu.memory_space<vmem>>[vector<16xi32>], vector<16xf32>,
        tpu.vector_store_idx %arg18[%add3A_204], %get3A_202 : memref<4096xf32, #tpu.memory_space<vmem>>[vector<16xi32>], vector<16xf32>,
        %get3A_205 = arith.index_cast %scan3A_173 : i32 to index
        %get3A_206 = arith.constant 64 : index
        %get3A_207 = tpu.vector_load %arg6[%get3A_205, %get3A_206] {strides = array<i32>} : memref<32x128xf32, #tpu.memory_space<vmem>>, vector<16xf32>,
        %get3A_208 = arith.index_cast %scan3A_173 : i32 to index
        %get3A_209 = arith.constant 64 : index
        %get3A_210 = tpu.vector_load %arg10[%get3A_208, %get3A_209] {strides = array<i32>} : memref<32x128xf32, #tpu.memory_space<vmem>>, vector<16xf32>,
        %add3A_211 = vector.broadcast %scan3A_173 : i32 to vector<16xi32>
        %add3A_212 = arith.addi %mul3A_30, %add3A_211 : vector<16xi32>
        tpu.vector_store_idx %arg14[%add3A_212], %get3A_207 : memref<4096xf32, #tpu.memory_space<vmem>>[vector<16xi32>], vector<16xf32>,
        tpu.vector_store_idx %arg18[%add3A_212], %get3A_210 : memref<4096xf32, #tpu.memory_space<vmem>>[vector<16xi32>], vector<16xf32>,
        %get3A_213 = arith.index_cast %scan3A_173 : i32 to index
        %get3A_214 = arith.constant 80 : index
        %get3A_215 = tpu.vector_load %arg6[%get3A_213, %get3A_214] {strides = array<i32>} : memref<32x128xf32, #tpu.memory_space<vmem>>, vector<16xf32>,
        %get3A_216 = arith.index_cast %scan3A_173 : i32 to index
        %get3A_217 = arith.constant 80 : index
        %get3A_218 = tpu.vector_load %arg10[%get3A_216, %get3A_217] {strides = array<i32>} : memref<32x128xf32, #tpu.memory_space<vmem>>, vector<16xf32>,
        %add3A_219 = vector.broadcast %scan3A_173 : i32 to vector<16xi32>
        %add3A_220 = arith.addi %mul3A_36, %add3A_219 : vector<16xi32>
        tpu.vector_store_idx %arg14[%add3A_220], %get3A_215 : memref<4096xf32, #tpu.memory_space<vmem>>[vector<16xi32>], vector<16xf32>,
        tpu.vector_store_idx %arg18[%add3A_220], %get3A_218 : memref<4096xf32, #tpu.memory_space<vmem>>[vector<16xi32>], vector<16xf32>,
        %get3A_221 = arith.index_cast %scan3A_173 : i32 to index
        %get3A_222 = arith.constant 96 : index
        %get3A_223 = tpu.vector_load %arg6[%get3A_221, %get3A_222] {strides = array<i32>} : memref<32x128xf32, #tpu.memory_space<vmem>>, vector<16xf32>,
        %get3A_224 = arith.index_cast %scan3A_173 : i32 to index
        %get3A_225 = arith.constant 96 : index
        %get3A_226 = tpu.vector_load %arg10[%get3A_224, %get3A_225] {strides = array<i32>} : memref<32x128xf32, #tpu.memory_space<vmem>>, vector<16xf32>,
        %add3A_227 = vector.broadcast %scan3A_173 : i32 to vector<16xi32>
        %add3A_228 = arith.addi %mul3A_42, %add3A_227 : vector<16xi32>
        tpu.vector_store_idx %arg14[%add3A_228], %get3A_223 : memref<4096xf32, #tpu.memory_space<vmem>>[vector<16xi32>], vector<16xf32>,
        tpu.vector_store_idx %arg18[%add3A_228], %get3A_226 : memref<4096xf32, #tpu.memory_space<vmem>>[vector<16xi32>], vector<16xf32>,
        %get3A_229 = arith.index_cast %scan3A_173 : i32 to index
        %get3A_230 = arith.constant 112 : index
        %get3A_231 = tpu.vector_load %arg6[%get3A_229, %get3A_230] {strides = array<i32>} : memref<32x128xf32, #tpu.memory_space<vmem>>, vector<16xf32>,
        %get3A_232 = arith.index_cast %scan3A_173 : i32 to index
        %get3A_233 = arith.constant 112 : index
        %get3A_234 = tpu.vector_load %arg10[%get3A_232, %get3A_233] {strides = array<i32>} : memref<32x128xf32, #tpu.memory_space<vmem>>, vector<16xf32>,
        %add3A_235 = vector.broadcast %scan3A_173 : i32 to vector<16xi32>
        %add3A_236 = arith.addi %mul3A_48, %add3A_235 : vector<16xi32>
        tpu.vector_store_idx %arg14[%add3A_236], %get3A_231 : memref<4096xf32, #tpu.memory_space<vmem>>[vector<16xi32>], vector<16xf32>,
        tpu.vector_store_idx %arg18[%add3A_236], %get3A_234 : memref<4096xf32, #tpu.memory_space<vmem>>[vector<16xi32>], vector<16xf32>,
      }
      %scan3A_159 = arith.constant 32 : i32
      %add3A_160 = arith.constant 7808 : i32
      %add3A_161 = arith.addi %add3A, %add3A_160 : i32
      %add3A_162 = arith.constant 7808 : i32
      %add3A_163 = arith.addi %add3A_162, %add3A : i32
      %jit3A_164 = arith.constant false
      %select_n3A_165 = arith.select %jit3A_164, %add3A_161, %add3A_163 : i32
      %mul3A_166 = arith.constant 4096 : i32
      %mul3A_167 = arith.muli %select_n3A_165, %mul3A_166 : i32
      %multiple_of3A_168 = tpu.assume_multiple %mul3A_167, 4096 : i32
      %dma_start3A_169 = tpu.memref_slice %arg4[%multiple_of3A_168] : memref<31997952xf32, #tpu.memory_space<hbm>> -> memref<4096xf32, #tpu.memory_space<hbm>>
      %dma_start3A_170 = tpu.memref_slice %arg4[%multiple_of3A_168] : memref<31997952xf32, #tpu.memory_space<hbm>> -> memref<4096xf32, #tpu.memory_space<hbm>>
      tpu.enqueue_dma source(%arg14 : memref<4096xf32, #tpu.memory_space<vmem>>) target(%dma_start3A_170 : memref<4096xf32, #tpu.memory_space<hbm>>) target_semaphore(%arg24 : memref<!tpu.dma_semaphore, #tpu.memory_space<semaphore_mem>>)
      %dma_start3A_171 = tpu.memref_slice %arg5[%multiple_of3A_168] : memref<31997952xf32, #tpu.memory_space<hbm>> -> memref<4096xf32, #tpu.memory_space<hbm>>
      %dma_start3A_172 = tpu.memref_slice %arg5[%multiple_of3A_168] : memref<31997952xf32, #tpu.memory_space<hbm>> -> memref<4096xf32, #tpu.memory_space<hbm>>
      tpu.enqueue_dma source(%arg18 : memref<4096xf32, #tpu.memory_space<vmem>>) target(%dma_start3A_172 : memref<4096xf32, #tpu.memory_space<hbm>>) target_semaphore(%arg25 : memref<!tpu.dma_semaphore, #tpu.memory_space<semaphore_mem>>)
    } else {
    }
    %dma_wait3A = arith.constant 0 : i32
    %dma_wait3A_103 = tpu.memref_slice %arg4[%dma_wait3A] : memref<31997952xf32, #tpu.memory_space<hbm>> -> memref<4096xf32, #tpu.memory_space<hbm>>
    %dma_wait3A_104 = arith.constant 0 : i32
    %dma_wait3A_105 = tpu.memref_slice %arg4[%dma_wait3A_104] : memref<31997952xf32, #tpu.memory_space<hbm>> -> memref<4096xf32, #tpu.memory_space<hbm>>
    tpu.wait_dma2 semaphore(%arg24 : memref<!tpu.dma_semaphore, #tpu.memory_space<semaphore_mem>>) src(%arg14 : memref<4096xf32, #tpu.memory_space<vmem>>) dst(%dma_wait3A_105 : memref<4096xf32, #tpu.memory_space<hbm>>)
    %dma_wait3A_106 = arith.constant 0 : i32
    %dma_wait3A_107 = tpu.memref_slice %arg5[%dma_wait3A_106] : memref<31997952xf32, #tpu.memory_space<hbm>> -> memref<4096xf32, #tpu.memory_space<hbm>>
    %dma_wait3A_108 = arith.constant 0 : i32
    %dma_wait3A_109 = tpu.memref_slice %arg5[%dma_wait3A_108] : memref<31997952xf32, #tpu.memory_space<hbm>> -> memref<4096xf32, #tpu.memory_space<hbm>>
    tpu.wait_dma2 semaphore(%arg25 : memref<!tpu.dma_semaphore, #tpu.memory_space<semaphore_mem>>) src(%arg18 : memref<4096xf32, #tpu.memory_space<vmem>>) dst(%dma_wait3A_109 : memref<4096xf32, #tpu.memory_space<hbm>>)
    %dma_wait3A_110 = arith.constant 0 : i32
    %dma_wait3A_111 = tpu.memref_slice %arg4[%dma_wait3A_110] : memref<31997952xf32, #tpu.memory_space<hbm>> -> memref<4096xf32, #tpu.memory_space<hbm>>
    %dma_wait3A_112 = arith.constant 0 : i32
    %dma_wait3A_113 = tpu.memref_slice %arg4[%dma_wait3A_112] : memref<31997952xf32, #tpu.memory_space<hbm>> -> memref<4096xf32, #tpu.memory_space<hbm>>
    tpu.wait_dma2 semaphore(%arg24 : memref<!tpu.dma_semaphore, #tpu.memory_space<semaphore_mem>>) src(%arg14 : memref<4096xf32, #tpu.memory_space<vmem>>) dst(%dma_wait3A_113 : memref<4096xf32, #tpu.memory_space<hbm>>)
    %dma_wait3A_114 = arith.constant 0 : i32
    %dma_wait3A_115 = tpu.memref_slice %arg5[%dma_wait3A_114] : memref<31997952xf32, #tpu.memory_space<hbm>> -> memref<4096xf32, #tpu.memory_space<hbm>>
    %dma_wait3A_116 = arith.constant 0 : i32
    %dma_wait3A_117 = tpu.memref_slice %arg5[%dma_wait3A_116] : memref<31997952xf32, #tpu.memory_space<hbm>> -> memref<4096xf32, #tpu.memory_space<hbm>>
    tpu.wait_dma2 semaphore(%arg25 : memref<!tpu.dma_semaphore, #tpu.memory_space<semaphore_mem>>) src(%arg18 : memref<4096xf32, #tpu.memory_space<vmem>>) dst(%dma_wait3A_117 : memref<4096xf32, #tpu.memory_space<hbm>>)
    %dma_wait3A_118 = arith.constant 0 : i32
    %dma_wait3A_119 = tpu.memref_slice %arg4[%dma_wait3A_118] : memref<31997952xf32, #tpu.memory_space<hbm>> -> memref<4096xf32, #tpu.memory_space<hbm>>
    %dma_wait3A_120 = arith.constant 0 : i32
    %dma_wait3A_121 = tpu.memref_slice %arg4[%dma_wait3A_120] : memref<31997952xf32, #tpu.memory_space<hbm>> -> memref<4096xf32, #tpu.memory_space<hbm>>
    tpu.wait_dma2 semaphore(%arg24 : memref<!tpu.dma_semaphore, #tpu.memory_space<semaphore_mem>>) src(%arg14 : memref<4096xf32, #tpu.memory_space<vmem>>) dst(%dma_wait3A_121 : memref<4096xf32, #tpu.memory_space<hbm>>)
    %dma_wait3A_122 = arith.constant 0 : i32
    %dma_wait3A_123 = tpu.memref_slice %arg5[%dma_wait3A_122] : memref<31997952xf32, #tpu.memory_space<hbm>> -> memref<4096xf32, #tpu.memory_space<hbm>>
    %dma_wait3A_124 = arith.constant 0 : i32
    %dma_wait3A_125 = tpu.memref_slice %arg5[%dma_wait3A_124] : memref<31997952xf32, #tpu.memory_space<hbm>> -> memref<4096xf32, #tpu.memory_space<hbm>>
    tpu.wait_dma2 semaphore(%arg25 : memref<!tpu.dma_semaphore, #tpu.memory_space<semaphore_mem>>) src(%arg18 : memref<4096xf32, #tpu.memory_space<vmem>>) dst(%dma_wait3A_125 : memref<4096xf32, #tpu.memory_space<hbm>>)
    %dma_wait3A_126 = arith.constant 0 : i32
    %dma_wait3A_127 = tpu.memref_slice %arg4[%dma_wait3A_126] : memref<31997952xf32, #tpu.memory_space<hbm>> -> memref<4096xf32, #tpu.memory_space<hbm>>
    %dma_wait3A_128 = arith.constant 0 : i32
    %dma_wait3A_129 = tpu.memref_slice %arg4[%dma_wait3A_128] : memref<31997952xf32, #tpu.memory_space<hbm>> -> memref<4096xf32, #tpu.memory_space<hbm>>
    tpu.wait_dma2 semaphore(%arg24 : memref<!tpu.dma_semaphore, #tpu.memory_space<semaphore_mem>>) src(%arg14 : memref<4096xf32, #tpu.memory_space<vmem>>) dst(%dma_wait3A_129 : memref<4096xf32, #tpu.memory_space<hbm>>)
    %dma_wait3A_130 = arith.constant 0 : i32
    %dma_wait3A_131 = tpu.memref_slice %arg5[%dma_wait3A_130] : memref<31997952xf32, #tpu.memory_space<hbm>> -> memref<4096xf32, #tpu.memory_space<hbm>>
    %dma_wait3A_132 = arith.constant 0 : i32
    %dma_wait3A_133 = tpu.memref_slice %arg5[%dma_wait3A_132] : memref<31997952xf32, #tpu.memory_space<hbm>> -> memref<4096xf32, #tpu.memory_space<hbm>>
    tpu.wait_dma2 semaphore(%arg25 : memref<!tpu.dma_semaphore, #tpu.memory_space<semaphore_mem>>) src(%arg18 : memref<4096xf32, #tpu.memory_space<vmem>>) dst(%dma_wait3A_133 : memref<4096xf32, #tpu.memory_space<hbm>>)
    return
  }
}

</mosaic_0001>

<sc_bundles>
// kernel: kernel.4.cloned.1.call-start
scs
__scs_entry_jumppad:
0x0: {  	(pc) =	sbr.rel $0x88, $3  }
0x1: {  	(tag) =	ssettag $0x0;
	lr =	simm.s32 $0x1  }
0x2: {  	[smem:$0x3F9B] =	sst lr;
	_ =	strace $0xD0000000  }
0x3: {  	_ = 	snop  }
0x4: {  	_ = 	snop  }
0x5: {  	_ = 	snop  }
0x6: {  	_ = 	snop  }
0x7: {  	_ = 	snop  }
__scs_overlays_trampoline_lowered:
0x8: {  	[smem:$0x3FAA] =	sst s0  }
0x9: {  	[smem:$0x3FAB] =	sst s1  }
0xa: {  	[smem:$0x3FAC] =	sst s2  }
0xb: {  	[smem:$0x3FAD] =	sst s3  }
0xc: {  	[smem:$0x3FAE] =	sst s4  }
0xd: {  	[smem:$0x3FAF] =	sst s5  }
0xe: {  	[smem:$0x3FB0] =	sst s6  }
0xf: {  	[smem:$0x3FB1] =	sst s7  }
0x10: {  	[smem:$0x3FB2] =	sst s8  }
0x11: {  	[smem:$0x3FB3] =	sst s9;
	s0 =	simm.s32 @!p0 $0x0  }
0x12: {  	s1 =	sld [smem:$0x3F99];
	s0 =	simm.s32 @p0 $0x1  }
0x13: {  	[smem:$0x3FB4] =	sst s0;
	s0 =	simm.s32 @!p1 $0x0  }
0x14: {  	s2 =	sld [smem:$0x3F98];
	s0 =	simm.s32 @p1 $0x1  }
0x15: {  	[smem:$0x3FB5] =	sst s0;
	s0 =	simm.s32 @!p2 $0x0  }
0x16: {  	s3 =	sld [smem:$0x3FDB];
	s0 =	simm.s32 @p2 $0x1  }
0x17: {  	s4 =	simm.s32 $0x1BF5;
	[smem:$0x3FB7] =	sst s0  }
0x18: {  	s0 =	sld [smem:$0x3F9A];
	_ =	swait.ge [sflag:s4], $0x0  }
0x19: {  	s7 =	sld [smem:$0x3F9B]  }
0x1a: {  	s8 =	sadd.s32 $0xFFFFE003, lr  }
0x1b: {  	s9 =	sadd.s32 $0xFFFFFEF7, lr;
	s5 =	simm.s32 $0xFFFFFFFF;
	p2 =	slt.u32 s8, $0xFFFFF086  }
0x1c: {  	p1 =	slt.u32 s9, $0xF7A;
	s5 =	simm.s32 @!p2 $0x0  }
0x1d: {  	s5 =	simm.s32 @p1 $0x1;
	p0 =	seq.s32 s7, s2  }
0x1e: {  	s7 =	smul.u32 @!p0 $0xF7A, s2;
	p2 =	seq.s32 @!p0 s5, $0x0  }
0x1f: {  	s9 =	smul.u32 $0xF7A, s1;
	s8 =	simm.s32 @!p0 $0x1BF5;
	p2 =	por !p2, p0  }
0x20: {  	[sflag:s8] =	ssyncset.s32 @!p0 $0xFFFFF086;
	s6 =	sadd.s32 @!p0 s3, s7;
	s7 =	simm.s32 @!p0 $0x108  }
0x21: {  	s3 =	sadd.s32 s3, s9;
	s6 =	sadd.s32 @!p0 $0x88, s6;
	s7 =	simm.s32 @p2 $0x1082  }
0x22: {  	[simem:s7], [sflag:s8] =	dma.local @!p0 [hbm:s6], $0xF7A  }
0x23: {  	s9 =	sor.u32 $0xD0000000, s2;
	s6 =	simm.s32 $0x108;
	_ =	swait.ge @!p0 [sflag:s8], $0x0  }
0x24: {  	s3 =	sadd.s32 $0x88, s3;
	s6 =	simm.s32 @!p1 $0x1082;
	[sflag:s4] =	ssyncset.s32 $0xFFFFF086  }
0x25: {  	[simem:s6], [sflag:s4] =	dma.local [hbm:s3], $0xF7A  }
0x26: {  	[smem:$0x3F9B] =	sst s1;
	(tag) =	ssettag s2;
	_ =	strace s9  }
0x27: {  	s1 =	sld [smem:$0x3FAB]  }
0x28: {  	s2 =	sld [smem:$0x3FAC]  }
0x29: {  	s4 =	sld [smem:$0x3FAE]  }
0x2a: {  	p0 =	seq.s32 s5, $0x0;
	s5 =	sld [smem:$0x3FAF]  }
0x2b: {  	s6 =	sld [smem:$0x3FB0]  }
0x2c: {  	s7 =	sld [smem:$0x3FB1]  }
0x2d: {  	s3 =	simm.s32 $0x108;
	s8 =	sld [smem:$0x3FB2]  }
0x2e: {  	s3 =	simm.s32 @!p0 $0x1082;
	s9 =	sld [smem:$0x3FB3]  }
0x2f: {  	lr =	sadd.s32 s0, s3;
	s0 =	sld [smem:$0x3FAA]  }
0x30: {  	s3 =	sld [smem:$0x3FAD]  }
0x31: {  	[smem:$0x3FB6] =	sst s10  }
0x32: {  	s10 =	sld [smem:$0x3FB4];
	_ =	sdelay $0x3  }
0x33: {  	p0 =	seq.s32 s10, $0x1;
	s10 =	sld [smem:$0x3FB6];
	_ =	sdelay $0x3  }
0x34: {  	[smem:$0x3FB6] =	sst s10  }
0x35: {  	s10 =	sld [smem:$0x3FB5];
	_ =	sdelay $0x3  }
0x36: {  	p1 =	seq.s32 s10, $0x1;
	s10 =	sld [smem:$0x3FB6];
	_ =	sdelay $0x3  }
0x37: {  	[smem:$0x3FB6] =	sst s10  }
0x38: {  	s10 =	sld [smem:$0x3FB7]  }
0x39: {  	_ = 	snop;
	(pc) =	sbr.ind lr, $3  }
0x3a: {  	_ = 	snop  }
0x3b: {  	_ = 	snop  }
0x3c: {  	p2 =	seq.s32 s10, $0x1;
	s10 =	sld [smem:$0x3FB6]  }
0x3d: {  	_ =	shalt  }
0x3e: {  	_ =	shalt  }
0x3f: {  	_ =	shalt  }
0x40: {  	_ =	shalt  }
0x41: {  	_ =	shalt  }
0x42: {  	_ =	shalt  }
0x43: {  	_ =	shalt  }
0x44: {  	_ =	shalt  }
0x45: {  	_ =	shalt  }
0x46: {  	_ =	shalt  }
0x47: {  	_ =	shalt  }
0x48: {  	_ =	shalt  }
0x49: {  	_ =	shalt  }
0x4a: {  	_ =	shalt  }
0x4b: {  	_ =	shalt  }
0x4c: {  	_ =	shalt  }
0x4d: {  	_ =	shalt  }
0x4e: {  	_ =	shalt  }
0x4f: {  	_ =	shalt  }
0x50: {  	_ =	shalt  }
0x51: {  	_ =	shalt  }
0x52: {  	_ =	shalt  }
0x53: {  	_ =	shalt  }
0x54: {  	_ =	shalt  }
0x55: {  	_ =	shalt  }
0x56: {  	_ =	shalt  }
0x57: {  	_ =	shalt  }
0x58: {  	_ =	shalt  }
0x59: {  	_ =	shalt  }
0x5a: {  	_ =	shalt  }
0x5b: {  	_ =	shalt  }
0x5c: {  	_ =	shalt  }
0x5d: {  	_ =	shalt  }
0x5e: {  	_ =	shalt  }
0x5f: {  	_ =	shalt  }
0x60: {  	_ =	shalt  }
0x61: {  	_ =	shalt  }
0x62: {  	_ =	shalt  }
0x63: {  	_ =	shalt  }
0x64: {  	_ =	shalt  }
0x65: {  	_ =	shalt  }
0x66: {  	_ =	shalt  }
0x67: {  	_ =	shalt  }
0x68: {  	_ =	shalt  }
0x69: {  	_ =	shalt  }
0x6a: {  	_ =	shalt  }
0x6b: {  	_ =	shalt  }
0x6c: {  	_ =	shalt  }
0x6d: {  	_ =	shalt  }
0x6e: {  	_ =	shalt  }
0x6f: {  	_ =	shalt  }
0x70: {  	_ =	shalt  }
0x71: {  	_ =	shalt  }
0x72: {  	_ =	shalt  }
0x73: {  	_ =	shalt  }
0x74: {  	_ =	shalt  }
0x75: {  	_ =	shalt  }
0x76: {  	_ =	shalt  }
0x77: {  	_ =	shalt  }
0x78: {  	_ =	shalt  }
0x79: {  	_ =	shalt  }
0x7a: {  	_ =	shalt  }
0x7b: {  	_ =	shalt  }
0x7c: {  	_ =	shalt  }
0x7d: {  	_ =	shalt  }
0x7e: {  	_ =	shalt  }
0x7f: {  	_ =	shalt  }
0x80: {  	_ =	shalt  }
0x81: {  	_ =	shalt  }
0x82: {  	_ =	shalt  }
0x83: {  	_ =	shalt  }
0x84: {  	_ =	shalt  }
0x85: {  	_ =	shalt  }
0x86: {  	_ =	shalt  }
0x87: {  	_ =	shalt  }
.Lfunc_end0:
.L_simem_size_0:
called_computation_lowered:
.L_overlay_start_0:
0x88: {  	s2 =	sld [smem:$0x3FD9]  }
0x89: {  	s3 =	sld [smem:$0x3FFE];
	_ =	sdelay $0x1  }
0x8a: {  	s1 =	srdreg.scid  }
0x8b: {  	s0 =	sand.u32 $0x1, s1  }
0x8c: {  	s17 =	sshll.u32 s0, $0xA;
	s2 =	sadd.s32 s3, s2  }
0x8d: {  	s2 =	sadd.s32 s2, s17  }
0x8e: {  	[smem:$0x3FC2] =	sst s2  }
0x8f: {  	_ = 	snop  }
0x90: {  	s2 =	sld [smem:$0x3FC7]  }
0x91: {  	s18 =	sld [smem:$0x3FC6];
	(tm) =	ssettm $0x1  }
0x92: {  	s4 =	sld [smem:$0x3FFB];
	_ =	sdelay $0x3  }
0x93: {  	_ =	strace s4  }
0x94: {  	s4 =	sld [smem:$0x3FFC];
	_ =	sdelay $0x3  }
0x95: {  	_ =	strace s4  }
0x96: {  	s4 =	sld [smem:$0x3FFD];
	_ =	sdelay $0x3  }
0x97: {  	_ =	strace s4  }
0x98: {  	_ =	strace $0x8FFFFFFF  }
0x99: {  	s19 =	sld [smem:$0x3FDB];
	_ =	sdelay $0x1  }
0x9a: {  	s5 =	simm.s32 $_scs_section_size  }
0x9b: {  	s6 =	simm.s32 $_size__tile_overlayer_lowered;
	s7 =	simm.s32 $_tile_overlayer_lowered  }
0x9c: {  	s22 =	simm.s32 $0x1BFF;
	s21 =	sshll.u32 s7, $0x1;
	s4 =	sadd.s32 s5, s19  }
0x9d: {  	s8 =	simm.s32 $0x0;
	s20 =	sshll.u32 s6, $0x1;
	s6 =	sadd.s32 s21, s4  }
0x9e: {  	[timem:s8], [sflag:s22] =	dma.local [hbm:s6], s20  }
0x9f: {  	_ =	swait.ge [sflag:s22], s20  }
0xa0: {  	s5 =	ssub.s32 $0x0, s20;
	[sflag:s22] =	ssyncset.done $0x0  }
0xa1: {  	[sflag:s22] =	ssyncadd.s32 s5;
	_ =	sdelay $0x1  }
0xa2: {  	s23 =	simm.s32 $0x1B8B  }
0xa3: {  	_ =	swait.ge [sflag:s23], $0x1  }
0xa4: {  	[sflag:s23] =	ssyncset.done $0x0  }
0xa5: {  	s25 =	simm.s32 $0x1B8E;
	s24 =	sld [smem:$0x3FFE];
	[sflag:s23] =	ssyncadd.s32 $0xFFFFFFFF  }
0xa6: {  	s26 =	simm.s32 $execute0_lowered;
	[smem:$0x3FD2] =	sst s25  }
0xa7: {  	s6 =	sshll.u32 s26, $0x1;
	_ =	strace $0x80000046;
	[dreg:$0x1] =	wrdreg $0xFFFFFFFF  }
0xa8: {  	s28 =	simm.s32 $_size_execute0_lowered;
	s4 =	sadd.s32 s4, s6;
	[dreg:$0x0] =	wrdreg $0x0  }
0xa9: {  	s6 =	sshll.u32 s28, $0x1;
	[dreg:$0x2] =	wrdreg s4  }
0xaa: {  	[dreg:$0x3] =	wrdreg s6  }
0xab: {  	[dreg:$0x4] =	wrdreg $0xC0  }
0xac: {  	_ =	task [dreg:s8], $0x5FFFF  }
0xad: {  	[dreg:$0x1] =	wrdreg $0xFFFFFFFF  }
0xae: {  	[dreg:$0x0] =	wrdreg $0x60  }
0xaf: {  	[dreg:$0x2] =	wrdreg s2  }
0xb0: {  	[dreg:$0x3] =	wrdreg s18  }
0xb1: {  	[dreg:$0x4] =	wrdreg s24  }
0xb2: {  	[dreg:$0x5] =	wrdreg $0x9  }
0xb3: {  	_ =	task.clear_ibuf [dreg:s8], $0x6FFFF;
	_ =	strace $0x90000046  }
0xb4: {  	s29 =	simm.s32 $0x9;
	_ =	strace $0x80000048  }
0xb5: {  	_ =	swait.ge [sflag:s29], $0x1  }
0xb6: {  	[sflag:s29] =	ssyncadd.s32 $0xFFFFFFFF  }
0xb7: {  	_ =	strace $0x90000048  }
0xb8: {  	_ =	sfence  }
0xb9: {  	s30 =	sld [smem:$0x0];
	_ =	sdelay $0x2  }
0xba: {  	s31 =	sshll.u32 s1, $0xD;
	s1 =	sshrl.u32 s1, $0x2  }
0xbb: {  	s3 =	sand.u32 $0x4000, s31;
	s1 =	sadd.s32 s1, s30  }
0xbc: {  	s0 =	sor.u32 s3, s0;
	s1 =	sshll.u32 s1, $0x11  }
0xbd: {  	s0 =	sor.u32 s1, s0  }
0xbe: {  	s0 =	sadd.s32 $0x8F2B, s0  }
0xbf: {  	[sflag:s0] =	ssyncadd.remote.s32 $0x1  }
0xc0: {  	_ =	sfence.sel $0xFFFF  }
0xc1: {  	[dreg:$0x0] =	wrdreg $0xFFFFFFFF;
	(pc) =	sbr.abs _section_cstart, $3  }
0xc2: {  	[dreg:$0x1] =	wrdreg $0xFFFFFFFF  }
0xc3: {  	_ =	task.clear_ibuf [dreg:s8], $0x2FFFF;
	_ =	strace $0x9FFFFFFF  }
0xc4: {  	(tm) =	ssettm $0x7FFFFFFF  }
0xc5: {  	_ =	shalt  }
tec
execute0_lowered:
.L_overlay_start_1:
0x0: {  	(tag) =	ssettag $0x1  }
0x1: {  	s1 =	rddreg [dreg:$0x0]  }
0x2: {  	s2 =	rddreg [dreg:$0x1]  }
0x3: {  	s0 =	rddreg [dreg:$0x2]  }
0x4: {  	s4 =	simm.s32 $0x0;
	s3 =	srdreg.scid;
	s9 =	stileid.u32  }
0x5: {  	s29 =	simm.s32 $0x1;
	s30 =	simm.s32 $0x2;
	s28 =	simm.s32 $0xE000  }
0x6: {  	[smem:$0x7FF] =	sst s4;
	s3 =	sand.u32 $0x1, s3;
	s5 =	sshll.u32 s9, $0x1  }
0x7: {  	s7 =	sadd.s32 $0x3D1600, s0;
	p0 =	slt.u32 s9, $0x2;
	p1 =	sgt.u32 s9, $0x1  }
0x8: {  	s9 =	simm.s32 $0x4;
	_ =	strace $0x80000047;
	s6 =	ssub.s32 $0x2, s3  }
0x9: {  	s3 =	sor.u32 s3, s5;
	s5 =	sadd.s32 $0xE00, s0;
	s8 =	sshrl.u32 s6, $0x1  }
0xa: {  	s10 =	sshll.u32 s3, $0x7;
	s12 =	sshll.u32 s3, $0x9;
	s16 =	ssub.s32 s6, s8  }
0xb: {  	s17 =	sor.u32 $0x1000, s10;
	s18 =	sadd.s32 s1, s10;
	s19 =	sadd.s32 s2, s10  }
0xc: {  	s21 =	sor.u32 $0x2000, s10;
	s24 =	sor.u32 $0x3D0000, s12;
	[dreg:$0x4] =	wrdreg s18  }
0xd: {  	s25 =	sor.u32 $0x5000, s10;
	s26 =	sor.u32 $0x6000, s10;
	[dreg:$0x5] =	wrdreg s19  }
0xe: {  	s8 =	simm.s32 $0x3;
	s20 =	sadd.s32 s1, s17;
	[dreg:$0xa] =	wrdreg s25  }
0xf: {  	s6 =	sadd.s32 s2, s17;
	s22 =	sadd.s32 s1, s21;
	[dreg:$0xb] =	wrdreg s26  }
0x10: {  	s23 =	sadd.s32 s2, s21;
	s31 =	sadd.s32 s5, s24;
	[dreg:$0x6] =	wrdreg s20  }
0x11: {  	s3 =	sadd.s32 s7, s24;
	s0 =	smax.u32 s16, $0x1;
	[dreg:$0x7] =	wrdreg s6  }
0x12: {  	v0 =	vlaneseq.u32;
	s16 =	smov.u32 s10;
	s21 =	simm.s32 $0x400;
	[dreg:$0x8] =	wrdreg s22  }
.Ltmp0:
0x13: {  	v0 =	vmul.u32 $0x20, v0;
	s24 =	simm.s32 $0x9000;
	[dreg:$0x9] =	wrdreg s23;
	(pc) =	sbr.rel .LBB2_1-.Ltmp0, $4  }
0x14: {  	s25 =	simm.s32 $0xD000;
	s26 =	simm.s32 $0xA000;
	[dreg:$0xc] =	wrdreg s31  }
0x15: {  	v1 =	vor.u32 $0x200, v0;
	s17 =	simm.s32 $0xB000;
	s18 =	simm.s32 $0xF000;
	[dreg:$0xd] =	wrdreg s3  }
0x16: {  	v2 =	vor.u32 $0x400, v0;
	v3 =	vor.u32 $0x600, v0;
	v4 =	vor.u32 $0x800, v0;
	[dreg:$0xe] =	wrdreg s0;
	s20 =	sor.u32 $0x4000, s10;
	s22 =	simm.s32 $0x7A1400  }
0x17: {  	v5 =	vor.u32 $0xA00, v0;
	v6 =	vor.u32 $0xC00, v0;
	v7 =	vor.u32 $0xE00, v0;
	s3 =	simm.s32 $0x8000;
	s23 =	simm.s32 $0xC000;
	s6 =	simm.s32 $0x0  }
.LBB2_15:
0x18: {  	_ =	swait.ge [sflag:s8], $0x1000  }
0x19: {  	[sflag:s8] =	ssyncset.done $0x0  }
0x1a: {  	[sflag:s8] =	ssyncadd.s32 $0xFFFFF000  }
0x1b: {  	_ =	swait.ge [sflag:s9], $0x1000  }
0x1c: {  	[sflag:s9] =	ssyncset.done $0x0  }
0x1d: {  	[sflag:s9] =	ssyncadd.s32 $0xFFFFF000  }
0x1e: {  	_ =	swait.ge [sflag:s8], $0x1000  }
0x1f: {  	[sflag:s8] =	ssyncset.done $0x0  }
0x20: {  	[sflag:s8] =	ssyncadd.s32 $0xFFFFF000  }
0x21: {  	_ =	swait.ge [sflag:s9], $0x1000  }
0x22: {  	[sflag:s9] =	ssyncset.done $0x0  }
0x23: {  	[sflag:s9] =	ssyncadd.s32 $0xFFFFF000  }
0x24: {  	_ =	swait.ge [sflag:s8], $0x1000  }
0x25: {  	[sflag:s8] =	ssyncset.done $0x0  }
0x26: {  	[sflag:s8] =	ssyncadd.s32 $0xFFFFF000  }
0x27: {  	_ =	swait.ge [sflag:s9], $0x1000  }
0x28: {  	[sflag:s9] =	ssyncset.done $0x0  }
0x29: {  	[sflag:s9] =	ssyncadd.s32 $0xFFFFF000  }
0x2a: {  	_ =	swait.ge [sflag:s8], $0x1000  }
0x2b: {  	[sflag:s8] =	ssyncset.done $0x0  }
0x2c: {  	[sflag:s8] =	ssyncadd.s32 $0xFFFFF000  }
0x2d: {  	_ =	swait.ge [sflag:s9], $0x1000  }
0x2e: {  	s6 =	sadd.s32 $0x1, s6;
	s0 =	rddreg [dreg:$0xe]  }
0x2f: {  	p2 =	sne.s32 s6, s0  }
.Ltmp1:
0x30: {  	_ = 	snop;
	(pc) =	sbr.rel @!p2 .LBB2_16-.Ltmp1, $3  }
0x31: {  	_ =	sdelay $0x1  }
0x32: {  	[sflag:s9] =	ssyncset.done $0x0  }
0x33: {  	[sflag:s9] =	ssyncadd.s32 $0xFFFFF000  }
.LBB2_1:
0x34: {  	[dreg:$0xf] =	wrdreg s6  }
0x35: {  	s0 =	rddreg [dreg:$0x4]  }
0x36: {  	[tilespmem:s4], [sflag:$0x1] =	stream.strided.gather [hbm4b:s0+s21], $0x1000, s22, s21, $0x38;
	[tilespmem:$0x10000] =	vst v63  }
0x37: {  	s19 =	rddreg [dreg:$0x5];
	s31 =	simm.s32 $0x4000  }
0x38: {  	[tilespmem:s31], [sflag:$0x2] =	stream.strided.gather [hbm4b:s19+s21], $0x1000, s22, s21, $0x38;
	[tilespmem:$0x10000] =	vst v63  }
0x39: {  	s6 =	rddreg [dreg:$0x6];
	s10 =	simm.s32 $0x1000  }
0x3a: {  	[tilespmem:s10], [sflag:$0x1] =	stream.strided.gather [hbm4b:s6+s21], $0x1000, s22, s21, $0x38;
	[tilespmem:$0x10000] =	vst v63  }
0x3b: {  	s11 =	rddreg [dreg:$0x7];
	s13 =	simm.s32 $0x5000  }
0x3c: {  	[tilespmem:s13], [sflag:$0x2] =	stream.strided.gather [hbm4b:s11+s21], $0x1000, s22, s21, $0x38;
	[tilespmem:$0x10000] =	vst v63  }
0x3d: {  	s14 =	rddreg [dreg:$0x8];
	s15 =	simm.s32 $0x2000  }
0x3e: {  	[tilespmem:s15], [sflag:$0x1] =	stream.strided.gather [hbm4b:s14+s21], $0x1000, s22, s21, $0x38;
	[tilespmem:$0x10000] =	vst v63  }
0x3f: {  	s19 =	rddreg [dreg:$0x9];
	s31 =	simm.s32 $0x6000;
	s11 =	simm.s32 $0x0  }
0x40: {  	[tilespmem:s31], [sflag:$0x2] =	stream.strided.gather [hbm4b:s19+s21], $0x1000, s22, s21, $0x38;
	[tilespmem:$0x10000] =	vst v63  }
.LBB2_2:
0x41: {  	_ =	swait.ge [sflag:s29], $0x1000  }
0x42: {  	[sflag:s29] =	ssyncset.done $0x0  }
0x43: {  	s13 =	sshllo.u32 s11, $0x2;
	[sflag:s29] =	ssyncadd.s32 $0xFFFFF000  }
0x44: {  	s0 =	sshll.u32 s13, $0xC;
	_ =	swait.ge [sflag:s30], $0x1000  }
0x45: {  	s0 =	sor.u32 s16, s0;
	[sflag:s30] =	ssyncset.done $0x0  }
0x46: {  	s10 =	simm.s32 $0x3000;
	s6 =	sadd.s32 s1, s0;
	[sflag:s30] =	ssyncadd.s32 $0xFFFFF000  }
0x47: {  	[tilespmem:s10], [sflag:$0x1] =	stream.strided.gather [hbm4b:s6+s21], $0x1000, s22, s21, $0x38;
	[tilespmem:$0x10000] =	vst v63  }
0x48: {  	s19 =	simm.s32 $0x7000;
	p2 =	seq.s32 s11, $0x0;
	s0 =	sadd.s32 s2, s0  }
0x49: {  	[tilespmem:s19], [sflag:$0x2] =	stream.strided.gather [hbm4b:s0+s21], $0x1000, s22, s21, $0x38;
	[tilespmem:$0x10000] =	vst v63  }
0x4a: {  	s0 =	simm.s32 @!p2 $0x3  }
0x4b: {  	_ =	swait.ge @!p2 [sflag:s0], $0x1000  }
0x4c: {  	[sflag:s0] =	ssyncset.done @!p2 $0x0  }
0x4d: {  	[sflag:s0] =	ssyncadd.s32 @!p2 $0xFFFFF000;
	s0 =	simm.s32 @!p2 $0x4  }
0x4e: {  	_ =	swait.ge @!p2 [sflag:s0], $0x1000  }
0x4f: {  	[sflag:s0] =	ssyncset.done @!p2 $0x0  }
0x50: {  	s31 =	simm.s32 $0x0;
	s14 =	simm.s32 $0x40;
	[sflag:s0] =	ssyncadd.s32 @!p2 $0xFFFFF000  }
0x51: {  	v9 =	vor.u32 s31, v0;
	s10 =	simm.s32 $0x4040;
	v8 =	vld [tilespmem:s14+$0xFFFFFFC0]  }
0x52: {  	v10 =	vld [tilespmem:s10+$0xFFFFFFC0];
	_ =	sdelay $0x3  }
0x53: {  	[tilespmem:v9+s3+$0x0] =	vst.idx.msk $0xffff, v8  }
0x54: {  	[tilespmem:v9+s23+$0x0] =	vst.idx.msk $0xffff, v10  }
0x55: {  	v9 =	vor.u32 s31, v1;
	v8 =	vld [tilespmem:s14+$0xFFFFFFD0]  }
0x56: {  	v10 =	vld [tilespmem:s10+$0xFFFFFFD0];
	_ =	sdelay $0x3  }
0x57: {  	[tilespmem:v9+s3+$0x0] =	vst.idx.msk $0xffff, v8  }
0x58: {  	[tilespmem:v9+s23+$0x0] =	vst.idx.msk $0xffff, v10  }
0x59: {  	v9 =	vor.u32 s31, v2;
	v8 =	vld [tilespmem:s14+$0xFFFFFFE0]  }
0x5a: {  	v10 =	vld [tilespmem:s10+$0xFFFFFFE0];
	_ =	sdelay $0x3  }
0x5b: {  	[tilespmem:v9+s3+$0x0] =	vst.idx.msk $0xffff, v8  }
0x5c: {  	[tilespmem:v9+s23+$0x0] =	vst.idx.msk $0xffff, v10  }
0x5d: {  	v9 =	vor.u32 s31, v3;
	v8 =	vld [tilespmem:s14+$0xFFFFFFF0]  }
0x5e: {  	v10 =	vld [tilespmem:s10+$0xFFFFFFF0];
	_ =	sdelay $0x3  }
0x5f: {  	[tilespmem:v9+s3+$0x0] =	vst.idx.msk $0xffff, v8  }
0x60: {  	[tilespmem:v9+s23+$0x0] =	vst.idx.msk $0xffff, v10  }
0x61: {  	v9 =	vor.u32 s31, v4;
	v8 =	vld [tilespmem:s14+$0x0]  }
0x62: {  	v10 =	vld [tilespmem:s10+$0x0];
	_ =	sdelay $0x3  }
0x63: {  	[tilespmem:v9+s3+$0x0] =	vst.idx.msk $0xffff, v8  }
0x64: {  	[tilespmem:v9+s23+$0x0] =	vst.idx.msk $0xffff, v10  }
0x65: {  	v9 =	vor.u32 s31, v5;
	v8 =	vld [tilespmem:s14+$0x10]  }
0x66: {  	v10 =	vld [tilespmem:s10+$0x10];
	_ =	sdelay $0x3  }
0x67: {  	[tilespmem:v9+s3+$0x0] =	vst.idx.msk $0xffff, v8  }
0x68: {  	[tilespmem:v9+s23+$0x0] =	vst.idx.msk $0xffff, v10  }
0x69: {  	v9 =	vor.u32 s31, v6;
	v8 =	vld [tilespmem:s14+$0x20]  }
0x6a: {  	v10 =	vld [tilespmem:s10+$0x20];
	_ =	sdelay $0x3  }
0x6b: {  	[tilespmem:v9+s3+$0x0] =	vst.idx.msk $0xffff, v8  }
0x6c: {  	[tilespmem:v9+s23+$0x0] =	vst.idx.msk $0xffff, v10  }
0x6d: {  	v8 =	vor.u32 s31, v7;
	v10 =	vld [tilespmem:s14+$0x30]  }
0x6e: {  	v9 =	vld [tilespmem:s10+$0x30];
	_ =	sdelay $0x3  }
0x6f: {  	s19 =	simm.s32 $0x1;
	[tilespmem:v8+s3+$0x0] =	vst.idx.msk $0xffff, v10  }
.LBB2_3:
0x70: {  	p2 =	sne.s32 s19, $0x1F;
	[tilespmem:v8+s23+$0x0] =	vst.idx.msk $0xffff, v9;
	s14 =	sadd.s32 $0x80, s14;
	s10 =	sadd.s32 $0x80, s10  }
0x71: {  	v9 =	vor.u32 s19, v0;
	s0 =	smov.u32 s19;
	s19 =	sadd.s32 $0x1, s19;
	v8 =	vld [tilespmem:s14+$0xFFFFFFC0]  }
0x72: {  	v10 =	vld [tilespmem:s10+$0xFFFFFFC0];
	_ =	sdelay $0x3  }
0x73: {  	[tilespmem:v9+s3+$0x0] =	vst.idx.msk $0xffff, v8  }
0x74: {  	[tilespmem:v9+s23+$0x0] =	vst.idx.msk $0xffff, v10  }
0x75: {  	v9 =	vor.u32 s0, v1;
	v8 =	vld [tilespmem:s14+$0xFFFFFFD0]  }
0x76: {  	v10 =	vld [tilespmem:s10+$0xFFFFFFD0];
	_ =	sdelay $0x3  }
0x77: {  	[tilespmem:v9+s3+$0x0] =	vst.idx.msk $0xffff, v8  }
0x78: {  	[tilespmem:v9+s23+$0x0] =	vst.idx.msk $0xffff, v10  }
0x79: {  	v9 =	vor.u32 s0, v2;
	v8 =	vld [tilespmem:s14+$0xFFFFFFE0]  }
0x7a: {  	v10 =	vld [tilespmem:s10+$0xFFFFFFE0];
	_ =	sdelay $0x3  }
0x7b: {  	[tilespmem:v9+s3+$0x0] =	vst.idx.msk $0xffff, v8  }
0x7c: {  	[tilespmem:v9+s23+$0x0] =	vst.idx.msk $0xffff, v10  }
0x7d: {  	v9 =	vor.u32 s0, v3;
	v8 =	vld [tilespmem:s14+$0xFFFFFFF0]  }
0x7e: {  	v10 =	vld [tilespmem:s10+$0xFFFFFFF0];
	_ =	sdelay $0x3  }
0x7f: {  	[tilespmem:v9+s3+$0x0] =	vst.idx.msk $0xffff, v8  }
0x80: {  	[tilespmem:v9+s23+$0x0] =	vst.idx.msk $0xffff, v10  }
0x81: {  	v9 =	vor.u32 s0, v4;
	v8 =	vld [tilespmem:s14+$0x0]  }
0x82: {  	v10 =	vld [tilespmem:s10+$0x0];
	_ =	sdelay $0x3  }
0x83: {  	[tilespmem:v9+s3+$0x0] =	vst.idx.msk $0xffff, v8  }
0x84: {  	[tilespmem:v9+s23+$0x0] =	vst.idx.msk $0xffff, v10  }
0x85: {  	v9 =	vor.u32 s0, v5;
	v8 =	vld [tilespmem:s14+$0x10]  }
0x86: {  	v10 =	vld [tilespmem:s10+$0x10];
	_ =	sdelay $0x3  }
0x87: {  	[tilespmem:v9+s3+$0x0] =	vst.idx.msk $0xffff, v8  }
0x88: {  	[tilespmem:v9+s23+$0x0] =	vst.idx.msk $0xffff, v10  }
0x89: {  	v9 =	vor.u32 s0, v6;
	v8 =	vld [tilespmem:s14+$0x20]  }
0x8a: {  	v10 =	vld [tilespmem:s10+$0x20];
	_ =	sdelay $0x3  }
0x8b: {  	[tilespmem:v9+s3+$0x0] =	vst.idx.msk $0xffff, v8  }
0x8c: {  	[tilespmem:v9+s23+$0x0] =	vst.idx.msk $0xffff, v10  }
0x8d: {  	v8 =	vor.u32 s0, v7;
	v10 =	vld [tilespmem:s14+$0x30]  }
.Ltmp2:
0x8e: {  	v9 =	vld [tilespmem:s10+$0x30];
	(pc) =	sbr.rel @p2 .LBB2_3-.Ltmp2, $2  }
0x8f: {  	_ =	sdelay $0x2  }
0x90: {  	[tilespmem:v8+s3+$0x0] =	vst.idx.msk $0xffff, v10  }
0x91: {  	_ =	sdelay $0x1  }
0x92: {  	s0 =	sshll.u32 s11, $0x10  }
0x93: {  	s14 =	sor.u32 s12, s0  }
0x94: {  	[tilespmem:v8+s23+$0x0] =	vst.idx.msk $0xffff, v9;
	s0 =	sadd.s32 s5, s14  }
0x95: {  	[hbm4b:s0+s4] =	stream.linear.scatter [tilespmem:s3], [sflag:$0x3], $0x1000, $0x38;
	[tilespmem:$0x10000] =	vst v63  }
0x96: {  	s10 =	sadd.s32 s7, s14  }
0x97: {  	[hbm4b:s10+s4] =	stream.linear.scatter [tilespmem:s23], [sflag:$0x4], $0x1000, $0x38;
	[tilespmem:$0x10000] =	vst v63  }
0x98: {  	_ =	swait.ge [sflag:s29], $0x1000  }
0x99: {  	p2 =	seq.s32 @!p0 s11, $0x3C;
	[sflag:s29] =	ssyncset.done $0x0  }
0x9a: {  	p2 =	por p0, !p2;
	[sflag:s29] =	ssyncadd.s32 $0xFFFFF000  }
0x9b: {  	s19 =	simm.s32 @p2 $0x7A1400;
	s0 =	sshll.u32 @p2 s11, $0xE;
	_ =	swait.ge [sflag:s30], $0x1000  }
0x9c: {  	s31 =	simm.s32 @p2 $0x0;
	s0 =	sadd.s32 @p2 s20, s0;
	[sflag:s30] =	ssyncset.done $0x0  }
0x9d: {  	s6 =	sadd.s32 @p2 s1, s0;
	s10 =	simm.s32 @p2 $0x400;
	[sflag:s30] =	ssyncadd.s32 $0xFFFFF000  }
0x9e: {  	[tilespmem:s31], [sflag:$0x1] =	stream.strided.gather @p2 [hbm4b:s6+s10], $0x1000, s19, s10, $0x38;
	[tilespmem:$0x10000] =	vst v63  }
0x9f: {  	p3 =	seq.s32 @p2 s11, $0x0;
	s0 =	sadd.s32 @p2 s2, s0;
	s6 =	simm.s32 @p2 $0x4000  }
0xa0: {  	[tilespmem:s6], [sflag:$0x2] =	stream.strided.gather @p2 [hbm4b:s0+s10], $0x1000, s19, s10, $0x38;
	[tilespmem:$0x10000] =	vst v63  }
0xa1: {  	p2 =	por !p2, !p3  }
0xa2: {  	_ =	swait.ge @p2 [sflag:s8], $0x1000  }
0xa3: {  	[sflag:s8] =	ssyncset.done @p2 $0x0  }
0xa4: {  	[sflag:s8] =	ssyncadd.s32 @p2 $0xFFFFF000  }
0xa5: {  	_ =	swait.ge @p2 [sflag:s9], $0x1000  }
0xa6: {  	[sflag:s9] =	ssyncset.done @p2 $0x0  }
0xa7: {  	s15 =	simm.s32 $0x0;
	s19 =	simm.s32 $0x1040;
	[sflag:s9] =	ssyncadd.s32 @p2 $0xFFFFF000  }
0xa8: {  	v9 =	vor.u32 s15, v0;
	s10 =	simm.s32 $0x5040;
	v8 =	vld [tilespmem:s19+$0xFFFFFFC0]  }
0xa9: {  	v10 =	vld [tilespmem:s10+$0xFFFFFFC0];
	_ =	sdelay $0x3  }
0xaa: {  	[tilespmem:v9+s24+$0x0] =	vst.idx.msk $0xffff, v8  }
0xab: {  	[tilespmem:v9+s25+$0x0] =	vst.idx.msk $0xffff, v10  }
0xac: {  	v9 =	vor.u32 s15, v1;
	v8 =	vld [tilespmem:s19+$0xFFFFFFD0]  }
0xad: {  	v10 =	vld [tilespmem:s10+$0xFFFFFFD0];
	_ =	sdelay $0x3  }
0xae: {  	[tilespmem:v9+s24+$0x0] =	vst.idx.msk $0xffff, v8  }
0xaf: {  	[tilespmem:v9+s25+$0x0] =	vst.idx.msk $0xffff, v10  }
0xb0: {  	v9 =	vor.u32 s15, v2;
	v8 =	vld [tilespmem:s19+$0xFFFFFFE0]  }
0xb1: {  	v10 =	vld [tilespmem:s10+$0xFFFFFFE0];
	_ =	sdelay $0x3  }
0xb2: {  	[tilespmem:v9+s24+$0x0] =	vst.idx.msk $0xffff, v8  }
0xb3: {  	[tilespmem:v9+s25+$0x0] =	vst.idx.msk $0xffff, v10  }
0xb4: {  	v9 =	vor.u32 s15, v3;
	v8 =	vld [tilespmem:s19+$0xFFFFFFF0]  }
0xb5: {  	v10 =	vld [tilespmem:s10+$0xFFFFFFF0];
	_ =	sdelay $0x3  }
0xb6: {  	[tilespmem:v9+s24+$0x0] =	vst.idx.msk $0xffff, v8  }
0xb7: {  	[tilespmem:v9+s25+$0x0] =	vst.idx.msk $0xffff, v10  }
0xb8: {  	v9 =	vor.u32 s15, v4;
	v8 =	vld [tilespmem:s19+$0x0]  }
0xb9: {  	v10 =	vld [tilespmem:s10+$0x0];
	_ =	sdelay $0x3  }
0xba: {  	[tilespmem:v9+s24+$0x0] =	vst.idx.msk $0xffff, v8  }
0xbb: {  	[tilespmem:v9+s25+$0x0] =	vst.idx.msk $0xffff, v10  }
0xbc: {  	v9 =	vor.u32 s15, v5;
	v8 =	vld [tilespmem:s19+$0x10]  }
0xbd: {  	v10 =	vld [tilespmem:s10+$0x10];
	_ =	sdelay $0x3  }
0xbe: {  	[tilespmem:v9+s24+$0x0] =	vst.idx.msk $0xffff, v8  }
0xbf: {  	[tilespmem:v9+s25+$0x0] =	vst.idx.msk $0xffff, v10  }
0xc0: {  	v9 =	vor.u32 s15, v6;
	v8 =	vld [tilespmem:s19+$0x20]  }
0xc1: {  	v10 =	vld [tilespmem:s10+$0x20];
	_ =	sdelay $0x3  }
0xc2: {  	[tilespmem:v9+s24+$0x0] =	vst.idx.msk $0xffff, v8  }
0xc3: {  	[tilespmem:v9+s25+$0x0] =	vst.idx.msk $0xffff, v10  }
0xc4: {  	v8 =	vor.u32 s15, v7;
	v10 =	vld [tilespmem:s19+$0x30]  }
0xc5: {  	v9 =	vld [tilespmem:s10+$0x30];
	_ =	sdelay $0x3  }
0xc6: {  	s31 =	simm.s32 $0x1;
	[tilespmem:v8+s24+$0x0] =	vst.idx.msk $0xffff, v10  }
.LBB2_5:
0xc7: {  	p2 =	sne.s32 s31, $0x1F;
	[tilespmem:v8+s25+$0x0] =	vst.idx.msk $0xffff, v9;
	s19 =	sadd.s32 $0x80, s19;
	s10 =	sadd.s32 $0x80, s10  }
0xc8: {  	v9 =	vor.u32 s31, v0;
	s0 =	smov.u32 s31;
	s31 =	sadd.s32 $0x1, s31;
	v8 =	vld [tilespmem:s19+$0xFFFFFFC0]  }
0xc9: {  	v10 =	vld [tilespmem:s10+$0xFFFFFFC0];
	_ =	sdelay $0x3  }
0xca: {  	[tilespmem:v9+s24+$0x0] =	vst.idx.msk $0xffff, v8  }
0xcb: {  	[tilespmem:v9+s25+$0x0] =	vst.idx.msk $0xffff, v10  }
0xcc: {  	v9 =	vor.u32 s0, v1;
	v8 =	vld [tilespmem:s19+$0xFFFFFFD0]  }
0xcd: {  	v10 =	vld [tilespmem:s10+$0xFFFFFFD0];
	_ =	sdelay $0x3  }
0xce: {  	[tilespmem:v9+s24+$0x0] =	vst.idx.msk $0xffff, v8  }
0xcf: {  	[tilespmem:v9+s25+$0x0] =	vst.idx.msk $0xffff, v10  }
0xd0: {  	v9 =	vor.u32 s0, v2;
	v8 =	vld [tilespmem:s19+$0xFFFFFFE0]  }
0xd1: {  	v10 =	vld [tilespmem:s10+$0xFFFFFFE0];
	_ =	sdelay $0x3  }
0xd2: {  	[tilespmem:v9+s24+$0x0] =	vst.idx.msk $0xffff, v8  }
0xd3: {  	[tilespmem:v9+s25+$0x0] =	vst.idx.msk $0xffff, v10  }
0xd4: {  	v9 =	vor.u32 s0, v3;
	v8 =	vld [tilespmem:s19+$0xFFFFFFF0]  }
0xd5: {  	v10 =	vld [tilespmem:s10+$0xFFFFFFF0];
	_ =	sdelay $0x3  }
0xd6: {  	[tilespmem:v9+s24+$0x0] =	vst.idx.msk $0xffff, v8  }
0xd7: {  	[tilespmem:v9+s25+$0x0] =	vst.idx.msk $0xffff, v10  }
0xd8: {  	v9 =	vor.u32 s0, v4;
	v8 =	vld [tilespmem:s19+$0x0]  }
0xd9: {  	v10 =	vld [tilespmem:s10+$0x0];
	_ =	sdelay $0x3  }
0xda: {  	[tilespmem:v9+s24+$0x0] =	vst.idx.msk $0xffff, v8  }
0xdb: {  	[tilespmem:v9+s25+$0x0] =	vst.idx.msk $0xffff, v10  }
0xdc: {  	v9 =	vor.u32 s0, v5;
	v8 =	vld [tilespmem:s19+$0x10]  }
0xdd: {  	v10 =	vld [tilespmem:s10+$0x10];
	_ =	sdelay $0x3  }
0xde: {  	[tilespmem:v9+s24+$0x0] =	vst.idx.msk $0xffff, v8  }
0xdf: {  	[tilespmem:v9+s25+$0x0] =	vst.idx.msk $0xffff, v10  }
0xe0: {  	v9 =	vor.u32 s0, v6;
	v8 =	vld [tilespmem:s19+$0x20]  }
0xe1: {  	v10 =	vld [tilespmem:s10+$0x20];
	_ =	sdelay $0x3  }
0xe2: {  	[tilespmem:v9+s24+$0x0] =	vst.idx.msk $0xffff, v8  }
0xe3: {  	[tilespmem:v9+s25+$0x0] =	vst.idx.msk $0xffff, v10  }
0xe4: {  	v8 =	vor.u32 s0, v7;
	v10 =	vld [tilespmem:s19+$0x30]  }
.Ltmp3:
0xe5: {  	v9 =	vld [tilespmem:s10+$0x30];
	(pc) =	sbr.rel @p2 .LBB2_5-.Ltmp3, $2  }
0xe6: {  	_ =	sdelay $0x2  }
0xe7: {  	[tilespmem:v8+s24+$0x0] =	vst.idx.msk $0xffff, v10  }
0xe8: {  	_ =	sdelay $0x2  }
0xe9: {  	s0 =	sor.u32 $0x4000, s14  }
0xea: {  	[tilespmem:v8+s25+$0x0] =	vst.idx.msk $0xffff, v9;
	s6 =	sadd.s32 s5, s0  }
0xeb: {  	[hbm4b:s6+s4] =	stream.linear.scatter [tilespmem:s24], [sflag:$0x3], $0x1000, $0x38;
	[tilespmem:$0x10000] =	vst v63  }
0xec: {  	s0 =	sadd.s32 s7, s0  }
0xed: {  	[hbm4b:s0+s4] =	stream.linear.scatter [tilespmem:s25], [sflag:$0x4], $0x1000, $0x38;
	[tilespmem:$0x10000] =	vst v63  }
0xee: {  	_ =	swait.ge [sflag:s29], $0x1000  }
0xef: {  	[sflag:s29] =	ssyncset.done $0x0  }
0xf0: {  	p2 =	seq.s32 s11, $0x3C;
	[sflag:s29] =	ssyncadd.s32 $0xFFFFF000  }
0xf1: {  	s19 =	sshll.u32 @!p2 s11, $0xE;
	_ =	swait.ge [sflag:s30], $0x1000  }
0xf2: {  	s10 =	simm.s32 @!p2 $0x400;
	s31 =	simm.s32 @!p2 $0x7A1400;
	s0 =	rddreg [dreg:$0xa]  }
0xf3: {  	s15 =	simm.s32 @!p2 $0x1000;
	[sflag:s30] =	ssyncset.done $0x0;
	s0 =	sadd.s32 @!p2 s0, s19  }
0xf4: {  	p3 =	seq.s32 @!p2 s11, $0x0;
	[sflag:s30] =	ssyncadd.s32 $0xFFFFF000;
	s6 =	sadd.s32 @!p2 s1, s0  }
0xf5: {  	[tilespmem:s15], [sflag:$0x1] =	stream.strided.gather @!p2 [hbm4b:s6+s10], $0x1000, s31, s10, $0x38;
	[tilespmem:$0x10000] =	vst v63  }
0xf6: {  	p3 =	por p2, !p3;
	s0 =	sadd.s32 @!p2 s2, s0;
	s6 =	simm.s32 @!p2 $0x5000  }
0xf7: {  	[tilespmem:s6], [sflag:$0x2] =	stream.strided.gather @!p2 [hbm4b:s0+s10], $0x1000, s31, s10, $0x38;
	[tilespmem:$0x10000] =	vst v63  }
0xf8: {  	_ =	swait.ge @p3 [sflag:s8], $0x1000  }
0xf9: {  	[sflag:s8] =	ssyncset.done @p3 $0x0  }
0xfa: {  	[sflag:s8] =	ssyncadd.s32 @p3 $0xFFFFF000  }
0xfb: {  	_ =	swait.ge @p3 [sflag:s9], $0x1000  }
0xfc: {  	[sflag:s9] =	ssyncset.done @p3 $0x0  }
0xfd: {  	s15 =	simm.s32 $0x0;
	s10 =	simm.s32 $0x2040;
	[sflag:s9] =	ssyncadd.s32 @p3 $0xFFFFF000  }
0xfe: {  	v9 =	vor.u32 s15, v0;
	s31 =	simm.s32 $0x6040;
	v8 =	vld [tilespmem:s10+$0xFFFFFFC0]  }
0xff: {  	v10 =	vld [tilespmem:s31+$0xFFFFFFC0];
	_ =	sdelay $0x3  }
0x100: {  	[tilespmem:v9+s26+$0x0] =	vst.idx.msk $0xffff, v8  }
0x101: {  	[tilespmem:v9+s28+$0x0] =	vst.idx.msk $0xffff, v10  }
0x102: {  	v9 =	vor.u32 s15, v1;
	v8 =	vld [tilespmem:s10+$0xFFFFFFD0]  }
0x103: {  	v10 =	vld [tilespmem:s31+$0xFFFFFFD0];
	_ =	sdelay $0x3  }
0x104: {  	[tilespmem:v9+s26+$0x0] =	vst.idx.msk $0xffff, v8  }
0x105: {  	[tilespmem:v9+s28+$0x0] =	vst.idx.msk $0xffff, v10  }
0x106: {  	v9 =	vor.u32 s15, v2;
	v8 =	vld [tilespmem:s10+$0xFFFFFFE0]  }
0x107: {  	v10 =	vld [tilespmem:s31+$0xFFFFFFE0];
	_ =	sdelay $0x3  }
0x108: {  	[tilespmem:v9+s26+$0x0] =	vst.idx.msk $0xffff, v8  }
0x109: {  	[tilespmem:v9+s28+$0x0] =	vst.idx.msk $0xffff, v10  }
0x10a: {  	v9 =	vor.u32 s15, v3;
	v8 =	vld [tilespmem:s10+$0xFFFFFFF0]  }
0x10b: {  	v10 =	vld [tilespmem:s31+$0xFFFFFFF0];
	_ =	sdelay $0x3  }
0x10c: {  	[tilespmem:v9+s26+$0x0] =	vst.idx.msk $0xffff, v8  }
0x10d: {  	[tilespmem:v9+s28+$0x0] =	vst.idx.msk $0xffff, v10  }
0x10e: {  	v9 =	vor.u32 s15, v4;
	v8 =	vld [tilespmem:s10+$0x0]  }
0x10f: {  	v10 =	vld [tilespmem:s31+$0x0];
	_ =	sdelay $0x3  }
0x110: {  	[tilespmem:v9+s26+$0x0] =	vst.idx.msk $0xffff, v8  }
0x111: {  	[tilespmem:v9+s28+$0x0] =	vst.idx.msk $0xffff, v10  }
0x112: {  	v9 =	vor.u32 s15, v5;
	v8 =	vld [tilespmem:s10+$0x10]  }
0x113: {  	v10 =	vld [tilespmem:s31+$0x10];
	_ =	sdelay $0x3  }
0x114: {  	[tilespmem:v9+s26+$0x0] =	vst.idx.msk $0xffff, v8  }
0x115: {  	[tilespmem:v9+s28+$0x0] =	vst.idx.msk $0xffff, v10  }
0x116: {  	v9 =	vor.u32 s15, v6;
	v8 =	vld [tilespmem:s10+$0x20]  }
0x117: {  	v10 =	vld [tilespmem:s31+$0x20];
	_ =	sdelay $0x3  }
0x118: {  	[tilespmem:v9+s26+$0x0] =	vst.idx.msk $0xffff, v8  }
0x119: {  	[tilespmem:v9+s28+$0x0] =	vst.idx.msk $0xffff, v10  }
0x11a: {  	v8 =	vor.u32 s15, v7;
	v10 =	vld [tilespmem:s10+$0x30]  }
0x11b: {  	v9 =	vld [tilespmem:s31+$0x30];
	_ =	sdelay $0x3  }
0x11c: {  	s0 =	simm.s32 $0x1;
	[tilespmem:v8+s26+$0x0] =	vst.idx.msk $0xffff, v10  }
.LBB2_7:
0x11d: {  	p4 =	sne.s32 s0, $0x1F;
	[tilespmem:v8+s28+$0x0] =	vst.idx.msk $0xffff, v9;
	s10 =	sadd.s32 $0x80, s10;
	s31 =	sadd.s32 $0x80, s31  }
0x11e: {  	v9 =	vor.u32 s0, v0;
	s6 =	smov.u32 s0;
	s0 =	sadd.s32 $0x1, s0;
	v8 =	vld [tilespmem:s10+$0xFFFFFFC0]  }
0x11f: {  	v10 =	vld [tilespmem:s31+$0xFFFFFFC0];
	_ =	sdelay $0x3  }
0x120: {  	[tilespmem:v9+s26+$0x0] =	vst.idx.msk $0xffff, v8  }
0x121: {  	[tilespmem:v9+s28+$0x0] =	vst.idx.msk $0xffff, v10  }
0x122: {  	v9 =	vor.u32 s6, v1;
	v8 =	vld [tilespmem:s10+$0xFFFFFFD0]  }
0x123: {  	v10 =	vld [tilespmem:s31+$0xFFFFFFD0];
	_ =	sdelay $0x3  }
0x124: {  	[tilespmem:v9+s26+$0x0] =	vst.idx.msk $0xffff, v8  }
0x125: {  	[tilespmem:v9+s28+$0x0] =	vst.idx.msk $0xffff, v10  }
0x126: {  	v9 =	vor.u32 s6, v2;
	v8 =	vld [tilespmem:s10+$0xFFFFFFE0]  }
0x127: {  	v10 =	vld [tilespmem:s31+$0xFFFFFFE0];
	_ =	sdelay $0x3  }
0x128: {  	[tilespmem:v9+s26+$0x0] =	vst.idx.msk $0xffff, v8  }
0x129: {  	[tilespmem:v9+s28+$0x0] =	vst.idx.msk $0xffff, v10  }
0x12a: {  	v9 =	vor.u32 s6, v3;
	v8 =	vld [tilespmem:s10+$0xFFFFFFF0]  }
0x12b: {  	v10 =	vld [tilespmem:s31+$0xFFFFFFF0];
	_ =	sdelay $0x3  }
0x12c: {  	[tilespmem:v9+s26+$0x0] =	vst.idx.msk $0xffff, v8  }
0x12d: {  	[tilespmem:v9+s28+$0x0] =	vst.idx.msk $0xffff, v10  }
0x12e: {  	v9 =	vor.u32 s6, v4;
	v8 =	vld [tilespmem:s10+$0x0]  }
0x12f: {  	v10 =	vld [tilespmem:s31+$0x0];
	_ =	sdelay $0x3  }
0x130: {  	[tilespmem:v9+s26+$0x0] =	vst.idx.msk $0xffff, v8  }
0x131: {  	[tilespmem:v9+s28+$0x0] =	vst.idx.msk $0xffff, v10  }
0x132: {  	v9 =	vor.u32 s6, v5;
	v8 =	vld [tilespmem:s10+$0x10]  }
0x133: {  	v10 =	vld [tilespmem:s31+$0x10];
	_ =	sdelay $0x3  }
0x134: {  	[tilespmem:v9+s26+$0x0] =	vst.idx.msk $0xffff, v8  }
0x135: {  	[tilespmem:v9+s28+$0x0] =	vst.idx.msk $0xffff, v10  }
0x136: {  	v9 =	vor.u32 s6, v6;
	v8 =	vld [tilespmem:s10+$0x20]  }
0x137: {  	v10 =	vld [tilespmem:s31+$0x20];
	_ =	sdelay $0x3  }
0x138: {  	[tilespmem:v9+s26+$0x0] =	vst.idx.msk $0xffff, v8  }
0x139: {  	[tilespmem:v9+s28+$0x0] =	vst.idx.msk $0xffff, v10  }
0x13a: {  	v8 =	vor.u32 s6, v7;
	v10 =	vld [tilespmem:s10+$0x30]  }
.Ltmp4:
0x13b: {  	v9 =	vld [tilespmem:s31+$0x30];
	(pc) =	sbr.rel @p4 .LBB2_7-.Ltmp4, $2  }
0x13c: {  	_ =	sdelay $0x2  }
0x13d: {  	[tilespmem:v8+s26+$0x0] =	vst.idx.msk $0xffff, v10  }
0x13e: {  	_ =	sdelay $0x2  }
0x13f: {  	s0 =	sor.u32 $0x8000, s14  }
0x140: {  	[tilespmem:v8+s28+$0x0] =	vst.idx.msk $0xffff, v9;
	s6 =	sadd.s32 s5, s0  }
0x141: {  	[hbm4b:s6+s4] =	stream.linear.scatter [tilespmem:s26], [sflag:$0x3], $0x1000, $0x38;
	[tilespmem:$0x10000] =	vst v63  }
0x142: {  	s0 =	sadd.s32 s7, s0  }
0x143: {  	[hbm4b:s0+s4] =	stream.linear.scatter [tilespmem:s28], [sflag:$0x4], $0x1000, $0x38;
	[tilespmem:$0x10000] =	vst v63  }
0x144: {  	_ =	swait.ge [sflag:s29], $0x1000  }
0x145: {  	[sflag:s29] =	ssyncset.done $0x0  }
0x146: {  	[sflag:s29] =	ssyncadd.s32 $0xFFFFF000  }
0x147: {  	_ =	swait.ge [sflag:s30], $0x1000  }
0x148: {  	s10 =	simm.s32 @!p2 $0x400;
	s0 =	rddreg [dreg:$0xb]  }
0x149: {  	s14 =	simm.s32 @!p2 $0x7A1400;
	[sflag:s30] =	ssyncset.done $0x0;
	s0 =	sadd.s32 @!p2 s0, s19  }
0x14a: {  	s15 =	simm.s32 @!p2 $0x2000;
	[sflag:s30] =	ssyncadd.s32 $0xFFFFF000;
	s6 =	sadd.s32 @!p2 s1, s0  }
0x14b: {  	[tilespmem:s15], [sflag:$0x1] =	stream.strided.gather @!p2 [hbm4b:s6+s10], $0x1000, s14, s10, $0x38;
	[tilespmem:$0x10000] =	vst v63  }
0x14c: {  	s0 =	sadd.s32 @!p2 s2, s0;
	s6 =	simm.s32 @!p2 $0x6000  }
0x14d: {  	[tilespmem:s6], [sflag:$0x2] =	stream.strided.gather @!p2 [hbm4b:s0+s10], $0x1000, s14, s10, $0x38;
	[tilespmem:$0x10000] =	vst v63  }
0x14e: {  	_ =	swait.ge @p3 [sflag:s8], $0x1000  }
0x14f: {  	[sflag:s8] =	ssyncset.done @p3 $0x0  }
0x150: {  	[sflag:s8] =	ssyncadd.s32 @p3 $0xFFFFF000  }
0x151: {  	_ =	swait.ge @p3 [sflag:s9], $0x1000  }
0x152: {  	[sflag:s9] =	ssyncset.done @p3 $0x0  }
0x153: {  	s31 =	simm.s32 $0x0;
	s10 =	simm.s32 $0x3040;
	[sflag:s9] =	ssyncadd.s32 @p3 $0xFFFFF000  }
0x154: {  	v9 =	vor.u32 s31, v0;
	s14 =	simm.s32 $0x7040;
	v8 =	vld [tilespmem:s10+$0xFFFFFFC0]  }
0x155: {  	v10 =	vld [tilespmem:s14+$0xFFFFFFC0];
	_ =	sdelay $0x3  }
0x156: {  	[tilespmem:v9+s17+$0x0] =	vst.idx.msk $0xffff, v8  }
0x157: {  	[tilespmem:v9+s18+$0x0] =	vst.idx.msk $0xffff, v10  }
0x158: {  	v9 =	vor.u32 s31, v1;
	v8 =	vld [tilespmem:s10+$0xFFFFFFD0]  }
0x159: {  	v10 =	vld [tilespmem:s14+$0xFFFFFFD0];
	_ =	sdelay $0x3  }
0x15a: {  	[tilespmem:v9+s17+$0x0] =	vst.idx.msk $0xffff, v8  }
0x15b: {  	[tilespmem:v9+s18+$0x0] =	vst.idx.msk $0xffff, v10  }
0x15c: {  	v9 =	vor.u32 s31, v2;
	v8 =	vld [tilespmem:s10+$0xFFFFFFE0]  }
0x15d: {  	v10 =	vld [tilespmem:s14+$0xFFFFFFE0];
	_ =	sdelay $0x3  }
0x15e: {  	[tilespmem:v9+s17+$0x0] =	vst.idx.msk $0xffff, v8  }
0x15f: {  	[tilespmem:v9+s18+$0x0] =	vst.idx.msk $0xffff, v10  }
0x160: {  	v9 =	vor.u32 s31, v3;
	v8 =	vld [tilespmem:s10+$0xFFFFFFF0]  }
0x161: {  	v10 =	vld [tilespmem:s14+$0xFFFFFFF0];
	_ =	sdelay $0x3  }
0x162: {  	[tilespmem:v9+s17+$0x0] =	vst.idx.msk $0xffff, v8  }
0x163: {  	[tilespmem:v9+s18+$0x0] =	vst.idx.msk $0xffff, v10  }
0x164: {  	v9 =	vor.u32 s31, v4;
	v8 =	vld [tilespmem:s10+$0x0]  }
0x165: {  	v10 =	vld [tilespmem:s14+$0x0];
	_ =	sdelay $0x3  }
0x166: {  	[tilespmem:v9+s17+$0x0] =	vst.idx.msk $0xffff, v8  }
0x167: {  	[tilespmem:v9+s18+$0x0] =	vst.idx.msk $0xffff, v10  }
0x168: {  	v9 =	vor.u32 s31, v5;
	v8 =	vld [tilespmem:s10+$0x10]  }
0x169: {  	v10 =	vld [tilespmem:s14+$0x10];
	_ =	sdelay $0x3  }
0x16a: {  	[tilespmem:v9+s17+$0x0] =	vst.idx.msk $0xffff, v8  }
0x16b: {  	[tilespmem:v9+s18+$0x0] =	vst.idx.msk $0xffff, v10  }
0x16c: {  	v9 =	vor.u32 s31, v6;
	v8 =	vld [tilespmem:s10+$0x20]  }
0x16d: {  	v10 =	vld [tilespmem:s14+$0x20];
	_ =	sdelay $0x3  }
0x16e: {  	[tilespmem:v9+s17+$0x0] =	vst.idx.msk $0xffff, v8  }
0x16f: {  	[tilespmem:v9+s18+$0x0] =	vst.idx.msk $0xffff, v10  }
0x170: {  	v8 =	vor.u32 s31, v7;
	v10 =	vld [tilespmem:s10+$0x30]  }
0x171: {  	v9 =	vld [tilespmem:s14+$0x30];
	_ =	sdelay $0x3  }
0x172: {  	s0 =	simm.s32 $0x1;
	[tilespmem:v8+s17+$0x0] =	vst.idx.msk $0xffff, v10  }
.LBB2_9:
0x173: {  	p2 =	sne.s32 s0, $0x1F;
	[tilespmem:v8+s18+$0x0] =	vst.idx.msk $0xffff, v9;
	s10 =	sadd.s32 $0x80, s10;
	s14 =	sadd.s32 $0x80, s14  }
0x174: {  	v9 =	vor.u32 s0, v0;
	s6 =	smov.u32 s0;
	s0 =	sadd.s32 $0x1, s0;
	v8 =	vld [tilespmem:s10+$0xFFFFFFC0]  }
0x175: {  	v10 =	vld [tilespmem:s14+$0xFFFFFFC0];
	_ =	sdelay $0x3  }
0x176: {  	[tilespmem:v9+s17+$0x0] =	vst.idx.msk $0xffff, v8  }
0x177: {  	[tilespmem:v9+s18+$0x0] =	vst.idx.msk $0xffff, v10  }
0x178: {  	v9 =	vor.u32 s6, v1;
	v8 =	vld [tilespmem:s10+$0xFFFFFFD0]  }
0x179: {  	v10 =	vld [tilespmem:s14+$0xFFFFFFD0];
	_ =	sdelay $0x3  }
0x17a: {  	[tilespmem:v9+s17+$0x0] =	vst.idx.msk $0xffff, v8  }
0x17b: {  	[tilespmem:v9+s18+$0x0] =	vst.idx.msk $0xffff, v10  }
0x17c: {  	v9 =	vor.u32 s6, v2;
	v8 =	vld [tilespmem:s10+$0xFFFFFFE0]  }
0x17d: {  	v10 =	vld [tilespmem:s14+$0xFFFFFFE0];
	_ =	sdelay $0x3  }
0x17e: {  	[tilespmem:v9+s17+$0x0] =	vst.idx.msk $0xffff, v8  }
0x17f: {  	[tilespmem:v9+s18+$0x0] =	vst.idx.msk $0xffff, v10  }
0x180: {  	v9 =	vor.u32 s6, v3;
	v8 =	vld [tilespmem:s10+$0xFFFFFFF0]  }
0x181: {  	v10 =	vld [tilespmem:s14+$0xFFFFFFF0];
	_ =	sdelay $0x3  }
0x182: {  	[tilespmem:v9+s17+$0x0] =	vst.idx.msk $0xffff, v8  }
0x183: {  	[tilespmem:v9+s18+$0x0] =	vst.idx.msk $0xffff, v10  }
0x184: {  	v9 =	vor.u32 s6, v4;
	v8 =	vld [tilespmem:s10+$0x0]  }
0x185: {  	v10 =	vld [tilespmem:s14+$0x0];
	_ =	sdelay $0x3  }
0x186: {  	[tilespmem:v9+s17+$0x0] =	vst.idx.msk $0xffff, v8  }
0x187: {  	[tilespmem:v9+s18+$0x0] =	vst.idx.msk $0xffff, v10  }
0x188: {  	v9 =	vor.u32 s6, v5;
	v8 =	vld [tilespmem:s10+$0x10]  }
0x189: {  	v10 =	vld [tilespmem:s14+$0x10];
	_ =	sdelay $0x3  }
0x18a: {  	[tilespmem:v9+s17+$0x0] =	vst.idx.msk $0xffff, v8  }
0x18b: {  	[tilespmem:v9+s18+$0x0] =	vst.idx.msk $0xffff, v10  }
0x18c: {  	v9 =	vor.u32 s6, v6;
	v8 =	vld [tilespmem:s10+$0x20]  }
0x18d: {  	v10 =	vld [tilespmem:s14+$0x20];
	_ =	sdelay $0x3  }
0x18e: {  	[tilespmem:v9+s17+$0x0] =	vst.idx.msk $0xffff, v8  }
0x18f: {  	[tilespmem:v9+s18+$0x0] =	vst.idx.msk $0xffff, v10  }
0x190: {  	v8 =	vor.u32 s6, v7;
	v10 =	vld [tilespmem:s10+$0x30]  }
.Ltmp5:
0x191: {  	v9 =	vld [tilespmem:s14+$0x30];
	(pc) =	sbr.rel @p2 .LBB2_9-.Ltmp5, $2  }
0x192: {  	_ =	sdelay $0x2  }
0x193: {  	[tilespmem:v8+s17+$0x0] =	vst.idx.msk $0xffff, v10  }
0x194: {  	_ = 	snop  }
0x195: {  	s11 =	sadd.s32 $0x1, s11  }
0x196: {  	s0 =	sshll.u32 s13, $0xE;
	p2 =	sne.s32 s11, $0x3D  }
.Ltmp6:
0x197: {  	s0 =	sor.u32 s12, s0;
	(pc) =	sbr.rel @p2 .LBB2_2-.Ltmp6, $4  }
0x198: {  	[tilespmem:v8+s18+$0x0] =	vst.idx.msk $0xffff, v9;
	s6 =	sadd.s32 s5, s0  }
0x199: {  	[hbm4b:s6+s4] =	stream.linear.scatter [tilespmem:s17], [sflag:$0x3], $0x1000, $0x38;
	[tilespmem:$0x10000] =	vst v63  }
0x19a: {  	s0 =	sadd.s32 s7, s0  }
0x19b: {  	[hbm4b:s0+s4] =	stream.linear.scatter [tilespmem:s18], [sflag:$0x4], $0x1000, $0x38;
	[tilespmem:$0x10000] =	vst v63  }
.Ltmp7:
0x19c: {  	(pc) =	sbr.rel @p1 .LBB2_15-.Ltmp7, $2  }
0x19d: {  	_ =	sdelay $0x2  }
0x19e: {  	s6 =	rddreg [dreg:$0xf]  }
0x19f: {  	_ =	swait.ge [sflag:s29], $0x1000  }
0x1a0: {  	[sflag:s29] =	ssyncset.done $0x0  }
0x1a1: {  	[sflag:s29] =	ssyncadd.s32 $0xFFFFF000  }
0x1a2: {  	_ =	swait.ge [sflag:s30], $0x1000  }
0x1a3: {  	[sflag:s30] =	ssyncset.done $0x0  }
0x1a4: {  	[sflag:s30] =	ssyncadd.s32 $0xFFFFF000  }
0x1a5: {  	_ =	swait.ge [sflag:s8], $0x1000  }
0x1a6: {  	[sflag:s8] =	ssyncset.done $0x0  }
0x1a7: {  	[sflag:s8] =	ssyncadd.s32 $0xFFFFF000  }
0x1a8: {  	_ =	swait.ge [sflag:s9], $0x1000  }
0x1a9: {  	[sflag:s9] =	ssyncset.done $0x0  }
0x1aa: {  	s0 =	simm.s32 $0x0;
	s10 =	simm.s32 $0x40;
	[sflag:s9] =	ssyncadd.s32 $0xFFFFF000  }
0x1ab: {  	s11 =	simm.s32 $0x4040;
	v9 =	vor.u32 s0, v0;
	v8 =	vld [tilespmem:s10+$0xFFFFFFC0]  }
0x1ac: {  	v10 =	vld [tilespmem:s11+$0xFFFFFFC0];
	_ =	sdelay $0x3  }
0x1ad: {  	[tilespmem:v9+s3+$0x0] =	vst.idx.msk $0xffff, v8  }
0x1ae: {  	[tilespmem:v9+s23+$0x0] =	vst.idx.msk $0xffff, v10  }
0x1af: {  	v9 =	vor.u32 s0, v1;
	v8 =	vld [tilespmem:s10+$0xFFFFFFD0]  }
0x1b0: {  	v10 =	vld [tilespmem:s11+$0xFFFFFFD0];
	_ =	sdelay $0x3  }
0x1b1: {  	[tilespmem:v9+s3+$0x0] =	vst.idx.msk $0xffff, v8  }
0x1b2: {  	[tilespmem:v9+s23+$0x0] =	vst.idx.msk $0xffff, v10  }
0x1b3: {  	v9 =	vor.u32 s0, v2;
	v8 =	vld [tilespmem:s10+$0xFFFFFFE0]  }
0x1b4: {  	v10 =	vld [tilespmem:s11+$0xFFFFFFE0];
	_ =	sdelay $0x3  }
0x1b5: {  	[tilespmem:v9+s3+$0x0] =	vst.idx.msk $0xffff, v8  }
0x1b6: {  	[tilespmem:v9+s23+$0x0] =	vst.idx.msk $0xffff, v10  }
0x1b7: {  	v9 =	vor.u32 s0, v3;
	v8 =	vld [tilespmem:s10+$0xFFFFFFF0]  }
0x1b8: {  	v10 =	vld [tilespmem:s11+$0xFFFFFFF0];
	_ =	sdelay $0x3  }
0x1b9: {  	[tilespmem:v9+s3+$0x0] =	vst.idx.msk $0xffff, v8  }
0x1ba: {  	[tilespmem:v9+s23+$0x0] =	vst.idx.msk $0xffff, v10  }
0x1bb: {  	v9 =	vor.u32 s0, v4;
	v8 =	vld [tilespmem:s10+$0x0]  }
0x1bc: {  	v10 =	vld [tilespmem:s11+$0x0];
	_ =	sdelay $0x3  }
0x1bd: {  	[tilespmem:v9+s3+$0x0] =	vst.idx.msk $0xffff, v8  }
0x1be: {  	[tilespmem:v9+s23+$0x0] =	vst.idx.msk $0xffff, v10  }
0x1bf: {  	v9 =	vor.u32 s0, v5;
	v8 =	vld [tilespmem:s10+$0x10]  }
0x1c0: {  	v10 =	vld [tilespmem:s11+$0x10];
	_ =	sdelay $0x3  }
0x1c1: {  	[tilespmem:v9+s3+$0x0] =	vst.idx.msk $0xffff, v8  }
0x1c2: {  	[tilespmem:v9+s23+$0x0] =	vst.idx.msk $0xffff, v10  }
0x1c3: {  	v9 =	vor.u32 s0, v6;
	v8 =	vld [tilespmem:s10+$0x20]  }
0x1c4: {  	v10 =	vld [tilespmem:s11+$0x20];
	_ =	sdelay $0x3  }
0x1c5: {  	[tilespmem:v9+s3+$0x0] =	vst.idx.msk $0xffff, v8  }
0x1c6: {  	[tilespmem:v9+s23+$0x0] =	vst.idx.msk $0xffff, v10  }
0x1c7: {  	v8 =	vor.u32 s0, v7;
	v10 =	vld [tilespmem:s10+$0x30]  }
0x1c8: {  	v9 =	vld [tilespmem:s11+$0x30];
	_ =	sdelay $0x3  }
0x1c9: {  	s0 =	simm.s32 $0x1;
	[tilespmem:v8+s3+$0x0] =	vst.idx.msk $0xffff, v10  }
.LBB2_13:
0x1ca: {  	p2 =	sne.s32 s0, $0x1F;
	[tilespmem:v8+s23+$0x0] =	vst.idx.msk $0xffff, v9;
	s10 =	sadd.s32 $0x80, s10;
	s11 =	sadd.s32 $0x80, s11  }
0x1cb: {  	v9 =	vor.u32 s0, v0;
	s6 =	smov.u32 s0;
	s0 =	sadd.s32 $0x1, s0;
	v8 =	vld [tilespmem:s10+$0xFFFFFFC0]  }
0x1cc: {  	v10 =	vld [tilespmem:s11+$0xFFFFFFC0];
	_ =	sdelay $0x3  }
0x1cd: {  	[tilespmem:v9+s3+$0x0] =	vst.idx.msk $0xffff, v8  }
0x1ce: {  	[tilespmem:v9+s23+$0x0] =	vst.idx.msk $0xffff, v10  }
0x1cf: {  	v9 =	vor.u32 s6, v1;
	v8 =	vld [tilespmem:s10+$0xFFFFFFD0]  }
0x1d0: {  	v10 =	vld [tilespmem:s11+$0xFFFFFFD0];
	_ =	sdelay $0x3  }
0x1d1: {  	[tilespmem:v9+s3+$0x0] =	vst.idx.msk $0xffff, v8  }
0x1d2: {  	[tilespmem:v9+s23+$0x0] =	vst.idx.msk $0xffff, v10  }
0x1d3: {  	v9 =	vor.u32 s6, v2;
	v8 =	vld [tilespmem:s10+$0xFFFFFFE0]  }
0x1d4: {  	v10 =	vld [tilespmem:s11+$0xFFFFFFE0];
	_ =	sdelay $0x3  }
0x1d5: {  	[tilespmem:v9+s3+$0x0] =	vst.idx.msk $0xffff, v8  }
0x1d6: {  	[tilespmem:v9+s23+$0x0] =	vst.idx.msk $0xffff, v10  }
0x1d7: {  	v9 =	vor.u32 s6, v3;
	v8 =	vld [tilespmem:s10+$0xFFFFFFF0]  }
0x1d8: {  	v10 =	vld [tilespmem:s11+$0xFFFFFFF0];
	_ =	sdelay $0x3  }
0x1d9: {  	[tilespmem:v9+s3+$0x0] =	vst.idx.msk $0xffff, v8  }
0x1da: {  	[tilespmem:v9+s23+$0x0] =	vst.idx.msk $0xffff, v10  }
0x1db: {  	v9 =	vor.u32 s6, v4;
	v8 =	vld [tilespmem:s10+$0x0]  }
0x1dc: {  	v10 =	vld [tilespmem:s11+$0x0];
	_ =	sdelay $0x3  }
0x1dd: {  	[tilespmem:v9+s3+$0x0] =	vst.idx.msk $0xffff, v8  }
0x1de: {  	[tilespmem:v9+s23+$0x0] =	vst.idx.msk $0xffff, v10  }
0x1df: {  	v9 =	vor.u32 s6, v5;
	v8 =	vld [tilespmem:s10+$0x10]  }
0x1e0: {  	v10 =	vld [tilespmem:s11+$0x10];
	_ =	sdelay $0x3  }
0x1e1: {  	[tilespmem:v9+s3+$0x0] =	vst.idx.msk $0xffff, v8  }
0x1e2: {  	[tilespmem:v9+s23+$0x0] =	vst.idx.msk $0xffff, v10  }
0x1e3: {  	v9 =	vor.u32 s6, v6;
	v8 =	vld [tilespmem:s10+$0x20]  }
0x1e4: {  	v10 =	vld [tilespmem:s11+$0x20];
	_ =	sdelay $0x3  }
0x1e5: {  	[tilespmem:v9+s3+$0x0] =	vst.idx.msk $0xffff, v8  }
0x1e6: {  	[tilespmem:v9+s23+$0x0] =	vst.idx.msk $0xffff, v10  }
0x1e7: {  	v8 =	vor.u32 s6, v7;
	v10 =	vld [tilespmem:s10+$0x30]  }
.Ltmp8:
0x1e8: {  	v9 =	vld [tilespmem:s11+$0x30];
	(pc) =	sbr.rel @p2 .LBB2_13-.Ltmp8, $2  }
0x1e9: {  	_ =	sdelay $0x2  }
0x1ea: {  	[tilespmem:v8+s3+$0x0] =	vst.idx.msk $0xffff, v10  }
0x1eb: {  	_ =	sdelay $0x2  }
.Ltmp9:
0x1ec: {  	s0 =	rddreg [dreg:$0xc];
	(pc) =	sbr.rel .LBB2_15-.Ltmp9, $4  }
0x1ed: {  	[tilespmem:v8+s23+$0x0] =	vst.idx.msk $0xffff, v9;
	s31 =	rddreg [dreg:$0xd]  }
0x1ee: {  	[hbm4b:s0+s4] =	stream.linear.scatter [tilespmem:s3], [sflag:$0x3], $0x1000, $0x38;
	[tilespmem:$0x10000] =	vst v63  }
0x1ef: {  	s6 =	rddreg [dreg:$0xf]  }
0x1f0: {  	[hbm4b:s31+s4] =	stream.linear.scatter [tilespmem:s23], [sflag:$0x4], $0x1000, $0x38;
	[tilespmem:$0x10000] =	vst v63  }
.LBB2_16:
0x1f1: {  	_ =	sfence.sel $0x180000  }
0x1f2: {  	[bflag:$0x0] =	sbarrier.arrive $0xFFFF  }
0x1f3: {  	_ =	strace $0x90000047  }
0x1f4: {  	s0 =	stileid.u32;
	[bflag:$0x2] =	sbarrier.arrive $0xFFFF  }
0x1f5: {  	p0 =	sne.s32 s0, $0x0;
	s0 =	rddreg [dreg:$0x3]  }
0x1f6: {  	s0 =	sadd.s32 @!p0 $0x100000, s0  }
0x1f7: {  	[sflag:s0] =	ssyncadd.tile.s32 @!p0 $0x1;
	_ =	shalt  }
.Lfunc_end2:
_tile_overlayer_lowered:
.L_overlay_start_2:
0x1f8: {  	(tag) =	ssettag $0x2  }
0x1f9: {  	s0 =	rddreg [dreg:$0x0];
	s2 =	stileid.u32  }
0x1fa: {  	s1 =	rddreg [dreg:$0x1];
	p0 =	sne.s32 s2, $0x0  }
0x1fb: {  	s3 =	rddreg [dreg:$0x2];
	[bflag:$0x3] =	sbarrier.arrive $0xFFFF;
	s2 =	simm.s32 @!p0 $0x1C05  }
0x1fc: {  	[timem:s3], [sflag:s2] =	dma.local @!p0 [hbm:s0], s1  }
0x1fd: {  	s0 =	simm.s32 @!p0 $0x5  }
0x1fe: {  	_ =	swait.ge @!p0 [sflag:s0], s1  }
0x1ff: {  	s1 =	ssub.s32 @!p0 $0x0, s1;
	[sflag:s0] =	ssyncset.done @!p0 $0x0  }
0x200: {  	[sflag:s0] =	ssyncadd.s32 @!p0 s1  }
0x201: {  	[bflag:$0x3] =	sbarrier.arrive $0xFFFF  }
0x202: {  	_ =	shalt  }

// kernel: kernel.7.cloned.1.call-start
scs
__scs_entry_jumppad:
0x0: {  	(pc) =	sbr.rel $0x88, $3  }
0x1: {  	(tag) =	ssettag $0x0;
	lr =	simm.s32 $0x1  }
0x2: {  	[smem:$0x3F9B] =	sst lr;
	_ =	strace $0xD0000000  }
0x3: {  	_ = 	snop  }
0x4: {  	_ = 	snop  }
0x5: {  	_ = 	snop  }
0x6: {  	_ = 	snop  }
0x7: {  	_ = 	snop  }
__scs_overlays_trampoline_lowered:
0x8: {  	[smem:$0x3FAA] =	sst s0  }
0x9: {  	[smem:$0x3FAB] =	sst s1  }
0xa: {  	[smem:$0x3FAC] =	sst s2  }
0xb: {  	[smem:$0x3FAD] =	sst s3  }
0xc: {  	[smem:$0x3FAE] =	sst s4  }
0xd: {  	[smem:$0x3FAF] =	sst s5  }
0xe: {  	[smem:$0x3FB0] =	sst s6  }
0xf: {  	[smem:$0x3FB1] =	sst s7  }
0x10: {  	[smem:$0x3FB2] =	sst s8  }
0x11: {  	[smem:$0x3FB3] =	sst s9;
	s0 =	simm.s32 @!p0 $0x0  }
0x12: {  	s1 =	sld [smem:$0x3F99];
	s0 =	simm.s32 @p0 $0x1  }
0x13: {  	[smem:$0x3FB4] =	sst s0;
	s0 =	simm.s32 @!p1 $0x0  }
0x14: {  	s2 =	sld [smem:$0x3F98];
	s0 =	simm.s32 @p1 $0x1  }
0x15: {  	[smem:$0x3FB5] =	sst s0;
	s0 =	simm.s32 @!p2 $0x0  }
0x16: {  	s3 =	sld [smem:$0x3FDB];
	s0 =	simm.s32 @p2 $0x1  }
0x17: {  	s4 =	simm.s32 $0x1BF5;
	[smem:$0x3FB7] =	sst s0  }
0x18: {  	s0 =	sld [smem:$0x3F9A];
	_ =	swait.ge [sflag:s4], $0x0  }
0x19: {  	s7 =	sld [smem:$0x3F9B]  }
0x1a: {  	s8 =	sadd.s32 $0xFFFFE003, lr  }
0x1b: {  	s9 =	sadd.s32 $0xFFFFFEF7, lr;
	s5 =	simm.s32 $0xFFFFFFFF;
	p2 =	slt.u32 s8, $0xFFFFF086  }
0x1c: {  	p1 =	slt.u32 s9, $0xF7A;
	s5 =	simm.s32 @!p2 $0x0  }
0x1d: {  	s5 =	simm.s32 @p1 $0x1;
	p0 =	seq.s32 s7, s2  }
0x1e: {  	s7 =	smul.u32 @!p0 $0xF7A, s2;
	p2 =	seq.s32 @!p0 s5, $0x0  }
0x1f: {  	s9 =	smul.u32 $0xF7A, s1;
	s8 =	simm.s32 @!p0 $0x1BF5;
	p2 =	por !p2, p0  }
0x20: {  	[sflag:s8] =	ssyncset.s32 @!p0 $0xFFFFF086;
	s6 =	sadd.s32 @!p0 s3, s7;
	s7 =	simm.s32 @!p0 $0x108  }
0x21: {  	s3 =	sadd.s32 s3, s9;
	s6 =	sadd.s32 @!p0 $0x88, s6;
	s7 =	simm.s32 @p2 $0x1082  }
0x22: {  	[simem:s7], [sflag:s8] =	dma.local @!p0 [hbm:s6], $0xF7A  }
0x23: {  	s9 =	sor.u32 $0xD0000000, s2;
	s6 =	simm.s32 $0x108;
	_ =	swait.ge @!p0 [sflag:s8], $0x0  }
0x24: {  	s3 =	sadd.s32 $0x88, s3;
	s6 =	simm.s32 @!p1 $0x1082;
	[sflag:s4] =	ssyncset.s32 $0xFFFFF086  }
0x25: {  	[simem:s6], [sflag:s4] =	dma.local [hbm:s3], $0xF7A  }
0x26: {  	[smem:$0x3F9B] =	sst s1;
	(tag) =	ssettag s2;
	_ =	strace s9  }
0x27: {  	s1 =	sld [smem:$0x3FAB]  }
0x28: {  	s2 =	sld [smem:$0x3FAC]  }
0x29: {  	s4 =	sld [smem:$0x3FAE]  }
0x2a: {  	p0 =	seq.s32 s5, $0x0;
	s5 =	sld [smem:$0x3FAF]  }
0x2b: {  	s6 =	sld [smem:$0x3FB0]  }
0x2c: {  	s7 =	sld [smem:$0x3FB1]  }
0x2d: {  	s3 =	simm.s32 $0x108;
	s8 =	sld [smem:$0x3FB2]  }
0x2e: {  	s3 =	simm.s32 @!p0 $0x1082;
	s9 =	sld [smem:$0x3FB3]  }
0x2f: {  	lr =	sadd.s32 s0, s3;
	s0 =	sld [smem:$0x3FAA]  }
0x30: {  	s3 =	sld [smem:$0x3FAD]  }
0x31: {  	[smem:$0x3FB6] =	sst s10  }
0x32: {  	s10 =	sld [smem:$0x3FB4];
	_ =	sdelay $0x3  }
0x33: {  	p0 =	seq.s32 s10, $0x1;
	s10 =	sld [smem:$0x3FB6];
	_ =	sdelay $0x3  }
0x34: {  	[smem:$0x3FB6] =	sst s10  }
0x35: {  	s10 =	sld [smem:$0x3FB5];
	_ =	sdelay $0x3  }
0x36: {  	p1 =	seq.s32 s10, $0x1;
	s10 =	sld [smem:$0x3FB6];
	_ =	sdelay $0x3  }
0x37: {  	[smem:$0x3FB6] =	sst s10  }
0x38: {  	s10 =	sld [smem:$0x3FB7]  }
0x39: {  	_ = 	snop;
	(pc) =	sbr.ind lr, $3  }
0x3a: {  	_ = 	snop  }
0x3b: {  	_ = 	snop  }
0x3c: {  	p2 =	seq.s32 s10, $0x1;
	s10 =	sld [smem:$0x3FB6]  }
0x3d: {  	_ =	shalt  }
0x3e: {  	_ =	shalt  }
0x3f: {  	_ =	shalt  }
0x40: {  	_ =	shalt  }
0x41: {  	_ =	shalt  }
0x42: {  	_ =	shalt  }
0x43: {  	_ =	shalt  }
0x44: {  	_ =	shalt  }
0x45: {  	_ =	shalt  }
0x46: {  	_ =	shalt  }
0x47: {  	_ =	shalt  }
0x48: {  	_ =	shalt  }
0x49: {  	_ =	shalt  }
0x4a: {  	_ =	shalt  }
0x4b: {  	_ =	shalt  }
0x4c: {  	_ =	shalt  }
0x4d: {  	_ =	shalt  }
0x4e: {  	_ =	shalt  }
0x4f: {  	_ =	shalt  }
0x50: {  	_ =	shalt  }
0x51: {  	_ =	shalt  }
0x52: {  	_ =	shalt  }
0x53: {  	_ =	shalt  }
0x54: {  	_ =	shalt  }
0x55: {  	_ =	shalt  }
0x56: {  	_ =	shalt  }
0x57: {  	_ =	shalt  }
0x58: {  	_ =	shalt  }
0x59: {  	_ =	shalt  }
0x5a: {  	_ =	shalt  }
0x5b: {  	_ =	shalt  }
0x5c: {  	_ =	shalt  }
0x5d: {  	_ =	shalt  }
0x5e: {  	_ =	shalt  }
0x5f: {  	_ =	shalt  }
0x60: {  	_ =	shalt  }
0x61: {  	_ =	shalt  }
0x62: {  	_ =	shalt  }
0x63: {  	_ =	shalt  }
0x64: {  	_ =	shalt  }
0x65: {  	_ =	shalt  }
0x66: {  	_ =	shalt  }
0x67: {  	_ =	shalt  }
0x68: {  	_ =	shalt  }
0x69: {  	_ =	shalt  }
0x6a: {  	_ =	shalt  }
0x6b: {  	_ =	shalt  }
0x6c: {  	_ =	shalt  }
0x6d: {  	_ =	shalt  }
0x6e: {  	_ =	shalt  }
0x6f: {  	_ =	shalt  }
0x70: {  	_ =	shalt  }
0x71: {  	_ =	shalt  }
0x72: {  	_ =	shalt  }
0x73: {  	_ =	shalt  }
0x74: {  	_ =	shalt  }
0x75: {  	_ =	shalt  }
0x76: {  	_ =	shalt  }
0x77: {  	_ =	shalt  }
0x78: {  	_ =	shalt  }
0x79: {  	_ =	shalt  }
0x7a: {  	_ =	shalt  }
0x7b: {  	_ =	shalt  }
0x7c: {  	_ =	shalt  }
0x7d: {  	_ =	shalt  }
0x7e: {  	_ =	shalt  }
0x7f: {  	_ =	shalt  }
0x80: {  	_ =	shalt  }
0x81: {  	_ =	shalt  }
0x82: {  	_ =	shalt  }
0x83: {  	_ =	shalt  }
0x84: {  	_ =	shalt  }
0x85: {  	_ =	shalt  }
0x86: {  	_ =	shalt  }
0x87: {  	_ =	shalt  }
.Lfunc_end0:
.L_simem_size_0:
called_computation.1_lowered:
.L_overlay_start_0:
0x88: {  	s2 =	sld [smem:$0x3FD9]  }
0x89: {  	s3 =	sld [smem:$0x3FFE];
	_ =	sdelay $0x1  }
0x8a: {  	s1 =	srdreg.scid  }
0x8b: {  	s0 =	sand.u32 $0x1, s1  }
0x8c: {  	s17 =	sshll.u32 s0, $0xA;
	s2 =	sadd.s32 s3, s2  }
0x8d: {  	s2 =	sadd.s32 s2, s17  }
0x8e: {  	[smem:$0x3FC2] =	sst s2  }
0x8f: {  	_ = 	snop  }
0x90: {  	s2 =	sld [smem:$0x3FC9]  }
0x91: {  	s18 =	sld [smem:$0x3FC8]  }
0x92: {  	s4 =	sld [smem:$0x3FD0];
	(tm) =	ssettm $0x1  }
0x93: {  	s5 =	sld [smem:$0x3FFB];
	_ =	sdelay $0x3  }
0x94: {  	_ =	strace s5  }
0x95: {  	s5 =	sld [smem:$0x3FFC];
	_ =	sdelay $0x3  }
0x96: {  	_ =	strace s5  }
0x97: {  	s5 =	sld [smem:$0x3FFD];
	_ =	sdelay $0x3  }
0x98: {  	_ =	strace s5  }
0x99: {  	_ =	strace $0x8FFFFFFF  }
0x9a: {  	s19 =	sld [smem:$0x3FDB];
	_ =	sdelay $0x1  }
0x9b: {  	s6 =	simm.s32 $_scs_section_size  }
0x9c: {  	s7 =	simm.s32 $_size__tile_overlayer_lowered;
	s8 =	simm.s32 $_tile_overlayer_lowered  }
0x9d: {  	s22 =	simm.s32 $0x1BFF;
	s21 =	sshll.u32 s8, $0x1;
	s5 =	sadd.s32 s6, s19  }
0x9e: {  	s9 =	simm.s32 $0x0;
	s20 =	sshll.u32 s7, $0x1;
	s7 =	sadd.s32 s21, s5  }
0x9f: {  	[timem:s9], [sflag:s22] =	dma.local [hbm:s7], s20  }
0xa0: {  	_ =	swait.ge [sflag:s22], s20  }
0xa1: {  	s6 =	ssub.s32 $0x0, s20;
	[sflag:s22] =	ssyncset.done $0x0  }
0xa2: {  	[sflag:s22] =	ssyncadd.s32 s6;
	_ =	sdelay $0x1  }
0xa3: {  	s23 =	simm.s32 $0x1B8B  }
0xa4: {  	_ =	swait.ge [sflag:s23], $0x1  }
0xa5: {  	[sflag:s23] =	ssyncset.done $0x0  }
0xa6: {  	s25 =	simm.s32 $0x1B8E;
	s24 =	sld [smem:$0x3FFE];
	[sflag:s23] =	ssyncadd.s32 $0xFFFFFFFF  }
0xa7: {  	s26 =	simm.s32 $execute0_lowered;
	[smem:$0x3FD2] =	sst s25  }
0xa8: {  	s7 =	sshll.u32 s26, $0x1;
	_ =	strace $0x80000049;
	[dreg:$0x1] =	wrdreg $0xFFFFFFFF  }
0xa9: {  	s28 =	simm.s32 $_size_execute0_lowered;
	s5 =	sadd.s32 s5, s7;
	[dreg:$0x0] =	wrdreg $0x0  }
0xaa: {  	s7 =	sshll.u32 s28, $0x1;
	[dreg:$0x2] =	wrdreg s5  }
0xab: {  	[dreg:$0x3] =	wrdreg s7  }
0xac: {  	[dreg:$0x4] =	wrdreg $0xC0  }
0xad: {  	_ =	task [dreg:s9], $0x5FFFF  }
0xae: {  	[dreg:$0x1] =	wrdreg $0xFFFFFFFF  }
0xaf: {  	[dreg:$0x0] =	wrdreg $0x60  }
0xb0: {  	[dreg:$0x2] =	wrdreg s2  }
0xb1: {  	[dreg:$0x3] =	wrdreg s18  }
0xb2: {  	[dreg:$0x4] =	wrdreg s24  }
0xb3: {  	[dreg:$0x5] =	wrdreg s4  }
0xb4: {  	[dreg:$0x6] =	wrdreg $0x9  }
0xb5: {  	_ =	task.clear_ibuf [dreg:s9], $0x7FFFF;
	_ =	strace $0x90000049  }
0xb6: {  	s29 =	simm.s32 $0x9;
	_ =	strace $0x8000004B  }
0xb7: {  	_ =	swait.ge [sflag:s29], $0x1  }
0xb8: {  	[sflag:s29] =	ssyncadd.s32 $0xFFFFFFFF  }
0xb9: {  	_ =	strace $0x9000004B  }
0xba: {  	_ =	sfence  }
0xbb: {  	s30 =	sld [smem:$0x0];
	_ =	sdelay $0x2  }
0xbc: {  	s31 =	sshll.u32 s1, $0xD;
	s1 =	sshrl.u32 s1, $0x2  }
0xbd: {  	s3 =	sand.u32 $0x4000, s31;
	s1 =	sadd.s32 s1, s30  }
0xbe: {  	s0 =	sor.u32 s3, s0;
	s1 =	sshll.u32 s1, $0x11  }
0xbf: {  	s0 =	sor.u32 s1, s0  }
0xc0: {  	s0 =	sadd.s32 $0x8F2B, s0  }
0xc1: {  	[sflag:s0] =	ssyncadd.remote.s32 $0x1  }
0xc2: {  	_ =	sfence.sel $0xFFFF  }
0xc3: {  	[dreg:$0x0] =	wrdreg $0xFFFFFFFF;
	(pc) =	sbr.abs _section_cstart, $3  }
0xc4: {  	[dreg:$0x1] =	wrdreg $0xFFFFFFFF  }
0xc5: {  	_ =	task.clear_ibuf [dreg:s9], $0x2FFFF;
	_ =	strace $0x9FFFFFFF  }
0xc6: {  	(tm) =	ssettm $0x7FFFFFFF  }
0xc7: {  	_ =	shalt  }
tec
execute0_lowered:
.L_overlay_start_1:
0x0: {  	(tag) =	ssettag $0x1  }
0x1: {  	s0 =	rddreg [dreg:$0x0]  }
0x2: {  	s1 =	rddreg [dreg:$0x1]  }
0x3: {  	s2 =	rddreg [dreg:$0x2]  }
0x4: {  	s3 =	rddreg [dreg:$0x3];
	s7 =	simm.s32 $0x0  }
0x5: {  	s25 =	srdreg.scid;
	[smem:$0x7FF] =	sst s7;
	s4 =	sadd.s32 $0xE00, s2  }
0x6: {  	s6 =	stileid.u32;
	s23 =	sadd.s32 $0x3D1600, s2;
	s24 =	sadd.s32 $0x7A1E00, s2  }
0x7: {  	s5 =	sadd.s32 $0x7A2000, s2;
	_ =	strace $0x8000004A;
	[dreg:$0x5] =	wrdreg s4  }
0x8: {  	s6 =	sshll.u32 s6, $0x7;
	[dreg:$0x6] =	wrdreg s23;
	s4 =	sand.u32 $0x1, s25  }
0x9: {  	[dreg:$0x7] =	wrdreg s24;
	s26 =	ssub.s32 $0x2, s4;
	s4 =	sshll.u32 s4, $0x6  }
0xa: {  	vm15 =	vmmov $0x1;
	vm1 =	vmmov $0x3;
	s2 =	sadd.s32 $0x7A2200, s2;
	[dreg:$0x8] =	wrdreg s5;
	s4 =	sor.u32 s4, s6  }
0xb: {  	vm2 =	vmmov $0x7;
	vm3 =	vmmov $0xf;
	vm4 =	vmmov $0x1f;
	[dreg:$0x9] =	wrdreg s2;
	s0 =	sadd.s32 s0, s4  }
0xc: {  	vm5 =	vmmov $0x3f;
	vm6 =	vmmov $0x7f;
	vm7 =	vmmov $0xff;
	s28 =	sshrl.u32 s26, $0x1;
	s29 =	sadd.s32 s1, s4;
	[dreg:$0xa] =	wrdreg s0  }
0xd: {  	vm8 =	vmmov $0x1ff;
	vm9 =	vmmov $0x3ff;
	v0 =	vimm.s32 $0x0;
	s2 =	ssub.s32 s26, s28;
	s30 =	sadd.s32 s3, s4;
	[dreg:$0xb] =	wrdreg s29  }
0xe: {  	vm10 =	vmmov $0x7ff;
	vm11 =	vmmov $0xfff;
	v0 =	vsel vm15, $0xFFFFFFFF, v0;
	[dreg:$0xc] =	wrdreg s30;
	s31 =	smax.u32 s2, $0x1  }
0xf: {  	vm12 =	vmmov $0x1fff;
	vm13 =	vmmov $0x3fff;
	vm14 =	vmmov $0x7fff;
	[tilespmem:$0x1FFF0] =	vst v0;
	s1 =	simm.s32 $0x3;
	s2 =	simm.s32 $0x0;
	[dreg:$0xd] =	wrdreg s31  }
.LBB2_1:
0x10: {  	[dreg:$0xe] =	wrdreg s2  }
0x11: {  	s0 =	rddreg [dreg:$0xa]  }
0x12: {  	[tilespmem:s7], [sflag:$0x3] =	stream.linear.gather [hbm4b:s0+s7], $0x200, $0x38;
	[tilespmem:$0x11A40] =	vst v63  }
0x13: {  	_ =	swait.ge [sflag:s1], $0x200  }
0x14: {  	[sflag:s1] =	ssyncset.done $0x0  }
0x15: {  	s24 =	simm.s32 $0x200;
	s23 =	rddreg [dreg:$0xb];
	[sflag:s1] =	ssyncadd.s32 $0xFFFFFE00  }
0x16: {  	[tilespmem:s24], [sflag:$0x3] =	stream.linear.gather [hbm4b:s23+s7], $0x200, $0x38;
	[tilespmem:$0x11A40] =	vst v63  }
0x17: {  	_ =	swait.ge [sflag:s1], $0x200  }
0x18: {  	[sflag:s1] =	ssyncset.done $0x0  }
0x19: {  	s26 =	simm.s32 $0x11800;
	s25 =	rddreg [dreg:$0x9];
	[sflag:s1] =	ssyncadd.s32 $0xFFFFFE00  }
0x1a: {  	[tilespmem:s26], [sflag:$0x3] =	stream.linear.gather [hbm4b:s25+s7], $0x40, $0x38;
	[tilespmem:$0x11A40] =	vst v63  }
0x1b: {  	_ =	swait.ge [sflag:s1], $0x40  }
0x1c: {  	[sflag:s1] =	ssyncset.done $0x0  }
0x1d: {  	s29 =	simm.s32 $0x10800;
	s28 =	rddreg [dreg:$0x7];
	[sflag:s1] =	ssyncadd.s32 $0xFFFFFFC0  }
0x1e: {  	[tilespmem:s29], [sflag:$0x3] =	stream.linear.gather [hbm4b:s28+s7], $0x800, $0x38;
	[tilespmem:$0x11A40] =	vst v63  }
0x1f: {  	_ =	swait.ge [sflag:s1], $0x800  }
0x20: {  	[sflag:s1] =	ssyncset.done $0x0  }
0x21: {  	s31 =	simm.s32 $0x11000;
	s30 =	rddreg [dreg:$0x8];
	[sflag:s1] =	ssyncadd.s32 $0xFFFFF800  }
0x22: {  	[tilespmem:s31], [sflag:$0x3] =	stream.linear.gather [hbm4b:s30+s7], $0x800, $0x38;
	[tilespmem:$0x11A40] =	vst v63  }
0x23: {  	_ =	swait.ge [sflag:s1], $0x800  }
0x24: {  	[sflag:s1] =	ssyncset.done $0x0  }
0x25: {  	s0 =	simm.s32 $0x0;
	[sflag:s1] =	ssyncadd.s32 $0xFFFFF800  }
0x26: {  	v0 =	vld [tilespmem:s0+$0x270]  }
0x27: {  	v1 =	vld [tilespmem:s0+$0x0]  }
0x28: {  	v2 =	vld [tilespmem:s0+$0x200];
	_ =	sdelay $0x1  }
0x29: {  	v3 =	vld [tilespmem:s0+$0x10]  }
0x2a: {  	v4 =	vld [tilespmem:s0+$0x210];
	v0 =	vshra.s32 v0, $0x2  }
0x2b: {  	v5 =	vld [tilespmem:s0+$0x20];
	v1 =	vshra.s32 v1, $0x2;
	vm15 =	vlt.s32 v0, $0x3D07F  }
0x2c: {  	v6 =	vld [tilespmem:s0+$0x220];
	v2 =	vshra.s32 v2, $0x2;
	vm0 =	vlt.s32 v1, $0x3D07F;
	v0 =	vnsel vm15, $0x3D07F, v0  }
0x2d: {  	v7 =	vld [tilespmem:s0+$0x30];
	v1 =	vnsel vm0, $0x3D07F, v1;
	vm0 =	vlt.s32 v2, $0x3D07F;
	[tilespmem:s0+$0x670] =	vst v0  }
0x2e: {  	v8 =	vld [tilespmem:s0+$0x230];
	[tilespmem:s0+$0x400] =	vst v1;
	v0 =	vshra.s32 v3, $0x2;
	v1 =	vnsel vm0, $0x3D07F, v2  }
0x2f: {  	v9 =	vld [tilespmem:s0+$0x40];
	vm0 =	vlt.s32 v0, $0x3D07F;
	[tilespmem:s0+$0x600] =	vst v1;
	v1 =	vshra.s32 v4, $0x2  }
0x30: {  	v2 =	vshra.s32 v5, $0x2;
	v4 =	vld [tilespmem:s0+$0x240];
	v0 =	vnsel vm0, $0x3D07F, v0;
	vm0 =	vlt.s32 v1, $0x3D07F  }
0x31: {  	v3 =	vshra.s32 v6, $0x2;
	[tilespmem:s0+$0x410] =	vst v0;
	v1 =	vnsel vm0, $0x3D07F, v1;
	v0 =	vld [tilespmem:s0+$0x50];
	vm0 =	vlt.s32 v2, $0x3D07F  }
0x32: {  	v5 =	vshra.s32 v7, $0x2;
	[tilespmem:s0+$0x610] =	vst v1;
	v2 =	vnsel vm0, $0x3D07F, v2;
	v1 =	vld [tilespmem:s0+$0x250];
	vm0 =	vlt.s32 v3, $0x3D07F  }
0x33: {  	v6 =	vshra.s32 v8, $0x2;
	[tilespmem:s0+$0x420] =	vst v2;
	v3 =	vnsel vm0, $0x3D07F, v3;
	v2 =	vld [tilespmem:s0+$0x60];
	vm0 =	vlt.s32 v5, $0x3D07F  }
0x34: {  	[tilespmem:s0+$0x620] =	vst v3;
	v7 =	vnsel vm0, $0x3D07F, v5;
	v3 =	vld [tilespmem:s0+$0x260];
	vm0 =	vlt.s32 v6, $0x3D07F;
	v5 =	vshra.s32 v9, $0x2  }
0x35: {  	s2 =	simm.s32 $0x400;
	s1 =	simm.s32 $0x80;
	[tilespmem:s0+$0x430] =	vst v7;
	v7 =	vnsel vm0, $0x3D07F, v6;
	vm15 =	vlt.s32 v5, $0x3D07F;
	v6 =	vshra.s32 v4, $0x2;
	v4 =	vld [tilespmem:s0+$0x70]  }
.LBB2_2:
0x36: {  	p0 =	sne.s32 s2, $0x600;
	v8 =	vld [tilespmem:s1+$0x270];
	[tilespmem:s0+$0x630] =	vst v7;
	v5 =	vnsel vm15, $0x3D07F, v5;
	vm0 =	vlt.s32 v6, $0x3D07F;
	v0 =	vshra.s32 v0, $0x2  }
0x37: {  	v7 =	vld [tilespmem:s1+$0x0];
	[tilespmem:s0+$0x440] =	vst v5;
	v5 =	vnsel vm0, $0x3D07F, v6;
	vm0 =	vlt.s32 v0, $0x3D07F;
	v1 =	vshra.s32 v1, $0x2  }
0x38: {  	v6 =	vld [tilespmem:s1+$0x200];
	[tilespmem:s0+$0x640] =	vst v5;
	v0 =	vnsel vm0, $0x3D07F, v0;
	vm0 =	vlt.s32 v1, $0x3D07F;
	v2 =	vshra.s32 v2, $0x2  }
0x39: {  	v5 =	vld [tilespmem:s1+$0x10];
	[tilespmem:s0+$0x450] =	vst v0;
	v0 =	vnsel vm0, $0x3D07F, v1;
	vm0 =	vlt.s32 v2, $0x3D07F;
	v1 =	vshra.s32 v3, $0x2  }
0x3a: {  	v3 =	vld [tilespmem:s1+$0x210];
	[tilespmem:s0+$0x650] =	vst v0;
	v0 =	vnsel vm0, $0x3D07F, v2;
	vm0 =	vlt.s32 v1, $0x3D07F;
	v2 =	vshra.s32 v4, $0x2  }
0x3b: {  	v4 =	vld [tilespmem:s1+$0x20];
	v8 =	vshra.s32 v8, $0x2;
	[tilespmem:s0+$0x460] =	vst v0;
	v0 =	vnsel vm0, $0x3D07F, v1;
	vm0 =	vlt.s32 v2, $0x3D07F  }
0x3c: {  	v1 =	vshra.s32 v7, $0x2;
	v7 =	vld [tilespmem:s1+$0x220];
	vm15 =	vlt.s32 v8, $0x3D07F;
	[tilespmem:s0+$0x660] =	vst v0;
	v0 =	vnsel vm0, $0x3D07F, v2  }
0x3d: {  	vm0 =	vlt.s32 v1, $0x3D07F;
	v2 =	vshra.s32 v6, $0x2;
	v6 =	vld [tilespmem:s1+$0x30];
	v8 =	vnsel vm15, $0x3D07F, v8;
	[tilespmem:s0+$0x470] =	vst v0;
	s0 =	smov.u32 s1  }
0x3e: {  	v0 =	vnsel vm0, $0x3D07F, v1;
	vm0 =	vlt.s32 v2, $0x3D07F;
	v1 =	vshra.s32 v5, $0x2;
	v5 =	vld [tilespmem:s0+$0x230];
	[tilespmem:s0+$0x670] =	vst v8  }
0x3f: {  	[tilespmem:s0+$0x400] =	vst v0;
	v0 =	vnsel vm0, $0x3D07F, v2;
	vm0 =	vlt.s32 v1, $0x3D07F;
	v2 =	vshra.s32 v3, $0x2;
	v3 =	vld [tilespmem:s0+$0x40]  }
0x40: {  	[tilespmem:s0+$0x600] =	vst v0;
	v0 =	vnsel vm0, $0x3D07F, v1;
	vm0 =	vlt.s32 v2, $0x3D07F;
	v1 =	vshra.s32 v4, $0x2;
	v4 =	vld [tilespmem:s0+$0x240]  }
.Ltmp0:
0x41: {  	[tilespmem:s0+$0x410] =	vst v0;
	v2 =	vnsel vm0, $0x3D07F, v2;
	vm0 =	vlt.s32 v1, $0x3D07F;
	v7 =	vshra.s32 v7, $0x2;
	v0 =	vld [tilespmem:s0+$0x50];
	(pc) =	sbr.rel @p0 .LBB2_2-.Ltmp0, $4  }
0x42: {  	[tilespmem:s0+$0x610] =	vst v2;
	v2 =	vnsel vm0, $0x3D07F, v1;
	vm0 =	vlt.s32 v7, $0x3D07F;
	v6 =	vshra.s32 v6, $0x2;
	v1 =	vld [tilespmem:s0+$0x250]  }
0x43: {  	[tilespmem:s0+$0x420] =	vst v2;
	v7 =	vnsel vm0, $0x3D07F, v7;
	vm0 =	vlt.s32 v6, $0x3D07F;
	v8 =	vshra.s32 v5, $0x2;
	v2 =	vld [tilespmem:s0+$0x60]  }
0x44: {  	[tilespmem:s0+$0x620] =	vst v7;
	v6 =	vnsel vm0, $0x3D07F, v6;
	vm0 =	vlt.s32 v8, $0x3D07F;
	v5 =	vshra.s32 v3, $0x2;
	v3 =	vld [tilespmem:s0+$0x260]  }
0x45: {  	s1 =	sshra.s32 s2, $0x2;
	s2 =	sadd.s32 $0x200, s2;
	[tilespmem:s0+$0x430] =	vst v6;
	v7 =	vnsel vm0, $0x3D07F, v8;
	vm15 =	vlt.s32 v5, $0x3D07F;
	v6 =	vshra.s32 v4, $0x2;
	v4 =	vld [tilespmem:s0+$0x70]  }
0x46: {  	v8 =	vld [tilespmem:s1+$0x270];
	[tilespmem:s0+$0x630] =	vst v7;
	v5 =	vnsel vm15, $0x3D07F, v5;
	vm0 =	vlt.s32 v6, $0x3D07F;
	v0 =	vshra.s32 v0, $0x2  }
0x47: {  	v7 =	vld [tilespmem:s1+$0x0];
	[tilespmem:s0+$0x440] =	vst v5;
	v54 =	vnsel vm0, $0x3D07F, v6;
	vm0 =	vlt.s32 v0, $0x3D07F;
	v1 =	vshra.s32 v1, $0x2  }
0x48: {  	v55 =	vld [tilespmem:s1+$0x200];
	[tilespmem:s0+$0x640] =	vst v54;
	v0 =	vnsel vm0, $0x3D07F, v0;
	vm0 =	vlt.s32 v1, $0x3D07F  }
0x49: {  	v5 =	vld [tilespmem:s1+$0x10];
	[tilespmem:s0+$0x450] =	vst v0;
	v0 =	vshra.s32 v2, $0x2;
	v1 =	vnsel vm0, $0x3D07F, v1  }
0x4a: {  	v2 =	vld [tilespmem:s1+$0x210];
	vm0 =	vlt.s32 v0, $0x3D07F;
	[tilespmem:s0+$0x650] =	vst v1;
	v1 =	vshra.s32 v3, $0x2  }
0x4b: {  	v0 =	vnsel vm0, $0x3D07F, v0;
	vm0 =	vlt.s32 v1, $0x3D07F  }
0x4c: {  	v3 =	vld [tilespmem:s1+$0x20];
	[tilespmem:s0+$0x460] =	vst v0;
	v0 =	vshra.s32 v4, $0x2;
	v1 =	vnsel vm0, $0x3D07F, v1  }
0x4d: {  	v56 =	vld [tilespmem:s1+$0x220];
	vm0 =	vlt.s32 v0, $0x3D07F;
	[tilespmem:s0+$0x660] =	vst v1;
	v1 =	vshra.s32 v8, $0x2  }
0x4e: {  	v0 =	vnsel vm0, $0x3D07F, v0;
	vm0 =	vlt.s32 v1, $0x3D07F  }
0x4f: {  	v6 =	vshra.s32 v55, $0x2;
	v57 =	vld [tilespmem:s1+$0x30];
	[tilespmem:s0+$0x470] =	vst v0;
	v0 =	vnsel vm0, $0x3D07F, v1  }
0x50: {  	vm0 =	vlt.s32 v6, $0x3D07F;
	[tilespmem:s1+$0x670] =	vst v0;
	v0 =	vshra.s32 v5, $0x2  }
0x51: {  	v7 =	vshra.s32 v7, $0x2;
	v58 =	vnsel vm0, $0x3D07F, v6;
	vm0 =	vlt.s32 v0, $0x3D07F  }
0x52: {  	vm15 =	vlt.s32 v7, $0x3D07F;
	v2 =	vshra.s32 v2, $0x2;
	v1 =	vld [tilespmem:s1+$0x230];
	v0 =	vnsel vm0, $0x3D07F, v0  }
0x53: {  	v7 =	vnsel vm15, $0x3D07F, v7;
	v59 =	vld [tilespmem:s1+$0x40];
	vm0 =	vlt.s32 v2, $0x3D07F;
	[tilespmem:s1+$0x410] =	vst v0;
	v0 =	vshra.s32 v3, $0x2  }
0x54: {  	[tilespmem:s1+$0x400] =	vst v7;
	v60 =	vld [tilespmem:s1+$0x240];
	v2 =	vnsel vm0, $0x3D07F, v2;
	vm0 =	vlt.s32 v0, $0x3D07F  }
0x55: {  	v3 =	vld [tilespmem:s1+$0x50];
	[tilespmem:s1+$0x610] =	vst v2;
	v2 =	vshra.s32 v56, $0x2;
	v0 =	vnsel vm0, $0x3D07F, v0  }
0x56: {  	v61 =	vld [tilespmem:s1+$0x250];
	vm0 =	vlt.s32 v2, $0x3D07F;
	[tilespmem:s1+$0x420] =	vst v0;
	v0 =	vshra.s32 v57, $0x2  }
0x57: {  	v62 =	vld [tilespmem:s1+$0x60];
	[tilespmem:s1+$0x600] =	vst v58;
	v1 =	vshra.s32 v1, $0x2;
	v2 =	vnsel vm0, $0x3D07F, v2;
	vm0 =	vlt.s32 v0, $0x3D07F  }
0x58: {  	v6 =	vshra.s32 v59, $0x2;
	[tilespmem:s1+$0x620] =	vst v2;
	v2 =	vld [tilespmem:s1+$0x260];
	v0 =	vnsel vm0, $0x3D07F, v0;
	vm0 =	vlt.s32 v1, $0x3D07F  }
0x59: {  	v63 =	vld [tilespmem:s1+$0x70];
	[tilespmem:s1+$0x430] =	vst v0;
	v0 =	vnsel vm0, $0x3D07F, v1;
	vm0 =	vlt.s32 v6, $0x3D07F;
	v1 =	vshra.s32 v60, $0x2  }
0x5a: {  	v3 =	vshra.s32 v3, $0x2;
	[tilespmem:s1+$0x630] =	vst v0;
	v0 =	vnsel vm0, $0x3D07F, v6;
	vm0 =	vlt.s32 v1, $0x3D07F  }
0x5b: {  	[tilespmem:s1+$0x440] =	vst v0;
	v0 =	vnsel vm0, $0x3D07F, v1;
	vm0 =	vlt.s32 v3, $0x3D07F;
	v1 =	vshra.s32 v61, $0x2  }
0x5c: {  	[tilespmem:s1+$0x640] =	vst v0;
	v0 =	vnsel vm0, $0x3D07F, v3;
	vm0 =	vlt.s32 v1, $0x3D07F;
	v3 =	vshra.s32 v62, $0x2  }
0x5d: {  	[tilespmem:s1+$0x450] =	vst v0;
	v0 =	vnsel vm0, $0x3D07F, v1;
	vm0 =	vlt.s32 v3, $0x3D07F;
	v1 =	vshra.s32 v2, $0x2  }
0x5e: {  	v2 =	vshra.s32 v63, $0x2;
	[tilespmem:s1+$0x650] =	vst v0;
	v0 =	vnsel vm0, $0x3D07F, v3;
	vm0 =	vlt.s32 v1, $0x3D07F  }
0x5f: {  	[tilespmem:s1+$0x460] =	vst v0;
	v0 =	vnsel vm0, $0x3D07F, v1;
	vm0 =	vlt.s32 v2, $0x3D07F  }
0x60: {  	[tilespmem:s1+$0x660] =	vst v0;
	v0 =	vnsel vm0, $0x3D07F, v2  }
0x61: {  	[tilespmem:s1+$0x470] =	vst v0  }
0x62: {  	s21 =	rddreg [dreg:$0x5];
	v0 =	vld [tilespmem:$0x11800]  }
0x63: {  	s2 =	simm.s32 $0x80;
	s22 =	simm.s32 $0x400;
	s3 =	simm.s32 $0x800;
	v1 =	vld [tilespmem:$0x11810]  }
0x64: {  	v2 =	vld.msk [tilespmem:$0x11820 ss:$0x0], $0xffff;
	[tilespmem:s3], [sflag:$0x1] =	stream.indirect.gather [hbm4b:s21+s2], $0x80, s22, s2, $0xb8  }
0x65: {  	s23 =	rddreg [dreg:$0x6];
	s24 =	simm.s32 $0x600;
	s4 =	simm.s32 $0x8800  }
0x66: {  	[tilespmem:s4], [sflag:$0x2] =	stream.indirect.gather [hbm4b:s23+s2], $0x80, s24, s2, $0xb8;
	[tilespmem:$0x11A40] =	vst v63  }
0x67: {  	s25 =	simm.s32 $0x480;
	s26 =	simm.s32 $0x4800  }
0x68: {  	[tilespmem:s26], [sflag:$0x1] =	stream.indirect.gather [hbm4b:s21+s2], $0x80, s25, s2, $0xb8;
	[tilespmem:$0x11A40] =	vst v63  }
0x69: {  	s28 =	simm.s32 $0x680;
	s29 =	simm.s32 $0xC800;
	s30 =	simm.s32 $0x1  }
0x6a: {  	[tilespmem:s29], [sflag:$0x2] =	stream.indirect.gather [hbm4b:s23+s2], $0x80, s28, s2, $0xb8;
	[tilespmem:$0x11A40] =	vst v63  }
0x6b: {  	_ =	swait.ge [sflag:s30], $0x8000  }
0x6c: {  	[sflag:s30] =	ssyncset.done $0x0  }
0x6d: {  	s31 =	simm.s32 $0x2;
	[sflag:s30] =	ssyncadd.s32 $0xFFFF8000  }
0x6e: {  	_ =	swait.ge [sflag:s31], $0x8000  }
0x6f: {  	v3 =	vld [tilespmem:$0x1FFF0];
	_ =	sdelay $0x3  }
0x70: {  	s0 =	simm.s32 $0x0;
	s1 =	simm.s32 $0x11840;
	[sflag:s31] =	ssyncset.done $0x0  }
0x71: {  	s3 =	simm.s32 $0x0;
	s2 =	simm.s32 $0x200;
	[sflag:s31] =	ssyncadd.s32 $0xFFFF8000;
	vm15 =	vnez.u8 v3  }
.LBB2_4:
0x72: {  	v4 =	vld [tilespmem:s0+$0x0]  }
0x73: {  	v3 =	vld [tilespmem:s2+$0x0];
	_ =	sdelay $0x3  }
0x74: {  	v5 =	vshll.u32 v4, $0x5;
	v6 =	vadd.s32 $0xFFF0BE00, v4  }
0x75: {  	s17 =	sshra.s32 s3, $0x2;
	v7 =	vshll.u32 v3, $0x5;
	v58 =	vadd.s32 $0xFFF0BE00, v3;
	v5 =	vand.u32 $0x60, v5  }
0x76: {  	vm0 =	vgt.s32 v6, $0x0;
	v7 =	vand.u32 $0x60, v7;
	v10 =	vadd.s32 s17, v5  }
0x77: {  	v6 =	vnsel vm0, $0x0, v6;
	vm0 =	vgt.s32 v58, $0x0;
	(v2sf) =	vpush v10, $0x1  }
0x78: {  	v9 =	vadd.s32 s17, v7;
	v57 =	vmin.u32 v6, $0x3F;
	(v2sf) =	vpush v10, $0x0  }
0x79: {  	v6 =	vnsel vm0, $0x0, v58;
	v59 =	vshll.u32 v57, $0x5;
	(v2sf) =	vpush v9, $0x1  }
0x7a: {  	v60 =	vmin.u32 v6, $0x3F;
	v8 =	vand.u32 $0x60, v59;
	(v2sf) =	vpush v9, $0x0  }
0x7b: {  	v5 =	vshll.u32 v60, $0x5;
	(v2sf) =	vpush v8, $0x0  }
0x7c: {  	v61 =	vand.u32 $0x60, v5;
	(v2sf) =	vpush v59, $0x0  }
0x7d: {  	(v2sf) =	vpush v61, $0x0  }
0x7e: {  	(v2sf) =	vpush v5, $0x0;
	_ =	sdelay $0x1  }
0x7f: {  	(v2sf) =	vpush v4, $0x0  }
0x80: {  	(v2sf) =	vpush v3, $0x0;
	_ =	sdelay $0x1  }
0x81: {  	(v2sf) =	vpush v8, $0x1  }
0x82: {  	(v2sf) =	vpush v59, $0x1  }
0x83: {  	(v2sf) =	vpush v61, $0x1  }
0x84: {  	s18 =	spop (v2sf);
	(v2sf) =	vpush v5, $0x1  }
0x85: {  	[dreg:$0x15] =	wrdreg s3;
	s19 =	spop (v2sf);
	(v2sf) =	vpush v4, $0x1  }
0x86: {  	[dreg:$0x13] =	wrdreg s2;
	s20 =	spop (v2sf);
	(v2sf) =	vpush v3, $0x1  }
0x87: {  	[dreg:$0x11] =	wrdreg s1;
	s21 =	spop (v2sf);
	(v2sf) =	vpush v10, $0x3  }
0x88: {  	[dreg:$0xf] =	wrdreg s0;
	s30 =	sadd.s32 $0x890, s18;
	s4 =	spop (v2sf);
	(v2sf) =	vpush v10, $0x2  }
0x89: {  	s29 =	sadd.s32 $0x800, s19;
	s7 =	sadd.s32 $0x810, s19;
	s5 =	spop (v2sf);
	(v2sf) =	vpush v9, $0x3  }
0x8a: {  	s17 =	sadd.s32 $0x8800, s21;
	s22 =	sand.u32 $0x780, s5;
	s23 =	spop (v2sf);
	(v2sf) =	vpush v9, $0x2  }
0x8b: {  	s10 =	sadd.s32 $0x8810, s21;
	s1 =	sor.u32 s4, s22;
	s24 =	spop (v2sf);
	(v2sf) =	vpush v8, $0x2  }
0x8c: {  	s3 =	sor.u32 $0x10800, s1;
	s4 =	sand.u32 $0x780, s24;
	(v2sf) =	vpush v59, $0x2;
	s1 =	sor.u32 $0x10810, s1  }
0x8d: {  	s25 =	spop (v2sf);
	s24 =	sadd.s32 $0x880, s18;
	s4 =	sor.u32 s23, s4;
	(v2sf) =	vpush v61, $0x2  }
0x8e: {  	p0 =	sgt.s32 s25, $0xF41FF;
	s26 =	spop (v2sf);
	s6 =	sor.u32 $0x11000, s4;
	(v2sf) =	vpush v5, $0x2  }
0x8f: {  	p1 =	sgt.s32 s26, $0xF41FF;
	s29 =	smov.u32 @p0 s3;
	s7 =	smov.u32 @p0 s1  }
0x90: {  	s1 =	sor.u32 $0x11010, s4;
	s28 =	spop (v2sf);
	[dreg:$0x17] =	wrdreg s7;
	(v2sf) =	vpush v4, $0x2  }
0x91: {  	s17 =	smov.u32 @p1 s6;
	s10 =	smov.u32 @p1 s1;
	s31 =	spop (v2sf);
	(v2sf) =	vpush v3, $0x2  }
0x92: {  	s6 =	sadd.s32 $0x8890, s20;
	s1 =	sand.u32 $0x780, s31;
	s4 =	spop (v2sf)  }
0x93: {  	s31 =	sadd.s32 $0x8880, s20;
	(v2sf) =	vpush v8, $0x3;
	s0 =	sor.u32 s28, s1;
	s5 =	spop (v2sf)  }
0x94: {  	s2 =	sor.u32 $0x10800, s0;
	(v2sf) =	vpush v59, $0x3;
	s7 =	spop (v2sf);
	s3 =	sand.u32 $0x780, s5  }
0x95: {  	s0 =	sor.u32 $0x10810, s0;
	(v2sf) =	vpush v61, $0x3;
	s8 =	spop (v2sf);
	s1 =	sor.u32 s4, s3  }
0x96: {  	(v2sf) =	vpush v5, $0x3;
	p0 =	sgt.s32 s7, $0xF41FF;
	s9 =	spop (v2sf);
	s4 =	sor.u32 $0x11000, s1  }
0x97: {  	(v2sf) =	vpush v4, $0x3;
	s24 =	smov.u32 @p0 s2;
	p1 =	sgt.s32 s8, $0xF41FF;
	s12 =	spop (v2sf)  }
0x98: {  	s30 =	smov.u32 @p0 s0;
	s1 =	sor.u32 $0x11010, s1;
	(v2sf) =	vpush v3, $0x3;
	s13 =	spop (v2sf)  }
0x99: {  	s31 =	smov.u32 @p1 s4;
	s6 =	smov.u32 @p1 s1;
	(v2sf) =	vpush v10, $0x5;
	s14 =	spop (v2sf)  }
0x9a: {  	s11 =	sadd.s32 $0x980, s9;
	s9 =	sadd.s32 $0x990, s9;
	(v2sf) =	vpush v10, $0x4;
	s15 =	spop (v2sf)  }
0x9b: {  	[dreg:$0x19] =	wrdreg s6;
	s20 =	sadd.s32 $0x900, s12;
	(v2sf) =	vpush v9, $0x5;
	s16 =	spop (v2sf)  }
0x9c: {  	s21 =	sadd.s32 $0x910, s12;
	(v2sf) =	vpush v9, $0x4;
	s2 =	sand.u32 $0x780, s16;
	s18 =	spop (v2sf)  }
0x9d: {  	s8 =	sadd.s32 $0x8900, s14;
	(v2sf) =	vpush v8, $0x4;
	s1 =	sor.u32 s15, s2;
	s19 =	spop (v2sf)  }
0x9e: {  	s7 =	sadd.s32 $0x8910, s14;
	(v2sf) =	vpush v59, $0x4;
	s4 =	sor.u32 $0x10800, s1;
	s2 =	sand.u32 $0x780, s19  }
0x9f: {  	s22 =	spop (v2sf);
	(v2sf) =	vpush v61, $0x4;
	s1 =	sor.u32 $0x10810, s1;
	s2 =	sor.u32 s18, s2  }
0xa0: {  	p0 =	sgt.s32 s22, $0xF41FF;
	(v2sf) =	vpush v5, $0x4;
	s23 =	spop (v2sf);
	s5 =	sor.u32 $0x11000, s2  }
0xa1: {  	s20 =	smov.u32 @p0 s4;
	p1 =	sgt.s32 s23, $0xF41FF;
	s21 =	smov.u32 @p0 s1  }
0xa2: {  	(v2sf) =	vpush v4, $0x4;
	s25 =	spop (v2sf);
	s2 =	sor.u32 $0x11010, s2;
	s8 =	smov.u32 @p1 s5  }
0xa3: {  	(v2sf) =	vpush v3, $0x4;
	s7 =	smov.u32 @p1 s2;
	[dreg:$0x1d] =	wrdreg s8;
	s26 =	spop (v2sf)  }
0xa4: {  	(v2sf) =	vpush v8, $0x5;
	[dreg:$0x1b] =	wrdreg s7;
	s28 =	spop (v2sf);
	s4 =	sand.u32 $0x780, s26  }
0xa5: {  	s8 =	sadd.s32 $0x8980, s13;
	s5 =	spop (v2sf);
	s1 =	sor.u32 s25, s4  }
0xa6: {  	s7 =	sadd.s32 $0x8990, s13;
	s12 =	spop (v2sf);
	s0 =	sor.u32 $0x10800, s1  }
0xa7: {  	(v2sf) =	vpush v59, $0x5;
	s6 =	sor.u32 $0x10810, s1;
	s4 =	sand.u32 $0x780, s5;
	s13 =	spop (v2sf)  }
0xa8: {  	(v2sf) =	vpush v61, $0x5;
	s2 =	sor.u32 s28, s4;
	p0 =	sgt.s32 s12, $0xF41FF;
	s1 =	spop (v2sf)  }
0xa9: {  	(v2sf) =	vpush v5, $0x5;
	s4 =	sor.u32 $0x11000, s2;
	s11 =	smov.u32 @p0 s0;
	s14 =	spop (v2sf)  }
0xaa: {  	(v2sf) =	vpush v4, $0x5;
	p1 =	sgt.s32 s13, $0xF41FF;
	s9 =	smov.u32 @p0 s6;
	s0 =	spop (v2sf)  }
0xab: {  	(v2sf) =	vpush v3, $0x5;
	s2 =	sor.u32 $0x11010, s2;
	[smem:$0x7F3] =	sst s11;
	s15 =	spop (v2sf)  }
0xac: {  	(v2sf) =	vpush v10, $0x7;
	[smem:$0x7F4] =	sst s9;
	s8 =	smov.u32 @p1 s4;
	s16 =	spop (v2sf)  }
0xad: {  	s7 =	smov.u32 @p1 s2;
	(v2sf) =	vpush v10, $0x6;
	[smem:$0x7F5] =	sst s8;
	s18 =	spop (v2sf)  }
0xae: {  	[dreg:$0x1f] =	wrdreg s7;
	s9 =	sadd.s32 $0xA00, s14;
	(v2sf) =	vpush v9, $0x7;
	s19 =	spop (v2sf)  }
0xaf: {  	s8 =	sadd.s32 $0xA10, s14;
	(v2sf) =	vpush v9, $0x6;
	s2 =	sand.u32 $0x780, s18;
	s22 =	spop (v2sf)  }
0xb0: {  	s7 =	sadd.s32 $0x8A00, s15;
	(v2sf) =	vpush v8, $0x6;
	s2 =	sor.u32 s16, s2;
	s23 =	sand.u32 $0x780, s22  }
0xb1: {  	(v2sf) =	vpush v59, $0x6;
	s25 =	spop (v2sf);
	s6 =	sor.u32 $0x10800, s2;
	s2 =	sor.u32 $0x10810, s2  }
0xb2: {  	(v2sf) =	vpush v61, $0x6;
	s3 =	sor.u32 s19, s23;
	p1 =	sgt.s32 s25, $0xF41FF;
	s26 =	spop (v2sf)  }
0xb3: {  	(v2sf) =	vpush v5, $0x6;
	p0 =	sgt.s32 s26, $0xF41FF;
	s28 =	spop (v2sf);
	s9 =	smov.u32 @p1 s6  }
0xb4: {  	(v2sf) =	vpush v4, $0x6;
	s8 =	smov.u32 @p1 s2;
	s2 =	sor.u32 $0x11000, s3;
	s6 =	sadd.s32 $0x8A10, s15  }
0xb5: {  	s3 =	sor.u32 $0x11010, s3;
	[smem:$0x7F6] =	sst s8;
	s7 =	smov.u32 @p0 s2  }
0xb6: {  	s13 =	spop (v2sf);
	s6 =	smov.u32 @p0 s3;
	[smem:$0x7F7] =	sst s7  }
0xb7: {  	(v2sf) =	vpush v3, $0x6;
	s12 =	spop (v2sf);
	s15 =	sand.u32 $0x780, s13;
	[smem:$0x7F8] =	sst s6  }
0xb8: {  	(v2sf) =	vpush v8, $0x7;
	s6 =	sadd.s32 $0xA80, s1;
	s14 =	spop (v2sf);
	s4 =	sor.u32 s28, s15  }
0xb9: {  	(v2sf) =	vpush v59, $0x7;
	s28 =	sadd.s32 $0x8A80, s0;
	s16 =	spop (v2sf);
	s2 =	sand.u32 $0x780, s14  }
0xba: {  	(v2sf) =	vpush v61, $0x7;
	s11 =	sor.u32 $0x10800, s4;
	s18 =	spop (v2sf);
	p0 =	sgt.s32 s16, $0xF41FF  }
0xbb: {  	(v2sf) =	vpush v5, $0x7;
	s12 =	sor.u32 s12, s2;
	s2 =	sadd.s32 $0xA90, s1;
	s3 =	spop (v2sf)  }
0xbc: {  	s1 =	sor.u32 $0x10810, s4;
	s6 =	smov.u32 @p0 s11;
	s13 =	spop (v2sf)  }
0xbd: {  	(v2sf) =	vpush v4, $0x7;
	s2 =	smov.u32 @p0 s1;
	[smem:$0x7F9] =	sst s6;
	s6 =	spop (v2sf)  }
0xbe: {  	p1 =	sgt.s32 s18, $0xF41FF;
	[smem:$0x7FA] =	sst s2;
	s14 =	spop (v2sf)  }
0xbf: {  	(v2sf) =	vpush v3, $0x7;
	s2 =	sadd.s32 $0x8A90, s0;
	s0 =	sor.u32 $0x11010, s12;
	s19 =	spop (v2sf)  }
0xc0: {  	s4 =	sor.u32 $0x11000, s12;
	s2 =	smov.u32 @p1 s0;
	s22 =	spop (v2sf)  }
0xc1: {  	(v2sf) =	vpush v10, $0x9;
	s28 =	smov.u32 @p1 s4;
	[smem:$0x7FB] =	sst s2;
	s23 =	spop (v2sf)  }
0xc2: {  	(v2sf) =	vpush v10, $0x8;
	s12 =	sadd.s32 $0x8B00, s14;
	s26 =	sand.u32 $0x780, s22;
	s25 =	spop (v2sf)  }
0xc3: {  	(v2sf) =	vpush v9, $0x9;
	s0 =	sor.u32 s19, s26;
	s2 =	spop (v2sf);
	s4 =	sand.u32 $0x780, s25  }
0xc4: {  	(v2sf) =	vpush v9, $0x8;
	s5 =	sor.u32 $0x10800, s0;
	s0 =	sor.u32 $0x10810, s0;
	s25 =	sadd.s32 $0x8B10, s14  }
0xc5: {  	(v2sf) =	vpush v8, $0x8;
	s14 =	sadd.s32 $0xB90, s3;
	p1 =	sgt.s32 s2, $0xF41FF;
	s2 =	sadd.s32 $0xB00, s13  }
0xc6: {  	(v2sf) =	vpush v59, $0x8;
	s7 =	spop (v2sf);
	s1 =	sor.u32 s23, s4;
	s23 =	sadd.s32 $0xB80, s3  }
0xc7: {  	(v2sf) =	vpush v61, $0x8;
	s2 =	smov.u32 @p1 s5;
	s8 =	spop (v2sf);
	p0 =	sgt.s32 s7, $0xF41FF  }
0xc8: {  	(v2sf) =	vpush v5, $0x8;
	[smem:$0x7FC] =	sst s2;
	s2 =	sadd.s32 $0xB10, s13;
	s11 =	spop (v2sf)  }
0xc9: {  	(v2sf) =	vpush v4, $0x8;
	s2 =	smov.u32 @p1 s0;
	s15 =	spop (v2sf);
	s0 =	sor.u32 $0x11000, s1  }
0xca: {  	s19 =	sand.u32 $0x780, s11;
	[smem:$0x7FD] =	sst s2;
	s16 =	spop (v2sf)  }
0xcb: {  	(v2sf) =	vpush v3, $0x8;
	s12 =	smov.u32 @p0 s0;
	s0 =	sor.u32 $0x11010, s1;
	s5 =	sor.u32 s8, s19  }
0xcc: {  	(v2sf) =	vpush v8, $0x9;
	s19 =	sadd.s32 $0x8B90, s6;
	s18 =	spop (v2sf);
	s25 =	smov.u32 @p0 s0  }
0xcd: {  	(v2sf) =	vpush v59, $0x9;
	s16 =	sand.u32 $0x780, s16;
	s3 =	sor.u32 $0x10810, s5;
	v11 =	vld [tilespmem:s30+$0x0];
	s30 =	rddreg [dreg:$0x19]  }
0xce: {  	(v2sf) =	vpush v61, $0x9;
	v28 =	vld [tilespmem:s10+$0x0];
	s10 =	rddreg [dreg:$0x1b];
	s22 =	spop (v2sf);
	p0 =	sgt.s32 s18, $0xF41FF  }
0xcf: {  	(v2sf) =	vpush v5, $0x9;
	s18 =	sor.u32 $0x10800, s5;
	s26 =	sor.u32 s15, s16;
	v18 =	vld [tilespmem:s10+$0x0];
	s10 =	rddreg [dreg:$0x1f]  }
0xd0: {  	(v2sf) =	vpush v4, $0x9;
	s7 =	spop (v2sf);
	s23 =	smov.u32 @p0 s18;
	p1 =	sgt.s32 s22, $0xF41FF  }
0xd1: {  	(v2sf) =	vpush v3, $0x9;
	s14 =	smov.u32 @p0 s3;
	s22 =	sadd.s32 $0x8B80, s6;
	s2 =	spop (v2sf)  }
0xd2: {  	s13 =	sor.u32 $0x11000, s26;
	s0 =	sor.u32 $0x11010, s26;
	(v2sf) =	vpush v10, $0xB;
	s8 =	spop (v2sf)  }
0xd3: {  	v12 =	vld [tilespmem:s24+$0x0];
	s22 =	smov.u32 @p1 s13;
	s19 =	smov.u32 @p1 s0;
	(v2sf) =	vpush v10, $0xA;
	s4 =	spop (v2sf)  }
0xd4: {  	v13 =	vld [tilespmem:s30+$0x0];
	s24 =	sadd.s32 $0xC80, s7;
	s30 =	sadd.s32 $0xC90, s7;
	(v2sf) =	vpush v9, $0xB;
	s1 =	spop (v2sf)  }
0xd5: {  	v15 =	vld [tilespmem:s20+$0x0];
	s7 =	rddreg [dreg:$0x1d];
	s16 =	sadd.s32 $0xC00, s2;
	(v2sf) =	vpush v9, $0xA;
	s11 =	spop (v2sf)  }
0xd6: {  	v16 =	vld [tilespmem:s21+$0x0];
	s20 =	sadd.s32 $0x8C80, s8;
	s21 =	sadd.s32 $0x8C90, s8;
	s15 =	spop (v2sf);
	(v2sf) =	vpush v8, $0xA  }
0xd7: {  	s8 =	sld [smem:$0x7F5];
	s3 =	sand.u32 $0x780, s11;
	s18 =	spop (v2sf);
	(v2sf) =	vpush v59, $0xA  }
0xd8: {  	v21 =	vld [tilespmem:s29+$0x0];
	s29 =	sadd.s32 $0x8C00, s4;
	s11 =	sor.u32 s1, s3;
	s26 =	spop (v2sf);
	(v2sf) =	vpush v61, $0xA  }
0xd9: {  	s13 =	sand.u32 $0x780, s18;
	s6 =	sor.u32 $0x10800, s11;
	s0 =	sor.u32 $0x10810, s11;
	(v2sf) =	vpush v5, $0xA  }
0xda: {  	p1 =	sgt.s32 s26, $0xF41FF;
	s1 =	sor.u32 s15, s13;
	s15 =	spop (v2sf);
	(v2sf) =	vpush v4, $0xA  }
0xdb: {  	s13 =	sadd.s32 $0xC10, s2;
	s26 =	rddreg [dreg:$0x17];
	s5 =	spop (v2sf)  }
0xdc: {  	s16 =	smov.u32 @p1 s6;
	p0 =	sgt.s32 s15, $0xF41FF;
	s18 =	spop (v2sf)  }
0xdd: {  	s13 =	smov.u32 @p1 s0;
	s3 =	sor.u32 $0x11000, s1;
	(v2sf) =	vpush v3, $0xA;
	s6 =	spop (v2sf)  }
0xde: {  	s15 =	sadd.s32 $0x8C10, s4;
	s1 =	sor.u32 $0x11010, s1;
	(v2sf) =	vpush v8, $0xB;
	s11 =	spop (v2sf)  }
0xdf: {  	s29 =	smov.u32 @p0 s3;
	s0 =	sand.u32 $0x780, s18;
	(v2sf) =	vpush v59, $0xB;
	s18 =	spop (v2sf)  }
0xe0: {  	v24 =	vld [tilespmem:s26+$0x0];
	s15 =	smov.u32 @p0 s1;
	s0 =	sor.u32 s5, s0;
	(v2sf) =	vpush v61, $0xB;
	s26 =	spop (v2sf)  }
0xe1: {  	s4 =	sand.u32 $0x780, s11;
	s5 =	sor.u32 $0x10800, s0;
	(v2sf) =	vpush v5, $0xB;
	s11 =	spop (v2sf)  }
0xe2: {  	s0 =	sor.u32 $0x10810, s0;
	p0 =	sgt.s32 s18, $0xF41FF;
	(v2sf) =	vpush v4, $0xB;
	s2 =	spop (v2sf)  }
0xe3: {  	v14 =	vld [tilespmem:s31+$0x0];
	s4 =	sor.u32 s6, s4;
	s24 =	smov.u32 @p0 s5;
	(v2sf) =	vpush v3, $0xB;
	s31 =	spop (v2sf)  }
0xe4: {  	v27 =	vld [tilespmem:s17+$0x0];
	p1 =	sgt.s32 s26, $0xF41FF;
	s30 =	smov.u32 @p0 s0;
	(v2sf) =	vpush v10, $0xD;
	s17 =	spop (v2sf)  }
0xe5: {  	s1 =	sor.u32 $0x11000, s4;
	s4 =	sor.u32 $0x11010, s4;
	(v2sf) =	vpush v10, $0xC;
	s0 =	spop (v2sf)  }
0xe6: {  	s26 =	sld [smem:$0x7F3];
	s20 =	smov.u32 @p1 s1;
	(v2sf) =	vpush v9, $0xD;
	s5 =	spop (v2sf)  }
0xe7: {  	v23 =	vld [tilespmem:s10+$0x0];
	s21 =	smov.u32 @p1 s4;
	s10 =	sadd.s32 $0xD10, s2;
	(v2sf) =	vpush v9, $0xC;
	s1 =	spop (v2sf)  }
0xe8: {  	v25 =	vld [tilespmem:s9+$0x0];
	s9 =	sadd.s32 $0x8D00, s17;
	(v2sf) =	vpush v8, $0xC;
	s6 =	sand.u32 $0x780, s5;
	s18 =	spop (v2sf)  }
0xe9: {  	v17 =	vld [tilespmem:s7+$0x0];
	(v2sf) =	vpush v59, $0xC;
	s0 =	sor.u32 s0, s6;
	s6 =	sld [smem:$0x7F4];
	s5 =	spop (v2sf)  }
0xea: {  	v22 =	vld [tilespmem:s8+$0x0];
	(v2sf) =	vpush v61, $0xC;
	s7 =	sand.u32 $0x780, s18;
	s18 =	sadd.s32 $0xD00, s2;
	s8 =	sor.u32 $0x10800, s0  }
0xeb: {  	(v2sf) =	vpush v5, $0xC;
	s0 =	sor.u32 $0x10810, s0;
	p0 =	sgt.s32 s5, $0xF41FF;
	s1 =	sor.u32 s1, s7  }
0xec: {  	(v2sf) =	vpush v4, $0xC;
	v20 =	vld [tilespmem:s6+$0x0];
	s6 =	spop (v2sf);
	s18 =	smov.u32 @p0 s8;
	s8 =	sld [smem:$0x7F8]  }
0xed: {  	v33 =	vld [tilespmem:s28+$0x0];
	s5 =	sld [smem:$0x7F6];
	(v2sf) =	vpush v3, $0xC;
	s10 =	smov.u32 @p0 s0;
	s3 =	spop (v2sf)  }
0xee: {  	v19 =	vld [tilespmem:s26+$0x0];
	p1 =	sgt.s32 s6, $0xF41FF;
	s6 =	sld [smem:$0x7F7];
	s26 =	spop (v2sf)  }
0xef: {  	s7 =	spop (v2sf);
	v30 =	vld [tilespmem:s8+$0x0];
	s8 =	sadd.s32 $0x8D10, s17;
	s17 =	sld [smem:$0x7F9]  }
0xf0: {  	(v2sf) =	vpush v8, $0xD;
	v26 =	vld [tilespmem:s5+$0x0];
	s4 =	sand.u32 $0x780, s26;
	s26 =	sld [smem:$0x7FA];
	s0 =	spop (v2sf)  }
0xf1: {  	(v2sf) =	vpush v59, $0xD;
	v29 =	vld [tilespmem:s6+$0x0];
	s6 =	sor.u32 $0x11000, s1;
	s1 =	sor.u32 $0x11010, s1;
	s5 =	spop (v2sf)  }
0xf2: {  	v63 =	vld [tilespmem:s12+$0x0];
	(v2sf) =	vpush v61, $0xD;
	s9 =	smov.u32 @p1 s6;
	s8 =	smov.u32 @p1 s1;
	s2 =	spop (v2sf)  }
0xf3: {  	(v2sf) =	vpush v5, $0xD;
	s1 =	sor.u32 s3, s4;
	s6 =	sld [smem:$0x7FB];
	v31 =	vld [tilespmem:s17+$0x0];
	s17 =	spop (v2sf)  }
0xf4: {  	v36 =	vld [tilespmem:s25+$0x0];
	(v2sf) =	vpush v4, $0xD;
	p0 =	sgt.s32 s5, $0xF41FF;
	s5 =	sand.u32 $0x780, s0;
	s4 =	spop (v2sf)  }
0xf5: {  	(v2sf) =	vpush v3, $0xD;
	v32 =	vld [tilespmem:s26+$0x0];
	s0 =	sor.u32 $0x10800, s1;
	s26 =	sld [smem:$0x7FC];
	s28 =	spop (v2sf)  }
0xf6: {  	s1 =	sor.u32 $0x10810, s1;
	(v2sf) =	vpush v10, $0xF;
	v34 =	vld [tilespmem:s6+$0x0];
	s6 =	sadd.s32 $0xD80, s11;
	s3 =	spop (v2sf)  }
0xf7: {  	v38 =	vld [tilespmem:s14+$0x0];
	s5 =	sor.u32 s7, s5;
	(v2sf) =	vpush v10, $0xE;
	s6 =	smov.u32 @p0 s0;
	s0 =	spop (v2sf)  }
0xf8: {  	s11 =	sadd.s32 $0xD90, s11;
	v62 =	vld [tilespmem:s26+$0x0];
	(v2sf) =	vpush v9, $0xF;
	s26 =	sld [smem:$0x7FD];
	s7 =	spop (v2sf)  }
0xf9: {  	v21 =	vmul.f32 v27, v21;
	v27 =	vld [tilespmem:s22+$0x0];
	s11 =	smov.u32 @p0 s1;
	(v2sf) =	vpush v9, $0xE;
	s1 =	spop (v2sf)  }
0xfa: {  	v39 =	vld [tilespmem:s16+$0x0];
	v24 =	vmul.f32 v28, v24;
	p1 =	sgt.s32 s2, $0xF41FF;
	(v2sf) =	vpush v8, $0xE;
	s2 =	spop (v2sf)  }
0xfb: {  	s12 =	sadd.s32 $0x8D80, s31;
	v35 =	vld [tilespmem:s26+$0x0];
	(v2sf) =	vpush v59, $0xE;
	s26 =	spop (v2sf)  }
0xfc: {  	v21 =	vmul.f32 v21, v0;
	v43 =	vld [tilespmem:s15+$0x0];
	v24 =	vmul.f32 v24, v1;
	s14 =	sadd.s32 $0x8D90, s31;
	s25 =	sor.u32 $0x11000, s5;
	s31 =	spop (v2sf);
	(v2sf) =	vpush v61, $0xE  }
0xfd: {  	v53 =	vld [tilespmem:s8+$0x0];
	s5 =	sor.u32 $0x11010, s5;
	s8 =	sadd.s32 $0xE90, s17;
	s12 =	smov.u32 @p1 s25  }
0xfe: {  	v21 =	vadd.f32 v24, v21;
	v24 =	vld [tilespmem:s13+$0x0];
	s14 =	smov.u32 @p1 s5;
	s13 =	sadd.s32 $0xE00, s4;
	s16 =	sadd.s32 $0xE10, s4  }
0xff: {  	v28 =	vld [tilespmem:s19+$0x0];
	s15 =	sadd.s32 $0x8E00, s3;
	s19 =	sand.u32 $0x780, s7;
	s22 =	spop (v2sf)  }
0x100: {  	s5 =	sadd.s32 $0x8E10, s3;
	s0 =	sor.u32 s0, s19;
	s7 =	spop (v2sf)  }
0x101: {  	v9 =	vmul.f32 v63, v62;
	v62 =	vld [tilespmem:s12+$0x0];
	s12 =	sadd.s32 $0x8E90, s28;
	s2 =	sand.u32 $0x780, s2;
	(v2sf) =	vpush v5, $0xE;
	s19 =	spop (v2sf)  }
0x102: {  	s2 =	sor.u32 s1, s2;
	p1 =	sgt.s32 s26, $0xF41FF;
	(v2sf) =	vpush v4, $0xE;
	s26 =	spop (v2sf)  }
0x103: {  	v40 =	vld [tilespmem:s29+$0x0];
	s1 =	sor.u32 $0x10800, s0;
	s0 =	sor.u32 $0x10810, s0;
	(v2sf) =	vpush v3, $0xE;
	s29 =	spop (v2sf)  }
0x104: {  	v37 =	vld [tilespmem:s23+$0x0];
	p0 =	sgt.s32 s31, $0xF41FF;
	s13 =	smov.u32 @p1 s1;
	s31 =	spop (v2sf)  }
0x105: {  	v44 =	vld [tilespmem:s24+$0x0];
	s3 =	sor.u32 $0x11000, s2;
	s16 =	smov.u32 @p1 s0;
	(v2sf) =	vpush v8, $0xF;
	s1 =	spop (v2sf)  }
0x106: {  	v12 =	vmul.f32 v14, v12;
	v45 =	vld [tilespmem:s20+$0x0];
	s0 =	sor.u32 $0x11010, s2;
	s15 =	smov.u32 @p0 s3;
	(v2sf) =	vpush v59, $0xF;
	s3 =	spop (v2sf)  }
0x107: {  	v11 =	vmul.f32 v13, v11;
	v46 =	vld [tilespmem:s21+$0x0];
	s5 =	smov.u32 @p0 s0;
	s7 =	sand.u32 $0x780, s7;
	(v2sf) =	vpush v61, $0xF;
	s0 =	spop (v2sf)  }
0x108: {  	v50 =	vmul.f32 v18, v16;
	v12 =	vmul.f32 v12, v0;
	(xrf2) =	vadd.scan.msk.f32 $0xffff, v21;
	v21 =	vld [tilespmem:s30+$0x0];
	s7 =	sor.u32 s22, s7;
	s21 =	sand.u32 $0x780, s26;
	(v2sf) =	vpush v5, $0xF;
	s2 =	spop (v2sf)  }
0x109: {  	v11 =	vmul.f32 v11, v1;
	v49 =	vmul.f32 v17, v15;
	v56 =	vld [tilespmem:s6+$0x0];
	s4 =	sor.u32 $0x10800, s7;
	s6 =	sor.u32 $0x10810, s7;
	(v2sf) =	vpush v4, $0xF;
	s24 =	spop (v2sf)  }
0x10a: {  	v15 =	vmul.f32 v50, v1;
	v27 =	vmul.f32 v27, v37;
	v47 =	vld [tilespmem:s18+$0x0];
	s23 =	sor.u32 s19, s21;
	p1 =	sgt.s32 s29, $0xF41FF;
	s26 =	spop (v2sf)  }
0x10b: {  	v13 =	vmul.f32 v49, v0;
	v41 =	vmul.f32 v40, v39;
	v48 =	vld [tilespmem:s10+$0x0];
	s19 =	sadd.s32 $0xE80, s17;
	p0 =	sgt.s32 s31, $0xF41FF;
	s29 =	spop (v2sf);
	(v2sf) =	vpush v3, $0xF  }
0x10c: {  	v28 =	vmul.f32 v28, v38;
	v6 =	vmul.f32 v45, v44;
	v51 =	vld [tilespmem:s9+$0x0];
	s19 =	smov.u32 @p1 s4;
	s4 =	sadd.s32 $0x8E80, s28;
	s7 =	sor.u32 $0x11000, s23  }
0x10d: {  	v52 =	vmul.f32 v22, v19;
	v63 =	vmul.f32 v36, v35;
	v36 =	vld [tilespmem:s14+$0x0];
	s8 =	smov.u32 @p1 s6;
	s10 =	sor.u32 $0x11010, s23;
	s4 =	smov.u32 @p0 s7  }
0x10e: {  	v6 =	vmul.f32 v6, v0;
	v8 =	vmul.f32 v43, v24;
	v43 =	vld [tilespmem:s5+$0x0];
	s12 =	smov.u32 @p0 s10;
	s5 =	sadd.s32 $0xF00, s3;
	s9 =	sand.u32 $0x780, s26  }
0x10f: {  	v17 =	vmul.f32 v52, v0;
	v5 =	vmul.f32 v46, v21;
	s3 =	sadd.s32 $0xF10, s3;
	v46 =	vld [tilespmem:s4+$0x0];
	s4 =	sadd.s32 $0x8F00, s2;
	s9 =	sor.u32 s24, s9  }
0x110: {  	v54 =	vmul.f32 v23, v20;
	v57 =	vmul.f32 v30, v26;
	v61 =	vld [tilespmem:s11+$0x0];
	s2 =	sadd.s32 $0x8F10, s2;
	s11 =	sor.u32 $0x10800, s9;
	s30 =	spop (v2sf)  }
0x111: {  	v52 =	vmul.f32 v27, v0;
	v55 =	vmul.f32 v29, v25;
	v37 =	vld [tilespmem:s13+$0x0];
	s9 =	sor.u32 $0x10810, s9;
	s31 =	spop (v2sf);
	s7 =	sand.u32 $0x780, s30  }
0x112: {  	v19 =	vmul.f32 v54, v1;
	v23 =	vmul.f32 v57, v1;
	v38 =	vld [tilespmem:s16+$0x0];
	s6 =	sor.u32 s29, s7;
	p1 =	sgt.s32 s31, $0xF41FF;
	s14 =	spop (v2sf)  }
0x113: {  	v58 =	vmul.f32 v33, v31;
	v20 =	vmul.f32 v55, v0;
	v42 =	vld [tilespmem:s15+$0x0];
	s5 =	smov.u32 @p1 s11;
	s3 =	smov.u32 @p1 s9;
	s9 =	sor.u32 $0x11000, s6  }
0x114: {  	v14 =	vmul.f32 v51, v47;
	v4 =	vmul.f32 v53, v48;
	s17 =	spop (v2sf);
	p0 =	sgt.s32 s14, $0xF41FF;
	v48 =	vld [tilespmem:s5+$0x0];
	s5 =	sor.u32 $0x11010, s6  }
0x115: {  	v25 =	vmul.f32 v58, v0;
	v58 =	vmul.f32 v41, v0;
	v51 =	vld [tilespmem:s3+$0x0];
	s3 =	sadd.s32 $0xF80, s1;
	s1 =	sadd.s32 $0xF90, s1;
	s18 =	spop (v2sf)  }
0x116: {  	v11 =	vadd.f32 v11, v12;
	v9 =	vmul.f32 v9, v0;
	v22 =	vmul.f32 v62, v56;
	v44 =	vld [tilespmem:s19+$0x0];
	s4 =	smov.u32 @p0 s9;
	s20 =	spop (v2sf);
	s23 =	sand.u32 $0x780, s18  }
0x117: {  	v13 =	vadd.f32 v15, v13;
	v50 =	vmul.f32 v63, v1;
	v59 =	vmul.f32 v34, v32;
	v45 =	vld [tilespmem:s8+$0x0];
	s2 =	smov.u32 @p0 s5;
	s21 =	spop (v2sf);
	s24 =	sor.u32 s17, s23  }
0x118: {  	v60, _, _ =	vpop (xrf2);
	(xrf2) =	vadd.scan.msk.f32 $0xffff, v11;
	v56 =	vmul.f32 v28, v1;
	v63 =	vmul.f32 v14, v0;
	v54 =	vld [tilespmem:s4+$0x0];
	s4 =	sadd.s32 $0x8F80, s0;
	s22 =	spop (v2sf);
	s6 =	sor.u32 $0x10800, s24  }
0x119: {  	(xrf2) =	vadd.scan.msk.f32 $0xffff, v13;
	v55 =	vadd.f32 v19, v17;
	v28 =	vmul.f32 v22, v0;
	v49 =	vmul.f32 v59, v1;
	v57 =	vld [tilespmem:s2+$0x0];
	s2 =	sor.u32 $0x10810, s24;
	s25 =	sand.u32 $0x780, s21;
	p1 =	sgt.s32 s22, $0xF41FF  }
0x11a: {  	v20 =	vadd.f32 v23, v20;
	v8 =	vmul.f32 v8, v1;
	v47 =	vld [tilespmem:s12+$0x0];
	v53 =	vmul.f32 v42, v37;
	s5 =	sor.u32 s20, s25;
	s3 =	smov.u32 @p1 s6;
	s26 =	spop (v2sf)  }
0x11b: {  	(xrf2) =	vadd.scan.msk.f32 $0xffff, v55;
	v7 =	vmul.f32 v43, v38;
	v12 =	vadd.f32 v49, v25;
	v3 =	vbroadcast v60, $0xF;
	s6 =	sor.u32 $0x11000, s5;
	s1 =	smov.u32 @p1 s2;
	v60 =	vld [tilespmem:s3+$0x0];
	p0 =	sgt.s32 s26, $0xF41FF  }
0x11c: {  	(xrf2) =	vadd.scan.msk.f32 $0xffff, v20;
	v9 =	vadd.f32 v50, v9;
	v5 =	vmul.f32 v5, v1;
	v4 =	vmul.f32 v4, v1;
	s0 =	sadd.s32 $0x8F90, s0;
	s2 =	sor.u32 $0x11010, s5;
	v62 =	vld [tilespmem:s1+$0x0];
	s4 =	smov.u32 @p0 s6  }
0x11d: {  	v11 =	vadd.f32 v56, v52;
	v29 =	vmul.f32 v53, v0;
	v10 =	vmul.f32 v36, v61;
	(xrf2) =	vadd.scan.msk.f32 $0xffff, v12;
	s0 =	smov.u32 @p0 s2;
	v24 =	vld [tilespmem:s4+$0x0]  }
0x11e: {  	v8 =	vadd.f32 v8, v58;
	v7 =	vmul.f32 v7, v1;
	(xrf2) =	vadd.scan.msk.f32 $0xffff, v9;
	v59 =	vmul.f32 v46, v44;
	v26 =	vld [tilespmem:s0+$0x0]  }
0x11f: {  	v5 =	vadd.f32 v5, v6;
	v61 =	vmul.f32 v47, v45;
	(xrf2) =	vadd.scan.msk.f32 $0xffff, v11;
	v10 =	vmul.f32 v10, v1  }
0x120: {  	v4 =	vadd.f32 v4, v63;
	(xrf2) =	vadd.scan.msk.f32 $0xffff, v8;
	v21 =	vmul.f32 v54, v48;
	v25 =	vmul.f32 v57, v51  }
0x121: {  	(xrf2) =	vadd.scan.msk.f32 $0xffff, v5;
	v30 =	vadd.f32 v10, v28;
	v31 =	vmul.f32 v59, v0;
	v32 =	vmul.f32 v61, v1  }
0x122: {  	v33, _, _ =	vpop (xrf2);
	v7 =	vadd.f32 v7, v29;
	(xrf2) =	vadd.scan.msk.f32 $0xffff, v4;
	v34 =	vmul.f32 v21, v0;
	v9 =	vmul.f32 v25, v1  }
0x123: {  	v35, _, _ =	vpop (xrf2);
	(xrf2) =	vadd.scan.msk.f32 $0xffff, v30;
	v36 =	vadd.f32 v32, v31;
	v37 =	vmul.f32 v24, v60;
	v38 =	vmul.f32 v26, v62  }
0x124: {  	v11 =	vbroadcast v35, $0xF;
	v4 =	vbroadcast v33, $0xF;
	(xrf2) =	vadd.scan.msk.f32 $0xffff, v7;
	v39 =	vadd.f32 v9, v34  }
0x125: {  	v40, _, _ =	vpop (xrf2);
	(xrf2) =	vadd.scan.msk.f32 $0xffff, v36;
	v41 =	vmul.f32 v37, v0;
	v42 =	vmul.f32 v38, v1  }
0x126: {  	v43 =	vbroadcast v40, $0xF;
	v44, _, _ =	vpop (xrf2);
	v3 =	vsel vm15, v3, v4;
	(xrf2) =	vadd.scan.msk.f32 $0xffff, v39  }
0x127: {  	v8 =	vbroadcast v44, $0xF;
	v3 =	vsel vm1, v3, v11;
	v45, _, _ =	vpop (xrf2);
	v5 =	vadd.f32 v42, v41  }
0x128: {  	v3 =	vsel vm2, v3, v43;
	v46, _, _ =	vpop (xrf2);
	v47 =	vbroadcast v45, $0xF  }
0x129: {  	v3 =	vsel vm3, v3, v8;
	v6 =	vbroadcast v46, $0xF;
	v48, _, _ =	vpop (xrf2);
	(xrf2) =	vadd.scan.msk.f32 $0xffff, v5  }
0x12a: {  	v3 =	vsel vm4, v3, v47;
	v49, _, _ =	vpop (xrf2);
	v50 =	vbroadcast v48, $0xF  }
0x12b: {  	v3 =	vsel vm5, v3, v6;
	v51, _, _ =	vpop (xrf2);
	v5 =	vbroadcast v49, $0xF  }
0x12c: {  	v52, _, _ =	vpop (xrf2);
	v3 =	vsel vm6, v3, v50;
	v53 =	vbroadcast v51, $0xF  }
0x12d: {  	v54, _, _ =	vpop (xrf2);
	v55 =	vbroadcast v52, $0xF;
	v3 =	vsel vm7, v3, v5  }
0x12e: {  	v56, _, _ =	vpop (xrf2);
	v57 =	vbroadcast v54, $0xF;
	v3 =	vsel vm8, v3, v53  }
0x12f: {  	v58, _, _ =	vpop (xrf2);
	v59 =	vbroadcast v56, $0xF;
	v3 =	vsel vm9, v3, v55  }
0x130: {  	v61 =	vbroadcast v58, $0xF;
	v60, _, _ =	vpop (xrf2);
	v3 =	vsel vm10, v3, v57  }
0x131: {  	v62 =	vbroadcast v60, $0xF;
	v3 =	vsel vm11, v3, v59  }
0x132: {  	v3 =	vsel vm12, v3, v61  }
0x133: {  	v3 =	vsel vm13, v3, v62;
	v63, _, _ =	vpop (xrf2)  }
0x134: {  	v3 =	vsel vm14, v3, v63  }
0x135: {  	v3 =	vadd.f32 v3, v2;
	_ =	sdelay $0x1  }
0x136: {  	v3 =	vsub.f32 $0.0e+00, v3;
	_ =	sdelay $0x1  }
0x137: {  	v3 =	vmul.f32 $1.442695020e+00, v3;
	_ =	sdelay $0x1  }
0x138: {  	(erf) = vpow2.f32 v3;
	_ =	sdelay $0x8  }
0x139: {  	v3 =	vpop (erf)  }
0x13a: {  	v3 =	vadd.f32 $1.000000000e+00, v3;
	_ =	sdelay $0x1  }
0x13b: {  	(erf) = vrcp.f32 v3;
	_ =	sdelay $0x3  }
0x13c: {  	s28 =	rddreg [dreg:$0x15]  }
0x13d: {  	p0 =	sne.s32 s28, $0x1E000  }
.Ltmp1:
0x13e: {  	_ = 	snop;
	(pc) =	sbr.rel @p0 .LBB2_4-.Ltmp1, $4  }
0x13f: {  	s30 =	rddreg [dreg:$0x13]  }
0x140: {  	s29 =	rddreg [dreg:$0x11]  }
0x141: {  	s31 =	rddreg [dreg:$0xf];
	s1 =	sadd.s32 $0x10, s29;
	v3 =	vpop (erf)  }
0x142: {  	s3 =	sadd.s32 $0x2000, s28;
	s2 =	sadd.s32 $0x10, s30;
	s0 =	sadd.s32 $0x10, s31;
	[tilespmem:s29+$0x0] =	vst v3  }
0x143: {  	s0 =	rddreg [dreg:$0x5]  }
0x144: {  	s2 =	simm.s32 $0x80;
	s1 =	simm.s32 $0x800;
	s3 =	simm.s32 $0x500  }
0x145: {  	[tilespmem:s1], [sflag:$0x1] =	stream.indirect.gather [hbm4b:s0+s2], $0x80, s3, s2, $0xb8;
	[tilespmem:$0x11A40] =	vst v63  }
0x146: {  	s23 =	rddreg [dreg:$0x6];
	s24 =	simm.s32 $0x8800;
	s4 =	simm.s32 $0x700  }
0x147: {  	[tilespmem:s24], [sflag:$0x2] =	stream.indirect.gather [hbm4b:s23+s2], $0x80, s4, s2, $0xb8;
	[tilespmem:$0x11A40] =	vst v63  }
0x148: {  	s25 =	simm.s32 $0x4800;
	s26 =	simm.s32 $0x580  }
0x149: {  	[tilespmem:s25], [sflag:$0x1] =	stream.indirect.gather [hbm4b:s0+s2], $0x80, s26, s2, $0xb8;
	[tilespmem:$0x11A40] =	vst v63  }
0x14a: {  	s28 =	simm.s32 $0xC800;
	s29 =	simm.s32 $0x780;
	s30 =	simm.s32 $0x1  }
0x14b: {  	[tilespmem:s28], [sflag:$0x2] =	stream.indirect.gather [hbm4b:s23+s2], $0x80, s29, s2, $0xb8;
	[tilespmem:$0x11A40] =	vst v63  }
0x14c: {  	_ =	swait.ge [sflag:s30], $0x8000  }
0x14d: {  	[sflag:s30] =	ssyncset.done $0x0  }
0x14e: {  	s31 =	simm.s32 $0x2;
	[sflag:s30] =	ssyncadd.s32 $0xFFFF8000  }
0x14f: {  	_ =	swait.ge [sflag:s31], $0x8000  }
0x150: {  	s1 =	simm.s32 $0x11940;
	s3 =	simm.s32 $0x100;
	[sflag:s31] =	ssyncset.done $0x0  }
0x151: {  	s0 =	simm.s32 $0x0;
	s2 =	simm.s32 $0x300;
	[sflag:s31] =	ssyncadd.s32 $0xFFFF8000  }
.LBB2_6:
0x152: {  	v4 =	vld [tilespmem:s3+$0x0]  }
0x153: {  	v3 =	vld [tilespmem:s2+$0x0];
	_ =	sdelay $0x2  }
0x154: {  	[dreg:$0x10] =	wrdreg s0  }
0x155: {  	s0 =	rddreg [dreg:$0x10];
	v5 =	vshll.u32 v4, $0x5;
	v6 =	vadd.s32 $0xFFF0BE00, v4  }
0x156: {  	s0 =	sshra.s32 s0, $0x2;
	v7 =	vshll.u32 v3, $0x5;
	v58 =	vadd.s32 $0xFFF0BE00, v3;
	v5 =	vand.u32 $0x60, v5  }
0x157: {  	vm0 =	vgt.s32 v6, $0x0;
	v7 =	vand.u32 $0x60, v7;
	v10 =	vadd.s32 s0, v5  }
0x158: {  	v6 =	vnsel vm0, $0x0, v6;
	vm0 =	vgt.s32 v58, $0x0;
	(v2sf) =	vpush v10, $0x1  }
0x159: {  	v9 =	vadd.s32 s0, v7;
	v57 =	vmin.u32 v6, $0x3F;
	(v2sf) =	vpush v10, $0x0  }
0x15a: {  	v6 =	vnsel vm0, $0x0, v58;
	v59 =	vshll.u32 v57, $0x5;
	(v2sf) =	vpush v9, $0x1  }
0x15b: {  	v60 =	vmin.u32 v6, $0x3F;
	v8 =	vand.u32 $0x60, v59;
	(v2sf) =	vpush v9, $0x0  }
0x15c: {  	v5 =	vshll.u32 v60, $0x5;
	(v2sf) =	vpush v8, $0x0  }
0x15d: {  	v61 =	vand.u32 $0x60, v5;
	(v2sf) =	vpush v59, $0x0  }
0x15e: {  	(v2sf) =	vpush v61, $0x0  }
0x15f: {  	(v2sf) =	vpush v5, $0x0;
	_ =	sdelay $0x1  }
0x160: {  	(v2sf) =	vpush v4, $0x0  }
0x161: {  	(v2sf) =	vpush v3, $0x0;
	_ =	sdelay $0x1  }
0x162: {  	(v2sf) =	vpush v8, $0x1  }
0x163: {  	(v2sf) =	vpush v59, $0x1  }
0x164: {  	(v2sf) =	vpush v61, $0x1  }
0x165: {  	s18 =	spop (v2sf);
	(v2sf) =	vpush v5, $0x1  }
0x166: {  	s19 =	spop (v2sf);
	(v2sf) =	vpush v4, $0x1  }
0x167: {  	[dreg:$0x16] =	wrdreg s3;
	s20 =	spop (v2sf);
	(v2sf) =	vpush v3, $0x1  }
0x168: {  	[dreg:$0x14] =	wrdreg s2;
	s21 =	spop (v2sf);
	(v2sf) =	vpush v10, $0x3  }
0x169: {  	[dreg:$0x12] =	wrdreg s1;
	s30 =	sadd.s32 $0x890, s18;
	s4 =	spop (v2sf);
	(v2sf) =	vpush v10, $0x2  }
0x16a: {  	s29 =	sadd.s32 $0x800, s19;
	s7 =	sadd.s32 $0x810, s19;
	s5 =	spop (v2sf);
	(v2sf) =	vpush v9, $0x3  }
0x16b: {  	s17 =	sadd.s32 $0x8800, s21;
	s22 =	sand.u32 $0x780, s5;
	s23 =	spop (v2sf);
	(v2sf) =	vpush v9, $0x2  }
0x16c: {  	s10 =	sadd.s32 $0x8810, s21;
	s1 =	sor.u32 s4, s22;
	s24 =	spop (v2sf);
	(v2sf) =	vpush v8, $0x2  }
0x16d: {  	s3 =	sor.u32 $0x10800, s1;
	s4 =	sand.u32 $0x780, s24;
	(v2sf) =	vpush v59, $0x2;
	s1 =	sor.u32 $0x10810, s1  }
0x16e: {  	s25 =	spop (v2sf);
	s24 =	sadd.s32 $0x880, s18;
	s4 =	sor.u32 s23, s4;
	(v2sf) =	vpush v61, $0x2  }
0x16f: {  	p0 =	sgt.s32 s25, $0xF41FF;
	s26 =	spop (v2sf);
	s6 =	sor.u32 $0x11000, s4;
	(v2sf) =	vpush v5, $0x2  }
0x170: {  	p1 =	sgt.s32 s26, $0xF41FF;
	s29 =	smov.u32 @p0 s3;
	s7 =	smov.u32 @p0 s1  }
0x171: {  	s1 =	sor.u32 $0x11010, s4;
	s28 =	spop (v2sf);
	[dreg:$0x18] =	wrdreg s7;
	(v2sf) =	vpush v4, $0x2  }
0x172: {  	s17 =	smov.u32 @p1 s6;
	s10 =	smov.u32 @p1 s1;
	s31 =	spop (v2sf);
	(v2sf) =	vpush v3, $0x2  }
0x173: {  	s6 =	sadd.s32 $0x8890, s20;
	s1 =	sand.u32 $0x780, s31;
	s4 =	spop (v2sf)  }
0x174: {  	s31 =	sadd.s32 $0x8880, s20;
	(v2sf) =	vpush v8, $0x3;
	s0 =	sor.u32 s28, s1;
	s5 =	spop (v2sf)  }
0x175: {  	s2 =	sor.u32 $0x10800, s0;
	(v2sf) =	vpush v59, $0x3;
	s7 =	spop (v2sf);
	s3 =	sand.u32 $0x780, s5  }
0x176: {  	s0 =	sor.u32 $0x10810, s0;
	(v2sf) =	vpush v61, $0x3;
	s8 =	spop (v2sf);
	s1 =	sor.u32 s4, s3  }
0x177: {  	(v2sf) =	vpush v5, $0x3;
	p0 =	sgt.s32 s7, $0xF41FF;
	s9 =	spop (v2sf);
	s4 =	sor.u32 $0x11000, s1  }
0x178: {  	(v2sf) =	vpush v4, $0x3;
	s24 =	smov.u32 @p0 s2;
	p1 =	sgt.s32 s8, $0xF41FF;
	s11 =	spop (v2sf)  }
0x179: {  	s30 =	smov.u32 @p0 s0;
	s1 =	sor.u32 $0x11010, s1;
	(v2sf) =	vpush v3, $0x3;
	s0 =	spop (v2sf)  }
0x17a: {  	s31 =	smov.u32 @p1 s4;
	s6 =	smov.u32 @p1 s1;
	(v2sf) =	vpush v10, $0x5;
	s12 =	spop (v2sf)  }
0x17b: {  	[dreg:$0x1a] =	wrdreg s6;
	s20 =	sadd.s32 $0x900, s11;
	(v2sf) =	vpush v10, $0x4;
	s13 =	spop (v2sf)  }
0x17c: {  	s21 =	sadd.s32 $0x910, s11;
	s11 =	sadd.s32 $0x980, s9;
	(v2sf) =	vpush v9, $0x5;
	s14 =	spop (v2sf)  }
0x17d: {  	s9 =	sadd.s32 $0x990, s9;
	(v2sf) =	vpush v9, $0x4;
	s2 =	sand.u32 $0x780, s14;
	s15 =	spop (v2sf)  }
0x17e: {  	s8 =	sadd.s32 $0x8900, s12;
	(v2sf) =	vpush v8, $0x4;
	s1 =	sor.u32 s13, s2;
	s16 =	spop (v2sf)  }
0x17f: {  	s7 =	sadd.s32 $0x8910, s12;
	(v2sf) =	vpush v59, $0x4;
	s4 =	sor.u32 $0x10800, s1;
	s2 =	sand.u32 $0x780, s16  }
0x180: {  	s18 =	spop (v2sf);
	(v2sf) =	vpush v61, $0x4;
	s1 =	sor.u32 $0x10810, s1;
	s2 =	sor.u32 s15, s2  }
0x181: {  	p0 =	sgt.s32 s18, $0xF41FF;
	(v2sf) =	vpush v5, $0x4;
	s19 =	spop (v2sf);
	s5 =	sor.u32 $0x11000, s2  }
0x182: {  	s20 =	smov.u32 @p0 s4;
	p1 =	sgt.s32 s19, $0xF41FF;
	s21 =	smov.u32 @p0 s1  }
0x183: {  	(v2sf) =	vpush v4, $0x4;
	s22 =	spop (v2sf);
	s2 =	sor.u32 $0x11010, s2;
	s8 =	smov.u32 @p1 s5  }
0x184: {  	(v2sf) =	vpush v3, $0x4;
	s7 =	smov.u32 @p1 s2;
	[dreg:$0x1e] =	wrdreg s8;
	s23 =	spop (v2sf)  }
0x185: {  	(v2sf) =	vpush v8, $0x5;
	[dreg:$0x1c] =	wrdreg s7;
	s25 =	spop (v2sf);
	s26 =	sand.u32 $0x780, s23  }
0x186: {  	s8 =	sadd.s32 $0x8980, s0;
	s28 =	spop (v2sf);
	s1 =	sor.u32 s22, s26  }
0x187: {  	s7 =	sadd.s32 $0x8990, s0;
	s5 =	spop (v2sf);
	s0 =	sor.u32 $0x10800, s1  }
0x188: {  	(v2sf) =	vpush v59, $0x5;
	s6 =	sor.u32 $0x10810, s1;
	s4 =	sand.u32 $0x780, s28;
	s12 =	spop (v2sf)  }
0x189: {  	(v2sf) =	vpush v61, $0x5;
	s2 =	sor.u32 s25, s4;
	p0 =	sgt.s32 s5, $0xF41FF;
	s1 =	spop (v2sf)  }
0x18a: {  	(v2sf) =	vpush v5, $0x5;
	s4 =	sor.u32 $0x11000, s2;
	s11 =	smov.u32 @p0 s0;
	s13 =	spop (v2sf)  }
0x18b: {  	(v2sf) =	vpush v4, $0x5;
	p1 =	sgt.s32 s12, $0xF41FF;
	s9 =	smov.u32 @p0 s6;
	s0 =	spop (v2sf)  }
0x18c: {  	(v2sf) =	vpush v3, $0x5;
	s2 =	sor.u32 $0x11010, s2;
	[smem:$0x7E7] =	sst s11;
	s14 =	spop (v2sf)  }
0x18d: {  	[smem:$0x7E8] =	sst s9;
	s8 =	smov.u32 @p1 s4;
	s15 =	spop (v2sf)  }
0x18e: {  	(v2sf) =	vpush v10, $0x7;
	s7 =	smov.u32 @p1 s2;
	[smem:$0x7E9] =	sst s8;
	s16 =	spop (v2sf)  }
0x18f: {  	(v2sf) =	vpush v10, $0x6;
	[smem:$0x7EA] =	sst s7;
	s9 =	sadd.s32 $0xA00, s13;
	s18 =	spop (v2sf)  }
0x190: {  	s8 =	sadd.s32 $0xA10, s13;
	(v2sf) =	vpush v9, $0x7;
	s2 =	sand.u32 $0x780, s16;
	s19 =	spop (v2sf)  }
0x191: {  	(v2sf) =	vpush v9, $0x6;
	s7 =	sadd.s32 $0x8A00, s14;
	s2 =	sor.u32 s15, s2;
	s22 =	sand.u32 $0x780, s19  }
0x192: {  	(v2sf) =	vpush v8, $0x6;
	s23 =	spop (v2sf);
	s6 =	sor.u32 $0x10800, s2;
	s2 =	sor.u32 $0x10810, s2  }
0x193: {  	(v2sf) =	vpush v59, $0x6;
	s3 =	sor.u32 s18, s22;
	p1 =	sgt.s32 s23, $0xF41FF;
	s25 =	spop (v2sf)  }
0x194: {  	(v2sf) =	vpush v61, $0x6;
	p0 =	sgt.s32 s25, $0xF41FF;
	s26 =	spop (v2sf);
	s9 =	smov.u32 @p1 s6  }
0x195: {  	(v2sf) =	vpush v5, $0x6;
	s8 =	smov.u32 @p1 s2;
	s2 =	sor.u32 $0x11000, s3;
	s6 =	sadd.s32 $0x8A10, s14  }
0x196: {  	(v2sf) =	vpush v4, $0x6;
	s3 =	sor.u32 $0x11010, s3;
	[smem:$0x7EB] =	sst s8;
	s7 =	smov.u32 @p0 s2  }
0x197: {  	(v2sf) =	vpush v3, $0x6;
	s28 =	spop (v2sf);
	s6 =	smov.u32 @p0 s3;
	[smem:$0x7EC] =	sst s7  }
0x198: {  	s12 =	spop (v2sf);
	s13 =	sand.u32 $0x780, s28;
	[smem:$0x7ED] =	sst s6  }
0x199: {  	(v2sf) =	vpush v8, $0x7;
	s6 =	sadd.s32 $0xA80, s1;
	s28 =	sadd.s32 $0x8A80, s0;
	s8 =	spop (v2sf)  }
0x19a: {  	(v2sf) =	vpush v59, $0x7;
	s4 =	sor.u32 s26, s13;
	s14 =	spop (v2sf);
	s2 =	sand.u32 $0x780, s8  }
0x19b: {  	(v2sf) =	vpush v61, $0x7;
	s11 =	sor.u32 $0x10800, s4;
	s15 =	spop (v2sf);
	p0 =	sgt.s32 s14, $0xF41FF  }
0x19c: {  	(v2sf) =	vpush v5, $0x7;
	s12 =	sor.u32 s12, s2;
	s2 =	sadd.s32 $0xA90, s1;
	s1 =	sor.u32 $0x10810, s4  }
0x19d: {  	(v2sf) =	vpush v4, $0x7;
	s3 =	spop (v2sf);
	s6 =	smov.u32 @p0 s11;
	p1 =	sgt.s32 s15, $0xF41FF  }
0x19e: {  	s2 =	smov.u32 @p0 s1;
	s13 =	spop (v2sf);
	[smem:$0x7EE] =	sst s6  }
0x19f: {  	s4 =	sor.u32 $0x11000, s12;
	[smem:$0x7EF] =	sst s2;
	s6 =	spop (v2sf)  }
0x1a0: {  	(v2sf) =	vpush v3, $0x7;
	s2 =	sadd.s32 $0x8A90, s0;
	s0 =	sor.u32 $0x11010, s12;
	s14 =	spop (v2sf)  }
0x1a1: {  	s28 =	smov.u32 @p1 s4;
	s2 =	smov.u32 @p1 s0;
	s16 =	spop (v2sf)  }
0x1a2: {  	(v2sf) =	vpush v10, $0x9;
	[smem:$0x7F0] =	sst s2;
	s2 =	sadd.s32 $0xB00, s13;
	s18 =	spop (v2sf)  }
0x1a3: {  	(v2sf) =	vpush v10, $0x8;
	s12 =	sadd.s32 $0x8B00, s14;
	s19 =	spop (v2sf);
	s23 =	sand.u32 $0x780, s18  }
0x1a4: {  	(v2sf) =	vpush v9, $0x9;
	s22 =	spop (v2sf);
	s0 =	sor.u32 s16, s23;
	s23 =	sadd.s32 $0xB80, s3  }
0x1a5: {  	(v2sf) =	vpush v9, $0x8;
	s25 =	spop (v2sf);
	s26 =	sand.u32 $0x780, s22;
	s5 =	sor.u32 $0x10800, s0  }
0x1a6: {  	(v2sf) =	vpush v8, $0x8;
	s0 =	sor.u32 $0x10810, s0;
	p1 =	sgt.s32 s25, $0xF41FF;
	s4 =	spop (v2sf)  }
0x1a7: {  	(v2sf) =	vpush v59, $0x8;
	s1 =	sor.u32 s19, s26;
	s25 =	sadd.s32 $0x8B10, s14;
	s2 =	smov.u32 @p1 s5  }
0x1a8: {  	(v2sf) =	vpush v61, $0x8;
	s7 =	spop (v2sf);
	[smem:$0x7F1] =	sst s2;
	s2 =	sadd.s32 $0xB10, s13  }
0x1a9: {  	(v2sf) =	vpush v5, $0x8;
	p0 =	sgt.s32 s4, $0xF41FF;
	s8 =	spop (v2sf);
	s2 =	smov.u32 @p1 s0  }
0x1aa: {  	(v2sf) =	vpush v4, $0x8;
	s16 =	spop (v2sf);
	s0 =	sor.u32 $0x11000, s1;
	s18 =	sand.u32 $0x780, s8  }
0x1ab: {  	[smem:$0x7F2] =	sst s2;
	s15 =	spop (v2sf);
	s12 =	smov.u32 @p0 s0  }
0x1ac: {  	(v2sf) =	vpush v3, $0x8;
	s0 =	sor.u32 $0x11010, s1;
	s5 =	sor.u32 s7, s18;
	s11 =	spop (v2sf)  }
0x1ad: {  	(v2sf) =	vpush v8, $0x9;
	s25 =	smov.u32 @p0 s0;
	s22 =	sand.u32 $0x780, s15;
	s18 =	sor.u32 $0x10800, s5  }
0x1ae: {  	(v2sf) =	vpush v59, $0x9;
	s15 =	sadd.s32 $0xB90, s3;
	s3 =	sor.u32 $0x10810, s5;
	v11 =	vld [tilespmem:s30+$0x0];
	s30 =	rddreg [dreg:$0x1a]  }
0x1af: {  	(v2sf) =	vpush v61, $0x9;
	v28 =	vld [tilespmem:s10+$0x0];
	s10 =	rddreg [dreg:$0x1c];
	s19 =	spop (v2sf);
	p0 =	sgt.s32 s11, $0xF41FF  }
0x1b0: {  	(v2sf) =	vpush v5, $0x9;
	s26 =	sor.u32 s16, s22;
	s22 =	sadd.s32 $0x8B90, s6;
	v18 =	vld [tilespmem:s10+$0x0];
	s10 =	sld [smem:$0x7EA]  }
0x1b1: {  	(v2sf) =	vpush v4, $0x9;
	s7 =	spop (v2sf);
	s23 =	smov.u32 @p0 s18;
	p1 =	sgt.s32 s19, $0xF41FF  }
0x1b2: {  	(v2sf) =	vpush v3, $0x9;
	s15 =	smov.u32 @p0 s3;
	s19 =	sadd.s32 $0x8B80, s6;
	s2 =	spop (v2sf)  }
0x1b3: {  	s13 =	sor.u32 $0x11000, s26;
	s0 =	sor.u32 $0x11010, s26;
	(v2sf) =	vpush v10, $0xB;
	s8 =	spop (v2sf)  }
0x1b4: {  	v12 =	vld [tilespmem:s24+$0x0];
	s19 =	smov.u32 @p1 s13;
	s22 =	smov.u32 @p1 s0;
	(v2sf) =	vpush v10, $0xA;
	s4 =	spop (v2sf)  }
0x1b5: {  	v13 =	vld [tilespmem:s30+$0x0];
	s24 =	sadd.s32 $0xC80, s7;
	s30 =	sadd.s32 $0xC90, s7;
	(v2sf) =	vpush v9, $0xB;
	s1 =	spop (v2sf)  }
0x1b6: {  	v15 =	vld [tilespmem:s20+$0x0];
	s7 =	rddreg [dreg:$0x1e];
	s16 =	sadd.s32 $0xC00, s2;
	(v2sf) =	vpush v9, $0xA;
	s11 =	spop (v2sf)  }
0x1b7: {  	v16 =	vld [tilespmem:s21+$0x0];
	s20 =	sadd.s32 $0x8C80, s8;
	s21 =	sadd.s32 $0x8C90, s8;
	s14 =	spop (v2sf);
	(v2sf) =	vpush v8, $0xA  }
0x1b8: {  	s8 =	sld [smem:$0x7E9];
	s3 =	sand.u32 $0x780, s11;
	s18 =	spop (v2sf);
	(v2sf) =	vpush v59, $0xA  }
0x1b9: {  	v21 =	vld [tilespmem:s29+$0x0];
	s29 =	sadd.s32 $0x8C00, s4;
	s11 =	sor.u32 s1, s3;
	s26 =	spop (v2sf);
	(v2sf) =	vpush v61, $0xA  }
0x1ba: {  	s13 =	sand.u32 $0x780, s18;
	s6 =	sor.u32 $0x10800, s11;
	s0 =	sor.u32 $0x10810, s11;
	(v2sf) =	vpush v5, $0xA  }
0x1bb: {  	p1 =	sgt.s32 s26, $0xF41FF;
	s1 =	sor.u32 s14, s13;
	s14 =	spop (v2sf);
	(v2sf) =	vpush v4, $0xA  }
0x1bc: {  	s13 =	sadd.s32 $0xC10, s2;
	s26 =	rddreg [dreg:$0x18];
	s5 =	spop (v2sf)  }
0x1bd: {  	s16 =	smov.u32 @p1 s6;
	p0 =	sgt.s32 s14, $0xF41FF;
	s18 =	spop (v2sf)  }
0x1be: {  	s13 =	smov.u32 @p1 s0;
	s3 =	sor.u32 $0x11000, s1;
	(v2sf) =	vpush v3, $0xA;
	s6 =	spop (v2sf)  }
0x1bf: {  	s14 =	sadd.s32 $0x8C10, s4;
	s1 =	sor.u32 $0x11010, s1;
	(v2sf) =	vpush v8, $0xB;
	s11 =	spop (v2sf)  }
0x1c0: {  	s29 =	smov.u32 @p0 s3;
	s0 =	sand.u32 $0x780, s18;
	(v2sf) =	vpush v59, $0xB;
	s18 =	spop (v2sf)  }
0x1c1: {  	v24 =	vld [tilespmem:s26+$0x0];
	s14 =	smov.u32 @p0 s1;
	s0 =	sor.u32 s5, s0;
	(v2sf) =	vpush v61, $0xB;
	s26 =	spop (v2sf)  }
0x1c2: {  	s4 =	sand.u32 $0x780, s11;
	s5 =	sor.u32 $0x10800, s0;
	(v2sf) =	vpush v5, $0xB;
	s11 =	spop (v2sf)  }
0x1c3: {  	s0 =	sor.u32 $0x10810, s0;
	p0 =	sgt.s32 s18, $0xF41FF;
	(v2sf) =	vpush v4, $0xB;
	s2 =	spop (v2sf)  }
0x1c4: {  	v14 =	vld [tilespmem:s31+$0x0];
	s4 =	sor.u32 s6, s4;
	s24 =	smov.u32 @p0 s5;
	(v2sf) =	vpush v3, $0xB;
	s31 =	spop (v2sf)  }
0x1c5: {  	v27 =	vld [tilespmem:s17+$0x0];
	p1 =	sgt.s32 s26, $0xF41FF;
	s30 =	smov.u32 @p0 s0;
	(v2sf) =	vpush v10, $0xD;
	s17 =	spop (v2sf)  }
0x1c6: {  	s1 =	sor.u32 $0x11000, s4;
	s4 =	sor.u32 $0x11010, s4;
	(v2sf) =	vpush v10, $0xC;
	s0 =	spop (v2sf)  }
0x1c7: {  	s26 =	sld [smem:$0x7E7];
	s20 =	smov.u32 @p1 s1;
	(v2sf) =	vpush v9, $0xD;
	s5 =	spop (v2sf)  }
0x1c8: {  	v23 =	vld [tilespmem:s10+$0x0];
	s21 =	smov.u32 @p1 s4;
	s10 =	sadd.s32 $0xD10, s2;
	(v2sf) =	vpush v9, $0xC;
	s1 =	spop (v2sf)  }
0x1c9: {  	v25 =	vld [tilespmem:s9+$0x0];
	s9 =	sadd.s32 $0x8D00, s17;
	(v2sf) =	vpush v8, $0xC;
	s6 =	sand.u32 $0x780, s5;
	s18 =	spop (v2sf)  }
0x1ca: {  	v17 =	vld [tilespmem:s7+$0x0];
	(v2sf) =	vpush v59, $0xC;
	s0 =	sor.u32 s0, s6;
	s6 =	sld [smem:$0x7E8];
	s5 =	spop (v2sf)  }
0x1cb: {  	v22 =	vld [tilespmem:s8+$0x0];
	(v2sf) =	vpush v61, $0xC;
	s7 =	sand.u32 $0x780, s18;
	s18 =	sadd.s32 $0xD00, s2;
	s8 =	sor.u32 $0x10800, s0  }
0x1cc: {  	(v2sf) =	vpush v5, $0xC;
	s0 =	sor.u32 $0x10810, s0;
	p0 =	sgt.s32 s5, $0xF41FF;
	s1 =	sor.u32 s1, s7  }
0x1cd: {  	(v2sf) =	vpush v4, $0xC;
	v20 =	vld [tilespmem:s6+$0x0];
	s6 =	spop (v2sf);
	s18 =	smov.u32 @p0 s8;
	s8 =	sld [smem:$0x7ED]  }
0x1ce: {  	v33 =	vld [tilespmem:s28+$0x0];
	s5 =	sld [smem:$0x7EB];
	(v2sf) =	vpush v3, $0xC;
	s10 =	smov.u32 @p0 s0;
	s3 =	spop (v2sf)  }
0x1cf: {  	v19 =	vld [tilespmem:s26+$0x0];
	p1 =	sgt.s32 s6, $0xF41FF;
	s6 =	sld [smem:$0x7EC];
	s26 =	spop (v2sf)  }
0x1d0: {  	s7 =	spop (v2sf);
	v30 =	vld [tilespmem:s8+$0x0];
	s8 =	sadd.s32 $0x8D10, s17;
	s17 =	sld [smem:$0x7EE]  }
0x1d1: {  	(v2sf) =	vpush v8, $0xD;
	v26 =	vld [tilespmem:s5+$0x0];
	s4 =	sand.u32 $0x780, s26;
	s26 =	sld [smem:$0x7EF];
	s0 =	spop (v2sf)  }
0x1d2: {  	(v2sf) =	vpush v59, $0xD;
	v29 =	vld [tilespmem:s6+$0x0];
	s6 =	sor.u32 $0x11000, s1;
	s1 =	sor.u32 $0x11010, s1;
	s5 =	spop (v2sf)  }
0x1d3: {  	v63 =	vld [tilespmem:s12+$0x0];
	(v2sf) =	vpush v61, $0xD;
	s9 =	smov.u32 @p1 s6;
	s8 =	smov.u32 @p1 s1;
	s2 =	spop (v2sf)  }
0x1d4: {  	(v2sf) =	vpush v5, $0xD;
	s1 =	sor.u32 s3, s4;
	s6 =	sld [smem:$0x7F0];
	v31 =	vld [tilespmem:s17+$0x0];
	s17 =	spop (v2sf)  }
0x1d5: {  	v36 =	vld [tilespmem:s25+$0x0];
	(v2sf) =	vpush v4, $0xD;
	p0 =	sgt.s32 s5, $0xF41FF;
	s5 =	sand.u32 $0x780, s0;
	s4 =	spop (v2sf)  }
0x1d6: {  	(v2sf) =	vpush v3, $0xD;
	v32 =	vld [tilespmem:s26+$0x0];
	s0 =	sor.u32 $0x10800, s1;
	s26 =	sld [smem:$0x7F1];
	s28 =	spop (v2sf)  }
0x1d7: {  	s1 =	sor.u32 $0x10810, s1;
	(v2sf) =	vpush v10, $0xF;
	v34 =	vld [tilespmem:s6+$0x0];
	s6 =	sadd.s32 $0xD80, s11;
	s3 =	spop (v2sf)  }
0x1d8: {  	v38 =	vld [tilespmem:s15+$0x0];
	s5 =	sor.u32 s7, s5;
	(v2sf) =	vpush v10, $0xE;
	s6 =	smov.u32 @p0 s0;
	s0 =	spop (v2sf)  }
0x1d9: {  	s11 =	sadd.s32 $0xD90, s11;
	v62 =	vld [tilespmem:s26+$0x0];
	(v2sf) =	vpush v9, $0xF;
	s26 =	sld [smem:$0x7F2];
	s7 =	spop (v2sf)  }
0x1da: {  	v21 =	vmul.f32 v27, v21;
	v27 =	vld [tilespmem:s19+$0x0];
	s11 =	smov.u32 @p0 s1;
	(v2sf) =	vpush v9, $0xE;
	s1 =	spop (v2sf)  }
0x1db: {  	v39 =	vld [tilespmem:s16+$0x0];
	v24 =	vmul.f32 v28, v24;
	p1 =	sgt.s32 s2, $0xF41FF;
	(v2sf) =	vpush v8, $0xE;
	s2 =	spop (v2sf)  }
0x1dc: {  	s12 =	sadd.s32 $0x8D80, s31;
	v35 =	vld [tilespmem:s26+$0x0];
	(v2sf) =	vpush v59, $0xE;
	s26 =	spop (v2sf)  }
0x1dd: {  	v21 =	vmul.f32 v21, v0;
	v43 =	vld [tilespmem:s14+$0x0];
	v24 =	vmul.f32 v24, v1;
	s15 =	sadd.s32 $0x8D90, s31;
	s25 =	sor.u32 $0x11000, s5;
	s31 =	spop (v2sf);
	(v2sf) =	vpush v61, $0xE  }
0x1de: {  	v53 =	vld [tilespmem:s8+$0x0];
	s5 =	sor.u32 $0x11010, s5;
	s8 =	sadd.s32 $0xE90, s17;
	s12 =	smov.u32 @p1 s25  }
0x1df: {  	v21 =	vadd.f32 v24, v21;
	v24 =	vld [tilespmem:s13+$0x0];
	s15 =	smov.u32 @p1 s5;
	s13 =	sadd.s32 $0xE00, s4;
	s16 =	sadd.s32 $0xE10, s4  }
0x1e0: {  	v28 =	vld [tilespmem:s22+$0x0];
	s14 =	sadd.s32 $0x8E00, s3;
	s22 =	sand.u32 $0x780, s7;
	s19 =	spop (v2sf)  }
0x1e1: {  	s5 =	sadd.s32 $0x8E10, s3;
	s0 =	sor.u32 s0, s22;
	s7 =	spop (v2sf)  }
0x1e2: {  	v9 =	vmul.f32 v63, v62;
	v62 =	vld [tilespmem:s12+$0x0];
	s12 =	sadd.s32 $0x8E90, s28;
	s2 =	sand.u32 $0x780, s2;
	(v2sf) =	vpush v5, $0xE;
	s22 =	spop (v2sf)  }
0x1e3: {  	s2 =	sor.u32 s1, s2;
	p1 =	sgt.s32 s26, $0xF41FF;
	(v2sf) =	vpush v4, $0xE;
	s26 =	spop (v2sf)  }
0x1e4: {  	v40 =	vld [tilespmem:s29+$0x0];
	s1 =	sor.u32 $0x10800, s0;
	s0 =	sor.u32 $0x10810, s0;
	(v2sf) =	vpush v3, $0xE;
	s29 =	spop (v2sf)  }
0x1e5: {  	v37 =	vld [tilespmem:s23+$0x0];
	p0 =	sgt.s32 s31, $0xF41FF;
	s13 =	smov.u32 @p1 s1;
	s31 =	spop (v2sf)  }
0x1e6: {  	v44 =	vld [tilespmem:s24+$0x0];
	s3 =	sor.u32 $0x11000, s2;
	s16 =	smov.u32 @p1 s0;
	(v2sf) =	vpush v8, $0xF;
	s1 =	spop (v2sf)  }
0x1e7: {  	v12 =	vmul.f32 v14, v12;
	v45 =	vld [tilespmem:s20+$0x0];
	s0 =	sor.u32 $0x11010, s2;
	s14 =	smov.u32 @p0 s3;
	(v2sf) =	vpush v59, $0xF;
	s3 =	spop (v2sf)  }
0x1e8: {  	v11 =	vmul.f32 v13, v11;
	v46 =	vld [tilespmem:s21+$0x0];
	s5 =	smov.u32 @p0 s0;
	s7 =	sand.u32 $0x780, s7;
	(v2sf) =	vpush v61, $0xF;
	s0 =	spop (v2sf)  }
0x1e9: {  	v50 =	vmul.f32 v18, v16;
	v12 =	vmul.f32 v12, v0;
	(xrf2) =	vadd.scan.msk.f32 $0xffff, v21;
	v21 =	vld [tilespmem:s30+$0x0];
	s7 =	sor.u32 s19, s7;
	s19 =	sadd.s32 $0xE80, s17;
	(v2sf) =	vpush v5, $0xF;
	s2 =	spop (v2sf)  }
0x1ea: {  	v11 =	vmul.f32 v11, v1;
	v49 =	vmul.f32 v17, v15;
	v47 =	vld [tilespmem:s18+$0x0];
	s21 =	sand.u32 $0x780, s26;
	s4 =	sor.u32 $0x10800, s7;
	(v2sf) =	vpush v4, $0xF;
	s24 =	spop (v2sf)  }
0x1eb: {  	v15 =	vmul.f32 v50, v1;
	v27 =	vmul.f32 v27, v37;
	v56 =	vld [tilespmem:s6+$0x0];
	s6 =	sor.u32 $0x10810, s7;
	s23 =	sor.u32 s22, s21;
	s26 =	spop (v2sf)  }
0x1ec: {  	v13 =	vmul.f32 v49, v0;
	v41 =	vmul.f32 v40, v39;
	v48 =	vld [tilespmem:s10+$0x0];
	p1 =	sgt.s32 s29, $0xF41FF;
	p0 =	sgt.s32 s31, $0xF41FF;
	s29 =	spop (v2sf);
	(v2sf) =	vpush v3, $0xF  }
0x1ed: {  	v28 =	vmul.f32 v28, v38;
	v6 =	vmul.f32 v45, v44;
	v51 =	vld [tilespmem:s9+$0x0];
	s19 =	smov.u32 @p1 s4;
	s4 =	sadd.s32 $0x8E80, s28;
	s7 =	sor.u32 $0x11000, s23  }
0x1ee: {  	v52 =	vmul.f32 v22, v19;
	v63 =	vmul.f32 v36, v35;
	v36 =	vld [tilespmem:s15+$0x0];
	s8 =	smov.u32 @p1 s6;
	s10 =	sor.u32 $0x11010, s23;
	s4 =	smov.u32 @p0 s7  }
0x1ef: {  	v6 =	vmul.f32 v6, v0;
	v8 =	vmul.f32 v43, v24;
	v43 =	vld [tilespmem:s5+$0x0];
	s12 =	smov.u32 @p0 s10;
	s5 =	sadd.s32 $0xF00, s3;
	s9 =	sand.u32 $0x780, s26  }
0x1f0: {  	v17 =	vmul.f32 v52, v0;
	v5 =	vmul.f32 v46, v21;
	s3 =	sadd.s32 $0xF10, s3;
	v46 =	vld [tilespmem:s4+$0x0];
	s4 =	sadd.s32 $0x8F00, s2;
	s9 =	sor.u32 s24, s9  }
0x1f1: {  	v54 =	vmul.f32 v23, v20;
	v57 =	vmul.f32 v30, v26;
	v61 =	vld [tilespmem:s11+$0x0];
	s2 =	sadd.s32 $0x8F10, s2;
	s11 =	sor.u32 $0x10800, s9;
	s30 =	spop (v2sf)  }
0x1f2: {  	v52 =	vmul.f32 v27, v0;
	v55 =	vmul.f32 v29, v25;
	v37 =	vld [tilespmem:s13+$0x0];
	s9 =	sor.u32 $0x10810, s9;
	s31 =	spop (v2sf);
	s7 =	sand.u32 $0x780, s30  }
0x1f3: {  	v19 =	vmul.f32 v54, v1;
	v23 =	vmul.f32 v57, v1;
	v38 =	vld [tilespmem:s16+$0x0];
	s6 =	sor.u32 s29, s7;
	p1 =	sgt.s32 s31, $0xF41FF;
	s15 =	spop (v2sf)  }
0x1f4: {  	v58 =	vmul.f32 v33, v31;
	v20 =	vmul.f32 v55, v0;
	v42 =	vld [tilespmem:s14+$0x0];
	s5 =	smov.u32 @p1 s11;
	s3 =	smov.u32 @p1 s9;
	s9 =	sor.u32 $0x11000, s6  }
0x1f5: {  	v14 =	vmul.f32 v51, v47;
	v4 =	vmul.f32 v53, v48;
	s17 =	spop (v2sf);
	p0 =	sgt.s32 s15, $0xF41FF;
	v48 =	vld [tilespmem:s5+$0x0];
	s5 =	sor.u32 $0x11010, s6  }
0x1f6: {  	v25 =	vmul.f32 v58, v0;
	v58 =	vmul.f32 v41, v0;
	v51 =	vld [tilespmem:s3+$0x0];
	s3 =	sadd.s32 $0xF80, s1;
	s1 =	sadd.s32 $0xF90, s1;
	s18 =	spop (v2sf)  }
0x1f7: {  	v11 =	vadd.f32 v11, v12;
	v9 =	vmul.f32 v9, v0;
	v22 =	vmul.f32 v62, v56;
	v44 =	vld [tilespmem:s19+$0x0];
	s4 =	smov.u32 @p0 s9;
	s20 =	spop (v2sf);
	s23 =	sand.u32 $0x780, s18  }
0x1f8: {  	v13 =	vadd.f32 v15, v13;
	v50 =	vmul.f32 v63, v1;
	v59 =	vmul.f32 v34, v32;
	v45 =	vld [tilespmem:s8+$0x0];
	s2 =	smov.u32 @p0 s5;
	s21 =	spop (v2sf);
	s24 =	sor.u32 s17, s23  }
0x1f9: {  	v60, _, _ =	vpop (xrf2);
	(xrf2) =	vadd.scan.msk.f32 $0xffff, v11;
	v56 =	vmul.f32 v28, v1;
	v63 =	vmul.f32 v14, v0;
	v54 =	vld [tilespmem:s4+$0x0];
	s4 =	sadd.s32 $0x8F80, s0;
	s22 =	spop (v2sf);
	s6 =	sor.u32 $0x10800, s24  }
0x1fa: {  	(xrf2) =	vadd.scan.msk.f32 $0xffff, v13;
	v55 =	vadd.f32 v19, v17;
	v28 =	vmul.f32 v22, v0;
	v49 =	vmul.f32 v59, v1;
	v57 =	vld [tilespmem:s2+$0x0];
	s2 =	sor.u32 $0x10810, s24;
	s25 =	sand.u32 $0x780, s21;
	p1 =	sgt.s32 s22, $0xF41FF  }
0x1fb: {  	v20 =	vadd.f32 v23, v20;
	v8 =	vmul.f32 v8, v1;
	v47 =	vld [tilespmem:s12+$0x0];
	v53 =	vmul.f32 v42, v37;
	s5 =	sor.u32 s20, s25;
	s3 =	smov.u32 @p1 s6;
	s26 =	spop (v2sf)  }
0x1fc: {  	(xrf2) =	vadd.scan.msk.f32 $0xffff, v55;
	v7 =	vmul.f32 v43, v38;
	v12 =	vadd.f32 v49, v25;
	v3 =	vbroadcast v60, $0xF;
	s6 =	sor.u32 $0x11000, s5;
	s1 =	smov.u32 @p1 s2;
	v60 =	vld [tilespmem:s3+$0x0];
	p0 =	sgt.s32 s26, $0xF41FF  }
0x1fd: {  	(xrf2) =	vadd.scan.msk.f32 $0xffff, v20;
	v9 =	vadd.f32 v50, v9;
	v5 =	vmul.f32 v5, v1;
	v4 =	vmul.f32 v4, v1;
	s0 =	sadd.s32 $0x8F90, s0;
	s2 =	sor.u32 $0x11010, s5;
	v62 =	vld [tilespmem:s1+$0x0];
	s4 =	smov.u32 @p0 s6  }
0x1fe: {  	v11 =	vadd.f32 v56, v52;
	v29 =	vmul.f32 v53, v0;
	v10 =	vmul.f32 v36, v61;
	(xrf2) =	vadd.scan.msk.f32 $0xffff, v12;
	s0 =	smov.u32 @p0 s2;
	v24 =	vld [tilespmem:s4+$0x0]  }
0x1ff: {  	v8 =	vadd.f32 v8, v58;
	v7 =	vmul.f32 v7, v1;
	(xrf2) =	vadd.scan.msk.f32 $0xffff, v9;
	v59 =	vmul.f32 v46, v44;
	v26 =	vld [tilespmem:s0+$0x0]  }
0x200: {  	v5 =	vadd.f32 v5, v6;
	v61 =	vmul.f32 v47, v45;
	(xrf2) =	vadd.scan.msk.f32 $0xffff, v11;
	v10 =	vmul.f32 v10, v1  }
0x201: {  	v4 =	vadd.f32 v4, v63;
	(xrf2) =	vadd.scan.msk.f32 $0xffff, v8;
	v21 =	vmul.f32 v54, v48;
	v25 =	vmul.f32 v57, v51  }
0x202: {  	(xrf2) =	vadd.scan.msk.f32 $0xffff, v5;
	v30 =	vadd.f32 v10, v28;
	v31 =	vmul.f32 v59, v0;
	v32 =	vmul.f32 v61, v1  }
0x203: {  	v33, _, _ =	vpop (xrf2);
	v7 =	vadd.f32 v7, v29;
	(xrf2) =	vadd.scan.msk.f32 $0xffff, v4;
	v34 =	vmul.f32 v21, v0;
	v9 =	vmul.f32 v25, v1  }
0x204: {  	v35, _, _ =	vpop (xrf2);
	(xrf2) =	vadd.scan.msk.f32 $0xffff, v30;
	v36 =	vadd.f32 v32, v31;
	v37 =	vmul.f32 v24, v60;
	v38 =	vmul.f32 v26, v62  }
0x205: {  	v11 =	vbroadcast v35, $0xF;
	v4 =	vbroadcast v33, $0xF;
	(xrf2) =	vadd.scan.msk.f32 $0xffff, v7;
	v39 =	vadd.f32 v9, v34  }
0x206: {  	v40, _, _ =	vpop (xrf2);
	(xrf2) =	vadd.scan.msk.f32 $0xffff, v36;
	v41 =	vmul.f32 v37, v0;
	v42 =	vmul.f32 v38, v1  }
0x207: {  	v43 =	vbroadcast v40, $0xF;
	v44, _, _ =	vpop (xrf2);
	v3 =	vsel vm15, v3, v4;
	(xrf2) =	vadd.scan.msk.f32 $0xffff, v39  }
0x208: {  	v8 =	vbroadcast v44, $0xF;
	v3 =	vsel vm1, v3, v11;
	v45, _, _ =	vpop (xrf2);
	v5 =	vadd.f32 v42, v41  }
0x209: {  	v3 =	vsel vm2, v3, v43;
	v46, _, _ =	vpop (xrf2);
	v47 =	vbroadcast v45, $0xF  }
0x20a: {  	v3 =	vsel vm3, v3, v8;
	v6 =	vbroadcast v46, $0xF;
	v48, _, _ =	vpop (xrf2);
	(xrf2) =	vadd.scan.msk.f32 $0xffff, v5  }
0x20b: {  	v3 =	vsel vm4, v3, v47;
	v49, _, _ =	vpop (xrf2);
	v50 =	vbroadcast v48, $0xF  }
0x20c: {  	v3 =	vsel vm5, v3, v6;
	v51, _, _ =	vpop (xrf2);
	v5 =	vbroadcast v49, $0xF  }
0x20d: {  	v52, _, _ =	vpop (xrf2);
	v3 =	vsel vm6, v3, v50;
	v53 =	vbroadcast v51, $0xF  }
0x20e: {  	v54, _, _ =	vpop (xrf2);
	v55 =	vbroadcast v52, $0xF;
	v3 =	vsel vm7, v3, v5  }
0x20f: {  	v56, _, _ =	vpop (xrf2);
	v57 =	vbroadcast v54, $0xF;
	v3 =	vsel vm8, v3, v53  }
0x210: {  	v58, _, _ =	vpop (xrf2);
	v59 =	vbroadcast v56, $0xF;
	v3 =	vsel vm9, v3, v55  }
0x211: {  	v61 =	vbroadcast v58, $0xF;
	v60, _, _ =	vpop (xrf2);
	v3 =	vsel vm10, v3, v57  }
0x212: {  	v62 =	vbroadcast v60, $0xF;
	v3 =	vsel vm11, v3, v59  }
0x213: {  	v3 =	vsel vm12, v3, v61  }
0x214: {  	v3 =	vsel vm13, v3, v62;
	v63, _, _ =	vpop (xrf2)  }
0x215: {  	v3 =	vsel vm14, v3, v63  }
0x216: {  	v3 =	vadd.f32 v3, v2;
	_ =	sdelay $0x1  }
0x217: {  	v3 =	vsub.f32 $0.0e+00, v3;
	_ =	sdelay $0x1  }
0x218: {  	v3 =	vmul.f32 $1.442695020e+00, v3;
	_ =	sdelay $0x1  }
0x219: {  	(erf) = vpow2.f32 v3;
	_ =	sdelay $0x8  }
0x21a: {  	v3 =	vpop (erf)  }
0x21b: {  	v3 =	vadd.f32 $1.000000000e+00, v3;
	_ =	sdelay $0x1  }
0x21c: {  	(erf) = vrcp.f32 v3;
	_ =	sdelay $0x3  }
0x21d: {  	s31 =	rddreg [dreg:$0x10]  }
0x21e: {  	p0 =	sne.s32 s31, $0x1E000  }
.Ltmp2:
0x21f: {  	_ = 	snop;
	(pc) =	sbr.rel @p0 .LBB2_6-.Ltmp2, $4  }
0x220: {  	s28 =	rddreg [dreg:$0x16]  }
0x221: {  	s29 =	rddreg [dreg:$0x12]  }
0x222: {  	s30 =	rddreg [dreg:$0x14];
	s1 =	sadd.s32 $0x10, s29;
	v3 =	vpop (erf)  }
0x223: {  	s3 =	sadd.s32 $0x10, s28;
	s2 =	sadd.s32 $0x10, s30;
	s0 =	sadd.s32 $0x2000, s31;
	[tilespmem:s29+$0x0] =	vst v3  }
0x224: {  	s7 =	simm.s32 $0x0;
	s0 =	rddreg [dreg:$0xc];
	s1 =	simm.s32 $0x11840  }
0x225: {  	[hbm4b:s0+s7] =	stream.linear.scatter [tilespmem:s1], [sflag:$0x3], $0x200, $0x38;
	[tilespmem:$0x11A40] =	vst v63  }
0x226: {  	s1 =	simm.s32 $0x3  }
0x227: {  	_ =	swait.ge [sflag:s1], $0x200  }
0x228: {  	s2 =	rddreg [dreg:$0xe]  }
0x229: {  	s31 =	rddreg [dreg:$0xd];
	s2 =	sadd.s32 $0x1, s2  }
0x22a: {  	p0 =	sne.s32 s2, s31  }
.Ltmp3:
0x22b: {  	_ = 	snop;
	(pc) =	sbr.rel @p0 .LBB2_1-.Ltmp3, $3  }
0x22c: {  	_ =	sdelay $0x1  }
0x22d: {  	[sflag:s1] =	ssyncset.done $0x0  }
0x22e: {  	[sflag:s1] =	ssyncadd.s32 $0xFFFFFE00  }
0x22f: {  	_ =	sfence.sel $0x180000  }
0x230: {  	[bflag:$0x0] =	sbarrier.arrive $0xFFFF  }
0x231: {  	_ =	strace $0x9000004A  }
0x232: {  	s0 =	stileid.u32;
	[bflag:$0x2] =	sbarrier.arrive $0xFFFF  }
0x233: {  	p0 =	sne.s32 s0, $0x0;
	s0 =	rddreg [dreg:$0x4]  }
0x234: {  	s0 =	sadd.s32 @!p0 $0x100000, s0  }
0x235: {  	[sflag:s0] =	ssyncadd.tile.s32 @!p0 $0x1;
	_ =	shalt  }
.Lfunc_end2:
_tile_overlayer_lowered:
.L_overlay_start_2:
0x236: {  	(tag) =	ssettag $0x2  }
0x237: {  	s0 =	rddreg [dreg:$0x0];
	s2 =	stileid.u32  }
0x238: {  	s1 =	rddreg [dreg:$0x1];
	p0 =	sne.s32 s2, $0x0  }
0x239: {  	s3 =	rddreg [dreg:$0x2];
	[bflag:$0x3] =	sbarrier.arrive $0xFFFF;
	s2 =	simm.s32 @!p0 $0x1C03  }
0x23a: {  	[timem:s3], [sflag:s2] =	dma.local @!p0 [hbm:s0], s1  }
0x23b: {  	s0 =	simm.s32 @!p0 $0x3  }
0x23c: {  	_ =	swait.ge @!p0 [sflag:s0], s1  }
0x23d: {  	s1 =	ssub.s32 @!p0 $0x0, s1;
	[sflag:s0] =	ssyncset.done @!p0 $0x0  }
0x23e: {  	[sflag:s0] =	ssyncadd.s32 @!p0 s1  }
0x23f: {  	[bflag:$0x3] =	sbarrier.arrive $0xFFFF  }
0x240: {  	_ =	shalt  }

</sc_bundles>
